<compile_context>
chip_gen: v7x
topology: tpu7x:2x2x1
jax: 0.10.2.dev20260603
libtpu: 0.0.44.dev20260713+nightly
codegen_flags: <defaults>
</compile_context>

<pallas_src>
import functools

import jax
import jax.numpy as jnp
from jax import lax
from jax.experimental import pallas as pl
from jax.experimental.pallas import tpu as pltpu
from jax.experimental.pallas import tpu_sc as plsc

_NC = 2
_NS = 16
_L = 16
_NW = _NC * _NS

_H0 = 104
_H1 = 96
_BLK = 4096
_NBLK = 64
_Q = _NBLK * _BLK


def _pack_block_kernel(a_ref, b_ref, c_ref, d_ref, o_ref):
    parts = []
    for ref in (a_ref, b_ref, c_ref, d_ref):
        u = jax.lax.bitcast_convert_type(ref[...], jnp.uint32)
        b16 = (u + 0x7FFF + ((u >> 16) & 1)) >> 16
        u3 = b16.reshape(32, 2, _BLK)
        lo = u3[:, 0, :]
        hi = u3[:, 1, :]
        packed = lo | (hi << 16)
        parts.append(jnp.transpose(packed).astype(jnp.int32))
    o_ref[...] = jnp.concatenate(parts, axis=1)


def _pack_table(emb_t, D):
    V = emb_t.shape[1]
    hi_max = (V + _BLK - 1) // _BLK - 1
    specs = []
    for k in range(4):
        specs.append(pl.BlockSpec(
            (D, _BLK),
            functools.partial(
                lambda i, kk: (0, jnp.minimum(i + kk * _NBLK, hi_max)), kk=k)))
    return pl.pallas_call(
        _pack_block_kernel,
        grid=(_NBLK,),
        in_specs=specs,
        out_specs=pl.BlockSpec((_BLK, 4 * 32), lambda i: (i, 0)),
        out_shape=jax.ShapeDtypeStruct((_Q, 4 * 32), jnp.int32),
    )(emb_t, emb_t, emb_t, emb_t)


def _make_pool_kernel(B, D, H, denom):
    b_per_w = B // _NW
    CH = 64
    n_ch = b_per_w // CH
    NB = 8
    n_grp = 2 * CH // NB
    UN = 8
    scale = jnp.float32(1.0 / denom)
    mesh = plsc.VectorSubcoreMesh(
        core_axis_name="c", subcore_axis_name="s",
        num_cores=_NC, num_subcores=_NS)

    def half_idx(idx_v, r, p):
        if p == 0:
            return idx_v.at[r, pl.ds(0, _H0)]
        return idx_v.at[r, pl.ds(_H0, _H1)]

    def half_buf(buf, p):
        return buf.at[pl.ds(0, _H0)] if p == 0 else buf.at[pl.ds(0, _H1)]

    @functools.partial(
        pl.kernel,
        mesh=mesh,
        compiler_params=pltpu.CompilerParams(
            use_tc_tiling_on_sc=False, needs_layout_passes=False),
        out_type=jax.ShapeDtypeStruct((B, D), jnp.float32),
        scratch_types=[
            pltpu.VMEM((CH, H), jnp.int32),
            pltpu.VMEM((CH, H + 8), jnp.int32),
            [pltpu.VMEM((_H0, D), jnp.int32) for _ in range(NB)],
            pltpu.VMEM((CH, D), jnp.float32),
            [pltpu.SemaphoreType.DMA for _ in range(NB)],
        ],
    )
    def pool_k(idx2_hbm, off_hbm, emb2_hbm, out_hbm,
               idx_v, off_v, bufs, pooled_v, sems):
        wid = lax.axis_index("s") * _NC + lax.axis_index("c")
        base = wid * b_per_w
        ev = lax.iota(jnp.int32, _L) * 2

        def accumulate(buf, off_row, j_base, nrows, init):
            def body(jj, accs):
                j0 = jj * UN
                o_vec = off_row[pl.ds(j_base + j0, _L)]
                new = list(accs)
                for u in range(UN):
                    o = o_vec[u]
                    for g in range(2):
                        w = buf[j0 + u, pl.ds(o + _L * g, _L)]
                        v = plsc.bitcast(w, jnp.bfloat16)
                        a, b = plsc.unpack(
                            v, format=plsc.PackFormat.INTERLEAVED)
                        c = 4 * (u & 1) + 2 * g
                        new[c] = new[c] + a
                        new[c + 1] = new[c + 1] + b
                return tuple(new)
            return lax.fori_loop(0, nrows // UN, body, init)

        zeros = tuple(jnp.zeros((_L,), jnp.float32) for _ in range(8))

        def chunk_body(c, carry):
            row0 = base + c * CH
            pltpu.sync_copy(idx2_hbm.at[pl.ds(row0, CH)], idx_v)
            pltpu.sync_copy(off_hbm.at[pl.ds(row0, CH)], off_v)
            for b in range(NB):
                pltpu.async_copy(
                    emb2_hbm.at[half_idx(idx_v, b // 2, b & 1)],
                    half_buf(bufs[b], b & 1), sems[b])

            def grp_body(g, carry2):
                for b in range(NB):
                    r = g * (NB // 2) + (b // 2)
                    p = b & 1
                    pltpu.make_async_copy(
                        emb2_hbm.at[half_idx(idx_v, r, p)],
                        half_buf(bufs[b], p), sems[b]).wait()
                    off_row = off_v.at[r]
                    if p == 0:
                        pair_accs = accumulate(bufs[b], off_row, 0, _H0, zeros)
                    else:
                        accs = accumulate(bufs[b], off_row, _H0, _H1, pair_accs)
                        row_ref = pooled_v.at[r]
                        for gg in range(2):
                            a_sum = (accs[2 * gg] + accs[4 + 2 * gg]) * scale
                            b_sum = (accs[2 * gg + 1]
                                     + accs[4 + 2 * gg + 1]) * scale
                            plsc.store_scatter(row_ref, [ev + 32 * gg], a_sum)
                            plsc.store_scatter(
                                row_ref, [ev + 32 * gg + 1], b_sum)

                    @pl.when(g < n_grp - 1)
                    def _issue():
                        pltpu.async_copy(
                            emb2_hbm.at[half_idx(idx_v, r + NB // 2, p)],
                            half_buf(bufs[b], p), sems[b])
                return carry2

            lax.fori_loop(0, n_grp, grp_body, 0)
            pltpu.sync_copy(pooled_v, out_hbm.at[pl.ds(row0, CH)])
            return carry

        lax.fori_loop(0, n_ch, chunk_body, 0)

    return pool_k


def _mlp_block_kernel(p_ref, w1t_ref, b1_ref, w2_ref, b2_ref, o_ref):
    h = jnp.dot(p_ref[...], w1t_ref[...], preferred_element_type=jnp.float32)
    h = jnp.maximum(h + b1_ref[...], 0.0)
    o = jnp.dot(w2_ref[...], jnp.transpose(h),
                preferred_element_type=jnp.float32)
    o_ref[...] = o + b2_ref[...]


def _mlp(pooled, W1t, b1, W2, b2c, block_b=2048):
    B, D = pooled.shape
    N = W2.shape[0]
    grid = (B // block_b,)
    out_t = pl.pallas_call(
        _mlp_block_kernel,
        grid=grid,
        in_specs=[
            pl.BlockSpec((block_b, D), lambda i: (i, 0)),
            pl.BlockSpec((D, D), lambda i: (0, 0)),
            pl.BlockSpec((1, D), lambda i: (0, 0)),
            pl.BlockSpec((N, D), lambda i: (0, 0)),
            pl.BlockSpec((N, 1), lambda i: (0, 0)),
        ],
        out_specs=pl.BlockSpec((N, block_b), lambda i: (0, i)),
        out_shape=jax.ShapeDtypeStruct((N, B), jnp.float32),
    )(pooled, W1t, b1, W2, b2c)
    return out_t.T


def kernel(x, seq_lens, emb, W1, b1, W2, b2):
    del seq_lens
    B, H = x.shape
    V, D = emb.shape
    x = x.astype(jnp.int32)
    s = ((x & (_Q - 1)) << 2) | (x >> 18)
    idx2 = s >> 1
    off = jnp.concatenate(
        [(s & 1) << 5, jnp.zeros((B, 8), jnp.int32)], axis=1)
    packed = _pack_table(emb.T, D)
    emb2 = packed.reshape(2 * _Q, D)
    pooled = _make_pool_kernel(B, D, H, float(H))(idx2, off, emb2)
    return _mlp(pooled, W1.T, b1.reshape(1, D), W2, b2.reshape(-1, 1))

# --- scband reference (transcript-rebuilt; emitter-appended) ---
"""Pipeline reference for scband-fast-text-model-31241592111115 (READ-ONLY COPY).

The authoritative reference and input builder live on the scoring server;
editing this copy changes nothing except your own understanding.
"""

import jax, jax.numpy as jnp
import numpy as np

VOCAB = 1000000
EMBED_DIM = 64
NUM_CLASSES = 1000
BATCH = 16384
HIST = 200


def setup_inputs(seed: int = 0) -> dict:
    key = jax.random.key(seed)
    k1, k2, k3, k4, k5, k6, k7 = jax.random.split(key, 7)
    x = jax.random.randint(k1, (BATCH, HIST), 0, VOCAB, dtype=jnp.int64 if jax.config.jax_enable_x64 else jnp.int32)
    seq_lens = jax.random.randint(k2, (BATCH,), 0, HIST, dtype=jnp.int64 if jax.config.jax_enable_x64 else jnp.int32)
    emb = jax.random.normal(k3, (VOCAB, EMBED_DIM), dtype=jnp.float32)
    # padding_idx = VOCAB - 1: torch nn.Embedding zeros that row at init
    emb = emb.at[VOCAB - 1].set(0.0)
    bound1 = 1.0 / np.sqrt(EMBED_DIM)
    W1 = jax.random.uniform(k4, (EMBED_DIM, EMBED_DIM), minval=-bound1, maxval=bound1, dtype=jnp.float32)
    b1 = jax.random.uniform(k5, (EMBED_DIM,), minval=-bound1, maxval=bound1, dtype=jnp.float32)
    W2 = jax.random.uniform(k6, (NUM_CLASSES, EMBED_DIM), minval=-bound1, maxval=bound1, dtype=jnp.float32)
    b2 = jax.random.uniform(k7, (NUM_CLASSES,), minval=-bound1, maxval=bound1, dtype=jnp.float32)
    return {"x": x, "seq_lens": seq_lens, "emb": emb, "W1": W1, "b1": b1, "W2": W2, "b2": b2}


def reference(x, seq_lens, emb, W1, b1, W2, b2):
    # embedding lookup (gather)
    e = jnp.take(emb, x, axis=0)            # [B, L, D]
    out = e.mean(axis=1)                     # [B, D]
    out = out @ W1.T + b1                    # fc1
    out = jax.nn.relu(out)
    # dropout is identity in eval mode
    out = out @ W2.T + b2                    # fc2
    return out

if __name__ == "__main__":
    import jax
    _d = setup_inputs()
    print(jax.jit(kernel)(*tuple(_d.values())))

</pallas_src>

<mosaic_0001>
#map = affine_map<(d0, d1) -> (0, 0)>
#map1 = affine_map<(d0, d1) -> (0)>
module attributes {stable_mosaic.version = 14 : i64} {
  func.func @_rewritten_body(%arg0: i32, %arg1: i32, %arg2: memref<16384x200xi32, #tpu.memory_space<hbm>>, %arg3: memref<16384x208xi32, #tpu.memory_space<hbm>>, %arg4: memref<524288x64xi32, #tpu.memory_space<hbm>>, %arg5: memref<1xf32, #tpu.memory_space<hbm>>, %arg6: memref<16384x64xf32, #tpu.memory_space<hbm>>, %arg7: memref<64x200xi32, #tpu.memory_space<vmem>>, %arg8: memref<64x208xi32, #tpu.memory_space<vmem>>, %arg9: memref<104x64xi32, #tpu.memory_space<vmem>>, %arg10: memref<104x64xi32, #tpu.memory_space<vmem>>, %arg11: memref<104x64xi32, #tpu.memory_space<vmem>>, %arg12: memref<104x64xi32, #tpu.memory_space<vmem>>, %arg13: memref<104x64xi32, #tpu.memory_space<vmem>>, %arg14: memref<104x64xi32, #tpu.memory_space<vmem>>, %arg15: memref<104x64xi32, #tpu.memory_space<vmem>>, %arg16: memref<104x64xi32, #tpu.memory_space<vmem>>, %arg17: memref<64x64xf32, #tpu.memory_space<vmem>>, %arg18: memref<!tpu.dma_semaphore, #tpu.memory_space<semaphore_mem>>, %arg19: memref<!tpu.dma_semaphore, #tpu.memory_space<semaphore_mem>>, %arg20: memref<!tpu.dma_semaphore, #tpu.memory_space<semaphore_mem>>, %arg21: memref<!tpu.dma_semaphore, #tpu.memory_space<semaphore_mem>>, %arg22: memref<!tpu.dma_semaphore, #tpu.memory_space<semaphore_mem>>, %arg23: memref<!tpu.dma_semaphore, #tpu.memory_space<semaphore_mem>>, %arg24: memref<!tpu.dma_semaphore, #tpu.memory_space<semaphore_mem>>, %arg25: memref<!tpu.dma_semaphore, #tpu.memory_space<semaphore_mem>>) attributes {dimension_semantics = [#tpu.dimension_semantics<core_parallel>, #tpu.dimension_semantics<subcore_parallel>], iteration_bounds = array<i64: 2, 16>, scalar_prefetch = 0 : i64, scratch_operands = 19 : i64, tpu.core_type = #tpu.core_type<sc_vector_subcore>, window_params = [{transform_indices = #map}, {transform_indices = #map}, {transform_indices = #map}, {transform_indices = #map1}, {transform_indices = #map}]} {
    %empty_ref3A = memref.alloca() : memref<16xf32, #tpu.memory_space<vmem>>
    "tpu.region"() ({
      %run_scoped3A = tpu.sem_alloc : memref<!tpu.dma_semaphore, #tpu.memory_space<semaphore_mem>>
      %dma_start3A = arith.constant 0 : i32
      %dma_start3A_27 = tpu.memref_slice %empty_ref3A[%dma_start3A] : memref<16xf32, #tpu.memory_space<vmem>> -> memref<1xf32, #tpu.memory_space<vmem>>
      %dma_start3A_28 = arith.constant 0 : i32
      %dma_start3A_29 = tpu.memref_slice %empty_ref3A[%dma_start3A_28] : memref<16xf32, #tpu.memory_space<vmem>> -> memref<1xf32, #tpu.memory_space<vmem>>
      tpu.enqueue_dma source(%arg5 : memref<1xf32, #tpu.memory_space<hbm>>) target(%dma_start3A_29 : memref<1xf32, #tpu.memory_space<vmem>>) target_semaphore(%run_scoped3A : memref<!tpu.dma_semaphore, #tpu.memory_space<semaphore_mem>>)
      %dma_wait3A = arith.constant 0 : i32
      %dma_wait3A_30 = tpu.memref_slice %empty_ref3A[%dma_wait3A] : memref<16xf32, #tpu.memory_space<vmem>> -> memref<1xf32, #tpu.memory_space<vmem>>
      %dma_wait3A_31 = arith.constant 0 : i32
      %dma_wait3A_32 = tpu.memref_slice %empty_ref3A[%dma_wait3A_31] : memref<16xf32, #tpu.memory_space<vmem>> -> memref<1xf32, #tpu.memory_space<vmem>>
      tpu.wait_dma2 semaphore(%run_scoped3A : memref<!tpu.dma_semaphore, #tpu.memory_space<semaphore_mem>>) src(%arg5 : memref<1xf32, #tpu.memory_space<hbm>>) dst(%dma_wait3A_32 : memref<1xf32, #tpu.memory_space<vmem>>)
      tpu.yield
    }) : () -> ()
    %get3A = arith.constant 0 : index
    %get3A_0 = tpu.vector_load %empty_ref3A[%get3A] {strides = array<i32>} : memref<16xf32, #tpu.memory_space<vmem>>, vector<16xf32>,
    %slice3A = vector.extract_strided_slice %get3A_0 {offsets = [0], sizes = [1], strides = [1]} : vector<16xf32> to vector<1xf32>
    %squeeze3A = vector.extract %slice3A[0] : f32 from vector<1xf32>
    %mul3A = arith.constant 2 : i32
    %mul3A_1 = arith.muli %arg1, %mul3A : i32
    %add3A = arith.addi %mul3A_1, %arg0 : i32
    %mul3A_2 = arith.constant 512 : i32
    %mul3A_3 = arith.muli %add3A, %mul3A_2 : i32
    %iota3A = tpu.iota {dimensions = array<i32: 0>} : vector<16xi32>
    %mul3A_4 = arith.constant 2 : i32
    %mul3A_5 = vector.broadcast %mul3A_4 : i32 to vector<16xi32>
    %mul3A_6 = arith.muli %iota3A, %mul3A_5 : vector<16xi32>
    %broadcast_in_dim3A = arith.constant 0.000000e+00 : f32
    %broadcast_in_dim3A_7 = vector.broadcast %broadcast_in_dim3A : f32 to vector<16xf32>
    %broadcast_in_dim3A_8 = arith.constant 0.000000e+00 : f32
    %broadcast_in_dim3A_9 = vector.broadcast %broadcast_in_dim3A_8 : f32 to vector<16xf32>
    %broadcast_in_dim3A_10 = arith.constant 0.000000e+00 : f32
    %broadcast_in_dim3A_11 = vector.broadcast %broadcast_in_dim3A_10 : f32 to vector<16xf32>
    %broadcast_in_dim3A_12 = arith.constant 0.000000e+00 : f32
    %broadcast_in_dim3A_13 = vector.broadcast %broadcast_in_dim3A_12 : f32 to vector<16xf32>
    %broadcast_in_dim3A_14 = arith.constant 0.000000e+00 : f32
    %broadcast_in_dim3A_15 = vector.broadcast %broadcast_in_dim3A_14 : f32 to vector<16xf32>
    %broadcast_in_dim3A_16 = arith.constant 0.000000e+00 : f32
    %broadcast_in_dim3A_17 = vector.broadcast %broadcast_in_dim3A_16 : f32 to vector<16xf32>
    %broadcast_in_dim3A_18 = arith.constant 0.000000e+00 : f32
    %broadcast_in_dim3A_19 = vector.broadcast %broadcast_in_dim3A_18 : f32 to vector<16xf32>
    %broadcast_in_dim3A_20 = arith.constant 0.000000e+00 : f32
    %broadcast_in_dim3A_21 = vector.broadcast %broadcast_in_dim3A_20 : f32 to vector<16xf32>
    %scan3A = arith.constant 0 : i32
    %scan3A_22 = arith.constant 0 : i32
    %scan3A_23 = arith.constant 8 : i32
    %scan3A_24 = arith.addi %scan3A_22, %scan3A_23 : i32
    %scan3A_25 = arith.constant 1 : i32
    scf.for %scan3A_27 = %scan3A_22 to %scan3A_24 step %scan3A_25  : i32 {
      %mul3A_28 = arith.constant 64 : i32
      %mul3A_29 = arith.muli %scan3A_27, %mul3A_28 : i32
      %add3A_30 = arith.addi %mul3A_3, %mul3A_29 : i32
      "tpu.region"() ({
        %run_scoped3A = tpu.sem_alloc : memref<!tpu.dma_semaphore, #tpu.memory_space<semaphore_mem>>
        %dma_start3A_116 = arith.constant 0 : i32
        %dma_start3A_117 = tpu.memref_slice %arg2[%add3A_30, %dma_start3A_116] : memref<16384x200xi32, #tpu.memory_space<hbm>> -> memref<64x200xi32, #tpu.memory_space<hbm>>
        %dma_start3A_118 = arith.constant 0 : i32
        %dma_start3A_119 = tpu.memref_slice %arg2[%add3A_30, %dma_start3A_118] : memref<16384x200xi32, #tpu.memory_space<hbm>> -> memref<64x200xi32, #tpu.memory_space<hbm>>
        tpu.enqueue_dma source(%dma_start3A_119 : memref<64x200xi32, #tpu.memory_space<hbm>>) target(%arg7 : memref<64x200xi32, #tpu.memory_space<vmem>>) target_semaphore(%run_scoped3A : memref<!tpu.dma_semaphore, #tpu.memory_space<semaphore_mem>>)
        %dma_wait3A = arith.constant 0 : i32
        %dma_wait3A_120 = tpu.memref_slice %arg2[%add3A_30, %dma_wait3A] : memref<16384x200xi32, #tpu.memory_space<hbm>> -> memref<64x200xi32, #tpu.memory_space<hbm>>
        %dma_wait3A_121 = arith.constant 0 : i32
        %dma_wait3A_122 = tpu.memref_slice %arg2[%add3A_30, %dma_wait3A_121] : memref<16384x200xi32, #tpu.memory_space<hbm>> -> memref<64x200xi32, #tpu.memory_space<hbm>>
        tpu.wait_dma2 semaphore(%run_scoped3A : memref<!tpu.dma_semaphore, #tpu.memory_space<semaphore_mem>>) src(%dma_wait3A_122 : memref<64x200xi32, #tpu.memory_space<hbm>>) dst(%arg7 : memref<64x200xi32, #tpu.memory_space<vmem>>)
        tpu.yield
      }) : () -> ()
      "tpu.region"() ({
        %run_scoped3A = tpu.sem_alloc : memref<!tpu.dma_semaphore, #tpu.memory_space<semaphore_mem>>
        %dma_start3A_116 = arith.constant 0 : i32
        %dma_start3A_117 = tpu.memref_slice %arg3[%add3A_30, %dma_start3A_116] : memref<16384x208xi32, #tpu.memory_space<hbm>> -> memref<64x208xi32, #tpu.memory_space<hbm>>
        %dma_start3A_118 = arith.constant 0 : i32
        %dma_start3A_119 = tpu.memref_slice %arg3[%add3A_30, %dma_start3A_118] : memref<16384x208xi32, #tpu.memory_space<hbm>> -> memref<64x208xi32, #tpu.memory_space<hbm>>
        tpu.enqueue_dma source(%dma_start3A_119 : memref<64x208xi32, #tpu.memory_space<hbm>>) target(%arg8 : memref<64x208xi32, #tpu.memory_space<vmem>>) target_semaphore(%run_scoped3A : memref<!tpu.dma_semaphore, #tpu.memory_space<semaphore_mem>>)
        %dma_wait3A = arith.constant 0 : i32
        %dma_wait3A_120 = tpu.memref_slice %arg3[%add3A_30, %dma_wait3A] : memref<16384x208xi32, #tpu.memory_space<hbm>> -> memref<64x208xi32, #tpu.memory_space<hbm>>
        %dma_wait3A_121 = arith.constant 0 : i32
        %dma_wait3A_122 = tpu.memref_slice %arg3[%add3A_30, %dma_wait3A_121] : memref<16384x208xi32, #tpu.memory_space<hbm>> -> memref<64x208xi32, #tpu.memory_space<hbm>>
        tpu.wait_dma2 semaphore(%run_scoped3A : memref<!tpu.dma_semaphore, #tpu.memory_space<semaphore_mem>>) src(%dma_wait3A_122 : memref<64x208xi32, #tpu.memory_space<hbm>>) dst(%arg8 : memref<64x208xi32, #tpu.memory_space<vmem>>)
        tpu.yield
      }) : () -> ()
      %dma_start3A = arith.constant 0 : i32
      %dma_start3A_31 = arith.constant 0 : i32
      %dma_start3A_32 = arith.constant 0 : i32
      %dma_start3A_33 = tpu.memref_slice %arg9[%dma_start3A_31, %dma_start3A_32] : memref<104x64xi32, #tpu.memory_space<vmem>> -> memref<104x64xi32, #tpu.memory_space<vmem>>
      %dma_start3A_34 = arith.constant 0 : i32
      %dma_start3A_35 = tpu.memref_slice %arg7[%dma_start3A, %dma_start3A_34] : memref<64x200xi32, #tpu.memory_space<vmem>> -> memref<1x104xi32, #tpu.memory_space<vmem>>
      %dma_start3A_36 = tpu.memref_squeeze %dma_start3A_35 : memref<1x104xi32, #tpu.memory_space<vmem>> -> memref<104xi32, #tpu.memory_space<vmem>>
      %dma_start3A_37 = arith.constant 0 : i32
      %dma_start3A_38 = arith.constant 0 : i32
      %dma_start3A_39 = tpu.memref_slice %arg4[%dma_start3A_37, %dma_start3A_38] : memref<524288x64xi32, #tpu.memory_space<hbm>> -> memref<524288x64xi32, #tpu.memory_space<hbm>>
      tpu.enqueue_indirect_dma source(%dma_start3A_39 : memref<524288x64xi32, #tpu.memory_space<hbm>>) target(%dma_start3A_33 : memref<104x64xi32, #tpu.memory_space<vmem>>) offsets(%dma_start3A_36 : memref<104xi32, #tpu.memory_space<vmem>>) semaphore(%arg18 : memref<!tpu.dma_semaphore, #tpu.memory_space<semaphore_mem>>)
      %dma_start3A_40 = arith.constant 0 : i32
      %dma_start3A_41 = arith.constant 0 : i32
      %dma_start3A_42 = arith.constant 0 : i32
      %dma_start3A_43 = tpu.memref_slice %arg10[%dma_start3A_41, %dma_start3A_42] : memref<104x64xi32, #tpu.memory_space<vmem>> -> memref<96x64xi32, #tpu.memory_space<vmem>>
      %dma_start3A_44 = arith.constant 104 : i32
      %dma_start3A_45 = tpu.memref_slice %arg7[%dma_start3A_40, %dma_start3A_44] : memref<64x200xi32, #tpu.memory_space<vmem>> -> memref<1x96xi32, #tpu.memory_space<vmem>>
      %dma_start3A_46 = tpu.memref_squeeze %dma_start3A_45 : memref<1x96xi32, #tpu.memory_space<vmem>> -> memref<96xi32, #tpu.memory_space<vmem>>
      %dma_start3A_47 = arith.constant 0 : i32
      %dma_start3A_48 = arith.constant 0 : i32
      %dma_start3A_49 = tpu.memref_slice %arg4[%dma_start3A_47, %dma_start3A_48] : memref<524288x64xi32, #tpu.memory_space<hbm>> -> memref<524288x64xi32, #tpu.memory_space<hbm>>
      tpu.enqueue_indirect_dma source(%dma_start3A_49 : memref<524288x64xi32, #tpu.memory_space<hbm>>) target(%dma_start3A_43 : memref<96x64xi32, #tpu.memory_space<vmem>>) offsets(%dma_start3A_46 : memref<96xi32, #tpu.memory_space<vmem>>) semaphore(%arg19 : memref<!tpu.dma_semaphore, #tpu.memory_space<semaphore_mem>>)
      %dma_start3A_50 = arith.constant 1 : i32
      %dma_start3A_51 = arith.constant 0 : i32
      %dma_start3A_52 = arith.constant 0 : i32
      %dma_start3A_53 = tpu.memref_slice %arg11[%dma_start3A_51, %dma_start3A_52] : memref<104x64xi32, #tpu.memory_space<vmem>> -> memref<104x64xi32, #tpu.memory_space<vmem>>
      %dma_start3A_54 = arith.constant 0 : i32
      %dma_start3A_55 = tpu.memref_slice %arg7[%dma_start3A_50, %dma_start3A_54] : memref<64x200xi32, #tpu.memory_space<vmem>> -> memref<1x104xi32, #tpu.memory_space<vmem>>
      %dma_start3A_56 = tpu.memref_squeeze %dma_start3A_55 : memref<1x104xi32, #tpu.memory_space<vmem>> -> memref<104xi32, #tpu.memory_space<vmem>>
      %dma_start3A_57 = arith.constant 0 : i32
      %dma_start3A_58 = arith.constant 0 : i32
      %dma_start3A_59 = tpu.memref_slice %arg4[%dma_start3A_57, %dma_start3A_58] : memref<524288x64xi32, #tpu.memory_space<hbm>> -> memref<524288x64xi32, #tpu.memory_space<hbm>>
      tpu.enqueue_indirect_dma source(%dma_start3A_59 : memref<524288x64xi32, #tpu.memory_space<hbm>>) target(%dma_start3A_53 : memref<104x64xi32, #tpu.memory_space<vmem>>) offsets(%dma_start3A_56 : memref<104xi32, #tpu.memory_space<vmem>>) semaphore(%arg20 : memref<!tpu.dma_semaphore, #tpu.memory_space<semaphore_mem>>)
      %dma_start3A_60 = arith.constant 1 : i32
      %dma_start3A_61 = arith.constant 0 : i32
      %dma_start3A_62 = arith.constant 0 : i32
      %dma_start3A_63 = tpu.memref_slice %arg12[%dma_start3A_61, %dma_start3A_62] : memref<104x64xi32, #tpu.memory_space<vmem>> -> memref<96x64xi32, #tpu.memory_space<vmem>>
      %dma_start3A_64 = arith.constant 104 : i32
      %dma_start3A_65 = tpu.memref_slice %arg7[%dma_start3A_60, %dma_start3A_64] : memref<64x200xi32, #tpu.memory_space<vmem>> -> memref<1x96xi32, #tpu.memory_space<vmem>>
      %dma_start3A_66 = tpu.memref_squeeze %dma_start3A_65 : memref<1x96xi32, #tpu.memory_space<vmem>> -> memref<96xi32, #tpu.memory_space<vmem>>
      %dma_start3A_67 = arith.constant 0 : i32
      %dma_start3A_68 = arith.constant 0 : i32
      %dma_start3A_69 = tpu.memref_slice %arg4[%dma_start3A_67, %dma_start3A_68] : memref<524288x64xi32, #tpu.memory_space<hbm>> -> memref<524288x64xi32, #tpu.memory_space<hbm>>
      tpu.enqueue_indirect_dma source(%dma_start3A_69 : memref<524288x64xi32, #tpu.memory_space<hbm>>) target(%dma_start3A_63 : memref<96x64xi32, #tpu.memory_space<vmem>>) offsets(%dma_start3A_66 : memref<96xi32, #tpu.memory_space<vmem>>) semaphore(%arg21 : memref<!tpu.dma_semaphore, #tpu.memory_space<semaphore_mem>>)
      %dma_start3A_70 = arith.constant 2 : i32
      %dma_start3A_71 = arith.constant 0 : i32
      %dma_start3A_72 = arith.constant 0 : i32
      %dma_start3A_73 = tpu.memref_slice %arg13[%dma_start3A_71, %dma_start3A_72] : memref<104x64xi32, #tpu.memory_space<vmem>> -> memref<104x64xi32, #tpu.memory_space<vmem>>
      %dma_start3A_74 = arith.constant 0 : i32
      %dma_start3A_75 = tpu.memref_slice %arg7[%dma_start3A_70, %dma_start3A_74] : memref<64x200xi32, #tpu.memory_space<vmem>> -> memref<1x104xi32, #tpu.memory_space<vmem>>
      %dma_start3A_76 = tpu.memref_squeeze %dma_start3A_75 : memref<1x104xi32, #tpu.memory_space<vmem>> -> memref<104xi32, #tpu.memory_space<vmem>>
      %dma_start3A_77 = arith.constant 0 : i32
      %dma_start3A_78 = arith.constant 0 : i32
      %dma_start3A_79 = tpu.memref_slice %arg4[%dma_start3A_77, %dma_start3A_78] : memref<524288x64xi32, #tpu.memory_space<hbm>> -> memref<524288x64xi32, #tpu.memory_space<hbm>>
      tpu.enqueue_indirect_dma source(%dma_start3A_79 : memref<524288x64xi32, #tpu.memory_space<hbm>>) target(%dma_start3A_73 : memref<104x64xi32, #tpu.memory_space<vmem>>) offsets(%dma_start3A_76 : memref<104xi32, #tpu.memory_space<vmem>>) semaphore(%arg22 : memref<!tpu.dma_semaphore, #tpu.memory_space<semaphore_mem>>)
      %dma_start3A_80 = arith.constant 2 : i32
      %dma_start3A_81 = arith.constant 0 : i32
      %dma_start3A_82 = arith.constant 0 : i32
      %dma_start3A_83 = tpu.memref_slice %arg14[%dma_start3A_81, %dma_start3A_82] : memref<104x64xi32, #tpu.memory_space<vmem>> -> memref<96x64xi32, #tpu.memory_space<vmem>>
      %dma_start3A_84 = arith.constant 104 : i32
      %dma_start3A_85 = tpu.memref_slice %arg7[%dma_start3A_80, %dma_start3A_84] : memref<64x200xi32, #tpu.memory_space<vmem>> -> memref<1x96xi32, #tpu.memory_space<vmem>>
      %dma_start3A_86 = tpu.memref_squeeze %dma_start3A_85 : memref<1x96xi32, #tpu.memory_space<vmem>> -> memref<96xi32, #tpu.memory_space<vmem>>
      %dma_start3A_87 = arith.constant 0 : i32
      %dma_start3A_88 = arith.constant 0 : i32
      %dma_start3A_89 = tpu.memref_slice %arg4[%dma_start3A_87, %dma_start3A_88] : memref<524288x64xi32, #tpu.memory_space<hbm>> -> memref<524288x64xi32, #tpu.memory_space<hbm>>
      tpu.enqueue_indirect_dma source(%dma_start3A_89 : memref<524288x64xi32, #tpu.memory_space<hbm>>) target(%dma_start3A_83 : memref<96x64xi32, #tpu.memory_space<vmem>>) offsets(%dma_start3A_86 : memref<96xi32, #tpu.memory_space<vmem>>) semaphore(%arg23 : memref<!tpu.dma_semaphore, #tpu.memory_space<semaphore_mem>>)
      %dma_start3A_90 = arith.constant 3 : i32
      %dma_start3A_91 = arith.constant 0 : i32
      %dma_start3A_92 = arith.constant 0 : i32
      %dma_start3A_93 = tpu.memref_slice %arg15[%dma_start3A_91, %dma_start3A_92] : memref<104x64xi32, #tpu.memory_space<vmem>> -> memref<104x64xi32, #tpu.memory_space<vmem>>
      %dma_start3A_94 = arith.constant 0 : i32
      %dma_start3A_95 = tpu.memref_slice %arg7[%dma_start3A_90, %dma_start3A_94] : memref<64x200xi32, #tpu.memory_space<vmem>> -> memref<1x104xi32, #tpu.memory_space<vmem>>
      %dma_start3A_96 = tpu.memref_squeeze %dma_start3A_95 : memref<1x104xi32, #tpu.memory_space<vmem>> -> memref<104xi32, #tpu.memory_space<vmem>>
      %dma_start3A_97 = arith.constant 0 : i32
      %dma_start3A_98 = arith.constant 0 : i32
      %dma_start3A_99 = tpu.memref_slice %arg4[%dma_start3A_97, %dma_start3A_98] : memref<524288x64xi32, #tpu.memory_space<hbm>> -> memref<524288x64xi32, #tpu.memory_space<hbm>>
      tpu.enqueue_indirect_dma source(%dma_start3A_99 : memref<524288x64xi32, #tpu.memory_space<hbm>>) target(%dma_start3A_93 : memref<104x64xi32, #tpu.memory_space<vmem>>) offsets(%dma_start3A_96 : memref<104xi32, #tpu.memory_space<vmem>>) semaphore(%arg24 : memref<!tpu.dma_semaphore, #tpu.memory_space<semaphore_mem>>)
      %dma_start3A_100 = arith.constant 3 : i32
      %dma_start3A_101 = arith.constant 0 : i32
      %dma_start3A_102 = arith.constant 0 : i32
      %dma_start3A_103 = tpu.memref_slice %arg16[%dma_start3A_101, %dma_start3A_102] : memref<104x64xi32, #tpu.memory_space<vmem>> -> memref<96x64xi32, #tpu.memory_space<vmem>>
      %dma_start3A_104 = arith.constant 104 : i32
      %dma_start3A_105 = tpu.memref_slice %arg7[%dma_start3A_100, %dma_start3A_104] : memref<64x200xi32, #tpu.memory_space<vmem>> -> memref<1x96xi32, #tpu.memory_space<vmem>>
      %dma_start3A_106 = tpu.memref_squeeze %dma_start3A_105 : memref<1x96xi32, #tpu.memory_space<vmem>> -> memref<96xi32, #tpu.memory_space<vmem>>
      %dma_start3A_107 = arith.constant 0 : i32
      %dma_start3A_108 = arith.constant 0 : i32
      %dma_start3A_109 = tpu.memref_slice %arg4[%dma_start3A_107, %dma_start3A_108] : memref<524288x64xi32, #tpu.memory_space<hbm>> -> memref<524288x64xi32, #tpu.memory_space<hbm>>
      tpu.enqueue_indirect_dma source(%dma_start3A_109 : memref<524288x64xi32, #tpu.memory_space<hbm>>) target(%dma_start3A_103 : memref<96x64xi32, #tpu.memory_space<vmem>>) offsets(%dma_start3A_106 : memref<96xi32, #tpu.memory_space<vmem>>) semaphore(%arg25 : memref<!tpu.dma_semaphore, #tpu.memory_space<semaphore_mem>>)
      %scan3A_110 = arith.constant 0 : i32
      %scan3A_111 = arith.constant 0 : i32
      %scan3A_112 = arith.constant 16 : i32
      %scan3A_113 = arith.addi %scan3A_111, %scan3A_112 : i32
      %scan3A_114 = arith.constant 1 : i32
      scf.for %scan3A_116 = %scan3A_111 to %scan3A_113 step %scan3A_114  : i32 {
        %mul3A_117 = arith.constant 4 : i32
        %mul3A_118 = arith.muli %scan3A_116, %mul3A_117 : i32
        %add3A_119 = arith.constant 0 : i32
        %add3A_120 = arith.addi %mul3A_118, %add3A_119 : i32
        %dma_wait3A = arith.constant 0 : i32
        %dma_wait3A_121 = arith.constant 0 : i32
        %dma_wait3A_122 = tpu.memref_slice %arg9[%dma_wait3A, %dma_wait3A_121] : memref<104x64xi32, #tpu.memory_space<vmem>> -> memref<104x64xi32, #tpu.memory_space<vmem>>
        %dma_wait3A_123 = arith.constant 0 : i32
        %dma_wait3A_124 = tpu.memref_slice %arg7[%add3A_120, %dma_wait3A_123] : memref<64x200xi32, #tpu.memory_space<vmem>> -> memref<1x104xi32, #tpu.memory_space<vmem>>
        %dma_wait3A_125 = tpu.memref_squeeze %dma_wait3A_124 : memref<1x104xi32, #tpu.memory_space<vmem>> -> memref<104xi32, #tpu.memory_space<vmem>>
        %dma_wait3A_126 = arith.constant 0 : i32
        %dma_wait3A_127 = arith.constant 0 : i32
        %dma_wait3A_128 = tpu.memref_slice %arg4[%dma_wait3A_126, %dma_wait3A_127] : memref<524288x64xi32, #tpu.memory_space<hbm>> -> memref<524288x64xi32, #tpu.memory_space<hbm>>
        tpu.wait_indirect_dma semaphore(%arg18 : memref<!tpu.dma_semaphore, #tpu.memory_space<semaphore_mem>>) src(%dma_wait3A_128 : memref<524288x64xi32, #tpu.memory_space<hbm>>) dst(%dma_wait3A_122 : memref<104x64xi32, #tpu.memory_space<vmem>>)
        %scan3A_129 = arith.constant 0 : i32
        %scan3A_130 = arith.constant 13 : i32
        %scan3A_131 = arith.addi %scan3A_129, %scan3A_130 : i32
        %scan3A_132 = arith.constant 1 : i32
        %scan3A_133:8 = scf.for %scan3A_472 = %scan3A_129 to %scan3A_131 step %scan3A_132 iter_args(%scan3A_473 = %broadcast_in_dim3A_7, %scan3A_474 = %broadcast_in_dim3A_9, %scan3A_475 = %broadcast_in_dim3A_11, %scan3A_476 = %broadcast_in_dim3A_13, %scan3A_477 = %broadcast_in_dim3A_15, %scan3A_478 = %broadcast_in_dim3A_17, %scan3A_479 = %broadcast_in_dim3A_19, %scan3A_480 = %broadcast_in_dim3A_21) -> (vector<16xf32>, vector<16xf32>, vector<16xf32>, vector<16xf32>, vector<16xf32>, vector<16xf32>, vector<16xf32>, vector<16xf32>)  : i32 {
          %mul3A_481 = arith.constant 8 : i32
          %mul3A_482 = arith.muli %scan3A_472, %mul3A_481 : i32
          %add3A_483 = arith.constant 0 : i32
          %add3A_484 = arith.addi %add3A_483, %mul3A_482 : i32
          %get3A_485 = arith.constant 0 : i32
          %get3A_486 = tpu.memref_slice %arg8[%add3A_120, %get3A_485] : memref<64x208xi32, #tpu.memory_space<vmem>> -> memref<1x208xi32, #tpu.memory_space<vmem>>
          %get3A_487 = tpu.memref_squeeze %get3A_486 : memref<1x208xi32, #tpu.memory_space<vmem>> -> memref<208xi32, #tpu.memory_space<vmem>>
          %get3A_488 = arith.index_cast %add3A_484 : i32 to index
          %get3A_489 = tpu.vector_load %get3A_487[%get3A_488] {strides = array<i32>} : memref<208xi32, #tpu.memory_space<vmem>>, vector<16xi32>,
          %slice3A_490 = vector.extract_strided_slice %get3A_489 {offsets = [0], sizes = [1], strides = [1]} : vector<16xi32> to vector<1xi32>
          %squeeze3A_491 = vector.extract %slice3A_490[0] : i32 from vector<1xi32>
          %add3A_492 = arith.constant 0 : i32
          %add3A_493 = arith.addi %mul3A_482, %add3A_492 : i32
          %add3A_494 = arith.constant 0 : i32
          %add3A_495 = arith.addi %squeeze3A_491, %add3A_494 : i32
          %get3A_496 = arith.index_cast %add3A_493 : i32 to index
          %get3A_497 = arith.index_cast %add3A_495 : i32 to index
          %get3A_498 = tpu.vector_load %arg9[%get3A_496, %get3A_497] {strides = array<i32>} : memref<104x64xi32, #tpu.memory_space<vmem>>, vector<16xi32>,
          %bitcast3A = vector.bitcast %get3A_498 : vector<16xi32> to vector<32xbf16>
          %unpack3A = tpu.unpack_subelements %bitcast3A, 0 {pack_format = #tpu.pack_format<interleaved>} : vector<32xbf16> -> vector<16xf32>
          %unpack3A_499 = tpu.unpack_subelements %bitcast3A, 1 {pack_format = #tpu.pack_format<interleaved>} : vector<32xbf16> -> vector<16xf32>
          %add3A_500 = arith.addf %scan3A_473, %unpack3A : vector<16xf32>
          %add3A_501 = arith.addf %scan3A_474, %unpack3A_499 : vector<16xf32>
          %add3A_502 = arith.constant 0 : i32
          %add3A_503 = arith.addi %mul3A_482, %add3A_502 : i32
          %add3A_504 = arith.constant 16 : i32
          %add3A_505 = arith.addi %squeeze3A_491, %add3A_504 : i32
          %get3A_506 = arith.index_cast %add3A_503 : i32 to index
          %get3A_507 = arith.index_cast %add3A_505 : i32 to index
          %get3A_508 = tpu.vector_load %arg9[%get3A_506, %get3A_507] {strides = array<i32>} : memref<104x64xi32, #tpu.memory_space<vmem>>, vector<16xi32>,
          %bitcast3A_509 = vector.bitcast %get3A_508 : vector<16xi32> to vector<32xbf16>
          %unpack3A_510 = tpu.unpack_subelements %bitcast3A_509, 0 {pack_format = #tpu.pack_format<interleaved>} : vector<32xbf16> -> vector<16xf32>
          %unpack3A_511 = tpu.unpack_subelements %bitcast3A_509, 1 {pack_format = #tpu.pack_format<interleaved>} : vector<32xbf16> -> vector<16xf32>
          %add3A_512 = arith.addf %scan3A_475, %unpack3A_510 : vector<16xf32>
          %add3A_513 = arith.addf %scan3A_476, %unpack3A_511 : vector<16xf32>
          %slice3A_514 = vector.extract_strided_slice %get3A_489 {offsets = [1], sizes = [1], strides = [1]} : vector<16xi32> to vector<1xi32>
          %squeeze3A_515 = vector.extract %slice3A_514[0] : i32 from vector<1xi32>
          %add3A_516 = arith.constant 1 : i32
          %add3A_517 = arith.addi %mul3A_482, %add3A_516 : i32
          %add3A_518 = arith.constant 0 : i32
          %add3A_519 = arith.addi %squeeze3A_515, %add3A_518 : i32
          %get3A_520 = arith.index_cast %add3A_517 : i32 to index
          %get3A_521 = arith.index_cast %add3A_519 : i32 to index
          %get3A_522 = tpu.vector_load %arg9[%get3A_520, %get3A_521] {strides = array<i32>} : memref<104x64xi32, #tpu.memory_space<vmem>>, vector<16xi32>,
          %bitcast3A_523 = vector.bitcast %get3A_522 : vector<16xi32> to vector<32xbf16>
          %unpack3A_524 = tpu.unpack_subelements %bitcast3A_523, 0 {pack_format = #tpu.pack_format<interleaved>} : vector<32xbf16> -> vector<16xf32>
          %unpack3A_525 = tpu.unpack_subelements %bitcast3A_523, 1 {pack_format = #tpu.pack_format<interleaved>} : vector<32xbf16> -> vector<16xf32>
          %add3A_526 = arith.addf %scan3A_477, %unpack3A_524 : vector<16xf32>
          %add3A_527 = arith.addf %scan3A_478, %unpack3A_525 : vector<16xf32>
          %add3A_528 = arith.constant 1 : i32
          %add3A_529 = arith.addi %mul3A_482, %add3A_528 : i32
          %add3A_530 = arith.constant 16 : i32
          %add3A_531 = arith.addi %squeeze3A_515, %add3A_530 : i32
          %get3A_532 = arith.index_cast %add3A_529 : i32 to index
          %get3A_533 = arith.index_cast %add3A_531 : i32 to index
          %get3A_534 = tpu.vector_load %arg9[%get3A_532, %get3A_533] {strides = array<i32>} : memref<104x64xi32, #tpu.memory_space<vmem>>, vector<16xi32>,
          %bitcast3A_535 = vector.bitcast %get3A_534 : vector<16xi32> to vector<32xbf16>
          %unpack3A_536 = tpu.unpack_subelements %bitcast3A_535, 0 {pack_format = #tpu.pack_format<interleaved>} : vector<32xbf16> -> vector<16xf32>
          %unpack3A_537 = tpu.unpack_subelements %bitcast3A_535, 1 {pack_format = #tpu.pack_format<interleaved>} : vector<32xbf16> -> vector<16xf32>
          %add3A_538 = arith.addf %scan3A_479, %unpack3A_536 : vector<16xf32>
          %add3A_539 = arith.addf %scan3A_480, %unpack3A_537 : vector<16xf32>
          %slice3A_540 = vector.extract_strided_slice %get3A_489 {offsets = [2], sizes = [1], strides = [1]} : vector<16xi32> to vector<1xi32>
          %squeeze3A_541 = vector.extract %slice3A_540[0] : i32 from vector<1xi32>
          %add3A_542 = arith.constant 2 : i32
          %add3A_543 = arith.addi %mul3A_482, %add3A_542 : i32
          %add3A_544 = arith.constant 0 : i32
          %add3A_545 = arith.addi %squeeze3A_541, %add3A_544 : i32
          %get3A_546 = arith.index_cast %add3A_543 : i32 to index
          %get3A_547 = arith.index_cast %add3A_545 : i32 to index
          %get3A_548 = tpu.vector_load %arg9[%get3A_546, %get3A_547] {strides = array<i32>} : memref<104x64xi32, #tpu.memory_space<vmem>>, vector<16xi32>,
          %bitcast3A_549 = vector.bitcast %get3A_548 : vector<16xi32> to vector<32xbf16>
          %unpack3A_550 = tpu.unpack_subelements %bitcast3A_549, 0 {pack_format = #tpu.pack_format<interleaved>} : vector<32xbf16> -> vector<16xf32>
          %unpack3A_551 = tpu.unpack_subelements %bitcast3A_549, 1 {pack_format = #tpu.pack_format<interleaved>} : vector<32xbf16> -> vector<16xf32>
          %add3A_552 = arith.addf %add3A_500, %unpack3A_550 : vector<16xf32>
          %add3A_553 = arith.addf %add3A_501, %unpack3A_551 : vector<16xf32>
          %add3A_554 = arith.constant 2 : i32
          %add3A_555 = arith.addi %mul3A_482, %add3A_554 : i32
          %add3A_556 = arith.constant 16 : i32
          %add3A_557 = arith.addi %squeeze3A_541, %add3A_556 : i32
          %get3A_558 = arith.index_cast %add3A_555 : i32 to index
          %get3A_559 = arith.index_cast %add3A_557 : i32 to index
          %get3A_560 = tpu.vector_load %arg9[%get3A_558, %get3A_559] {strides = array<i32>} : memref<104x64xi32, #tpu.memory_space<vmem>>, vector<16xi32>,
          %bitcast3A_561 = vector.bitcast %get3A_560 : vector<16xi32> to vector<32xbf16>
          %unpack3A_562 = tpu.unpack_subelements %bitcast3A_561, 0 {pack_format = #tpu.pack_format<interleaved>} : vector<32xbf16> -> vector<16xf32>
          %unpack3A_563 = tpu.unpack_subelements %bitcast3A_561, 1 {pack_format = #tpu.pack_format<interleaved>} : vector<32xbf16> -> vector<16xf32>
          %add3A_564 = arith.addf %add3A_512, %unpack3A_562 : vector<16xf32>
          %add3A_565 = arith.addf %add3A_513, %unpack3A_563 : vector<16xf32>
          %slice3A_566 = vector.extract_strided_slice %get3A_489 {offsets = [3], sizes = [1], strides = [1]} : vector<16xi32> to vector<1xi32>
          %squeeze3A_567 = vector.extract %slice3A_566[0] : i32 from vector<1xi32>
          %add3A_568 = arith.constant 3 : i32
          %add3A_569 = arith.addi %mul3A_482, %add3A_568 : i32
          %add3A_570 = arith.constant 0 : i32
          %add3A_571 = arith.addi %squeeze3A_567, %add3A_570 : i32
          %get3A_572 = arith.index_cast %add3A_569 : i32 to index
          %get3A_573 = arith.index_cast %add3A_571 : i32 to index
          %get3A_574 = tpu.vector_load %arg9[%get3A_572, %get3A_573] {strides = array<i32>} : memref<104x64xi32, #tpu.memory_space<vmem>>, vector<16xi32>,
          %bitcast3A_575 = vector.bitcast %get3A_574 : vector<16xi32> to vector<32xbf16>
          %unpack3A_576 = tpu.unpack_subelements %bitcast3A_575, 0 {pack_format = #tpu.pack_format<interleaved>} : vector<32xbf16> -> vector<16xf32>
          %unpack3A_577 = tpu.unpack_subelements %bitcast3A_575, 1 {pack_format = #tpu.pack_format<interleaved>} : vector<32xbf16> -> vector<16xf32>
          %add3A_578 = arith.addf %add3A_526, %unpack3A_576 : vector<16xf32>
          %add3A_579 = arith.addf %add3A_527, %unpack3A_577 : vector<16xf32>
          %add3A_580 = arith.constant 3 : i32
          %add3A_581 = arith.addi %mul3A_482, %add3A_580 : i32
          %add3A_582 = arith.constant 16 : i32
          %add3A_583 = arith.addi %squeeze3A_567, %add3A_582 : i32
          %get3A_584 = arith.index_cast %add3A_581 : i32 to index
          %get3A_585 = arith.index_cast %add3A_583 : i32 to index
          %get3A_586 = tpu.vector_load %arg9[%get3A_584, %get3A_585] {strides = array<i32>} : memref<104x64xi32, #tpu.memory_space<vmem>>, vector<16xi32>,
          %bitcast3A_587 = vector.bitcast %get3A_586 : vector<16xi32> to vector<32xbf16>
          %unpack3A_588 = tpu.unpack_subelements %bitcast3A_587, 0 {pack_format = #tpu.pack_format<interleaved>} : vector<32xbf16> -> vector<16xf32>
          %unpack3A_589 = tpu.unpack_subelements %bitcast3A_587, 1 {pack_format = #tpu.pack_format<interleaved>} : vector<32xbf16> -> vector<16xf32>
          %add3A_590 = arith.addf %add3A_538, %unpack3A_588 : vector<16xf32>
          %add3A_591 = arith.addf %add3A_539, %unpack3A_589 : vector<16xf32>
          %slice3A_592 = vector.extract_strided_slice %get3A_489 {offsets = [4], sizes = [1], strides = [1]} : vector<16xi32> to vector<1xi32>
          %squeeze3A_593 = vector.extract %slice3A_592[0] : i32 from vector<1xi32>
          %add3A_594 = arith.constant 4 : i32
          %add3A_595 = arith.addi %mul3A_482, %add3A_594 : i32
          %add3A_596 = arith.constant 0 : i32
          %add3A_597 = arith.addi %squeeze3A_593, %add3A_596 : i32
          %get3A_598 = arith.index_cast %add3A_595 : i32 to index
          %get3A_599 = arith.index_cast %add3A_597 : i32 to index
          %get3A_600 = tpu.vector_load %arg9[%get3A_598, %get3A_599] {strides = array<i32>} : memref<104x64xi32, #tpu.memory_space<vmem>>, vector<16xi32>,
          %bitcast3A_601 = vector.bitcast %get3A_600 : vector<16xi32> to vector<32xbf16>
          %unpack3A_602 = tpu.unpack_subelements %bitcast3A_601, 0 {pack_format = #tpu.pack_format<interleaved>} : vector<32xbf16> -> vector<16xf32>
          %unpack3A_603 = tpu.unpack_subelements %bitcast3A_601, 1 {pack_format = #tpu.pack_format<interleaved>} : vector<32xbf16> -> vector<16xf32>
          %add3A_604 = arith.addf %add3A_552, %unpack3A_602 : vector<16xf32>
          %add3A_605 = arith.addf %add3A_553, %unpack3A_603 : vector<16xf32>
          %add3A_606 = arith.constant 4 : i32
          %add3A_607 = arith.addi %mul3A_482, %add3A_606 : i32
          %add3A_608 = arith.constant 16 : i32
          %add3A_609 = arith.addi %squeeze3A_593, %add3A_608 : i32
          %get3A_610 = arith.index_cast %add3A_607 : i32 to index
          %get3A_611 = arith.index_cast %add3A_609 : i32 to index
          %get3A_612 = tpu.vector_load %arg9[%get3A_610, %get3A_611] {strides = array<i32>} : memref<104x64xi32, #tpu.memory_space<vmem>>, vector<16xi32>,
          %bitcast3A_613 = vector.bitcast %get3A_612 : vector<16xi32> to vector<32xbf16>
          %unpack3A_614 = tpu.unpack_subelements %bitcast3A_613, 0 {pack_format = #tpu.pack_format<interleaved>} : vector<32xbf16> -> vector<16xf32>
          %unpack3A_615 = tpu.unpack_subelements %bitcast3A_613, 1 {pack_format = #tpu.pack_format<interleaved>} : vector<32xbf16> -> vector<16xf32>
          %add3A_616 = arith.addf %add3A_564, %unpack3A_614 : vector<16xf32>
          %add3A_617 = arith.addf %add3A_565, %unpack3A_615 : vector<16xf32>
          %slice3A_618 = vector.extract_strided_slice %get3A_489 {offsets = [5], sizes = [1], strides = [1]} : vector<16xi32> to vector<1xi32>
          %squeeze3A_619 = vector.extract %slice3A_618[0] : i32 from vector<1xi32>
          %add3A_620 = arith.constant 5 : i32
          %add3A_621 = arith.addi %mul3A_482, %add3A_620 : i32
          %add3A_622 = arith.constant 0 : i32
          %add3A_623 = arith.addi %squeeze3A_619, %add3A_622 : i32
          %get3A_624 = arith.index_cast %add3A_621 : i32 to index
          %get3A_625 = arith.index_cast %add3A_623 : i32 to index
          %get3A_626 = tpu.vector_load %arg9[%get3A_624, %get3A_625] {strides = array<i32>} : memref<104x64xi32, #tpu.memory_space<vmem>>, vector<16xi32>,
          %bitcast3A_627 = vector.bitcast %get3A_626 : vector<16xi32> to vector<32xbf16>
          %unpack3A_628 = tpu.unpack_subelements %bitcast3A_627, 0 {pack_format = #tpu.pack_format<interleaved>} : vector<32xbf16> -> vector<16xf32>
          %unpack3A_629 = tpu.unpack_subelements %bitcast3A_627, 1 {pack_format = #tpu.pack_format<interleaved>} : vector<32xbf16> -> vector<16xf32>
          %add3A_630 = arith.addf %add3A_578, %unpack3A_628 : vector<16xf32>
          %add3A_631 = arith.addf %add3A_579, %unpack3A_629 : vector<16xf32>
          %add3A_632 = arith.constant 5 : i32
          %add3A_633 = arith.addi %mul3A_482, %add3A_632 : i32
          %add3A_634 = arith.constant 16 : i32
          %add3A_635 = arith.addi %squeeze3A_619, %add3A_634 : i32
          %get3A_636 = arith.index_cast %add3A_633 : i32 to index
          %get3A_637 = arith.index_cast %add3A_635 : i32 to index
          %get3A_638 = tpu.vector_load %arg9[%get3A_636, %get3A_637] {strides = array<i32>} : memref<104x64xi32, #tpu.memory_space<vmem>>, vector<16xi32>,
          %bitcast3A_639 = vector.bitcast %get3A_638 : vector<16xi32> to vector<32xbf16>
          %unpack3A_640 = tpu.unpack_subelements %bitcast3A_639, 0 {pack_format = #tpu.pack_format<interleaved>} : vector<32xbf16> -> vector<16xf32>
          %unpack3A_641 = tpu.unpack_subelements %bitcast3A_639, 1 {pack_format = #tpu.pack_format<interleaved>} : vector<32xbf16> -> vector<16xf32>
          %add3A_642 = arith.addf %add3A_590, %unpack3A_640 : vector<16xf32>
          %add3A_643 = arith.addf %add3A_591, %unpack3A_641 : vector<16xf32>
          %slice3A_644 = vector.extract_strided_slice %get3A_489 {offsets = [6], sizes = [1], strides = [1]} : vector<16xi32> to vector<1xi32>
          %squeeze3A_645 = vector.extract %slice3A_644[0] : i32 from vector<1xi32>
          %add3A_646 = arith.constant 6 : i32
          %add3A_647 = arith.addi %mul3A_482, %add3A_646 : i32
          %add3A_648 = arith.constant 0 : i32
          %add3A_649 = arith.addi %squeeze3A_645, %add3A_648 : i32
          %get3A_650 = arith.index_cast %add3A_647 : i32 to index
          %get3A_651 = arith.index_cast %add3A_649 : i32 to index
          %get3A_652 = tpu.vector_load %arg9[%get3A_650, %get3A_651] {strides = array<i32>} : memref<104x64xi32, #tpu.memory_space<vmem>>, vector<16xi32>,
          %bitcast3A_653 = vector.bitcast %get3A_652 : vector<16xi32> to vector<32xbf16>
          %unpack3A_654 = tpu.unpack_subelements %bitcast3A_653, 0 {pack_format = #tpu.pack_format<interleaved>} : vector<32xbf16> -> vector<16xf32>
          %unpack3A_655 = tpu.unpack_subelements %bitcast3A_653, 1 {pack_format = #tpu.pack_format<interleaved>} : vector<32xbf16> -> vector<16xf32>
          %add3A_656 = arith.addf %add3A_604, %unpack3A_654 : vector<16xf32>
          %add3A_657 = arith.addf %add3A_605, %unpack3A_655 : vector<16xf32>
          %add3A_658 = arith.constant 6 : i32
          %add3A_659 = arith.addi %mul3A_482, %add3A_658 : i32
          %add3A_660 = arith.constant 16 : i32
          %add3A_661 = arith.addi %squeeze3A_645, %add3A_660 : i32
          %get3A_662 = arith.index_cast %add3A_659 : i32 to index
          %get3A_663 = arith.index_cast %add3A_661 : i32 to index
          %get3A_664 = tpu.vector_load %arg9[%get3A_662, %get3A_663] {strides = array<i32>} : memref<104x64xi32, #tpu.memory_space<vmem>>, vector<16xi32>,
          %bitcast3A_665 = vector.bitcast %get3A_664 : vector<16xi32> to vector<32xbf16>
          %unpack3A_666 = tpu.unpack_subelements %bitcast3A_665, 0 {pack_format = #tpu.pack_format<interleaved>} : vector<32xbf16> -> vector<16xf32>
          %unpack3A_667 = tpu.unpack_subelements %bitcast3A_665, 1 {pack_format = #tpu.pack_format<interleaved>} : vector<32xbf16> -> vector<16xf32>
          %add3A_668 = arith.addf %add3A_616, %unpack3A_666 : vector<16xf32>
          %add3A_669 = arith.addf %add3A_617, %unpack3A_667 : vector<16xf32>
          %slice3A_670 = vector.extract_strided_slice %get3A_489 {offsets = [7], sizes = [1], strides = [1]} : vector<16xi32> to vector<1xi32>
          %squeeze3A_671 = vector.extract %slice3A_670[0] : i32 from vector<1xi32>
          %add3A_672 = arith.constant 7 : i32
          %add3A_673 = arith.addi %mul3A_482, %add3A_672 : i32
          %add3A_674 = arith.constant 0 : i32
          %add3A_675 = arith.addi %squeeze3A_671, %add3A_674 : i32
          %get3A_676 = arith.index_cast %add3A_673 : i32 to index
          %get3A_677 = arith.index_cast %add3A_675 : i32 to index
          %get3A_678 = tpu.vector_load %arg9[%get3A_676, %get3A_677] {strides = array<i32>} : memref<104x64xi32, #tpu.memory_space<vmem>>, vector<16xi32>,
          %bitcast3A_679 = vector.bitcast %get3A_678 : vector<16xi32> to vector<32xbf16>
          %unpack3A_680 = tpu.unpack_subelements %bitcast3A_679, 0 {pack_format = #tpu.pack_format<interleaved>} : vector<32xbf16> -> vector<16xf32>
          %unpack3A_681 = tpu.unpack_subelements %bitcast3A_679, 1 {pack_format = #tpu.pack_format<interleaved>} : vector<32xbf16> -> vector<16xf32>
          %add3A_682 = arith.addf %add3A_630, %unpack3A_680 : vector<16xf32>
          %add3A_683 = arith.addf %add3A_631, %unpack3A_681 : vector<16xf32>
          %add3A_684 = arith.constant 7 : i32
          %add3A_685 = arith.addi %mul3A_482, %add3A_684 : i32
          %add3A_686 = arith.constant 16 : i32
          %add3A_687 = arith.addi %squeeze3A_671, %add3A_686 : i32
          %get3A_688 = arith.index_cast %add3A_685 : i32 to index
          %get3A_689 = arith.index_cast %add3A_687 : i32 to index
          %get3A_690 = tpu.vector_load %arg9[%get3A_688, %get3A_689] {strides = array<i32>} : memref<104x64xi32, #tpu.memory_space<vmem>>, vector<16xi32>,
          %bitcast3A_691 = vector.bitcast %get3A_690 : vector<16xi32> to vector<32xbf16>
          %unpack3A_692 = tpu.unpack_subelements %bitcast3A_691, 0 {pack_format = #tpu.pack_format<interleaved>} : vector<32xbf16> -> vector<16xf32>
          %unpack3A_693 = tpu.unpack_subelements %bitcast3A_691, 1 {pack_format = #tpu.pack_format<interleaved>} : vector<32xbf16> -> vector<16xf32>
          %add3A_694 = arith.addf %add3A_642, %unpack3A_692 : vector<16xf32>
          %add3A_695 = arith.addf %add3A_643, %unpack3A_693 : vector<16xf32>
          scf.yield %add3A_656, %add3A_657, %add3A_668, %add3A_669, %add3A_682, %add3A_683, %add3A_694, %add3A_695 : vector<16xf32>, vector<16xf32>, vector<16xf32>, vector<16xf32>, vector<16xf32>, vector<16xf32>, vector<16xf32>, vector<16xf32>
        }
        %scan3A_134 = arith.constant 13 : i32
        %lt3A = arith.constant 15 : i32
        %lt3A_135 = arith.cmpi slt, %scan3A_116, %lt3A : i32
        %convert_element_type3A = arith.extui %lt3A_135 : i1 to i32
        %cond3A = arith.constant 0 : i32
        %cond3A_136 = arith.cmpi ne, %convert_element_type3A, %cond3A : i32
        scf.if %cond3A_136 {
          %add3A_472 = arith.constant 4 : i32
          %add3A_473 = arith.addi %add3A_120, %add3A_472 : i32
          %dma_start3A_474 = arith.constant 0 : i32
          %dma_start3A_475 = arith.constant 0 : i32
          %dma_start3A_476 = tpu.memref_slice %arg9[%dma_start3A_474, %dma_start3A_475] : memref<104x64xi32, #tpu.memory_space<vmem>> -> memref<104x64xi32, #tpu.memory_space<vmem>>
          %dma_start3A_477 = arith.constant 0 : i32
          %dma_start3A_478 = tpu.memref_slice %arg7[%add3A_473, %dma_start3A_477] : memref<64x200xi32, #tpu.memory_space<vmem>> -> memref<1x104xi32, #tpu.memory_space<vmem>>
          %dma_start3A_479 = tpu.memref_squeeze %dma_start3A_478 : memref<1x104xi32, #tpu.memory_space<vmem>> -> memref<104xi32, #tpu.memory_space<vmem>>
          %dma_start3A_480 = arith.constant 0 : i32
          %dma_start3A_481 = arith.constant 0 : i32
          %dma_start3A_482 = tpu.memref_slice %arg4[%dma_start3A_480, %dma_start3A_481] : memref<524288x64xi32, #tpu.memory_space<hbm>> -> memref<524288x64xi32, #tpu.memory_space<hbm>>
          tpu.enqueue_indirect_dma source(%dma_start3A_482 : memref<524288x64xi32, #tpu.memory_space<hbm>>) target(%dma_start3A_476 : memref<104x64xi32, #tpu.memory_space<vmem>>) offsets(%dma_start3A_479 : memref<104xi32, #tpu.memory_space<vmem>>) semaphore(%arg18 : memref<!tpu.dma_semaphore, #tpu.memory_space<semaphore_mem>>)
        } else {
        }
        %mul3A_137 = arith.constant 4 : i32
        %mul3A_138 = arith.muli %scan3A_116, %mul3A_137 : i32
        %add3A_139 = arith.constant 0 : i32
        %add3A_140 = arith.addi %mul3A_138, %add3A_139 : i32
        %dma_wait3A_141 = arith.constant 0 : i32
        %dma_wait3A_142 = arith.constant 0 : i32
        %dma_wait3A_143 = tpu.memref_slice %arg10[%dma_wait3A_141, %dma_wait3A_142] : memref<104x64xi32, #tpu.memory_space<vmem>> -> memref<96x64xi32, #tpu.memory_space<vmem>>
        %dma_wait3A_144 = arith.constant 104 : i32
        %dma_wait3A_145 = tpu.memref_slice %arg7[%add3A_140, %dma_wait3A_144] : memref<64x200xi32, #tpu.memory_space<vmem>> -> memref<1x96xi32, #tpu.memory_space<vmem>>
        %dma_wait3A_146 = tpu.memref_squeeze %dma_wait3A_145 : memref<1x96xi32, #tpu.memory_space<vmem>> -> memref<96xi32, #tpu.memory_space<vmem>>
        %dma_wait3A_147 = arith.constant 0 : i32
        %dma_wait3A_148 = arith.constant 0 : i32
        %dma_wait3A_149 = tpu.memref_slice %arg4[%dma_wait3A_147, %dma_wait3A_148] : memref<524288x64xi32, #tpu.memory_space<hbm>> -> memref<524288x64xi32, #tpu.memory_space<hbm>>
        tpu.wait_indirect_dma semaphore(%arg19 : memref<!tpu.dma_semaphore, #tpu.memory_space<semaphore_mem>>) src(%dma_wait3A_149 : memref<524288x64xi32, #tpu.memory_space<hbm>>) dst(%dma_wait3A_143 : memref<96x64xi32, #tpu.memory_space<vmem>>)
        %scan3A_150 = arith.constant 0 : i32
        %scan3A_151 = arith.constant 12 : i32
        %scan3A_152 = arith.addi %scan3A_150, %scan3A_151 : i32
        %scan3A_153 = arith.constant 1 : i32
        %scan3A_154:8 = scf.for %scan3A_472 = %scan3A_150 to %scan3A_152 step %scan3A_153 iter_args(%scan3A_473 = %scan3A_133#0, %scan3A_474 = %scan3A_133#1, %scan3A_475 = %scan3A_133#2, %scan3A_476 = %scan3A_133#3, %scan3A_477 = %scan3A_133#4, %scan3A_478 = %scan3A_133#5, %scan3A_479 = %scan3A_133#6, %scan3A_480 = %scan3A_133#7) -> (vector<16xf32>, vector<16xf32>, vector<16xf32>, vector<16xf32>, vector<16xf32>, vector<16xf32>, vector<16xf32>, vector<16xf32>)  : i32 {
          %mul3A_481 = arith.constant 8 : i32
          %mul3A_482 = arith.muli %scan3A_472, %mul3A_481 : i32
          %add3A_483 = arith.constant 104 : i32
          %add3A_484 = arith.addi %add3A_483, %mul3A_482 : i32
          %get3A_485 = arith.constant 0 : i32
          %get3A_486 = tpu.memref_slice %arg8[%add3A_140, %get3A_485] : memref<64x208xi32, #tpu.memory_space<vmem>> -> memref<1x208xi32, #tpu.memory_space<vmem>>
          %get3A_487 = tpu.memref_squeeze %get3A_486 : memref<1x208xi32, #tpu.memory_space<vmem>> -> memref<208xi32, #tpu.memory_space<vmem>>
          %get3A_488 = arith.index_cast %add3A_484 : i32 to index
          %get3A_489 = tpu.vector_load %get3A_487[%get3A_488] {strides = array<i32>} : memref<208xi32, #tpu.memory_space<vmem>>, vector<16xi32>,
          %slice3A_490 = vector.extract_strided_slice %get3A_489 {offsets = [0], sizes = [1], strides = [1]} : vector<16xi32> to vector<1xi32>
          %squeeze3A_491 = vector.extract %slice3A_490[0] : i32 from vector<1xi32>
          %add3A_492 = arith.constant 0 : i32
          %add3A_493 = arith.addi %mul3A_482, %add3A_492 : i32
          %add3A_494 = arith.constant 0 : i32
          %add3A_495 = arith.addi %squeeze3A_491, %add3A_494 : i32
          %get3A_496 = arith.index_cast %add3A_493 : i32 to index
          %get3A_497 = arith.index_cast %add3A_495 : i32 to index
          %get3A_498 = tpu.vector_load %arg10[%get3A_496, %get3A_497] {strides = array<i32>} : memref<104x64xi32, #tpu.memory_space<vmem>>, vector<16xi32>,
          %bitcast3A = vector.bitcast %get3A_498 : vector<16xi32> to vector<32xbf16>
          %unpack3A = tpu.unpack_subelements %bitcast3A, 0 {pack_format = #tpu.pack_format<interleaved>} : vector<32xbf16> -> vector<16xf32>
          %unpack3A_499 = tpu.unpack_subelements %bitcast3A, 1 {pack_format = #tpu.pack_format<interleaved>} : vector<32xbf16> -> vector<16xf32>
          %add3A_500 = arith.addf %scan3A_473, %unpack3A : vector<16xf32>
          %add3A_501 = arith.addf %scan3A_474, %unpack3A_499 : vector<16xf32>
          %add3A_502 = arith.constant 0 : i32
          %add3A_503 = arith.addi %mul3A_482, %add3A_502 : i32
          %add3A_504 = arith.constant 16 : i32
          %add3A_505 = arith.addi %squeeze3A_491, %add3A_504 : i32
          %get3A_506 = arith.index_cast %add3A_503 : i32 to index
          %get3A_507 = arith.index_cast %add3A_505 : i32 to index
          %get3A_508 = tpu.vector_load %arg10[%get3A_506, %get3A_507] {strides = array<i32>} : memref<104x64xi32, #tpu.memory_space<vmem>>, vector<16xi32>,
          %bitcast3A_509 = vector.bitcast %get3A_508 : vector<16xi32> to vector<32xbf16>
          %unpack3A_510 = tpu.unpack_subelements %bitcast3A_509, 0 {pack_format = #tpu.pack_format<interleaved>} : vector<32xbf16> -> vector<16xf32>
          %unpack3A_511 = tpu.unpack_subelements %bitcast3A_509, 1 {pack_format = #tpu.pack_format<interleaved>} : vector<32xbf16> -> vector<16xf32>
          %add3A_512 = arith.addf %scan3A_475, %unpack3A_510 : vector<16xf32>
          %add3A_513 = arith.addf %scan3A_476, %unpack3A_511 : vector<16xf32>
          %slice3A_514 = vector.extract_strided_slice %get3A_489 {offsets = [1], sizes = [1], strides = [1]} : vector<16xi32> to vector<1xi32>
          %squeeze3A_515 = vector.extract %slice3A_514[0] : i32 from vector<1xi32>
          %add3A_516 = arith.constant 1 : i32
          %add3A_517 = arith.addi %mul3A_482, %add3A_516 : i32
          %add3A_518 = arith.constant 0 : i32
          %add3A_519 = arith.addi %squeeze3A_515, %add3A_518 : i32
          %get3A_520 = arith.index_cast %add3A_517 : i32 to index
          %get3A_521 = arith.index_cast %add3A_519 : i32 to index
          %get3A_522 = tpu.vector_load %arg10[%get3A_520, %get3A_521] {strides = array<i32>} : memref<104x64xi32, #tpu.memory_space<vmem>>, vector<16xi32>,
          %bitcast3A_523 = vector.bitcast %get3A_522 : vector<16xi32> to vector<32xbf16>
          %unpack3A_524 = tpu.unpack_subelements %bitcast3A_523, 0 {pack_format = #tpu.pack_format<interleaved>} : vector<32xbf16> -> vector<16xf32>
          %unpack3A_525 = tpu.unpack_subelements %bitcast3A_523, 1 {pack_format = #tpu.pack_format<interleaved>} : vector<32xbf16> -> vector<16xf32>
          %add3A_526 = arith.addf %scan3A_477, %unpack3A_524 : vector<16xf32>
          %add3A_527 = arith.addf %scan3A_478, %unpack3A_525 : vector<16xf32>
          %add3A_528 = arith.constant 1 : i32
          %add3A_529 = arith.addi %mul3A_482, %add3A_528 : i32
          %add3A_530 = arith.constant 16 : i32
          %add3A_531 = arith.addi %squeeze3A_515, %add3A_530 : i32
          %get3A_532 = arith.index_cast %add3A_529 : i32 to index
          %get3A_533 = arith.index_cast %add3A_531 : i32 to index
          %get3A_534 = tpu.vector_load %arg10[%get3A_532, %get3A_533] {strides = array<i32>} : memref<104x64xi32, #tpu.memory_space<vmem>>, vector<16xi32>,
          %bitcast3A_535 = vector.bitcast %get3A_534 : vector<16xi32> to vector<32xbf16>
          %unpack3A_536 = tpu.unpack_subelements %bitcast3A_535, 0 {pack_format = #tpu.pack_format<interleaved>} : vector<32xbf16> -> vector<16xf32>
          %unpack3A_537 = tpu.unpack_subelements %bitcast3A_535, 1 {pack_format = #tpu.pack_format<interleaved>} : vector<32xbf16> -> vector<16xf32>
          %add3A_538 = arith.addf %scan3A_479, %unpack3A_536 : vector<16xf32>
          %add3A_539 = arith.addf %scan3A_480, %unpack3A_537 : vector<16xf32>
          %slice3A_540 = vector.extract_strided_slice %get3A_489 {offsets = [2], sizes = [1], strides = [1]} : vector<16xi32> to vector<1xi32>
          %squeeze3A_541 = vector.extract %slice3A_540[0] : i32 from vector<1xi32>
          %add3A_542 = arith.constant 2 : i32
          %add3A_543 = arith.addi %mul3A_482, %add3A_542 : i32
          %add3A_544 = arith.constant 0 : i32
          %add3A_545 = arith.addi %squeeze3A_541, %add3A_544 : i32
          %get3A_546 = arith.index_cast %add3A_543 : i32 to index
          %get3A_547 = arith.index_cast %add3A_545 : i32 to index
          %get3A_548 = tpu.vector_load %arg10[%get3A_546, %get3A_547] {strides = array<i32>} : memref<104x64xi32, #tpu.memory_space<vmem>>, vector<16xi32>,
          %bitcast3A_549 = vector.bitcast %get3A_548 : vector<16xi32> to vector<32xbf16>
          %unpack3A_550 = tpu.unpack_subelements %bitcast3A_549, 0 {pack_format = #tpu.pack_format<interleaved>} : vector<32xbf16> -> vector<16xf32>
          %unpack3A_551 = tpu.unpack_subelements %bitcast3A_549, 1 {pack_format = #tpu.pack_format<interleaved>} : vector<32xbf16> -> vector<16xf32>
          %add3A_552 = arith.addf %add3A_500, %unpack3A_550 : vector<16xf32>
          %add3A_553 = arith.addf %add3A_501, %unpack3A_551 : vector<16xf32>
          %add3A_554 = arith.constant 2 : i32
          %add3A_555 = arith.addi %mul3A_482, %add3A_554 : i32
          %add3A_556 = arith.constant 16 : i32
          %add3A_557 = arith.addi %squeeze3A_541, %add3A_556 : i32
          %get3A_558 = arith.index_cast %add3A_555 : i32 to index
          %get3A_559 = arith.index_cast %add3A_557 : i32 to index
          %get3A_560 = tpu.vector_load %arg10[%get3A_558, %get3A_559] {strides = array<i32>} : memref<104x64xi32, #tpu.memory_space<vmem>>, vector<16xi32>,
          %bitcast3A_561 = vector.bitcast %get3A_560 : vector<16xi32> to vector<32xbf16>
          %unpack3A_562 = tpu.unpack_subelements %bitcast3A_561, 0 {pack_format = #tpu.pack_format<interleaved>} : vector<32xbf16> -> vector<16xf32>
          %unpack3A_563 = tpu.unpack_subelements %bitcast3A_561, 1 {pack_format = #tpu.pack_format<interleaved>} : vector<32xbf16> -> vector<16xf32>
          %add3A_564 = arith.addf %add3A_512, %unpack3A_562 : vector<16xf32>
          %add3A_565 = arith.addf %add3A_513, %unpack3A_563 : vector<16xf32>
          %slice3A_566 = vector.extract_strided_slice %get3A_489 {offsets = [3], sizes = [1], strides = [1]} : vector<16xi32> to vector<1xi32>
          %squeeze3A_567 = vector.extract %slice3A_566[0] : i32 from vector<1xi32>
          %add3A_568 = arith.constant 3 : i32
          %add3A_569 = arith.addi %mul3A_482, %add3A_568 : i32
          %add3A_570 = arith.constant 0 : i32
          %add3A_571 = arith.addi %squeeze3A_567, %add3A_570 : i32
          %get3A_572 = arith.index_cast %add3A_569 : i32 to index
          %get3A_573 = arith.index_cast %add3A_571 : i32 to index
          %get3A_574 = tpu.vector_load %arg10[%get3A_572, %get3A_573] {strides = array<i32>} : memref<104x64xi32, #tpu.memory_space<vmem>>, vector<16xi32>,
          %bitcast3A_575 = vector.bitcast %get3A_574 : vector<16xi32> to vector<32xbf16>
          %unpack3A_576 = tpu.unpack_subelements %bitcast3A_575, 0 {pack_format = #tpu.pack_format<interleaved>} : vector<32xbf16> -> vector<16xf32>
          %unpack3A_577 = tpu.unpack_subelements %bitcast3A_575, 1 {pack_format = #tpu.pack_format<interleaved>} : vector<32xbf16> -> vector<16xf32>
          %add3A_578 = arith.addf %add3A_526, %unpack3A_576 : vector<16xf32>
          %add3A_579 = arith.addf %add3A_527, %unpack3A_577 : vector<16xf32>
          %add3A_580 = arith.constant 3 : i32
          %add3A_581 = arith.addi %mul3A_482, %add3A_580 : i32
          %add3A_582 = arith.constant 16 : i32
          %add3A_583 = arith.addi %squeeze3A_567, %add3A_582 : i32
          %get3A_584 = arith.index_cast %add3A_581 : i32 to index
          %get3A_585 = arith.index_cast %add3A_583 : i32 to index
          %get3A_586 = tpu.vector_load %arg10[%get3A_584, %get3A_585] {strides = array<i32>} : memref<104x64xi32, #tpu.memory_space<vmem>>, vector<16xi32>,
          %bitcast3A_587 = vector.bitcast %get3A_586 : vector<16xi32> to vector<32xbf16>
          %unpack3A_588 = tpu.unpack_subelements %bitcast3A_587, 0 {pack_format = #tpu.pack_format<interleaved>} : vector<32xbf16> -> vector<16xf32>
          %unpack3A_589 = tpu.unpack_subelements %bitcast3A_587, 1 {pack_format = #tpu.pack_format<interleaved>} : vector<32xbf16> -> vector<16xf32>
          %add3A_590 = arith.addf %add3A_538, %unpack3A_588 : vector<16xf32>
          %add3A_591 = arith.addf %add3A_539, %unpack3A_589 : vector<16xf32>
          %slice3A_592 = vector.extract_strided_slice %get3A_489 {offsets = [4], sizes = [1], strides = [1]} : vector<16xi32> to vector<1xi32>
          %squeeze3A_593 = vector.extract %slice3A_592[0] : i32 from vector<1xi32>
          %add3A_594 = arith.constant 4 : i32
          %add3A_595 = arith.addi %mul3A_482, %add3A_594 : i32
          %add3A_596 = arith.constant 0 : i32
          %add3A_597 = arith.addi %squeeze3A_593, %add3A_596 : i32
          %get3A_598 = arith.index_cast %add3A_595 : i32 to index
          %get3A_599 = arith.index_cast %add3A_597 : i32 to index
          %get3A_600 = tpu.vector_load %arg10[%get3A_598, %get3A_599] {strides = array<i32>} : memref<104x64xi32, #tpu.memory_space<vmem>>, vector<16xi32>,
          %bitcast3A_601 = vector.bitcast %get3A_600 : vector<16xi32> to vector<32xbf16>
          %unpack3A_602 = tpu.unpack_subelements %bitcast3A_601, 0 {pack_format = #tpu.pack_format<interleaved>} : vector<32xbf16> -> vector<16xf32>
          %unpack3A_603 = tpu.unpack_subelements %bitcast3A_601, 1 {pack_format = #tpu.pack_format<interleaved>} : vector<32xbf16> -> vector<16xf32>
          %add3A_604 = arith.addf %add3A_552, %unpack3A_602 : vector<16xf32>
          %add3A_605 = arith.addf %add3A_553, %unpack3A_603 : vector<16xf32>
          %add3A_606 = arith.constant 4 : i32
          %add3A_607 = arith.addi %mul3A_482, %add3A_606 : i32
          %add3A_608 = arith.constant 16 : i32
          %add3A_609 = arith.addi %squeeze3A_593, %add3A_608 : i32
          %get3A_610 = arith.index_cast %add3A_607 : i32 to index
          %get3A_611 = arith.index_cast %add3A_609 : i32 to index
          %get3A_612 = tpu.vector_load %arg10[%get3A_610, %get3A_611] {strides = array<i32>} : memref<104x64xi32, #tpu.memory_space<vmem>>, vector<16xi32>,
          %bitcast3A_613 = vector.bitcast %get3A_612 : vector<16xi32> to vector<32xbf16>
          %unpack3A_614 = tpu.unpack_subelements %bitcast3A_613, 0 {pack_format = #tpu.pack_format<interleaved>} : vector<32xbf16> -> vector<16xf32>
          %unpack3A_615 = tpu.unpack_subelements %bitcast3A_613, 1 {pack_format = #tpu.pack_format<interleaved>} : vector<32xbf16> -> vector<16xf32>
          %add3A_616 = arith.addf %add3A_564, %unpack3A_614 : vector<16xf32>
          %add3A_617 = arith.addf %add3A_565, %unpack3A_615 : vector<16xf32>
          %slice3A_618 = vector.extract_strided_slice %get3A_489 {offsets = [5], sizes = [1], strides = [1]} : vector<16xi32> to vector<1xi32>
          %squeeze3A_619 = vector.extract %slice3A_618[0] : i32 from vector<1xi32>
          %add3A_620 = arith.constant 5 : i32
          %add3A_621 = arith.addi %mul3A_482, %add3A_620 : i32
          %add3A_622 = arith.constant 0 : i32
          %add3A_623 = arith.addi %squeeze3A_619, %add3A_622 : i32
          %get3A_624 = arith.index_cast %add3A_621 : i32 to index
          %get3A_625 = arith.index_cast %add3A_623 : i32 to index
          %get3A_626 = tpu.vector_load %arg10[%get3A_624, %get3A_625] {strides = array<i32>} : memref<104x64xi32, #tpu.memory_space<vmem>>, vector<16xi32>,
          %bitcast3A_627 = vector.bitcast %get3A_626 : vector<16xi32> to vector<32xbf16>
          %unpack3A_628 = tpu.unpack_subelements %bitcast3A_627, 0 {pack_format = #tpu.pack_format<interleaved>} : vector<32xbf16> -> vector<16xf32>
          %unpack3A_629 = tpu.unpack_subelements %bitcast3A_627, 1 {pack_format = #tpu.pack_format<interleaved>} : vector<32xbf16> -> vector<16xf32>
          %add3A_630 = arith.addf %add3A_578, %unpack3A_628 : vector<16xf32>
          %add3A_631 = arith.addf %add3A_579, %unpack3A_629 : vector<16xf32>
          %add3A_632 = arith.constant 5 : i32
          %add3A_633 = arith.addi %mul3A_482, %add3A_632 : i32
          %add3A_634 = arith.constant 16 : i32
          %add3A_635 = arith.addi %squeeze3A_619, %add3A_634 : i32
          %get3A_636 = arith.index_cast %add3A_633 : i32 to index
          %get3A_637 = arith.index_cast %add3A_635 : i32 to index
          %get3A_638 = tpu.vector_load %arg10[%get3A_636, %get3A_637] {strides = array<i32>} : memref<104x64xi32, #tpu.memory_space<vmem>>, vector<16xi32>,
          %bitcast3A_639 = vector.bitcast %get3A_638 : vector<16xi32> to vector<32xbf16>
          %unpack3A_640 = tpu.unpack_subelements %bitcast3A_639, 0 {pack_format = #tpu.pack_format<interleaved>} : vector<32xbf16> -> vector<16xf32>
          %unpack3A_641 = tpu.unpack_subelements %bitcast3A_639, 1 {pack_format = #tpu.pack_format<interleaved>} : vector<32xbf16> -> vector<16xf32>
          %add3A_642 = arith.addf %add3A_590, %unpack3A_640 : vector<16xf32>
          %add3A_643 = arith.addf %add3A_591, %unpack3A_641 : vector<16xf32>
          %slice3A_644 = vector.extract_strided_slice %get3A_489 {offsets = [6], sizes = [1], strides = [1]} : vector<16xi32> to vector<1xi32>
          %squeeze3A_645 = vector.extract %slice3A_644[0] : i32 from vector<1xi32>
          %add3A_646 = arith.constant 6 : i32
          %add3A_647 = arith.addi %mul3A_482, %add3A_646 : i32
          %add3A_648 = arith.constant 0 : i32
          %add3A_649 = arith.addi %squeeze3A_645, %add3A_648 : i32
          %get3A_650 = arith.index_cast %add3A_647 : i32 to index
          %get3A_651 = arith.index_cast %add3A_649 : i32 to index
          %get3A_652 = tpu.vector_load %arg10[%get3A_650, %get3A_651] {strides = array<i32>} : memref<104x64xi32, #tpu.memory_space<vmem>>, vector<16xi32>,
          %bitcast3A_653 = vector.bitcast %get3A_652 : vector<16xi32> to vector<32xbf16>
          %unpack3A_654 = tpu.unpack_subelements %bitcast3A_653, 0 {pack_format = #tpu.pack_format<interleaved>} : vector<32xbf16> -> vector<16xf32>
          %unpack3A_655 = tpu.unpack_subelements %bitcast3A_653, 1 {pack_format = #tpu.pack_format<interleaved>} : vector<32xbf16> -> vector<16xf32>
          %add3A_656 = arith.addf %add3A_604, %unpack3A_654 : vector<16xf32>
          %add3A_657 = arith.addf %add3A_605, %unpack3A_655 : vector<16xf32>
          %add3A_658 = arith.constant 6 : i32
          %add3A_659 = arith.addi %mul3A_482, %add3A_658 : i32
          %add3A_660 = arith.constant 16 : i32
          %add3A_661 = arith.addi %squeeze3A_645, %add3A_660 : i32
          %get3A_662 = arith.index_cast %add3A_659 : i32 to index
          %get3A_663 = arith.index_cast %add3A_661 : i32 to index
          %get3A_664 = tpu.vector_load %arg10[%get3A_662, %get3A_663] {strides = array<i32>} : memref<104x64xi32, #tpu.memory_space<vmem>>, vector<16xi32>,
          %bitcast3A_665 = vector.bitcast %get3A_664 : vector<16xi32> to vector<32xbf16>
          %unpack3A_666 = tpu.unpack_subelements %bitcast3A_665, 0 {pack_format = #tpu.pack_format<interleaved>} : vector<32xbf16> -> vector<16xf32>
          %unpack3A_667 = tpu.unpack_subelements %bitcast3A_665, 1 {pack_format = #tpu.pack_format<interleaved>} : vector<32xbf16> -> vector<16xf32>
          %add3A_668 = arith.addf %add3A_616, %unpack3A_666 : vector<16xf32>
          %add3A_669 = arith.addf %add3A_617, %unpack3A_667 : vector<16xf32>
          %slice3A_670 = vector.extract_strided_slice %get3A_489 {offsets = [7], sizes = [1], strides = [1]} : vector<16xi32> to vector<1xi32>
          %squeeze3A_671 = vector.extract %slice3A_670[0] : i32 from vector<1xi32>
          %add3A_672 = arith.constant 7 : i32
          %add3A_673 = arith.addi %mul3A_482, %add3A_672 : i32
          %add3A_674 = arith.constant 0 : i32
          %add3A_675 = arith.addi %squeeze3A_671, %add3A_674 : i32
          %get3A_676 = arith.index_cast %add3A_673 : i32 to index
          %get3A_677 = arith.index_cast %add3A_675 : i32 to index
          %get3A_678 = tpu.vector_load %arg10[%get3A_676, %get3A_677] {strides = array<i32>} : memref<104x64xi32, #tpu.memory_space<vmem>>, vector<16xi32>,
          %bitcast3A_679 = vector.bitcast %get3A_678 : vector<16xi32> to vector<32xbf16>
          %unpack3A_680 = tpu.unpack_subelements %bitcast3A_679, 0 {pack_format = #tpu.pack_format<interleaved>} : vector<32xbf16> -> vector<16xf32>
          %unpack3A_681 = tpu.unpack_subelements %bitcast3A_679, 1 {pack_format = #tpu.pack_format<interleaved>} : vector<32xbf16> -> vector<16xf32>
          %add3A_682 = arith.addf %add3A_630, %unpack3A_680 : vector<16xf32>
          %add3A_683 = arith.addf %add3A_631, %unpack3A_681 : vector<16xf32>
          %add3A_684 = arith.constant 7 : i32
          %add3A_685 = arith.addi %mul3A_482, %add3A_684 : i32
          %add3A_686 = arith.constant 16 : i32
          %add3A_687 = arith.addi %squeeze3A_671, %add3A_686 : i32
          %get3A_688 = arith.index_cast %add3A_685 : i32 to index
          %get3A_689 = arith.index_cast %add3A_687 : i32 to index
          %get3A_690 = tpu.vector_load %arg10[%get3A_688, %get3A_689] {strides = array<i32>} : memref<104x64xi32, #tpu.memory_space<vmem>>, vector<16xi32>,
          %bitcast3A_691 = vector.bitcast %get3A_690 : vector<16xi32> to vector<32xbf16>
          %unpack3A_692 = tpu.unpack_subelements %bitcast3A_691, 0 {pack_format = #tpu.pack_format<interleaved>} : vector<32xbf16> -> vector<16xf32>
          %unpack3A_693 = tpu.unpack_subelements %bitcast3A_691, 1 {pack_format = #tpu.pack_format<interleaved>} : vector<32xbf16> -> vector<16xf32>
          %add3A_694 = arith.addf %add3A_642, %unpack3A_692 : vector<16xf32>
          %add3A_695 = arith.addf %add3A_643, %unpack3A_693 : vector<16xf32>
          scf.yield %add3A_656, %add3A_657, %add3A_668, %add3A_669, %add3A_682, %add3A_683, %add3A_694, %add3A_695 : vector<16xf32>, vector<16xf32>, vector<16xf32>, vector<16xf32>, vector<16xf32>, vector<16xf32>, vector<16xf32>, vector<16xf32>
        }
        %scan3A_155 = arith.constant 12 : i32
        %add3A_156 = arith.addf %scan3A_154#0, %scan3A_154#4 : vector<16xf32>
        %mul3A_157 = vector.broadcast %squeeze3A : f32 to vector<16xf32>
        %mul3A_158 = arith.mulf %add3A_156, %mul3A_157 : vector<16xf32>
        %add3A_159 = arith.addf %scan3A_154#1, %scan3A_154#5 : vector<16xf32>
        %mul3A_160 = vector.broadcast %squeeze3A : f32 to vector<16xf32>
        %mul3A_161 = arith.mulf %add3A_159, %mul3A_160 : vector<16xf32>
        %add3A_162 = arith.constant 0 : i32
        %add3A_163 = vector.broadcast %add3A_162 : i32 to vector<16xi32>
        %add3A_164 = arith.addi %mul3A_6, %add3A_163 : vector<16xi32>
        %scatter3A = arith.constant 0 : i32
        %scatter3A_165 = tpu.memref_slice %arg17[%add3A_140, %scatter3A] : memref<64x64xf32, #tpu.memory_space<vmem>> -> memref<1x64xf32, #tpu.memory_space<vmem>>
        %scatter3A_166 = tpu.memref_squeeze %scatter3A_165 : memref<1x64xf32, #tpu.memory_space<vmem>> -> memref<64xf32, #tpu.memory_space<vmem>>
        tpu.vector_store_idx %scatter3A_166[%add3A_164], %mul3A_158 : memref<64xf32, #tpu.memory_space<vmem>>[vector<16xi32>], vector<16xf32>,
        %add3A_167 = arith.constant 0 : i32
        %add3A_168 = vector.broadcast %add3A_167 : i32 to vector<16xi32>
        %add3A_169 = arith.addi %mul3A_6, %add3A_168 : vector<16xi32>
        %add3A_170 = arith.constant 1 : i32
        %add3A_171 = vector.broadcast %add3A_170 : i32 to vector<16xi32>
        %add3A_172 = arith.addi %add3A_169, %add3A_171 : vector<16xi32>
        %scatter3A_173 = arith.constant 0 : i32
        %scatter3A_174 = tpu.memref_slice %arg17[%add3A_140, %scatter3A_173] : memref<64x64xf32, #tpu.memory_space<vmem>> -> memref<1x64xf32, #tpu.memory_space<vmem>>
        %scatter3A_175 = tpu.memref_squeeze %scatter3A_174 : memref<1x64xf32, #tpu.memory_space<vmem>> -> memref<64xf32, #tpu.memory_space<vmem>>
        tpu.vector_store_idx %scatter3A_175[%add3A_172], %mul3A_161 : memref<64xf32, #tpu.memory_space<vmem>>[vector<16xi32>], vector<16xf32>,
        %add3A_176 = arith.addf %scan3A_154#2, %scan3A_154#6 : vector<16xf32>
        %mul3A_177 = vector.broadcast %squeeze3A : f32 to vector<16xf32>
        %mul3A_178 = arith.mulf %add3A_176, %mul3A_177 : vector<16xf32>
        %add3A_179 = arith.addf %scan3A_154#3, %scan3A_154#7 : vector<16xf32>
        %mul3A_180 = vector.broadcast %squeeze3A : f32 to vector<16xf32>
        %mul3A_181 = arith.mulf %add3A_179, %mul3A_180 : vector<16xf32>
        %add3A_182 = arith.constant 32 : i32
        %add3A_183 = vector.broadcast %add3A_182 : i32 to vector<16xi32>
        %add3A_184 = arith.addi %mul3A_6, %add3A_183 : vector<16xi32>
        %scatter3A_185 = arith.constant 0 : i32
        %scatter3A_186 = tpu.memref_slice %arg17[%add3A_140, %scatter3A_185] : memref<64x64xf32, #tpu.memory_space<vmem>> -> memref<1x64xf32, #tpu.memory_space<vmem>>
        %scatter3A_187 = tpu.memref_squeeze %scatter3A_186 : memref<1x64xf32, #tpu.memory_space<vmem>> -> memref<64xf32, #tpu.memory_space<vmem>>
        tpu.vector_store_idx %scatter3A_187[%add3A_184], %mul3A_178 : memref<64xf32, #tpu.memory_space<vmem>>[vector<16xi32>], vector<16xf32>,
        %add3A_188 = arith.constant 32 : i32
        %add3A_189 = vector.broadcast %add3A_188 : i32 to vector<16xi32>
        %add3A_190 = arith.addi %mul3A_6, %add3A_189 : vector<16xi32>
        %add3A_191 = arith.constant 1 : i32
        %add3A_192 = vector.broadcast %add3A_191 : i32 to vector<16xi32>
        %add3A_193 = arith.addi %add3A_190, %add3A_192 : vector<16xi32>
        %scatter3A_194 = arith.constant 0 : i32
        %scatter3A_195 = tpu.memref_slice %arg17[%add3A_140, %scatter3A_194] : memref<64x64xf32, #tpu.memory_space<vmem>> -> memref<1x64xf32, #tpu.memory_space<vmem>>
        %scatter3A_196 = tpu.memref_squeeze %scatter3A_195 : memref<1x64xf32, #tpu.memory_space<vmem>> -> memref<64xf32, #tpu.memory_space<vmem>>
        tpu.vector_store_idx %scatter3A_196[%add3A_193], %mul3A_181 : memref<64xf32, #tpu.memory_space<vmem>>[vector<16xi32>], vector<16xf32>,
        %lt3A_197 = arith.constant 15 : i32
        %lt3A_198 = arith.cmpi slt, %scan3A_116, %lt3A_197 : i32
        %convert_element_type3A_199 = arith.extui %lt3A_198 : i1 to i32
        %cond3A_200 = arith.constant 0 : i32
        %cond3A_201 = arith.cmpi ne, %convert_element_type3A_199, %cond3A_200 : i32
        scf.if %cond3A_201 {
          %add3A_472 = arith.constant 4 : i32
          %add3A_473 = arith.addi %add3A_140, %add3A_472 : i32
          %dma_start3A_474 = arith.constant 0 : i32
          %dma_start3A_475 = arith.constant 0 : i32
          %dma_start3A_476 = tpu.memref_slice %arg10[%dma_start3A_474, %dma_start3A_475] : memref<104x64xi32, #tpu.memory_space<vmem>> -> memref<96x64xi32, #tpu.memory_space<vmem>>
          %dma_start3A_477 = arith.constant 104 : i32
          %dma_start3A_478 = tpu.memref_slice %arg7[%add3A_473, %dma_start3A_477] : memref<64x200xi32, #tpu.memory_space<vmem>> -> memref<1x96xi32, #tpu.memory_space<vmem>>
          %dma_start3A_479 = tpu.memref_squeeze %dma_start3A_478 : memref<1x96xi32, #tpu.memory_space<vmem>> -> memref<96xi32, #tpu.memory_space<vmem>>
          %dma_start3A_480 = arith.constant 0 : i32
          %dma_start3A_481 = arith.constant 0 : i32
          %dma_start3A_482 = tpu.memref_slice %arg4[%dma_start3A_480, %dma_start3A_481] : memref<524288x64xi32, #tpu.memory_space<hbm>> -> memref<524288x64xi32, #tpu.memory_space<hbm>>
          tpu.enqueue_indirect_dma source(%dma_start3A_482 : memref<524288x64xi32, #tpu.memory_space<hbm>>) target(%dma_start3A_476 : memref<96x64xi32, #tpu.memory_space<vmem>>) offsets(%dma_start3A_479 : memref<96xi32, #tpu.memory_space<vmem>>) semaphore(%arg19 : memref<!tpu.dma_semaphore, #tpu.memory_space<semaphore_mem>>)
        } else {
        }
        %mul3A_202 = arith.constant 4 : i32
        %mul3A_203 = arith.muli %scan3A_116, %mul3A_202 : i32
        %add3A_204 = arith.constant 1 : i32
        %add3A_205 = arith.addi %mul3A_203, %add3A_204 : i32
        %dma_wait3A_206 = arith.constant 0 : i32
        %dma_wait3A_207 = arith.constant 0 : i32
        %dma_wait3A_208 = tpu.memref_slice %arg11[%dma_wait3A_206, %dma_wait3A_207] : memref<104x64xi32, #tpu.memory_space<vmem>> -> memref<104x64xi32, #tpu.memory_space<vmem>>
        %dma_wait3A_209 = arith.constant 0 : i32
        %dma_wait3A_210 = tpu.memref_slice %arg7[%add3A_205, %dma_wait3A_209] : memref<64x200xi32, #tpu.memory_space<vmem>> -> memref<1x104xi32, #tpu.memory_space<vmem>>
        %dma_wait3A_211 = tpu.memref_squeeze %dma_wait3A_210 : memref<1x104xi32, #tpu.memory_space<vmem>> -> memref<104xi32, #tpu.memory_space<vmem>>
        %dma_wait3A_212 = arith.constant 0 : i32
        %dma_wait3A_213 = arith.constant 0 : i32
        %dma_wait3A_214 = tpu.memref_slice %arg4[%dma_wait3A_212, %dma_wait3A_213] : memref<524288x64xi32, #tpu.memory_space<hbm>> -> memref<524288x64xi32, #tpu.memory_space<hbm>>
        tpu.wait_indirect_dma semaphore(%arg20 : memref<!tpu.dma_semaphore, #tpu.memory_space<semaphore_mem>>) src(%dma_wait3A_214 : memref<524288x64xi32, #tpu.memory_space<hbm>>) dst(%dma_wait3A_208 : memref<104x64xi32, #tpu.memory_space<vmem>>)
        %scan3A_215 = arith.constant 0 : i32
        %scan3A_216 = arith.constant 13 : i32
        %scan3A_217 = arith.addi %scan3A_215, %scan3A_216 : i32
        %scan3A_218 = arith.constant 1 : i32
        %scan3A_219:8 = scf.for %scan3A_472 = %scan3A_215 to %scan3A_217 step %scan3A_218 iter_args(%scan3A_473 = %broadcast_in_dim3A_7, %scan3A_474 = %broadcast_in_dim3A_9, %scan3A_475 = %broadcast_in_dim3A_11, %scan3A_476 = %broadcast_in_dim3A_13, %scan3A_477 = %broadcast_in_dim3A_15, %scan3A_478 = %broadcast_in_dim3A_17, %scan3A_479 = %broadcast_in_dim3A_19, %scan3A_480 = %broadcast_in_dim3A_21) -> (vector<16xf32>, vector<16xf32>, vector<16xf32>, vector<16xf32>, vector<16xf32>, vector<16xf32>, vector<16xf32>, vector<16xf32>)  : i32 {
          %mul3A_481 = arith.constant 8 : i32
          %mul3A_482 = arith.muli %scan3A_472, %mul3A_481 : i32
          %add3A_483 = arith.constant 0 : i32
          %add3A_484 = arith.addi %add3A_483, %mul3A_482 : i32
          %get3A_485 = arith.constant 0 : i32
          %get3A_486 = tpu.memref_slice %arg8[%add3A_205, %get3A_485] : memref<64x208xi32, #tpu.memory_space<vmem>> -> memref<1x208xi32, #tpu.memory_space<vmem>>
          %get3A_487 = tpu.memref_squeeze %get3A_486 : memref<1x208xi32, #tpu.memory_space<vmem>> -> memref<208xi32, #tpu.memory_space<vmem>>
          %get3A_488 = arith.index_cast %add3A_484 : i32 to index
          %get3A_489 = tpu.vector_load %get3A_487[%get3A_488] {strides = array<i32>} : memref<208xi32, #tpu.memory_space<vmem>>, vector<16xi32>,
          %slice3A_490 = vector.extract_strided_slice %get3A_489 {offsets = [0], sizes = [1], strides = [1]} : vector<16xi32> to vector<1xi32>
          %squeeze3A_491 = vector.extract %slice3A_490[0] : i32 from vector<1xi32>
          %add3A_492 = arith.constant 0 : i32
          %add3A_493 = arith.addi %mul3A_482, %add3A_492 : i32
          %add3A_494 = arith.constant 0 : i32
          %add3A_495 = arith.addi %squeeze3A_491, %add3A_494 : i32
          %get3A_496 = arith.index_cast %add3A_493 : i32 to index
          %get3A_497 = arith.index_cast %add3A_495 : i32 to index
          %get3A_498 = tpu.vector_load %arg11[%get3A_496, %get3A_497] {strides = array<i32>} : memref<104x64xi32, #tpu.memory_space<vmem>>, vector<16xi32>,
          %bitcast3A = vector.bitcast %get3A_498 : vector<16xi32> to vector<32xbf16>
          %unpack3A = tpu.unpack_subelements %bitcast3A, 0 {pack_format = #tpu.pack_format<interleaved>} : vector<32xbf16> -> vector<16xf32>
          %unpack3A_499 = tpu.unpack_subelements %bitcast3A, 1 {pack_format = #tpu.pack_format<interleaved>} : vector<32xbf16> -> vector<16xf32>
          %add3A_500 = arith.addf %scan3A_473, %unpack3A : vector<16xf32>
          %add3A_501 = arith.addf %scan3A_474, %unpack3A_499 : vector<16xf32>
          %add3A_502 = arith.constant 0 : i32
          %add3A_503 = arith.addi %mul3A_482, %add3A_502 : i32
          %add3A_504 = arith.constant 16 : i32
          %add3A_505 = arith.addi %squeeze3A_491, %add3A_504 : i32
          %get3A_506 = arith.index_cast %add3A_503 : i32 to index
          %get3A_507 = arith.index_cast %add3A_505 : i32 to index
          %get3A_508 = tpu.vector_load %arg11[%get3A_506, %get3A_507] {strides = array<i32>} : memref<104x64xi32, #tpu.memory_space<vmem>>, vector<16xi32>,
          %bitcast3A_509 = vector.bitcast %get3A_508 : vector<16xi32> to vector<32xbf16>
          %unpack3A_510 = tpu.unpack_subelements %bitcast3A_509, 0 {pack_format = #tpu.pack_format<interleaved>} : vector<32xbf16> -> vector<16xf32>
          %unpack3A_511 = tpu.unpack_subelements %bitcast3A_509, 1 {pack_format = #tpu.pack_format<interleaved>} : vector<32xbf16> -> vector<16xf32>
          %add3A_512 = arith.addf %scan3A_475, %unpack3A_510 : vector<16xf32>
          %add3A_513 = arith.addf %scan3A_476, %unpack3A_511 : vector<16xf32>
          %slice3A_514 = vector.extract_strided_slice %get3A_489 {offsets = [1], sizes = [1], strides = [1]} : vector<16xi32> to vector<1xi32>
          %squeeze3A_515 = vector.extract %slice3A_514[0] : i32 from vector<1xi32>
          %add3A_516 = arith.constant 1 : i32
          %add3A_517 = arith.addi %mul3A_482, %add3A_516 : i32
          %add3A_518 = arith.constant 0 : i32
          %add3A_519 = arith.addi %squeeze3A_515, %add3A_518 : i32
          %get3A_520 = arith.index_cast %add3A_517 : i32 to index
          %get3A_521 = arith.index_cast %add3A_519 : i32 to index
          %get3A_522 = tpu.vector_load %arg11[%get3A_520, %get3A_521] {strides = array<i32>} : memref<104x64xi32, #tpu.memory_space<vmem>>, vector<16xi32>,
          %bitcast3A_523 = vector.bitcast %get3A_522 : vector<16xi32> to vector<32xbf16>
          %unpack3A_524 = tpu.unpack_subelements %bitcast3A_523, 0 {pack_format = #tpu.pack_format<interleaved>} : vector<32xbf16> -> vector<16xf32>
          %unpack3A_525 = tpu.unpack_subelements %bitcast3A_523, 1 {pack_format = #tpu.pack_format<interleaved>} : vector<32xbf16> -> vector<16xf32>
          %add3A_526 = arith.addf %scan3A_477, %unpack3A_524 : vector<16xf32>
          %add3A_527 = arith.addf %scan3A_478, %unpack3A_525 : vector<16xf32>
          %add3A_528 = arith.constant 1 : i32
          %add3A_529 = arith.addi %mul3A_482, %add3A_528 : i32
          %add3A_530 = arith.constant 16 : i32
          %add3A_531 = arith.addi %squeeze3A_515, %add3A_530 : i32
          %get3A_532 = arith.index_cast %add3A_529 : i32 to index
          %get3A_533 = arith.index_cast %add3A_531 : i32 to index
          %get3A_534 = tpu.vector_load %arg11[%get3A_532, %get3A_533] {strides = array<i32>} : memref<104x64xi32, #tpu.memory_space<vmem>>, vector<16xi32>,
          %bitcast3A_535 = vector.bitcast %get3A_534 : vector<16xi32> to vector<32xbf16>
          %unpack3A_536 = tpu.unpack_subelements %bitcast3A_535, 0 {pack_format = #tpu.pack_format<interleaved>} : vector<32xbf16> -> vector<16xf32>
          %unpack3A_537 = tpu.unpack_subelements %bitcast3A_535, 1 {pack_format = #tpu.pack_format<interleaved>} : vector<32xbf16> -> vector<16xf32>
          %add3A_538 = arith.addf %scan3A_479, %unpack3A_536 : vector<16xf32>
          %add3A_539 = arith.addf %scan3A_480, %unpack3A_537 : vector<16xf32>
          %slice3A_540 = vector.extract_strided_slice %get3A_489 {offsets = [2], sizes = [1], strides = [1]} : vector<16xi32> to vector<1xi32>
          %squeeze3A_541 = vector.extract %slice3A_540[0] : i32 from vector<1xi32>
          %add3A_542 = arith.constant 2 : i32
          %add3A_543 = arith.addi %mul3A_482, %add3A_542 : i32
          %add3A_544 = arith.constant 0 : i32
          %add3A_545 = arith.addi %squeeze3A_541, %add3A_544 : i32
          %get3A_546 = arith.index_cast %add3A_543 : i32 to index
          %get3A_547 = arith.index_cast %add3A_545 : i32 to index
          %get3A_548 = tpu.vector_load %arg11[%get3A_546, %get3A_547] {strides = array<i32>} : memref<104x64xi32, #tpu.memory_space<vmem>>, vector<16xi32>,
          %bitcast3A_549 = vector.bitcast %get3A_548 : vector<16xi32> to vector<32xbf16>
          %unpack3A_550 = tpu.unpack_subelements %bitcast3A_549, 0 {pack_format = #tpu.pack_format<interleaved>} : vector<32xbf16> -> vector<16xf32>
          %unpack3A_551 = tpu.unpack_subelements %bitcast3A_549, 1 {pack_format = #tpu.pack_format<interleaved>} : vector<32xbf16> -> vector<16xf32>
          %add3A_552 = arith.addf %add3A_500, %unpack3A_550 : vector<16xf32>
          %add3A_553 = arith.addf %add3A_501, %unpack3A_551 : vector<16xf32>
          %add3A_554 = arith.constant 2 : i32
          %add3A_555 = arith.addi %mul3A_482, %add3A_554 : i32
          %add3A_556 = arith.constant 16 : i32
          %add3A_557 = arith.addi %squeeze3A_541, %add3A_556 : i32
          %get3A_558 = arith.index_cast %add3A_555 : i32 to index
          %get3A_559 = arith.index_cast %add3A_557 : i32 to index
          %get3A_560 = tpu.vector_load %arg11[%get3A_558, %get3A_559] {strides = array<i32>} : memref<104x64xi32, #tpu.memory_space<vmem>>, vector<16xi32>,
          %bitcast3A_561 = vector.bitcast %get3A_560 : vector<16xi32> to vector<32xbf16>
          %unpack3A_562 = tpu.unpack_subelements %bitcast3A_561, 0 {pack_format = #tpu.pack_format<interleaved>} : vector<32xbf16> -> vector<16xf32>
          %unpack3A_563 = tpu.unpack_subelements %bitcast3A_561, 1 {pack_format = #tpu.pack_format<interleaved>} : vector<32xbf16> -> vector<16xf32>
          %add3A_564 = arith.addf %add3A_512, %unpack3A_562 : vector<16xf32>
          %add3A_565 = arith.addf %add3A_513, %unpack3A_563 : vector<16xf32>
          %slice3A_566 = vector.extract_strided_slice %get3A_489 {offsets = [3], sizes = [1], strides = [1]} : vector<16xi32> to vector<1xi32>
          %squeeze3A_567 = vector.extract %slice3A_566[0] : i32 from vector<1xi32>
          %add3A_568 = arith.constant 3 : i32
          %add3A_569 = arith.addi %mul3A_482, %add3A_568 : i32
          %add3A_570 = arith.constant 0 : i32
          %add3A_571 = arith.addi %squeeze3A_567, %add3A_570 : i32
          %get3A_572 = arith.index_cast %add3A_569 : i32 to index
          %get3A_573 = arith.index_cast %add3A_571 : i32 to index
          %get3A_574 = tpu.vector_load %arg11[%get3A_572, %get3A_573] {strides = array<i32>} : memref<104x64xi32, #tpu.memory_space<vmem>>, vector<16xi32>,
          %bitcast3A_575 = vector.bitcast %get3A_574 : vector<16xi32> to vector<32xbf16>
          %unpack3A_576 = tpu.unpack_subelements %bitcast3A_575, 0 {pack_format = #tpu.pack_format<interleaved>} : vector<32xbf16> -> vector<16xf32>
          %unpack3A_577 = tpu.unpack_subelements %bitcast3A_575, 1 {pack_format = #tpu.pack_format<interleaved>} : vector<32xbf16> -> vector<16xf32>
          %add3A_578 = arith.addf %add3A_526, %unpack3A_576 : vector<16xf32>
          %add3A_579 = arith.addf %add3A_527, %unpack3A_577 : vector<16xf32>
          %add3A_580 = arith.constant 3 : i32
          %add3A_581 = arith.addi %mul3A_482, %add3A_580 : i32
          %add3A_582 = arith.constant 16 : i32
          %add3A_583 = arith.addi %squeeze3A_567, %add3A_582 : i32
          %get3A_584 = arith.index_cast %add3A_581 : i32 to index
          %get3A_585 = arith.index_cast %add3A_583 : i32 to index
          %get3A_586 = tpu.vector_load %arg11[%get3A_584, %get3A_585] {strides = array<i32>} : memref<104x64xi32, #tpu.memory_space<vmem>>, vector<16xi32>,
          %bitcast3A_587 = vector.bitcast %get3A_586 : vector<16xi32> to vector<32xbf16>
          %unpack3A_588 = tpu.unpack_subelements %bitcast3A_587, 0 {pack_format = #tpu.pack_format<interleaved>} : vector<32xbf16> -> vector<16xf32>
          %unpack3A_589 = tpu.unpack_subelements %bitcast3A_587, 1 {pack_format = #tpu.pack_format<interleaved>} : vector<32xbf16> -> vector<16xf32>
          %add3A_590 = arith.addf %add3A_538, %unpack3A_588 : vector<16xf32>
          %add3A_591 = arith.addf %add3A_539, %unpack3A_589 : vector<16xf32>
          %slice3A_592 = vector.extract_strided_slice %get3A_489 {offsets = [4], sizes = [1], strides = [1]} : vector<16xi32> to vector<1xi32>
          %squeeze3A_593 = vector.extract %slice3A_592[0] : i32 from vector<1xi32>
          %add3A_594 = arith.constant 4 : i32
          %add3A_595 = arith.addi %mul3A_482, %add3A_594 : i32
          %add3A_596 = arith.constant 0 : i32
          %add3A_597 = arith.addi %squeeze3A_593, %add3A_596 : i32
          %get3A_598 = arith.index_cast %add3A_595 : i32 to index
          %get3A_599 = arith.index_cast %add3A_597 : i32 to index
          %get3A_600 = tpu.vector_load %arg11[%get3A_598, %get3A_599] {strides = array<i32>} : memref<104x64xi32, #tpu.memory_space<vmem>>, vector<16xi32>,
          %bitcast3A_601 = vector.bitcast %get3A_600 : vector<16xi32> to vector<32xbf16>
          %unpack3A_602 = tpu.unpack_subelements %bitcast3A_601, 0 {pack_format = #tpu.pack_format<interleaved>} : vector<32xbf16> -> vector<16xf32>
          %unpack3A_603 = tpu.unpack_subelements %bitcast3A_601, 1 {pack_format = #tpu.pack_format<interleaved>} : vector<32xbf16> -> vector<16xf32>
          %add3A_604 = arith.addf %add3A_552, %unpack3A_602 : vector<16xf32>
          %add3A_605 = arith.addf %add3A_553, %unpack3A_603 : vector<16xf32>
          %add3A_606 = arith.constant 4 : i32
          %add3A_607 = arith.addi %mul3A_482, %add3A_606 : i32
          %add3A_608 = arith.constant 16 : i32
          %add3A_609 = arith.addi %squeeze3A_593, %add3A_608 : i32
          %get3A_610 = arith.index_cast %add3A_607 : i32 to index
          %get3A_611 = arith.index_cast %add3A_609 : i32 to index
          %get3A_612 = tpu.vector_load %arg11[%get3A_610, %get3A_611] {strides = array<i32>} : memref<104x64xi32, #tpu.memory_space<vmem>>, vector<16xi32>,
          %bitcast3A_613 = vector.bitcast %get3A_612 : vector<16xi32> to vector<32xbf16>
          %unpack3A_614 = tpu.unpack_subelements %bitcast3A_613, 0 {pack_format = #tpu.pack_format<interleaved>} : vector<32xbf16> -> vector<16xf32>
          %unpack3A_615 = tpu.unpack_subelements %bitcast3A_613, 1 {pack_format = #tpu.pack_format<interleaved>} : vector<32xbf16> -> vector<16xf32>
          %add3A_616 = arith.addf %add3A_564, %unpack3A_614 : vector<16xf32>
          %add3A_617 = arith.addf %add3A_565, %unpack3A_615 : vector<16xf32>
          %slice3A_618 = vector.extract_strided_slice %get3A_489 {offsets = [5], sizes = [1], strides = [1]} : vector<16xi32> to vector<1xi32>
          %squeeze3A_619 = vector.extract %slice3A_618[0] : i32 from vector<1xi32>
          %add3A_620 = arith.constant 5 : i32
          %add3A_621 = arith.addi %mul3A_482, %add3A_620 : i32
          %add3A_622 = arith.constant 0 : i32
          %add3A_623 = arith.addi %squeeze3A_619, %add3A_622 : i32
          %get3A_624 = arith.index_cast %add3A_621 : i32 to index
          %get3A_625 = arith.index_cast %add3A_623 : i32 to index
          %get3A_626 = tpu.vector_load %arg11[%get3A_624, %get3A_625] {strides = array<i32>} : memref<104x64xi32, #tpu.memory_space<vmem>>, vector<16xi32>,
          %bitcast3A_627 = vector.bitcast %get3A_626 : vector<16xi32> to vector<32xbf16>
          %unpack3A_628 = tpu.unpack_subelements %bitcast3A_627, 0 {pack_format = #tpu.pack_format<interleaved>} : vector<32xbf16> -> vector<16xf32>
          %unpack3A_629 = tpu.unpack_subelements %bitcast3A_627, 1 {pack_format = #tpu.pack_format<interleaved>} : vector<32xbf16> -> vector<16xf32>
          %add3A_630 = arith.addf %add3A_578, %unpack3A_628 : vector<16xf32>
          %add3A_631 = arith.addf %add3A_579, %unpack3A_629 : vector<16xf32>
          %add3A_632 = arith.constant 5 : i32
          %add3A_633 = arith.addi %mul3A_482, %add3A_632 : i32
          %add3A_634 = arith.constant 16 : i32
          %add3A_635 = arith.addi %squeeze3A_619, %add3A_634 : i32
          %get3A_636 = arith.index_cast %add3A_633 : i32 to index
          %get3A_637 = arith.index_cast %add3A_635 : i32 to index
          %get3A_638 = tpu.vector_load %arg11[%get3A_636, %get3A_637] {strides = array<i32>} : memref<104x64xi32, #tpu.memory_space<vmem>>, vector<16xi32>,
          %bitcast3A_639 = vector.bitcast %get3A_638 : vector<16xi32> to vector<32xbf16>
          %unpack3A_640 = tpu.unpack_subelements %bitcast3A_639, 0 {pack_format = #tpu.pack_format<interleaved>} : vector<32xbf16> -> vector<16xf32>
          %unpack3A_641 = tpu.unpack_subelements %bitcast3A_639, 1 {pack_format = #tpu.pack_format<interleaved>} : vector<32xbf16> -> vector<16xf32>
          %add3A_642 = arith.addf %add3A_590, %unpack3A_640 : vector<16xf32>
          %add3A_643 = arith.addf %add3A_591, %unpack3A_641 : vector<16xf32>
          %slice3A_644 = vector.extract_strided_slice %get3A_489 {offsets = [6], sizes = [1], strides = [1]} : vector<16xi32> to vector<1xi32>
          %squeeze3A_645 = vector.extract %slice3A_644[0] : i32 from vector<1xi32>
          %add3A_646 = arith.constant 6 : i32
          %add3A_647 = arith.addi %mul3A_482, %add3A_646 : i32
          %add3A_648 = arith.constant 0 : i32
          %add3A_649 = arith.addi %squeeze3A_645, %add3A_648 : i32
          %get3A_650 = arith.index_cast %add3A_647 : i32 to index
          %get3A_651 = arith.index_cast %add3A_649 : i32 to index
          %get3A_652 = tpu.vector_load %arg11[%get3A_650, %get3A_651] {strides = array<i32>} : memref<104x64xi32, #tpu.memory_space<vmem>>, vector<16xi32>,
          %bitcast3A_653 = vector.bitcast %get3A_652 : vector<16xi32> to vector<32xbf16>
          %unpack3A_654 = tpu.unpack_subelements %bitcast3A_653, 0 {pack_format = #tpu.pack_format<interleaved>} : vector<32xbf16> -> vector<16xf32>
          %unpack3A_655 = tpu.unpack_subelements %bitcast3A_653, 1 {pack_format = #tpu.pack_format<interleaved>} : vector<32xbf16> -> vector<16xf32>
          %add3A_656 = arith.addf %add3A_604, %unpack3A_654 : vector<16xf32>
          %add3A_657 = arith.addf %add3A_605, %unpack3A_655 : vector<16xf32>
          %add3A_658 = arith.constant 6 : i32
          %add3A_659 = arith.addi %mul3A_482, %add3A_658 : i32
          %add3A_660 = arith.constant 16 : i32
          %add3A_661 = arith.addi %squeeze3A_645, %add3A_660 : i32
          %get3A_662 = arith.index_cast %add3A_659 : i32 to index
          %get3A_663 = arith.index_cast %add3A_661 : i32 to index
          %get3A_664 = tpu.vector_load %arg11[%get3A_662, %get3A_663] {strides = array<i32>} : memref<104x64xi32, #tpu.memory_space<vmem>>, vector<16xi32>,
          %bitcast3A_665 = vector.bitcast %get3A_664 : vector<16xi32> to vector<32xbf16>
          %unpack3A_666 = tpu.unpack_subelements %bitcast3A_665, 0 {pack_format = #tpu.pack_format<interleaved>} : vector<32xbf16> -> vector<16xf32>
          %unpack3A_667 = tpu.unpack_subelements %bitcast3A_665, 1 {pack_format = #tpu.pack_format<interleaved>} : vector<32xbf16> -> vector<16xf32>
          %add3A_668 = arith.addf %add3A_616, %unpack3A_666 : vector<16xf32>
          %add3A_669 = arith.addf %add3A_617, %unpack3A_667 : vector<16xf32>
          %slice3A_670 = vector.extract_strided_slice %get3A_489 {offsets = [7], sizes = [1], strides = [1]} : vector<16xi32> to vector<1xi32>
          %squeeze3A_671 = vector.extract %slice3A_670[0] : i32 from vector<1xi32>
          %add3A_672 = arith.constant 7 : i32
          %add3A_673 = arith.addi %mul3A_482, %add3A_672 : i32
          %add3A_674 = arith.constant 0 : i32
          %add3A_675 = arith.addi %squeeze3A_671, %add3A_674 : i32
          %get3A_676 = arith.index_cast %add3A_673 : i32 to index
          %get3A_677 = arith.index_cast %add3A_675 : i32 to index
          %get3A_678 = tpu.vector_load %arg11[%get3A_676, %get3A_677] {strides = array<i32>} : memref<104x64xi32, #tpu.memory_space<vmem>>, vector<16xi32>,
          %bitcast3A_679 = vector.bitcast %get3A_678 : vector<16xi32> to vector<32xbf16>
          %unpack3A_680 = tpu.unpack_subelements %bitcast3A_679, 0 {pack_format = #tpu.pack_format<interleaved>} : vector<32xbf16> -> vector<16xf32>
          %unpack3A_681 = tpu.unpack_subelements %bitcast3A_679, 1 {pack_format = #tpu.pack_format<interleaved>} : vector<32xbf16> -> vector<16xf32>
          %add3A_682 = arith.addf %add3A_630, %unpack3A_680 : vector<16xf32>
          %add3A_683 = arith.addf %add3A_631, %unpack3A_681 : vector<16xf32>
          %add3A_684 = arith.constant 7 : i32
          %add3A_685 = arith.addi %mul3A_482, %add3A_684 : i32
          %add3A_686 = arith.constant 16 : i32
          %add3A_687 = arith.addi %squeeze3A_671, %add3A_686 : i32
          %get3A_688 = arith.index_cast %add3A_685 : i32 to index
          %get3A_689 = arith.index_cast %add3A_687 : i32 to index
          %get3A_690 = tpu.vector_load %arg11[%get3A_688, %get3A_689] {strides = array<i32>} : memref<104x64xi32, #tpu.memory_space<vmem>>, vector<16xi32>,
          %bitcast3A_691 = vector.bitcast %get3A_690 : vector<16xi32> to vector<32xbf16>
          %unpack3A_692 = tpu.unpack_subelements %bitcast3A_691, 0 {pack_format = #tpu.pack_format<interleaved>} : vector<32xbf16> -> vector<16xf32>
          %unpack3A_693 = tpu.unpack_subelements %bitcast3A_691, 1 {pack_format = #tpu.pack_format<interleaved>} : vector<32xbf16> -> vector<16xf32>
          %add3A_694 = arith.addf %add3A_642, %unpack3A_692 : vector<16xf32>
          %add3A_695 = arith.addf %add3A_643, %unpack3A_693 : vector<16xf32>
          scf.yield %add3A_656, %add3A_657, %add3A_668, %add3A_669, %add3A_682, %add3A_683, %add3A_694, %add3A_695 : vector<16xf32>, vector<16xf32>, vector<16xf32>, vector<16xf32>, vector<16xf32>, vector<16xf32>, vector<16xf32>, vector<16xf32>
        }
        %scan3A_220 = arith.constant 13 : i32
        %lt3A_221 = arith.constant 15 : i32
        %lt3A_222 = arith.cmpi slt, %scan3A_116, %lt3A_221 : i32
        %convert_element_type3A_223 = arith.extui %lt3A_222 : i1 to i32
        %cond3A_224 = arith.constant 0 : i32
        %cond3A_225 = arith.cmpi ne, %convert_element_type3A_223, %cond3A_224 : i32
        scf.if %cond3A_225 {
          %add3A_472 = arith.constant 4 : i32
          %add3A_473 = arith.addi %add3A_205, %add3A_472 : i32
          %dma_start3A_474 = arith.constant 0 : i32
          %dma_start3A_475 = arith.constant 0 : i32
          %dma_start3A_476 = tpu.memref_slice %arg11[%dma_start3A_474, %dma_start3A_475] : memref<104x64xi32, #tpu.memory_space<vmem>> -> memref<104x64xi32, #tpu.memory_space<vmem>>
          %dma_start3A_477 = arith.constant 0 : i32
          %dma_start3A_478 = tpu.memref_slice %arg7[%add3A_473, %dma_start3A_477] : memref<64x200xi32, #tpu.memory_space<vmem>> -> memref<1x104xi32, #tpu.memory_space<vmem>>
          %dma_start3A_479 = tpu.memref_squeeze %dma_start3A_478 : memref<1x104xi32, #tpu.memory_space<vmem>> -> memref<104xi32, #tpu.memory_space<vmem>>
          %dma_start3A_480 = arith.constant 0 : i32
          %dma_start3A_481 = arith.constant 0 : i32
          %dma_start3A_482 = tpu.memref_slice %arg4[%dma_start3A_480, %dma_start3A_481] : memref<524288x64xi32, #tpu.memory_space<hbm>> -> memref<524288x64xi32, #tpu.memory_space<hbm>>
          tpu.enqueue_indirect_dma source(%dma_start3A_482 : memref<524288x64xi32, #tpu.memory_space<hbm>>) target(%dma_start3A_476 : memref<104x64xi32, #tpu.memory_space<vmem>>) offsets(%dma_start3A_479 : memref<104xi32, #tpu.memory_space<vmem>>) semaphore(%arg20 : memref<!tpu.dma_semaphore, #tpu.memory_space<semaphore_mem>>)
        } else {
        }
        %mul3A_226 = arith.constant 4 : i32
        %mul3A_227 = arith.muli %scan3A_116, %mul3A_226 : i32
        %add3A_228 = arith.constant 1 : i32
        %add3A_229 = arith.addi %mul3A_227, %add3A_228 : i32
        %dma_wait3A_230 = arith.constant 0 : i32
        %dma_wait3A_231 = arith.constant 0 : i32
        %dma_wait3A_232 = tpu.memref_slice %arg12[%dma_wait3A_230, %dma_wait3A_231] : memref<104x64xi32, #tpu.memory_space<vmem>> -> memref<96x64xi32, #tpu.memory_space<vmem>>
        %dma_wait3A_233 = arith.constant 104 : i32
        %dma_wait3A_234 = tpu.memref_slice %arg7[%add3A_229, %dma_wait3A_233] : memref<64x200xi32, #tpu.memory_space<vmem>> -> memref<1x96xi32, #tpu.memory_space<vmem>>
        %dma_wait3A_235 = tpu.memref_squeeze %dma_wait3A_234 : memref<1x96xi32, #tpu.memory_space<vmem>> -> memref<96xi32, #tpu.memory_space<vmem>>
        %dma_wait3A_236 = arith.constant 0 : i32
        %dma_wait3A_237 = arith.constant 0 : i32
        %dma_wait3A_238 = tpu.memref_slice %arg4[%dma_wait3A_236, %dma_wait3A_237] : memref<524288x64xi32, #tpu.memory_space<hbm>> -> memref<524288x64xi32, #tpu.memory_space<hbm>>
        tpu.wait_indirect_dma semaphore(%arg21 : memref<!tpu.dma_semaphore, #tpu.memory_space<semaphore_mem>>) src(%dma_wait3A_238 : memref<524288x64xi32, #tpu.memory_space<hbm>>) dst(%dma_wait3A_232 : memref<96x64xi32, #tpu.memory_space<vmem>>)
        %scan3A_239 = arith.constant 0 : i32
        %scan3A_240 = arith.constant 12 : i32
        %scan3A_241 = arith.addi %scan3A_239, %scan3A_240 : i32
        %scan3A_242 = arith.constant 1 : i32
        %scan3A_243:8 = scf.for %scan3A_472 = %scan3A_239 to %scan3A_241 step %scan3A_242 iter_args(%scan3A_473 = %scan3A_219#0, %scan3A_474 = %scan3A_219#1, %scan3A_475 = %scan3A_219#2, %scan3A_476 = %scan3A_219#3, %scan3A_477 = %scan3A_219#4, %scan3A_478 = %scan3A_219#5, %scan3A_479 = %scan3A_219#6, %scan3A_480 = %scan3A_219#7) -> (vector<16xf32>, vector<16xf32>, vector<16xf32>, vector<16xf32>, vector<16xf32>, vector<16xf32>, vector<16xf32>, vector<16xf32>)  : i32 {
          %mul3A_481 = arith.constant 8 : i32
          %mul3A_482 = arith.muli %scan3A_472, %mul3A_481 : i32
          %add3A_483 = arith.constant 104 : i32
          %add3A_484 = arith.addi %add3A_483, %mul3A_482 : i32
          %get3A_485 = arith.constant 0 : i32
          %get3A_486 = tpu.memref_slice %arg8[%add3A_229, %get3A_485] : memref<64x208xi32, #tpu.memory_space<vmem>> -> memref<1x208xi32, #tpu.memory_space<vmem>>
          %get3A_487 = tpu.memref_squeeze %get3A_486 : memref<1x208xi32, #tpu.memory_space<vmem>> -> memref<208xi32, #tpu.memory_space<vmem>>
          %get3A_488 = arith.index_cast %add3A_484 : i32 to index
          %get3A_489 = tpu.vector_load %get3A_487[%get3A_488] {strides = array<i32>} : memref<208xi32, #tpu.memory_space<vmem>>, vector<16xi32>,
          %slice3A_490 = vector.extract_strided_slice %get3A_489 {offsets = [0], sizes = [1], strides = [1]} : vector<16xi32> to vector<1xi32>
          %squeeze3A_491 = vector.extract %slice3A_490[0] : i32 from vector<1xi32>
          %add3A_492 = arith.constant 0 : i32
          %add3A_493 = arith.addi %mul3A_482, %add3A_492 : i32
          %add3A_494 = arith.constant 0 : i32
          %add3A_495 = arith.addi %squeeze3A_491, %add3A_494 : i32
          %get3A_496 = arith.index_cast %add3A_493 : i32 to index
          %get3A_497 = arith.index_cast %add3A_495 : i32 to index
          %get3A_498 = tpu.vector_load %arg12[%get3A_496, %get3A_497] {strides = array<i32>} : memref<104x64xi32, #tpu.memory_space<vmem>>, vector<16xi32>,
          %bitcast3A = vector.bitcast %get3A_498 : vector<16xi32> to vector<32xbf16>
          %unpack3A = tpu.unpack_subelements %bitcast3A, 0 {pack_format = #tpu.pack_format<interleaved>} : vector<32xbf16> -> vector<16xf32>
          %unpack3A_499 = tpu.unpack_subelements %bitcast3A, 1 {pack_format = #tpu.pack_format<interleaved>} : vector<32xbf16> -> vector<16xf32>
          %add3A_500 = arith.addf %scan3A_473, %unpack3A : vector<16xf32>
          %add3A_501 = arith.addf %scan3A_474, %unpack3A_499 : vector<16xf32>
          %add3A_502 = arith.constant 0 : i32
          %add3A_503 = arith.addi %mul3A_482, %add3A_502 : i32
          %add3A_504 = arith.constant 16 : i32
          %add3A_505 = arith.addi %squeeze3A_491, %add3A_504 : i32
          %get3A_506 = arith.index_cast %add3A_503 : i32 to index
          %get3A_507 = arith.index_cast %add3A_505 : i32 to index
          %get3A_508 = tpu.vector_load %arg12[%get3A_506, %get3A_507] {strides = array<i32>} : memref<104x64xi32, #tpu.memory_space<vmem>>, vector<16xi32>,
          %bitcast3A_509 = vector.bitcast %get3A_508 : vector<16xi32> to vector<32xbf16>
          %unpack3A_510 = tpu.unpack_subelements %bitcast3A_509, 0 {pack_format = #tpu.pack_format<interleaved>} : vector<32xbf16> -> vector<16xf32>
          %unpack3A_511 = tpu.unpack_subelements %bitcast3A_509, 1 {pack_format = #tpu.pack_format<interleaved>} : vector<32xbf16> -> vector<16xf32>
          %add3A_512 = arith.addf %scan3A_475, %unpack3A_510 : vector<16xf32>
          %add3A_513 = arith.addf %scan3A_476, %unpack3A_511 : vector<16xf32>
          %slice3A_514 = vector.extract_strided_slice %get3A_489 {offsets = [1], sizes = [1], strides = [1]} : vector<16xi32> to vector<1xi32>
          %squeeze3A_515 = vector.extract %slice3A_514[0] : i32 from vector<1xi32>
          %add3A_516 = arith.constant 1 : i32
          %add3A_517 = arith.addi %mul3A_482, %add3A_516 : i32
          %add3A_518 = arith.constant 0 : i32
          %add3A_519 = arith.addi %squeeze3A_515, %add3A_518 : i32
          %get3A_520 = arith.index_cast %add3A_517 : i32 to index
          %get3A_521 = arith.index_cast %add3A_519 : i32 to index
          %get3A_522 = tpu.vector_load %arg12[%get3A_520, %get3A_521] {strides = array<i32>} : memref<104x64xi32, #tpu.memory_space<vmem>>, vector<16xi32>,
          %bitcast3A_523 = vector.bitcast %get3A_522 : vector<16xi32> to vector<32xbf16>
          %unpack3A_524 = tpu.unpack_subelements %bitcast3A_523, 0 {pack_format = #tpu.pack_format<interleaved>} : vector<32xbf16> -> vector<16xf32>
          %unpack3A_525 = tpu.unpack_subelements %bitcast3A_523, 1 {pack_format = #tpu.pack_format<interleaved>} : vector<32xbf16> -> vector<16xf32>
          %add3A_526 = arith.addf %scan3A_477, %unpack3A_524 : vector<16xf32>
          %add3A_527 = arith.addf %scan3A_478, %unpack3A_525 : vector<16xf32>
          %add3A_528 = arith.constant 1 : i32
          %add3A_529 = arith.addi %mul3A_482, %add3A_528 : i32
          %add3A_530 = arith.constant 16 : i32
          %add3A_531 = arith.addi %squeeze3A_515, %add3A_530 : i32
          %get3A_532 = arith.index_cast %add3A_529 : i32 to index
          %get3A_533 = arith.index_cast %add3A_531 : i32 to index
          %get3A_534 = tpu.vector_load %arg12[%get3A_532, %get3A_533] {strides = array<i32>} : memref<104x64xi32, #tpu.memory_space<vmem>>, vector<16xi32>,
          %bitcast3A_535 = vector.bitcast %get3A_534 : vector<16xi32> to vector<32xbf16>
          %unpack3A_536 = tpu.unpack_subelements %bitcast3A_535, 0 {pack_format = #tpu.pack_format<interleaved>} : vector<32xbf16> -> vector<16xf32>
          %unpack3A_537 = tpu.unpack_subelements %bitcast3A_535, 1 {pack_format = #tpu.pack_format<interleaved>} : vector<32xbf16> -> vector<16xf32>
          %add3A_538 = arith.addf %scan3A_479, %unpack3A_536 : vector<16xf32>
          %add3A_539 = arith.addf %scan3A_480, %unpack3A_537 : vector<16xf32>
          %slice3A_540 = vector.extract_strided_slice %get3A_489 {offsets = [2], sizes = [1], strides = [1]} : vector<16xi32> to vector<1xi32>
          %squeeze3A_541 = vector.extract %slice3A_540[0] : i32 from vector<1xi32>
          %add3A_542 = arith.constant 2 : i32
          %add3A_543 = arith.addi %mul3A_482, %add3A_542 : i32
          %add3A_544 = arith.constant 0 : i32
          %add3A_545 = arith.addi %squeeze3A_541, %add3A_544 : i32
          %get3A_546 = arith.index_cast %add3A_543 : i32 to index
          %get3A_547 = arith.index_cast %add3A_545 : i32 to index
          %get3A_548 = tpu.vector_load %arg12[%get3A_546, %get3A_547] {strides = array<i32>} : memref<104x64xi32, #tpu.memory_space<vmem>>, vector<16xi32>,
          %bitcast3A_549 = vector.bitcast %get3A_548 : vector<16xi32> to vector<32xbf16>
          %unpack3A_550 = tpu.unpack_subelements %bitcast3A_549, 0 {pack_format = #tpu.pack_format<interleaved>} : vector<32xbf16> -> vector<16xf32>
          %unpack3A_551 = tpu.unpack_subelements %bitcast3A_549, 1 {pack_format = #tpu.pack_format<interleaved>} : vector<32xbf16> -> vector<16xf32>
          %add3A_552 = arith.addf %add3A_500, %unpack3A_550 : vector<16xf32>
          %add3A_553 = arith.addf %add3A_501, %unpack3A_551 : vector<16xf32>
          %add3A_554 = arith.constant 2 : i32
          %add3A_555 = arith.addi %mul3A_482, %add3A_554 : i32
          %add3A_556 = arith.constant 16 : i32
          %add3A_557 = arith.addi %squeeze3A_541, %add3A_556 : i32
          %get3A_558 = arith.index_cast %add3A_555 : i32 to index
          %get3A_559 = arith.index_cast %add3A_557 : i32 to index
          %get3A_560 = tpu.vector_load %arg12[%get3A_558, %get3A_559] {strides = array<i32>} : memref<104x64xi32, #tpu.memory_space<vmem>>, vector<16xi32>,
          %bitcast3A_561 = vector.bitcast %get3A_560 : vector<16xi32> to vector<32xbf16>
          %unpack3A_562 = tpu.unpack_subelements %bitcast3A_561, 0 {pack_format = #tpu.pack_format<interleaved>} : vector<32xbf16> -> vector<16xf32>
          %unpack3A_563 = tpu.unpack_subelements %bitcast3A_561, 1 {pack_format = #tpu.pack_format<interleaved>} : vector<32xbf16> -> vector<16xf32>
          %add3A_564 = arith.addf %add3A_512, %unpack3A_562 : vector<16xf32>
          %add3A_565 = arith.addf %add3A_513, %unpack3A_563 : vector<16xf32>
          %slice3A_566 = vector.extract_strided_slice %get3A_489 {offsets = [3], sizes = [1], strides = [1]} : vector<16xi32> to vector<1xi32>
          %squeeze3A_567 = vector.extract %slice3A_566[0] : i32 from vector<1xi32>
          %add3A_568 = arith.constant 3 : i32
          %add3A_569 = arith.addi %mul3A_482, %add3A_568 : i32
          %add3A_570 = arith.constant 0 : i32
          %add3A_571 = arith.addi %squeeze3A_567, %add3A_570 : i32
          %get3A_572 = arith.index_cast %add3A_569 : i32 to index
          %get3A_573 = arith.index_cast %add3A_571 : i32 to index
          %get3A_574 = tpu.vector_load %arg12[%get3A_572, %get3A_573] {strides = array<i32>} : memref<104x64xi32, #tpu.memory_space<vmem>>, vector<16xi32>,
          %bitcast3A_575 = vector.bitcast %get3A_574 : vector<16xi32> to vector<32xbf16>
          %unpack3A_576 = tpu.unpack_subelements %bitcast3A_575, 0 {pack_format = #tpu.pack_format<interleaved>} : vector<32xbf16> -> vector<16xf32>
          %unpack3A_577 = tpu.unpack_subelements %bitcast3A_575, 1 {pack_format = #tpu.pack_format<interleaved>} : vector<32xbf16> -> vector<16xf32>
          %add3A_578 = arith.addf %add3A_526, %unpack3A_576 : vector<16xf32>
          %add3A_579 = arith.addf %add3A_527, %unpack3A_577 : vector<16xf32>
          %add3A_580 = arith.constant 3 : i32
          %add3A_581 = arith.addi %mul3A_482, %add3A_580 : i32
          %add3A_582 = arith.constant 16 : i32
          %add3A_583 = arith.addi %squeeze3A_567, %add3A_582 : i32
          %get3A_584 = arith.index_cast %add3A_581 : i32 to index
          %get3A_585 = arith.index_cast %add3A_583 : i32 to index
          %get3A_586 = tpu.vector_load %arg12[%get3A_584, %get3A_585] {strides = array<i32>} : memref<104x64xi32, #tpu.memory_space<vmem>>, vector<16xi32>,
          %bitcast3A_587 = vector.bitcast %get3A_586 : vector<16xi32> to vector<32xbf16>
          %unpack3A_588 = tpu.unpack_subelements %bitcast3A_587, 0 {pack_format = #tpu.pack_format<interleaved>} : vector<32xbf16> -> vector<16xf32>
          %unpack3A_589 = tpu.unpack_subelements %bitcast3A_587, 1 {pack_format = #tpu.pack_format<interleaved>} : vector<32xbf16> -> vector<16xf32>
          %add3A_590 = arith.addf %add3A_538, %unpack3A_588 : vector<16xf32>
          %add3A_591 = arith.addf %add3A_539, %unpack3A_589 : vector<16xf32>
          %slice3A_592 = vector.extract_strided_slice %get3A_489 {offsets = [4], sizes = [1], strides = [1]} : vector<16xi32> to vector<1xi32>
          %squeeze3A_593 = vector.extract %slice3A_592[0] : i32 from vector<1xi32>
          %add3A_594 = arith.constant 4 : i32
          %add3A_595 = arith.addi %mul3A_482, %add3A_594 : i32
          %add3A_596 = arith.constant 0 : i32
          %add3A_597 = arith.addi %squeeze3A_593, %add3A_596 : i32
          %get3A_598 = arith.index_cast %add3A_595 : i32 to index
          %get3A_599 = arith.index_cast %add3A_597 : i32 to index
          %get3A_600 = tpu.vector_load %arg12[%get3A_598, %get3A_599] {strides = array<i32>} : memref<104x64xi32, #tpu.memory_space<vmem>>, vector<16xi32>,
          %bitcast3A_601 = vector.bitcast %get3A_600 : vector<16xi32> to vector<32xbf16>
          %unpack3A_602 = tpu.unpack_subelements %bitcast3A_601, 0 {pack_format = #tpu.pack_format<interleaved>} : vector<32xbf16> -> vector<16xf32>
          %unpack3A_603 = tpu.unpack_subelements %bitcast3A_601, 1 {pack_format = #tpu.pack_format<interleaved>} : vector<32xbf16> -> vector<16xf32>
          %add3A_604 = arith.addf %add3A_552, %unpack3A_602 : vector<16xf32>
          %add3A_605 = arith.addf %add3A_553, %unpack3A_603 : vector<16xf32>
          %add3A_606 = arith.constant 4 : i32
          %add3A_607 = arith.addi %mul3A_482, %add3A_606 : i32
          %add3A_608 = arith.constant 16 : i32
          %add3A_609 = arith.addi %squeeze3A_593, %add3A_608 : i32
          %get3A_610 = arith.index_cast %add3A_607 : i32 to index
          %get3A_611 = arith.index_cast %add3A_609 : i32 to index
          %get3A_612 = tpu.vector_load %arg12[%get3A_610, %get3A_611] {strides = array<i32>} : memref<104x64xi32, #tpu.memory_space<vmem>>, vector<16xi32>,
          %bitcast3A_613 = vector.bitcast %get3A_612 : vector<16xi32> to vector<32xbf16>
          %unpack3A_614 = tpu.unpack_subelements %bitcast3A_613, 0 {pack_format = #tpu.pack_format<interleaved>} : vector<32xbf16> -> vector<16xf32>
          %unpack3A_615 = tpu.unpack_subelements %bitcast3A_613, 1 {pack_format = #tpu.pack_format<interleaved>} : vector<32xbf16> -> vector<16xf32>
          %add3A_616 = arith.addf %add3A_564, %unpack3A_614 : vector<16xf32>
          %add3A_617 = arith.addf %add3A_565, %unpack3A_615 : vector<16xf32>
          %slice3A_618 = vector.extract_strided_slice %get3A_489 {offsets = [5], sizes = [1], strides = [1]} : vector<16xi32> to vector<1xi32>
          %squeeze3A_619 = vector.extract %slice3A_618[0] : i32 from vector<1xi32>
          %add3A_620 = arith.constant 5 : i32
          %add3A_621 = arith.addi %mul3A_482, %add3A_620 : i32
          %add3A_622 = arith.constant 0 : i32
          %add3A_623 = arith.addi %squeeze3A_619, %add3A_622 : i32
          %get3A_624 = arith.index_cast %add3A_621 : i32 to index
          %get3A_625 = arith.index_cast %add3A_623 : i32 to index
          %get3A_626 = tpu.vector_load %arg12[%get3A_624, %get3A_625] {strides = array<i32>} : memref<104x64xi32, #tpu.memory_space<vmem>>, vector<16xi32>,
          %bitcast3A_627 = vector.bitcast %get3A_626 : vector<16xi32> to vector<32xbf16>
          %unpack3A_628 = tpu.unpack_subelements %bitcast3A_627, 0 {pack_format = #tpu.pack_format<interleaved>} : vector<32xbf16> -> vector<16xf32>
          %unpack3A_629 = tpu.unpack_subelements %bitcast3A_627, 1 {pack_format = #tpu.pack_format<interleaved>} : vector<32xbf16> -> vector<16xf32>
          %add3A_630 = arith.addf %add3A_578, %unpack3A_628 : vector<16xf32>
          %add3A_631 = arith.addf %add3A_579, %unpack3A_629 : vector<16xf32>
          %add3A_632 = arith.constant 5 : i32
          %add3A_633 = arith.addi %mul3A_482, %add3A_632 : i32
          %add3A_634 = arith.constant 16 : i32
          %add3A_635 = arith.addi %squeeze3A_619, %add3A_634 : i32
          %get3A_636 = arith.index_cast %add3A_633 : i32 to index
          %get3A_637 = arith.index_cast %add3A_635 : i32 to index
          %get3A_638 = tpu.vector_load %arg12[%get3A_636, %get3A_637] {strides = array<i32>} : memref<104x64xi32, #tpu.memory_space<vmem>>, vector<16xi32>,
          %bitcast3A_639 = vector.bitcast %get3A_638 : vector<16xi32> to vector<32xbf16>
          %unpack3A_640 = tpu.unpack_subelements %bitcast3A_639, 0 {pack_format = #tpu.pack_format<interleaved>} : vector<32xbf16> -> vector<16xf32>
          %unpack3A_641 = tpu.unpack_subelements %bitcast3A_639, 1 {pack_format = #tpu.pack_format<interleaved>} : vector<32xbf16> -> vector<16xf32>
          %add3A_642 = arith.addf %add3A_590, %unpack3A_640 : vector<16xf32>
          %add3A_643 = arith.addf %add3A_591, %unpack3A_641 : vector<16xf32>
          %slice3A_644 = vector.extract_strided_slice %get3A_489 {offsets = [6], sizes = [1], strides = [1]} : vector<16xi32> to vector<1xi32>
          %squeeze3A_645 = vector.extract %slice3A_644[0] : i32 from vector<1xi32>
          %add3A_646 = arith.constant 6 : i32
          %add3A_647 = arith.addi %mul3A_482, %add3A_646 : i32
          %add3A_648 = arith.constant 0 : i32
          %add3A_649 = arith.addi %squeeze3A_645, %add3A_648 : i32
          %get3A_650 = arith.index_cast %add3A_647 : i32 to index
          %get3A_651 = arith.index_cast %add3A_649 : i32 to index
          %get3A_652 = tpu.vector_load %arg12[%get3A_650, %get3A_651] {strides = array<i32>} : memref<104x64xi32, #tpu.memory_space<vmem>>, vector<16xi32>,
          %bitcast3A_653 = vector.bitcast %get3A_652 : vector<16xi32> to vector<32xbf16>
          %unpack3A_654 = tpu.unpack_subelements %bitcast3A_653, 0 {pack_format = #tpu.pack_format<interleaved>} : vector<32xbf16> -> vector<16xf32>
          %unpack3A_655 = tpu.unpack_subelements %bitcast3A_653, 1 {pack_format = #tpu.pack_format<interleaved>} : vector<32xbf16> -> vector<16xf32>
          %add3A_656 = arith.addf %add3A_604, %unpack3A_654 : vector<16xf32>
          %add3A_657 = arith.addf %add3A_605, %unpack3A_655 : vector<16xf32>
          %add3A_658 = arith.constant 6 : i32
          %add3A_659 = arith.addi %mul3A_482, %add3A_658 : i32
          %add3A_660 = arith.constant 16 : i32
          %add3A_661 = arith.addi %squeeze3A_645, %add3A_660 : i32
          %get3A_662 = arith.index_cast %add3A_659 : i32 to index
          %get3A_663 = arith.index_cast %add3A_661 : i32 to index
          %get3A_664 = tpu.vector_load %arg12[%get3A_662, %get3A_663] {strides = array<i32>} : memref<104x64xi32, #tpu.memory_space<vmem>>, vector<16xi32>,
          %bitcast3A_665 = vector.bitcast %get3A_664 : vector<16xi32> to vector<32xbf16>
          %unpack3A_666 = tpu.unpack_subelements %bitcast3A_665, 0 {pack_format = #tpu.pack_format<interleaved>} : vector<32xbf16> -> vector<16xf32>
          %unpack3A_667 = tpu.unpack_subelements %bitcast3A_665, 1 {pack_format = #tpu.pack_format<interleaved>} : vector<32xbf16> -> vector<16xf32>
          %add3A_668 = arith.addf %add3A_616, %unpack3A_666 : vector<16xf32>
          %add3A_669 = arith.addf %add3A_617, %unpack3A_667 : vector<16xf32>
          %slice3A_670 = vector.extract_strided_slice %get3A_489 {offsets = [7], sizes = [1], strides = [1]} : vector<16xi32> to vector<1xi32>
          %squeeze3A_671 = vector.extract %slice3A_670[0] : i32 from vector<1xi32>
          %add3A_672 = arith.constant 7 : i32
          %add3A_673 = arith.addi %mul3A_482, %add3A_672 : i32
          %add3A_674 = arith.constant 0 : i32
          %add3A_675 = arith.addi %squeeze3A_671, %add3A_674 : i32
          %get3A_676 = arith.index_cast %add3A_673 : i32 to index
          %get3A_677 = arith.index_cast %add3A_675 : i32 to index
          %get3A_678 = tpu.vector_load %arg12[%get3A_676, %get3A_677] {strides = array<i32>} : memref<104x64xi32, #tpu.memory_space<vmem>>, vector<16xi32>,
          %bitcast3A_679 = vector.bitcast %get3A_678 : vector<16xi32> to vector<32xbf16>
          %unpack3A_680 = tpu.unpack_subelements %bitcast3A_679, 0 {pack_format = #tpu.pack_format<interleaved>} : vector<32xbf16> -> vector<16xf32>
          %unpack3A_681 = tpu.unpack_subelements %bitcast3A_679, 1 {pack_format = #tpu.pack_format<interleaved>} : vector<32xbf16> -> vector<16xf32>
          %add3A_682 = arith.addf %add3A_630, %unpack3A_680 : vector<16xf32>
          %add3A_683 = arith.addf %add3A_631, %unpack3A_681 : vector<16xf32>
          %add3A_684 = arith.constant 7 : i32
          %add3A_685 = arith.addi %mul3A_482, %add3A_684 : i32
          %add3A_686 = arith.constant 16 : i32
          %add3A_687 = arith.addi %squeeze3A_671, %add3A_686 : i32
          %get3A_688 = arith.index_cast %add3A_685 : i32 to index
          %get3A_689 = arith.index_cast %add3A_687 : i32 to index
          %get3A_690 = tpu.vector_load %arg12[%get3A_688, %get3A_689] {strides = array<i32>} : memref<104x64xi32, #tpu.memory_space<vmem>>, vector<16xi32>,
          %bitcast3A_691 = vector.bitcast %get3A_690 : vector<16xi32> to vector<32xbf16>
          %unpack3A_692 = tpu.unpack_subelements %bitcast3A_691, 0 {pack_format = #tpu.pack_format<interleaved>} : vector<32xbf16> -> vector<16xf32>
          %unpack3A_693 = tpu.unpack_subelements %bitcast3A_691, 1 {pack_format = #tpu.pack_format<interleaved>} : vector<32xbf16> -> vector<16xf32>
          %add3A_694 = arith.addf %add3A_642, %unpack3A_692 : vector<16xf32>
          %add3A_695 = arith.addf %add3A_643, %unpack3A_693 : vector<16xf32>
          scf.yield %add3A_656, %add3A_657, %add3A_668, %add3A_669, %add3A_682, %add3A_683, %add3A_694, %add3A_695 : vector<16xf32>, vector<16xf32>, vector<16xf32>, vector<16xf32>, vector<16xf32>, vector<16xf32>, vector<16xf32>, vector<16xf32>
        }
        %scan3A_244 = arith.constant 12 : i32
        %add3A_245 = arith.addf %scan3A_243#0, %scan3A_243#4 : vector<16xf32>
        %mul3A_246 = vector.broadcast %squeeze3A : f32 to vector<16xf32>
        %mul3A_247 = arith.mulf %add3A_245, %mul3A_246 : vector<16xf32>
        %add3A_248 = arith.addf %scan3A_243#1, %scan3A_243#5 : vector<16xf32>
        %mul3A_249 = vector.broadcast %squeeze3A : f32 to vector<16xf32>
        %mul3A_250 = arith.mulf %add3A_248, %mul3A_249 : vector<16xf32>
        %add3A_251 = arith.constant 0 : i32
        %add3A_252 = vector.broadcast %add3A_251 : i32 to vector<16xi32>
        %add3A_253 = arith.addi %mul3A_6, %add3A_252 : vector<16xi32>
        %scatter3A_254 = arith.constant 0 : i32
        %scatter3A_255 = tpu.memref_slice %arg17[%add3A_229, %scatter3A_254] : memref<64x64xf32, #tpu.memory_space<vmem>> -> memref<1x64xf32, #tpu.memory_space<vmem>>
        %scatter3A_256 = tpu.memref_squeeze %scatter3A_255 : memref<1x64xf32, #tpu.memory_space<vmem>> -> memref<64xf32, #tpu.memory_space<vmem>>
        tpu.vector_store_idx %scatter3A_256[%add3A_253], %mul3A_247 : memref<64xf32, #tpu.memory_space<vmem>>[vector<16xi32>], vector<16xf32>,
        %add3A_257 = arith.constant 0 : i32
        %add3A_258 = vector.broadcast %add3A_257 : i32 to vector<16xi32>
        %add3A_259 = arith.addi %mul3A_6, %add3A_258 : vector<16xi32>
        %add3A_260 = arith.constant 1 : i32
        %add3A_261 = vector.broadcast %add3A_260 : i32 to vector<16xi32>
        %add3A_262 = arith.addi %add3A_259, %add3A_261 : vector<16xi32>
        %scatter3A_263 = arith.constant 0 : i32
        %scatter3A_264 = tpu.memref_slice %arg17[%add3A_229, %scatter3A_263] : memref<64x64xf32, #tpu.memory_space<vmem>> -> memref<1x64xf32, #tpu.memory_space<vmem>>
        %scatter3A_265 = tpu.memref_squeeze %scatter3A_264 : memref<1x64xf32, #tpu.memory_space<vmem>> -> memref<64xf32, #tpu.memory_space<vmem>>
        tpu.vector_store_idx %scatter3A_265[%add3A_262], %mul3A_250 : memref<64xf32, #tpu.memory_space<vmem>>[vector<16xi32>], vector<16xf32>,
        %add3A_266 = arith.addf %scan3A_243#2, %scan3A_243#6 : vector<16xf32>
        %mul3A_267 = vector.broadcast %squeeze3A : f32 to vector<16xf32>
        %mul3A_268 = arith.mulf %add3A_266, %mul3A_267 : vector<16xf32>
        %add3A_269 = arith.addf %scan3A_243#3, %scan3A_243#7 : vector<16xf32>
        %mul3A_270 = vector.broadcast %squeeze3A : f32 to vector<16xf32>
        %mul3A_271 = arith.mulf %add3A_269, %mul3A_270 : vector<16xf32>
        %add3A_272 = arith.constant 32 : i32
        %add3A_273 = vector.broadcast %add3A_272 : i32 to vector<16xi32>
        %add3A_274 = arith.addi %mul3A_6, %add3A_273 : vector<16xi32>
        %scatter3A_275 = arith.constant 0 : i32
        %scatter3A_276 = tpu.memref_slice %arg17[%add3A_229, %scatter3A_275] : memref<64x64xf32, #tpu.memory_space<vmem>> -> memref<1x64xf32, #tpu.memory_space<vmem>>
        %scatter3A_277 = tpu.memref_squeeze %scatter3A_276 : memref<1x64xf32, #tpu.memory_space<vmem>> -> memref<64xf32, #tpu.memory_space<vmem>>
        tpu.vector_store_idx %scatter3A_277[%add3A_274], %mul3A_268 : memref<64xf32, #tpu.memory_space<vmem>>[vector<16xi32>], vector<16xf32>,
        %add3A_278 = arith.constant 32 : i32
        %add3A_279 = vector.broadcast %add3A_278 : i32 to vector<16xi32>
        %add3A_280 = arith.addi %mul3A_6, %add3A_279 : vector<16xi32>
        %add3A_281 = arith.constant 1 : i32
        %add3A_282 = vector.broadcast %add3A_281 : i32 to vector<16xi32>
        %add3A_283 = arith.addi %add3A_280, %add3A_282 : vector<16xi32>
        %scatter3A_284 = arith.constant 0 : i32
        %scatter3A_285 = tpu.memref_slice %arg17[%add3A_229, %scatter3A_284] : memref<64x64xf32, #tpu.memory_space<vmem>> -> memref<1x64xf32, #tpu.memory_space<vmem>>
        %scatter3A_286 = tpu.memref_squeeze %scatter3A_285 : memref<1x64xf32, #tpu.memory_space<vmem>> -> memref<64xf32, #tpu.memory_space<vmem>>
        tpu.vector_store_idx %scatter3A_286[%add3A_283], %mul3A_271 : memref<64xf32, #tpu.memory_space<vmem>>[vector<16xi32>], vector<16xf32>,
        %lt3A_287 = arith.constant 15 : i32
        %lt3A_288 = arith.cmpi slt, %scan3A_116, %lt3A_287 : i32
        %convert_element_type3A_289 = arith.extui %lt3A_288 : i1 to i32
        %cond3A_290 = arith.constant 0 : i32
        %cond3A_291 = arith.cmpi ne, %convert_element_type3A_289, %cond3A_290 : i32
        scf.if %cond3A_291 {
          %add3A_472 = arith.constant 4 : i32
          %add3A_473 = arith.addi %add3A_229, %add3A_472 : i32
          %dma_start3A_474 = arith.constant 0 : i32
          %dma_start3A_475 = arith.constant 0 : i32
          %dma_start3A_476 = tpu.memref_slice %arg12[%dma_start3A_474, %dma_start3A_475] : memref<104x64xi32, #tpu.memory_space<vmem>> -> memref<96x64xi32, #tpu.memory_space<vmem>>
          %dma_start3A_477 = arith.constant 104 : i32
          %dma_start3A_478 = tpu.memref_slice %arg7[%add3A_473, %dma_start3A_477] : memref<64x200xi32, #tpu.memory_space<vmem>> -> memref<1x96xi32, #tpu.memory_space<vmem>>
          %dma_start3A_479 = tpu.memref_squeeze %dma_start3A_478 : memref<1x96xi32, #tpu.memory_space<vmem>> -> memref<96xi32, #tpu.memory_space<vmem>>
          %dma_start3A_480 = arith.constant 0 : i32
          %dma_start3A_481 = arith.constant 0 : i32
          %dma_start3A_482 = tpu.memref_slice %arg4[%dma_start3A_480, %dma_start3A_481] : memref<524288x64xi32, #tpu.memory_space<hbm>> -> memref<524288x64xi32, #tpu.memory_space<hbm>>
          tpu.enqueue_indirect_dma source(%dma_start3A_482 : memref<524288x64xi32, #tpu.memory_space<hbm>>) target(%dma_start3A_476 : memref<96x64xi32, #tpu.memory_space<vmem>>) offsets(%dma_start3A_479 : memref<96xi32, #tpu.memory_space<vmem>>) semaphore(%arg21 : memref<!tpu.dma_semaphore, #tpu.memory_space<semaphore_mem>>)
        } else {
        }
        %mul3A_292 = arith.constant 4 : i32
        %mul3A_293 = arith.muli %scan3A_116, %mul3A_292 : i32
        %add3A_294 = arith.constant 2 : i32
        %add3A_295 = arith.addi %mul3A_293, %add3A_294 : i32
        %dma_wait3A_296 = arith.constant 0 : i32
        %dma_wait3A_297 = arith.constant 0 : i32
        %dma_wait3A_298 = tpu.memref_slice %arg13[%dma_wait3A_296, %dma_wait3A_297] : memref<104x64xi32, #tpu.memory_space<vmem>> -> memref<104x64xi32, #tpu.memory_space<vmem>>
        %dma_wait3A_299 = arith.constant 0 : i32
        %dma_wait3A_300 = tpu.memref_slice %arg7[%add3A_295, %dma_wait3A_299] : memref<64x200xi32, #tpu.memory_space<vmem>> -> memref<1x104xi32, #tpu.memory_space<vmem>>
        %dma_wait3A_301 = tpu.memref_squeeze %dma_wait3A_300 : memref<1x104xi32, #tpu.memory_space<vmem>> -> memref<104xi32, #tpu.memory_space<vmem>>
        %dma_wait3A_302 = arith.constant 0 : i32
        %dma_wait3A_303 = arith.constant 0 : i32
        %dma_wait3A_304 = tpu.memref_slice %arg4[%dma_wait3A_302, %dma_wait3A_303] : memref<524288x64xi32, #tpu.memory_space<hbm>> -> memref<524288x64xi32, #tpu.memory_space<hbm>>
        tpu.wait_indirect_dma semaphore(%arg22 : memref<!tpu.dma_semaphore, #tpu.memory_space<semaphore_mem>>) src(%dma_wait3A_304 : memref<524288x64xi32, #tpu.memory_space<hbm>>) dst(%dma_wait3A_298 : memref<104x64xi32, #tpu.memory_space<vmem>>)
        %scan3A_305 = arith.constant 0 : i32
        %scan3A_306 = arith.constant 13 : i32
        %scan3A_307 = arith.addi %scan3A_305, %scan3A_306 : i32
        %scan3A_308 = arith.constant 1 : i32
        %scan3A_309:8 = scf.for %scan3A_472 = %scan3A_305 to %scan3A_307 step %scan3A_308 iter_args(%scan3A_473 = %broadcast_in_dim3A_7, %scan3A_474 = %broadcast_in_dim3A_9, %scan3A_475 = %broadcast_in_dim3A_11, %scan3A_476 = %broadcast_in_dim3A_13, %scan3A_477 = %broadcast_in_dim3A_15, %scan3A_478 = %broadcast_in_dim3A_17, %scan3A_479 = %broadcast_in_dim3A_19, %scan3A_480 = %broadcast_in_dim3A_21) -> (vector<16xf32>, vector<16xf32>, vector<16xf32>, vector<16xf32>, vector<16xf32>, vector<16xf32>, vector<16xf32>, vector<16xf32>)  : i32 {
          %mul3A_481 = arith.constant 8 : i32
          %mul3A_482 = arith.muli %scan3A_472, %mul3A_481 : i32
          %add3A_483 = arith.constant 0 : i32
          %add3A_484 = arith.addi %add3A_483, %mul3A_482 : i32
          %get3A_485 = arith.constant 0 : i32
          %get3A_486 = tpu.memref_slice %arg8[%add3A_295, %get3A_485] : memref<64x208xi32, #tpu.memory_space<vmem>> -> memref<1x208xi32, #tpu.memory_space<vmem>>
          %get3A_487 = tpu.memref_squeeze %get3A_486 : memref<1x208xi32, #tpu.memory_space<vmem>> -> memref<208xi32, #tpu.memory_space<vmem>>
          %get3A_488 = arith.index_cast %add3A_484 : i32 to index
          %get3A_489 = tpu.vector_load %get3A_487[%get3A_488] {strides = array<i32>} : memref<208xi32, #tpu.memory_space<vmem>>, vector<16xi32>,
          %slice3A_490 = vector.extract_strided_slice %get3A_489 {offsets = [0], sizes = [1], strides = [1]} : vector<16xi32> to vector<1xi32>
          %squeeze3A_491 = vector.extract %slice3A_490[0] : i32 from vector<1xi32>
          %add3A_492 = arith.constant 0 : i32
          %add3A_493 = arith.addi %mul3A_482, %add3A_492 : i32
          %add3A_494 = arith.constant 0 : i32
          %add3A_495 = arith.addi %squeeze3A_491, %add3A_494 : i32
          %get3A_496 = arith.index_cast %add3A_493 : i32 to index
          %get3A_497 = arith.index_cast %add3A_495 : i32 to index
          %get3A_498 = tpu.vector_load %arg13[%get3A_496, %get3A_497] {strides = array<i32>} : memref<104x64xi32, #tpu.memory_space<vmem>>, vector<16xi32>,
          %bitcast3A = vector.bitcast %get3A_498 : vector<16xi32> to vector<32xbf16>
          %unpack3A = tpu.unpack_subelements %bitcast3A, 0 {pack_format = #tpu.pack_format<interleaved>} : vector<32xbf16> -> vector<16xf32>
          %unpack3A_499 = tpu.unpack_subelements %bitcast3A, 1 {pack_format = #tpu.pack_format<interleaved>} : vector<32xbf16> -> vector<16xf32>
          %add3A_500 = arith.addf %scan3A_473, %unpack3A : vector<16xf32>
          %add3A_501 = arith.addf %scan3A_474, %unpack3A_499 : vector<16xf32>
          %add3A_502 = arith.constant 0 : i32
          %add3A_503 = arith.addi %mul3A_482, %add3A_502 : i32
          %add3A_504 = arith.constant 16 : i32
          %add3A_505 = arith.addi %squeeze3A_491, %add3A_504 : i32
          %get3A_506 = arith.index_cast %add3A_503 : i32 to index
          %get3A_507 = arith.index_cast %add3A_505 : i32 to index
          %get3A_508 = tpu.vector_load %arg13[%get3A_506, %get3A_507] {strides = array<i32>} : memref<104x64xi32, #tpu.memory_space<vmem>>, vector<16xi32>,
          %bitcast3A_509 = vector.bitcast %get3A_508 : vector<16xi32> to vector<32xbf16>
          %unpack3A_510 = tpu.unpack_subelements %bitcast3A_509, 0 {pack_format = #tpu.pack_format<interleaved>} : vector<32xbf16> -> vector<16xf32>
          %unpack3A_511 = tpu.unpack_subelements %bitcast3A_509, 1 {pack_format = #tpu.pack_format<interleaved>} : vector<32xbf16> -> vector<16xf32>
          %add3A_512 = arith.addf %scan3A_475, %unpack3A_510 : vector<16xf32>
          %add3A_513 = arith.addf %scan3A_476, %unpack3A_511 : vector<16xf32>
          %slice3A_514 = vector.extract_strided_slice %get3A_489 {offsets = [1], sizes = [1], strides = [1]} : vector<16xi32> to vector<1xi32>
          %squeeze3A_515 = vector.extract %slice3A_514[0] : i32 from vector<1xi32>
          %add3A_516 = arith.constant 1 : i32
          %add3A_517 = arith.addi %mul3A_482, %add3A_516 : i32
          %add3A_518 = arith.constant 0 : i32
          %add3A_519 = arith.addi %squeeze3A_515, %add3A_518 : i32
          %get3A_520 = arith.index_cast %add3A_517 : i32 to index
          %get3A_521 = arith.index_cast %add3A_519 : i32 to index
          %get3A_522 = tpu.vector_load %arg13[%get3A_520, %get3A_521] {strides = array<i32>} : memref<104x64xi32, #tpu.memory_space<vmem>>, vector<16xi32>,
          %bitcast3A_523 = vector.bitcast %get3A_522 : vector<16xi32> to vector<32xbf16>
          %unpack3A_524 = tpu.unpack_subelements %bitcast3A_523, 0 {pack_format = #tpu.pack_format<interleaved>} : vector<32xbf16> -> vector<16xf32>
          %unpack3A_525 = tpu.unpack_subelements %bitcast3A_523, 1 {pack_format = #tpu.pack_format<interleaved>} : vector<32xbf16> -> vector<16xf32>
          %add3A_526 = arith.addf %scan3A_477, %unpack3A_524 : vector<16xf32>
          %add3A_527 = arith.addf %scan3A_478, %unpack3A_525 : vector<16xf32>
          %add3A_528 = arith.constant 1 : i32
          %add3A_529 = arith.addi %mul3A_482, %add3A_528 : i32
          %add3A_530 = arith.constant 16 : i32
          %add3A_531 = arith.addi %squeeze3A_515, %add3A_530 : i32
          %get3A_532 = arith.index_cast %add3A_529 : i32 to index
          %get3A_533 = arith.index_cast %add3A_531 : i32 to index
          %get3A_534 = tpu.vector_load %arg13[%get3A_532, %get3A_533] {strides = array<i32>} : memref<104x64xi32, #tpu.memory_space<vmem>>, vector<16xi32>,
          %bitcast3A_535 = vector.bitcast %get3A_534 : vector<16xi32> to vector<32xbf16>
          %unpack3A_536 = tpu.unpack_subelements %bitcast3A_535, 0 {pack_format = #tpu.pack_format<interleaved>} : vector<32xbf16> -> vector<16xf32>
          %unpack3A_537 = tpu.unpack_subelements %bitcast3A_535, 1 {pack_format = #tpu.pack_format<interleaved>} : vector<32xbf16> -> vector<16xf32>
          %add3A_538 = arith.addf %scan3A_479, %unpack3A_536 : vector<16xf32>
          %add3A_539 = arith.addf %scan3A_480, %unpack3A_537 : vector<16xf32>
          %slice3A_540 = vector.extract_strided_slice %get3A_489 {offsets = [2], sizes = [1], strides = [1]} : vector<16xi32> to vector<1xi32>
          %squeeze3A_541 = vector.extract %slice3A_540[0] : i32 from vector<1xi32>
          %add3A_542 = arith.constant 2 : i32
          %add3A_543 = arith.addi %mul3A_482, %add3A_542 : i32
          %add3A_544 = arith.constant 0 : i32
          %add3A_545 = arith.addi %squeeze3A_541, %add3A_544 : i32
          %get3A_546 = arith.index_cast %add3A_543 : i32 to index
          %get3A_547 = arith.index_cast %add3A_545 : i32 to index
          %get3A_548 = tpu.vector_load %arg13[%get3A_546, %get3A_547] {strides = array<i32>} : memref<104x64xi32, #tpu.memory_space<vmem>>, vector<16xi32>,
          %bitcast3A_549 = vector.bitcast %get3A_548 : vector<16xi32> to vector<32xbf16>
          %unpack3A_550 = tpu.unpack_subelements %bitcast3A_549, 0 {pack_format = #tpu.pack_format<interleaved>} : vector<32xbf16> -> vector<16xf32>
          %unpack3A_551 = tpu.unpack_subelements %bitcast3A_549, 1 {pack_format = #tpu.pack_format<interleaved>} : vector<32xbf16> -> vector<16xf32>
          %add3A_552 = arith.addf %add3A_500, %unpack3A_550 : vector<16xf32>
          %add3A_553 = arith.addf %add3A_501, %unpack3A_551 : vector<16xf32>
          %add3A_554 = arith.constant 2 : i32
          %add3A_555 = arith.addi %mul3A_482, %add3A_554 : i32
          %add3A_556 = arith.constant 16 : i32
          %add3A_557 = arith.addi %squeeze3A_541, %add3A_556 : i32
          %get3A_558 = arith.index_cast %add3A_555 : i32 to index
          %get3A_559 = arith.index_cast %add3A_557 : i32 to index
          %get3A_560 = tpu.vector_load %arg13[%get3A_558, %get3A_559] {strides = array<i32>} : memref<104x64xi32, #tpu.memory_space<vmem>>, vector<16xi32>,
          %bitcast3A_561 = vector.bitcast %get3A_560 : vector<16xi32> to vector<32xbf16>
          %unpack3A_562 = tpu.unpack_subelements %bitcast3A_561, 0 {pack_format = #tpu.pack_format<interleaved>} : vector<32xbf16> -> vector<16xf32>
          %unpack3A_563 = tpu.unpack_subelements %bitcast3A_561, 1 {pack_format = #tpu.pack_format<interleaved>} : vector<32xbf16> -> vector<16xf32>
          %add3A_564 = arith.addf %add3A_512, %unpack3A_562 : vector<16xf32>
          %add3A_565 = arith.addf %add3A_513, %unpack3A_563 : vector<16xf32>
          %slice3A_566 = vector.extract_strided_slice %get3A_489 {offsets = [3], sizes = [1], strides = [1]} : vector<16xi32> to vector<1xi32>
          %squeeze3A_567 = vector.extract %slice3A_566[0] : i32 from vector<1xi32>
          %add3A_568 = arith.constant 3 : i32
          %add3A_569 = arith.addi %mul3A_482, %add3A_568 : i32
          %add3A_570 = arith.constant 0 : i32
          %add3A_571 = arith.addi %squeeze3A_567, %add3A_570 : i32
          %get3A_572 = arith.index_cast %add3A_569 : i32 to index
          %get3A_573 = arith.index_cast %add3A_571 : i32 to index
          %get3A_574 = tpu.vector_load %arg13[%get3A_572, %get3A_573] {strides = array<i32>} : memref<104x64xi32, #tpu.memory_space<vmem>>, vector<16xi32>,
          %bitcast3A_575 = vector.bitcast %get3A_574 : vector<16xi32> to vector<32xbf16>
          %unpack3A_576 = tpu.unpack_subelements %bitcast3A_575, 0 {pack_format = #tpu.pack_format<interleaved>} : vector<32xbf16> -> vector<16xf32>
          %unpack3A_577 = tpu.unpack_subelements %bitcast3A_575, 1 {pack_format = #tpu.pack_format<interleaved>} : vector<32xbf16> -> vector<16xf32>
          %add3A_578 = arith.addf %add3A_526, %unpack3A_576 : vector<16xf32>
          %add3A_579 = arith.addf %add3A_527, %unpack3A_577 : vector<16xf32>
          %add3A_580 = arith.constant 3 : i32
          %add3A_581 = arith.addi %mul3A_482, %add3A_580 : i32
          %add3A_582 = arith.constant 16 : i32
          %add3A_583 = arith.addi %squeeze3A_567, %add3A_582 : i32
          %get3A_584 = arith.index_cast %add3A_581 : i32 to index
          %get3A_585 = arith.index_cast %add3A_583 : i32 to index
          %get3A_586 = tpu.vector_load %arg13[%get3A_584, %get3A_585] {strides = array<i32>} : memref<104x64xi32, #tpu.memory_space<vmem>>, vector<16xi32>,
          %bitcast3A_587 = vector.bitcast %get3A_586 : vector<16xi32> to vector<32xbf16>
          %unpack3A_588 = tpu.unpack_subelements %bitcast3A_587, 0 {pack_format = #tpu.pack_format<interleaved>} : vector<32xbf16> -> vector<16xf32>
          %unpack3A_589 = tpu.unpack_subelements %bitcast3A_587, 1 {pack_format = #tpu.pack_format<interleaved>} : vector<32xbf16> -> vector<16xf32>
          %add3A_590 = arith.addf %add3A_538, %unpack3A_588 : vector<16xf32>
          %add3A_591 = arith.addf %add3A_539, %unpack3A_589 : vector<16xf32>
          %slice3A_592 = vector.extract_strided_slice %get3A_489 {offsets = [4], sizes = [1], strides = [1]} : vector<16xi32> to vector<1xi32>
          %squeeze3A_593 = vector.extract %slice3A_592[0] : i32 from vector<1xi32>
          %add3A_594 = arith.constant 4 : i32
          %add3A_595 = arith.addi %mul3A_482, %add3A_594 : i32
          %add3A_596 = arith.constant 0 : i32
          %add3A_597 = arith.addi %squeeze3A_593, %add3A_596 : i32
          %get3A_598 = arith.index_cast %add3A_595 : i32 to index
          %get3A_599 = arith.index_cast %add3A_597 : i32 to index
          %get3A_600 = tpu.vector_load %arg13[%get3A_598, %get3A_599] {strides = array<i32>} : memref<104x64xi32, #tpu.memory_space<vmem>>, vector<16xi32>,
          %bitcast3A_601 = vector.bitcast %get3A_600 : vector<16xi32> to vector<32xbf16>
          %unpack3A_602 = tpu.unpack_subelements %bitcast3A_601, 0 {pack_format = #tpu.pack_format<interleaved>} : vector<32xbf16> -> vector<16xf32>
          %unpack3A_603 = tpu.unpack_subelements %bitcast3A_601, 1 {pack_format = #tpu.pack_format<interleaved>} : vector<32xbf16> -> vector<16xf32>
          %add3A_604 = arith.addf %add3A_552, %unpack3A_602 : vector<16xf32>
          %add3A_605 = arith.addf %add3A_553, %unpack3A_603 : vector<16xf32>
          %add3A_606 = arith.constant 4 : i32
          %add3A_607 = arith.addi %mul3A_482, %add3A_606 : i32
          %add3A_608 = arith.constant 16 : i32
          %add3A_609 = arith.addi %squeeze3A_593, %add3A_608 : i32
          %get3A_610 = arith.index_cast %add3A_607 : i32 to index
          %get3A_611 = arith.index_cast %add3A_609 : i32 to index
          %get3A_612 = tpu.vector_load %arg13[%get3A_610, %get3A_611] {strides = array<i32>} : memref<104x64xi32, #tpu.memory_space<vmem>>, vector<16xi32>,
          %bitcast3A_613 = vector.bitcast %get3A_612 : vector<16xi32> to vector<32xbf16>
          %unpack3A_614 = tpu.unpack_subelements %bitcast3A_613, 0 {pack_format = #tpu.pack_format<interleaved>} : vector<32xbf16> -> vector<16xf32>
          %unpack3A_615 = tpu.unpack_subelements %bitcast3A_613, 1 {pack_format = #tpu.pack_format<interleaved>} : vector<32xbf16> -> vector<16xf32>
          %add3A_616 = arith.addf %add3A_564, %unpack3A_614 : vector<16xf32>
          %add3A_617 = arith.addf %add3A_565, %unpack3A_615 : vector<16xf32>
          %slice3A_618 = vector.extract_strided_slice %get3A_489 {offsets = [5], sizes = [1], strides = [1]} : vector<16xi32> to vector<1xi32>
          %squeeze3A_619 = vector.extract %slice3A_618[0] : i32 from vector<1xi32>
          %add3A_620 = arith.constant 5 : i32
          %add3A_621 = arith.addi %mul3A_482, %add3A_620 : i32
          %add3A_622 = arith.constant 0 : i32
          %add3A_623 = arith.addi %squeeze3A_619, %add3A_622 : i32
          %get3A_624 = arith.index_cast %add3A_621 : i32 to index
          %get3A_625 = arith.index_cast %add3A_623 : i32 to index
          %get3A_626 = tpu.vector_load %arg13[%get3A_624, %get3A_625] {strides = array<i32>} : memref<104x64xi32, #tpu.memory_space<vmem>>, vector<16xi32>,
          %bitcast3A_627 = vector.bitcast %get3A_626 : vector<16xi32> to vector<32xbf16>
          %unpack3A_628 = tpu.unpack_subelements %bitcast3A_627, 0 {pack_format = #tpu.pack_format<interleaved>} : vector<32xbf16> -> vector<16xf32>
          %unpack3A_629 = tpu.unpack_subelements %bitcast3A_627, 1 {pack_format = #tpu.pack_format<interleaved>} : vector<32xbf16> -> vector<16xf32>
          %add3A_630 = arith.addf %add3A_578, %unpack3A_628 : vector<16xf32>
          %add3A_631 = arith.addf %add3A_579, %unpack3A_629 : vector<16xf32>
          %add3A_632 = arith.constant 5 : i32
          %add3A_633 = arith.addi %mul3A_482, %add3A_632 : i32
          %add3A_634 = arith.constant 16 : i32
          %add3A_635 = arith.addi %squeeze3A_619, %add3A_634 : i32
          %get3A_636 = arith.index_cast %add3A_633 : i32 to index
          %get3A_637 = arith.index_cast %add3A_635 : i32 to index
          %get3A_638 = tpu.vector_load %arg13[%get3A_636, %get3A_637] {strides = array<i32>} : memref<104x64xi32, #tpu.memory_space<vmem>>, vector<16xi32>,
          %bitcast3A_639 = vector.bitcast %get3A_638 : vector<16xi32> to vector<32xbf16>
          %unpack3A_640 = tpu.unpack_subelements %bitcast3A_639, 0 {pack_format = #tpu.pack_format<interleaved>} : vector<32xbf16> -> vector<16xf32>
          %unpack3A_641 = tpu.unpack_subelements %bitcast3A_639, 1 {pack_format = #tpu.pack_format<interleaved>} : vector<32xbf16> -> vector<16xf32>
          %add3A_642 = arith.addf %add3A_590, %unpack3A_640 : vector<16xf32>
          %add3A_643 = arith.addf %add3A_591, %unpack3A_641 : vector<16xf32>
          %slice3A_644 = vector.extract_strided_slice %get3A_489 {offsets = [6], sizes = [1], strides = [1]} : vector<16xi32> to vector<1xi32>
          %squeeze3A_645 = vector.extract %slice3A_644[0] : i32 from vector<1xi32>
          %add3A_646 = arith.constant 6 : i32
          %add3A_647 = arith.addi %mul3A_482, %add3A_646 : i32
          %add3A_648 = arith.constant 0 : i32
          %add3A_649 = arith.addi %squeeze3A_645, %add3A_648 : i32
          %get3A_650 = arith.index_cast %add3A_647 : i32 to index
          %get3A_651 = arith.index_cast %add3A_649 : i32 to index
          %get3A_652 = tpu.vector_load %arg13[%get3A_650, %get3A_651] {strides = array<i32>} : memref<104x64xi32, #tpu.memory_space<vmem>>, vector<16xi32>,
          %bitcast3A_653 = vector.bitcast %get3A_652 : vector<16xi32> to vector<32xbf16>
          %unpack3A_654 = tpu.unpack_subelements %bitcast3A_653, 0 {pack_format = #tpu.pack_format<interleaved>} : vector<32xbf16> -> vector<16xf32>
          %unpack3A_655 = tpu.unpack_subelements %bitcast3A_653, 1 {pack_format = #tpu.pack_format<interleaved>} : vector<32xbf16> -> vector<16xf32>
          %add3A_656 = arith.addf %add3A_604, %unpack3A_654 : vector<16xf32>
          %add3A_657 = arith.addf %add3A_605, %unpack3A_655 : vector<16xf32>
          %add3A_658 = arith.constant 6 : i32
          %add3A_659 = arith.addi %mul3A_482, %add3A_658 : i32
          %add3A_660 = arith.constant 16 : i32
          %add3A_661 = arith.addi %squeeze3A_645, %add3A_660 : i32
          %get3A_662 = arith.index_cast %add3A_659 : i32 to index
          %get3A_663 = arith.index_cast %add3A_661 : i32 to index
          %get3A_664 = tpu.vector_load %arg13[%get3A_662, %get3A_663] {strides = array<i32>} : memref<104x64xi32, #tpu.memory_space<vmem>>, vector<16xi32>,
          %bitcast3A_665 = vector.bitcast %get3A_664 : vector<16xi32> to vector<32xbf16>
          %unpack3A_666 = tpu.unpack_subelements %bitcast3A_665, 0 {pack_format = #tpu.pack_format<interleaved>} : vector<32xbf16> -> vector<16xf32>
          %unpack3A_667 = tpu.unpack_subelements %bitcast3A_665, 1 {pack_format = #tpu.pack_format<interleaved>} : vector<32xbf16> -> vector<16xf32>
          %add3A_668 = arith.addf %add3A_616, %unpack3A_666 : vector<16xf32>
          %add3A_669 = arith.addf %add3A_617, %unpack3A_667 : vector<16xf32>
          %slice3A_670 = vector.extract_strided_slice %get3A_489 {offsets = [7], sizes = [1], strides = [1]} : vector<16xi32> to vector<1xi32>
          %squeeze3A_671 = vector.extract %slice3A_670[0] : i32 from vector<1xi32>
          %add3A_672 = arith.constant 7 : i32
          %add3A_673 = arith.addi %mul3A_482, %add3A_672 : i32
          %add3A_674 = arith.constant 0 : i32
          %add3A_675 = arith.addi %squeeze3A_671, %add3A_674 : i32
          %get3A_676 = arith.index_cast %add3A_673 : i32 to index
          %get3A_677 = arith.index_cast %add3A_675 : i32 to index
          %get3A_678 = tpu.vector_load %arg13[%get3A_676, %get3A_677] {strides = array<i32>} : memref<104x64xi32, #tpu.memory_space<vmem>>, vector<16xi32>,
          %bitcast3A_679 = vector.bitcast %get3A_678 : vector<16xi32> to vector<32xbf16>
          %unpack3A_680 = tpu.unpack_subelements %bitcast3A_679, 0 {pack_format = #tpu.pack_format<interleaved>} : vector<32xbf16> -> vector<16xf32>
          %unpack3A_681 = tpu.unpack_subelements %bitcast3A_679, 1 {pack_format = #tpu.pack_format<interleaved>} : vector<32xbf16> -> vector<16xf32>
          %add3A_682 = arith.addf %add3A_630, %unpack3A_680 : vector<16xf32>
          %add3A_683 = arith.addf %add3A_631, %unpack3A_681 : vector<16xf32>
          %add3A_684 = arith.constant 7 : i32
          %add3A_685 = arith.addi %mul3A_482, %add3A_684 : i32
          %add3A_686 = arith.constant 16 : i32
          %add3A_687 = arith.addi %squeeze3A_671, %add3A_686 : i32
          %get3A_688 = arith.index_cast %add3A_685 : i32 to index
          %get3A_689 = arith.index_cast %add3A_687 : i32 to index
          %get3A_690 = tpu.vector_load %arg13[%get3A_688, %get3A_689] {strides = array<i32>} : memref<104x64xi32, #tpu.memory_space<vmem>>, vector<16xi32>,
          %bitcast3A_691 = vector.bitcast %get3A_690 : vector<16xi32> to vector<32xbf16>
          %unpack3A_692 = tpu.unpack_subelements %bitcast3A_691, 0 {pack_format = #tpu.pack_format<interleaved>} : vector<32xbf16> -> vector<16xf32>
          %unpack3A_693 = tpu.unpack_subelements %bitcast3A_691, 1 {pack_format = #tpu.pack_format<interleaved>} : vector<32xbf16> -> vector<16xf32>
          %add3A_694 = arith.addf %add3A_642, %unpack3A_692 : vector<16xf32>
          %add3A_695 = arith.addf %add3A_643, %unpack3A_693 : vector<16xf32>
          scf.yield %add3A_656, %add3A_657, %add3A_668, %add3A_669, %add3A_682, %add3A_683, %add3A_694, %add3A_695 : vector<16xf32>, vector<16xf32>, vector<16xf32>, vector<16xf32>, vector<16xf32>, vector<16xf32>, vector<16xf32>, vector<16xf32>
        }
        %scan3A_310 = arith.constant 13 : i32
        %lt3A_311 = arith.constant 15 : i32
        %lt3A_312 = arith.cmpi slt, %scan3A_116, %lt3A_311 : i32
        %convert_element_type3A_313 = arith.extui %lt3A_312 : i1 to i32
        %cond3A_314 = arith.constant 0 : i32
        %cond3A_315 = arith.cmpi ne, %convert_element_type3A_313, %cond3A_314 : i32
        scf.if %cond3A_315 {
          %add3A_472 = arith.constant 4 : i32
          %add3A_473 = arith.addi %add3A_295, %add3A_472 : i32
          %dma_start3A_474 = arith.constant 0 : i32
          %dma_start3A_475 = arith.constant 0 : i32
          %dma_start3A_476 = tpu.memref_slice %arg13[%dma_start3A_474, %dma_start3A_475] : memref<104x64xi32, #tpu.memory_space<vmem>> -> memref<104x64xi32, #tpu.memory_space<vmem>>
          %dma_start3A_477 = arith.constant 0 : i32
          %dma_start3A_478 = tpu.memref_slice %arg7[%add3A_473, %dma_start3A_477] : memref<64x200xi32, #tpu.memory_space<vmem>> -> memref<1x104xi32, #tpu.memory_space<vmem>>
          %dma_start3A_479 = tpu.memref_squeeze %dma_start3A_478 : memref<1x104xi32, #tpu.memory_space<vmem>> -> memref<104xi32, #tpu.memory_space<vmem>>
          %dma_start3A_480 = arith.constant 0 : i32
          %dma_start3A_481 = arith.constant 0 : i32
          %dma_start3A_482 = tpu.memref_slice %arg4[%dma_start3A_480, %dma_start3A_481] : memref<524288x64xi32, #tpu.memory_space<hbm>> -> memref<524288x64xi32, #tpu.memory_space<hbm>>
          tpu.enqueue_indirect_dma source(%dma_start3A_482 : memref<524288x64xi32, #tpu.memory_space<hbm>>) target(%dma_start3A_476 : memref<104x64xi32, #tpu.memory_space<vmem>>) offsets(%dma_start3A_479 : memref<104xi32, #tpu.memory_space<vmem>>) semaphore(%arg22 : memref<!tpu.dma_semaphore, #tpu.memory_space<semaphore_mem>>)
        } else {
        }
        %mul3A_316 = arith.constant 4 : i32
        %mul3A_317 = arith.muli %scan3A_116, %mul3A_316 : i32
        %add3A_318 = arith.constant 2 : i32
        %add3A_319 = arith.addi %mul3A_317, %add3A_318 : i32
        %dma_wait3A_320 = arith.constant 0 : i32
        %dma_wait3A_321 = arith.constant 0 : i32
        %dma_wait3A_322 = tpu.memref_slice %arg14[%dma_wait3A_320, %dma_wait3A_321] : memref<104x64xi32, #tpu.memory_space<vmem>> -> memref<96x64xi32, #tpu.memory_space<vmem>>
        %dma_wait3A_323 = arith.constant 104 : i32
        %dma_wait3A_324 = tpu.memref_slice %arg7[%add3A_319, %dma_wait3A_323] : memref<64x200xi32, #tpu.memory_space<vmem>> -> memref<1x96xi32, #tpu.memory_space<vmem>>
        %dma_wait3A_325 = tpu.memref_squeeze %dma_wait3A_324 : memref<1x96xi32, #tpu.memory_space<vmem>> -> memref<96xi32, #tpu.memory_space<vmem>>
        %dma_wait3A_326 = arith.constant 0 : i32
        %dma_wait3A_327 = arith.constant 0 : i32
        %dma_wait3A_328 = tpu.memref_slice %arg4[%dma_wait3A_326, %dma_wait3A_327] : memref<524288x64xi32, #tpu.memory_space<hbm>> -> memref<524288x64xi32, #tpu.memory_space<hbm>>
        tpu.wait_indirect_dma semaphore(%arg23 : memref<!tpu.dma_semaphore, #tpu.memory_space<semaphore_mem>>) src(%dma_wait3A_328 : memref<524288x64xi32, #tpu.memory_space<hbm>>) dst(%dma_wait3A_322 : memref<96x64xi32, #tpu.memory_space<vmem>>)
        %scan3A_329 = arith.constant 0 : i32
        %scan3A_330 = arith.constant 12 : i32
        %scan3A_331 = arith.addi %scan3A_329, %scan3A_330 : i32
        %scan3A_332 = arith.constant 1 : i32
        %scan3A_333:8 = scf.for %scan3A_472 = %scan3A_329 to %scan3A_331 step %scan3A_332 iter_args(%scan3A_473 = %scan3A_309#0, %scan3A_474 = %scan3A_309#1, %scan3A_475 = %scan3A_309#2, %scan3A_476 = %scan3A_309#3, %scan3A_477 = %scan3A_309#4, %scan3A_478 = %scan3A_309#5, %scan3A_479 = %scan3A_309#6, %scan3A_480 = %scan3A_309#7) -> (vector<16xf32>, vector<16xf32>, vector<16xf32>, vector<16xf32>, vector<16xf32>, vector<16xf32>, vector<16xf32>, vector<16xf32>)  : i32 {
          %mul3A_481 = arith.constant 8 : i32
          %mul3A_482 = arith.muli %scan3A_472, %mul3A_481 : i32
          %add3A_483 = arith.constant 104 : i32
          %add3A_484 = arith.addi %add3A_483, %mul3A_482 : i32
          %get3A_485 = arith.constant 0 : i32
          %get3A_486 = tpu.memref_slice %arg8[%add3A_319, %get3A_485] : memref<64x208xi32, #tpu.memory_space<vmem>> -> memref<1x208xi32, #tpu.memory_space<vmem>>
          %get3A_487 = tpu.memref_squeeze %get3A_486 : memref<1x208xi32, #tpu.memory_space<vmem>> -> memref<208xi32, #tpu.memory_space<vmem>>
          %get3A_488 = arith.index_cast %add3A_484 : i32 to index
          %get3A_489 = tpu.vector_load %get3A_487[%get3A_488] {strides = array<i32>} : memref<208xi32, #tpu.memory_space<vmem>>, vector<16xi32>,
          %slice3A_490 = vector.extract_strided_slice %get3A_489 {offsets = [0], sizes = [1], strides = [1]} : vector<16xi32> to vector<1xi32>
          %squeeze3A_491 = vector.extract %slice3A_490[0] : i32 from vector<1xi32>
          %add3A_492 = arith.constant 0 : i32
          %add3A_493 = arith.addi %mul3A_482, %add3A_492 : i32
          %add3A_494 = arith.constant 0 : i32
          %add3A_495 = arith.addi %squeeze3A_491, %add3A_494 : i32
          %get3A_496 = arith.index_cast %add3A_493 : i32 to index
          %get3A_497 = arith.index_cast %add3A_495 : i32 to index
          %get3A_498 = tpu.vector_load %arg14[%get3A_496, %get3A_497] {strides = array<i32>} : memref<104x64xi32, #tpu.memory_space<vmem>>, vector<16xi32>,
          %bitcast3A = vector.bitcast %get3A_498 : vector<16xi32> to vector<32xbf16>
          %unpack3A = tpu.unpack_subelements %bitcast3A, 0 {pack_format = #tpu.pack_format<interleaved>} : vector<32xbf16> -> vector<16xf32>
          %unpack3A_499 = tpu.unpack_subelements %bitcast3A, 1 {pack_format = #tpu.pack_format<interleaved>} : vector<32xbf16> -> vector<16xf32>
          %add3A_500 = arith.addf %scan3A_473, %unpack3A : vector<16xf32>
          %add3A_501 = arith.addf %scan3A_474, %unpack3A_499 : vector<16xf32>
          %add3A_502 = arith.constant 0 : i32
          %add3A_503 = arith.addi %mul3A_482, %add3A_502 : i32
          %add3A_504 = arith.constant 16 : i32
          %add3A_505 = arith.addi %squeeze3A_491, %add3A_504 : i32
          %get3A_506 = arith.index_cast %add3A_503 : i32 to index
          %get3A_507 = arith.index_cast %add3A_505 : i32 to index
          %get3A_508 = tpu.vector_load %arg14[%get3A_506, %get3A_507] {strides = array<i32>} : memref<104x64xi32, #tpu.memory_space<vmem>>, vector<16xi32>,
          %bitcast3A_509 = vector.bitcast %get3A_508 : vector<16xi32> to vector<32xbf16>
          %unpack3A_510 = tpu.unpack_subelements %bitcast3A_509, 0 {pack_format = #tpu.pack_format<interleaved>} : vector<32xbf16> -> vector<16xf32>
          %unpack3A_511 = tpu.unpack_subelements %bitcast3A_509, 1 {pack_format = #tpu.pack_format<interleaved>} : vector<32xbf16> -> vector<16xf32>
          %add3A_512 = arith.addf %scan3A_475, %unpack3A_510 : vector<16xf32>
          %add3A_513 = arith.addf %scan3A_476, %unpack3A_511 : vector<16xf32>
          %slice3A_514 = vector.extract_strided_slice %get3A_489 {offsets = [1], sizes = [1], strides = [1]} : vector<16xi32> to vector<1xi32>
          %squeeze3A_515 = vector.extract %slice3A_514[0] : i32 from vector<1xi32>
          %add3A_516 = arith.constant 1 : i32
          %add3A_517 = arith.addi %mul3A_482, %add3A_516 : i32
          %add3A_518 = arith.constant 0 : i32
          %add3A_519 = arith.addi %squeeze3A_515, %add3A_518 : i32
          %get3A_520 = arith.index_cast %add3A_517 : i32 to index
          %get3A_521 = arith.index_cast %add3A_519 : i32 to index
          %get3A_522 = tpu.vector_load %arg14[%get3A_520, %get3A_521] {strides = array<i32>} : memref<104x64xi32, #tpu.memory_space<vmem>>, vector<16xi32>,
          %bitcast3A_523 = vector.bitcast %get3A_522 : vector<16xi32> to vector<32xbf16>
          %unpack3A_524 = tpu.unpack_subelements %bitcast3A_523, 0 {pack_format = #tpu.pack_format<interleaved>} : vector<32xbf16> -> vector<16xf32>
          %unpack3A_525 = tpu.unpack_subelements %bitcast3A_523, 1 {pack_format = #tpu.pack_format<interleaved>} : vector<32xbf16> -> vector<16xf32>
          %add3A_526 = arith.addf %scan3A_477, %unpack3A_524 : vector<16xf32>
          %add3A_527 = arith.addf %scan3A_478, %unpack3A_525 : vector<16xf32>
          %add3A_528 = arith.constant 1 : i32
          %add3A_529 = arith.addi %mul3A_482, %add3A_528 : i32
          %add3A_530 = arith.constant 16 : i32
          %add3A_531 = arith.addi %squeeze3A_515, %add3A_530 : i32
          %get3A_532 = arith.index_cast %add3A_529 : i32 to index
          %get3A_533 = arith.index_cast %add3A_531 : i32 to index
          %get3A_534 = tpu.vector_load %arg14[%get3A_532, %get3A_533] {strides = array<i32>} : memref<104x64xi32, #tpu.memory_space<vmem>>, vector<16xi32>,
          %bitcast3A_535 = vector.bitcast %get3A_534 : vector<16xi32> to vector<32xbf16>
          %unpack3A_536 = tpu.unpack_subelements %bitcast3A_535, 0 {pack_format = #tpu.pack_format<interleaved>} : vector<32xbf16> -> vector<16xf32>
          %unpack3A_537 = tpu.unpack_subelements %bitcast3A_535, 1 {pack_format = #tpu.pack_format<interleaved>} : vector<32xbf16> -> vector<16xf32>
          %add3A_538 = arith.addf %scan3A_479, %unpack3A_536 : vector<16xf32>
          %add3A_539 = arith.addf %scan3A_480, %unpack3A_537 : vector<16xf32>
          %slice3A_540 = vector.extract_strided_slice %get3A_489 {offsets = [2], sizes = [1], strides = [1]} : vector<16xi32> to vector<1xi32>
          %squeeze3A_541 = vector.extract %slice3A_540[0] : i32 from vector<1xi32>
          %add3A_542 = arith.constant 2 : i32
          %add3A_543 = arith.addi %mul3A_482, %add3A_542 : i32
          %add3A_544 = arith.constant 0 : i32
          %add3A_545 = arith.addi %squeeze3A_541, %add3A_544 : i32
          %get3A_546 = arith.index_cast %add3A_543 : i32 to index
          %get3A_547 = arith.index_cast %add3A_545 : i32 to index
          %get3A_548 = tpu.vector_load %arg14[%get3A_546, %get3A_547] {strides = array<i32>} : memref<104x64xi32, #tpu.memory_space<vmem>>, vector<16xi32>,
          %bitcast3A_549 = vector.bitcast %get3A_548 : vector<16xi32> to vector<32xbf16>
          %unpack3A_550 = tpu.unpack_subelements %bitcast3A_549, 0 {pack_format = #tpu.pack_format<interleaved>} : vector<32xbf16> -> vector<16xf32>
          %unpack3A_551 = tpu.unpack_subelements %bitcast3A_549, 1 {pack_format = #tpu.pack_format<interleaved>} : vector<32xbf16> -> vector<16xf32>
          %add3A_552 = arith.addf %add3A_500, %unpack3A_550 : vector<16xf32>
          %add3A_553 = arith.addf %add3A_501, %unpack3A_551 : vector<16xf32>
          %add3A_554 = arith.constant 2 : i32
          %add3A_555 = arith.addi %mul3A_482, %add3A_554 : i32
          %add3A_556 = arith.constant 16 : i32
          %add3A_557 = arith.addi %squeeze3A_541, %add3A_556 : i32
          %get3A_558 = arith.index_cast %add3A_555 : i32 to index
          %get3A_559 = arith.index_cast %add3A_557 : i32 to index
          %get3A_560 = tpu.vector_load %arg14[%get3A_558, %get3A_559] {strides = array<i32>} : memref<104x64xi32, #tpu.memory_space<vmem>>, vector<16xi32>,
          %bitcast3A_561 = vector.bitcast %get3A_560 : vector<16xi32> to vector<32xbf16>
          %unpack3A_562 = tpu.unpack_subelements %bitcast3A_561, 0 {pack_format = #tpu.pack_format<interleaved>} : vector<32xbf16> -> vector<16xf32>
          %unpack3A_563 = tpu.unpack_subelements %bitcast3A_561, 1 {pack_format = #tpu.pack_format<interleaved>} : vector<32xbf16> -> vector<16xf32>
          %add3A_564 = arith.addf %add3A_512, %unpack3A_562 : vector<16xf32>
          %add3A_565 = arith.addf %add3A_513, %unpack3A_563 : vector<16xf32>
          %slice3A_566 = vector.extract_strided_slice %get3A_489 {offsets = [3], sizes = [1], strides = [1]} : vector<16xi32> to vector<1xi32>
          %squeeze3A_567 = vector.extract %slice3A_566[0] : i32 from vector<1xi32>
          %add3A_568 = arith.constant 3 : i32
          %add3A_569 = arith.addi %mul3A_482, %add3A_568 : i32
          %add3A_570 = arith.constant 0 : i32
          %add3A_571 = arith.addi %squeeze3A_567, %add3A_570 : i32
          %get3A_572 = arith.index_cast %add3A_569 : i32 to index
          %get3A_573 = arith.index_cast %add3A_571 : i32 to index
          %get3A_574 = tpu.vector_load %arg14[%get3A_572, %get3A_573] {strides = array<i32>} : memref<104x64xi32, #tpu.memory_space<vmem>>, vector<16xi32>,
          %bitcast3A_575 = vector.bitcast %get3A_574 : vector<16xi32> to vector<32xbf16>
          %unpack3A_576 = tpu.unpack_subelements %bitcast3A_575, 0 {pack_format = #tpu.pack_format<interleaved>} : vector<32xbf16> -> vector<16xf32>
          %unpack3A_577 = tpu.unpack_subelements %bitcast3A_575, 1 {pack_format = #tpu.pack_format<interleaved>} : vector<32xbf16> -> vector<16xf32>
          %add3A_578 = arith.addf %add3A_526, %unpack3A_576 : vector<16xf32>
          %add3A_579 = arith.addf %add3A_527, %unpack3A_577 : vector<16xf32>
          %add3A_580 = arith.constant 3 : i32
          %add3A_581 = arith.addi %mul3A_482, %add3A_580 : i32
          %add3A_582 = arith.constant 16 : i32
          %add3A_583 = arith.addi %squeeze3A_567, %add3A_582 : i32
          %get3A_584 = arith.index_cast %add3A_581 : i32 to index
          %get3A_585 = arith.index_cast %add3A_583 : i32 to index
          %get3A_586 = tpu.vector_load %arg14[%get3A_584, %get3A_585] {strides = array<i32>} : memref<104x64xi32, #tpu.memory_space<vmem>>, vector<16xi32>,
          %bitcast3A_587 = vector.bitcast %get3A_586 : vector<16xi32> to vector<32xbf16>
          %unpack3A_588 = tpu.unpack_subelements %bitcast3A_587, 0 {pack_format = #tpu.pack_format<interleaved>} : vector<32xbf16> -> vector<16xf32>
          %unpack3A_589 = tpu.unpack_subelements %bitcast3A_587, 1 {pack_format = #tpu.pack_format<interleaved>} : vector<32xbf16> -> vector<16xf32>
          %add3A_590 = arith.addf %add3A_538, %unpack3A_588 : vector<16xf32>
          %add3A_591 = arith.addf %add3A_539, %unpack3A_589 : vector<16xf32>
          %slice3A_592 = vector.extract_strided_slice %get3A_489 {offsets = [4], sizes = [1], strides = [1]} : vector<16xi32> to vector<1xi32>
          %squeeze3A_593 = vector.extract %slice3A_592[0] : i32 from vector<1xi32>
          %add3A_594 = arith.constant 4 : i32
          %add3A_595 = arith.addi %mul3A_482, %add3A_594 : i32
          %add3A_596 = arith.constant 0 : i32
          %add3A_597 = arith.addi %squeeze3A_593, %add3A_596 : i32
          %get3A_598 = arith.index_cast %add3A_595 : i32 to index
          %get3A_599 = arith.index_cast %add3A_597 : i32 to index
          %get3A_600 = tpu.vector_load %arg14[%get3A_598, %get3A_599] {strides = array<i32>} : memref<104x64xi32, #tpu.memory_space<vmem>>, vector<16xi32>,
          %bitcast3A_601 = vector.bitcast %get3A_600 : vector<16xi32> to vector<32xbf16>
          %unpack3A_602 = tpu.unpack_subelements %bitcast3A_601, 0 {pack_format = #tpu.pack_format<interleaved>} : vector<32xbf16> -> vector<16xf32>
          %unpack3A_603 = tpu.unpack_subelements %bitcast3A_601, 1 {pack_format = #tpu.pack_format<interleaved>} : vector<32xbf16> -> vector<16xf32>
          %add3A_604 = arith.addf %add3A_552, %unpack3A_602 : vector<16xf32>
          %add3A_605 = arith.addf %add3A_553, %unpack3A_603 : vector<16xf32>
          %add3A_606 = arith.constant 4 : i32
          %add3A_607 = arith.addi %mul3A_482, %add3A_606 : i32
          %add3A_608 = arith.constant 16 : i32
          %add3A_609 = arith.addi %squeeze3A_593, %add3A_608 : i32
          %get3A_610 = arith.index_cast %add3A_607 : i32 to index
          %get3A_611 = arith.index_cast %add3A_609 : i32 to index
          %get3A_612 = tpu.vector_load %arg14[%get3A_610, %get3A_611] {strides = array<i32>} : memref<104x64xi32, #tpu.memory_space<vmem>>, vector<16xi32>,
          %bitcast3A_613 = vector.bitcast %get3A_612 : vector<16xi32> to vector<32xbf16>
          %unpack3A_614 = tpu.unpack_subelements %bitcast3A_613, 0 {pack_format = #tpu.pack_format<interleaved>} : vector<32xbf16> -> vector<16xf32>
          %unpack3A_615 = tpu.unpack_subelements %bitcast3A_613, 1 {pack_format = #tpu.pack_format<interleaved>} : vector<32xbf16> -> vector<16xf32>
          %add3A_616 = arith.addf %add3A_564, %unpack3A_614 : vector<16xf32>
          %add3A_617 = arith.addf %add3A_565, %unpack3A_615 : vector<16xf32>
          %slice3A_618 = vector.extract_strided_slice %get3A_489 {offsets = [5], sizes = [1], strides = [1]} : vector<16xi32> to vector<1xi32>
          %squeeze3A_619 = vector.extract %slice3A_618[0] : i32 from vector<1xi32>
          %add3A_620 = arith.constant 5 : i32
          %add3A_621 = arith.addi %mul3A_482, %add3A_620 : i32
          %add3A_622 = arith.constant 0 : i32
          %add3A_623 = arith.addi %squeeze3A_619, %add3A_622 : i32
          %get3A_624 = arith.index_cast %add3A_621 : i32 to index
          %get3A_625 = arith.index_cast %add3A_623 : i32 to index
          %get3A_626 = tpu.vector_load %arg14[%get3A_624, %get3A_625] {strides = array<i32>} : memref<104x64xi32, #tpu.memory_space<vmem>>, vector<16xi32>,
          %bitcast3A_627 = vector.bitcast %get3A_626 : vector<16xi32> to vector<32xbf16>
          %unpack3A_628 = tpu.unpack_subelements %bitcast3A_627, 0 {pack_format = #tpu.pack_format<interleaved>} : vector<32xbf16> -> vector<16xf32>
          %unpack3A_629 = tpu.unpack_subelements %bitcast3A_627, 1 {pack_format = #tpu.pack_format<interleaved>} : vector<32xbf16> -> vector<16xf32>
          %add3A_630 = arith.addf %add3A_578, %unpack3A_628 : vector<16xf32>
          %add3A_631 = arith.addf %add3A_579, %unpack3A_629 : vector<16xf32>
          %add3A_632 = arith.constant 5 : i32
          %add3A_633 = arith.addi %mul3A_482, %add3A_632 : i32
          %add3A_634 = arith.constant 16 : i32
          %add3A_635 = arith.addi %squeeze3A_619, %add3A_634 : i32
          %get3A_636 = arith.index_cast %add3A_633 : i32 to index
          %get3A_637 = arith.index_cast %add3A_635 : i32 to index
          %get3A_638 = tpu.vector_load %arg14[%get3A_636, %get3A_637] {strides = array<i32>} : memref<104x64xi32, #tpu.memory_space<vmem>>, vector<16xi32>,
          %bitcast3A_639 = vector.bitcast %get3A_638 : vector<16xi32> to vector<32xbf16>
          %unpack3A_640 = tpu.unpack_subelements %bitcast3A_639, 0 {pack_format = #tpu.pack_format<interleaved>} : vector<32xbf16> -> vector<16xf32>
          %unpack3A_641 = tpu.unpack_subelements %bitcast3A_639, 1 {pack_format = #tpu.pack_format<interleaved>} : vector<32xbf16> -> vector<16xf32>
          %add3A_642 = arith.addf %add3A_590, %unpack3A_640 : vector<16xf32>
          %add3A_643 = arith.addf %add3A_591, %unpack3A_641 : vector<16xf32>
          %slice3A_644 = vector.extract_strided_slice %get3A_489 {offsets = [6], sizes = [1], strides = [1]} : vector<16xi32> to vector<1xi32>
          %squeeze3A_645 = vector.extract %slice3A_644[0] : i32 from vector<1xi32>
          %add3A_646 = arith.constant 6 : i32
          %add3A_647 = arith.addi %mul3A_482, %add3A_646 : i32
          %add3A_648 = arith.constant 0 : i32
          %add3A_649 = arith.addi %squeeze3A_645, %add3A_648 : i32
          %get3A_650 = arith.index_cast %add3A_647 : i32 to index
          %get3A_651 = arith.index_cast %add3A_649 : i32 to index
          %get3A_652 = tpu.vector_load %arg14[%get3A_650, %get3A_651] {strides = array<i32>} : memref<104x64xi32, #tpu.memory_space<vmem>>, vector<16xi32>,
          %bitcast3A_653 = vector.bitcast %get3A_652 : vector<16xi32> to vector<32xbf16>
          %unpack3A_654 = tpu.unpack_subelements %bitcast3A_653, 0 {pack_format = #tpu.pack_format<interleaved>} : vector<32xbf16> -> vector<16xf32>
          %unpack3A_655 = tpu.unpack_subelements %bitcast3A_653, 1 {pack_format = #tpu.pack_format<interleaved>} : vector<32xbf16> -> vector<16xf32>
          %add3A_656 = arith.addf %add3A_604, %unpack3A_654 : vector<16xf32>
          %add3A_657 = arith.addf %add3A_605, %unpack3A_655 : vector<16xf32>
          %add3A_658 = arith.constant 6 : i32
          %add3A_659 = arith.addi %mul3A_482, %add3A_658 : i32
          %add3A_660 = arith.constant 16 : i32
          %add3A_661 = arith.addi %squeeze3A_645, %add3A_660 : i32
          %get3A_662 = arith.index_cast %add3A_659 : i32 to index
          %get3A_663 = arith.index_cast %add3A_661 : i32 to index
          %get3A_664 = tpu.vector_load %arg14[%get3A_662, %get3A_663] {strides = array<i32>} : memref<104x64xi32, #tpu.memory_space<vmem>>, vector<16xi32>,
          %bitcast3A_665 = vector.bitcast %get3A_664 : vector<16xi32> to vector<32xbf16>
          %unpack3A_666 = tpu.unpack_subelements %bitcast3A_665, 0 {pack_format = #tpu.pack_format<interleaved>} : vector<32xbf16> -> vector<16xf32>
          %unpack3A_667 = tpu.unpack_subelements %bitcast3A_665, 1 {pack_format = #tpu.pack_format<interleaved>} : vector<32xbf16> -> vector<16xf32>
          %add3A_668 = arith.addf %add3A_616, %unpack3A_666 : vector<16xf32>
          %add3A_669 = arith.addf %add3A_617, %unpack3A_667 : vector<16xf32>
          %slice3A_670 = vector.extract_strided_slice %get3A_489 {offsets = [7], sizes = [1], strides = [1]} : vector<16xi32> to vector<1xi32>
          %squeeze3A_671 = vector.extract %slice3A_670[0] : i32 from vector<1xi32>
          %add3A_672 = arith.constant 7 : i32
          %add3A_673 = arith.addi %mul3A_482, %add3A_672 : i32
          %add3A_674 = arith.constant 0 : i32
          %add3A_675 = arith.addi %squeeze3A_671, %add3A_674 : i32
          %get3A_676 = arith.index_cast %add3A_673 : i32 to index
          %get3A_677 = arith.index_cast %add3A_675 : i32 to index
          %get3A_678 = tpu.vector_load %arg14[%get3A_676, %get3A_677] {strides = array<i32>} : memref<104x64xi32, #tpu.memory_space<vmem>>, vector<16xi32>,
          %bitcast3A_679 = vector.bitcast %get3A_678 : vector<16xi32> to vector<32xbf16>
          %unpack3A_680 = tpu.unpack_subelements %bitcast3A_679, 0 {pack_format = #tpu.pack_format<interleaved>} : vector<32xbf16> -> vector<16xf32>
          %unpack3A_681 = tpu.unpack_subelements %bitcast3A_679, 1 {pack_format = #tpu.pack_format<interleaved>} : vector<32xbf16> -> vector<16xf32>
          %add3A_682 = arith.addf %add3A_630, %unpack3A_680 : vector<16xf32>
          %add3A_683 = arith.addf %add3A_631, %unpack3A_681 : vector<16xf32>
          %add3A_684 = arith.constant 7 : i32
          %add3A_685 = arith.addi %mul3A_482, %add3A_684 : i32
          %add3A_686 = arith.constant 16 : i32
          %add3A_687 = arith.addi %squeeze3A_671, %add3A_686 : i32
          %get3A_688 = arith.index_cast %add3A_685 : i32 to index
          %get3A_689 = arith.index_cast %add3A_687 : i32 to index
          %get3A_690 = tpu.vector_load %arg14[%get3A_688, %get3A_689] {strides = array<i32>} : memref<104x64xi32, #tpu.memory_space<vmem>>, vector<16xi32>,
          %bitcast3A_691 = vector.bitcast %get3A_690 : vector<16xi32> to vector<32xbf16>
          %unpack3A_692 = tpu.unpack_subelements %bitcast3A_691, 0 {pack_format = #tpu.pack_format<interleaved>} : vector<32xbf16> -> vector<16xf32>
          %unpack3A_693 = tpu.unpack_subelements %bitcast3A_691, 1 {pack_format = #tpu.pack_format<interleaved>} : vector<32xbf16> -> vector<16xf32>
          %add3A_694 = arith.addf %add3A_642, %unpack3A_692 : vector<16xf32>
          %add3A_695 = arith.addf %add3A_643, %unpack3A_693 : vector<16xf32>
          scf.yield %add3A_656, %add3A_657, %add3A_668, %add3A_669, %add3A_682, %add3A_683, %add3A_694, %add3A_695 : vector<16xf32>, vector<16xf32>, vector<16xf32>, vector<16xf32>, vector<16xf32>, vector<16xf32>, vector<16xf32>, vector<16xf32>
        }
        %scan3A_334 = arith.constant 12 : i32
        %add3A_335 = arith.addf %scan3A_333#0, %scan3A_333#4 : vector<16xf32>
        %mul3A_336 = vector.broadcast %squeeze3A : f32 to vector<16xf32>
        %mul3A_337 = arith.mulf %add3A_335, %mul3A_336 : vector<16xf32>
        %add3A_338 = arith.addf %scan3A_333#1, %scan3A_333#5 : vector<16xf32>
        %mul3A_339 = vector.broadcast %squeeze3A : f32 to vector<16xf32>
        %mul3A_340 = arith.mulf %add3A_338, %mul3A_339 : vector<16xf32>
        %add3A_341 = arith.constant 0 : i32
        %add3A_342 = vector.broadcast %add3A_341 : i32 to vector<16xi32>
        %add3A_343 = arith.addi %mul3A_6, %add3A_342 : vector<16xi32>
        %scatter3A_344 = arith.constant 0 : i32
        %scatter3A_345 = tpu.memref_slice %arg17[%add3A_319, %scatter3A_344] : memref<64x64xf32, #tpu.memory_space<vmem>> -> memref<1x64xf32, #tpu.memory_space<vmem>>
        %scatter3A_346 = tpu.memref_squeeze %scatter3A_345 : memref<1x64xf32, #tpu.memory_space<vmem>> -> memref<64xf32, #tpu.memory_space<vmem>>
        tpu.vector_store_idx %scatter3A_346[%add3A_343], %mul3A_337 : memref<64xf32, #tpu.memory_space<vmem>>[vector<16xi32>], vector<16xf32>,
        %add3A_347 = arith.constant 0 : i32
        %add3A_348 = vector.broadcast %add3A_347 : i32 to vector<16xi32>
        %add3A_349 = arith.addi %mul3A_6, %add3A_348 : vector<16xi32>
        %add3A_350 = arith.constant 1 : i32
        %add3A_351 = vector.broadcast %add3A_350 : i32 to vector<16xi32>
        %add3A_352 = arith.addi %add3A_349, %add3A_351 : vector<16xi32>
        %scatter3A_353 = arith.constant 0 : i32
        %scatter3A_354 = tpu.memref_slice %arg17[%add3A_319, %scatter3A_353] : memref<64x64xf32, #tpu.memory_space<vmem>> -> memref<1x64xf32, #tpu.memory_space<vmem>>
        %scatter3A_355 = tpu.memref_squeeze %scatter3A_354 : memref<1x64xf32, #tpu.memory_space<vmem>> -> memref<64xf32, #tpu.memory_space<vmem>>
        tpu.vector_store_idx %scatter3A_355[%add3A_352], %mul3A_340 : memref<64xf32, #tpu.memory_space<vmem>>[vector<16xi32>], vector<16xf32>,
        %add3A_356 = arith.addf %scan3A_333#2, %scan3A_333#6 : vector<16xf32>
        %mul3A_357 = vector.broadcast %squeeze3A : f32 to vector<16xf32>
        %mul3A_358 = arith.mulf %add3A_356, %mul3A_357 : vector<16xf32>
        %add3A_359 = arith.addf %scan3A_333#3, %scan3A_333#7 : vector<16xf32>
        %mul3A_360 = vector.broadcast %squeeze3A : f32 to vector<16xf32>
        %mul3A_361 = arith.mulf %add3A_359, %mul3A_360 : vector<16xf32>
        %add3A_362 = arith.constant 32 : i32
        %add3A_363 = vector.broadcast %add3A_362 : i32 to vector<16xi32>
        %add3A_364 = arith.addi %mul3A_6, %add3A_363 : vector<16xi32>
        %scatter3A_365 = arith.constant 0 : i32
        %scatter3A_366 = tpu.memref_slice %arg17[%add3A_319, %scatter3A_365] : memref<64x64xf32, #tpu.memory_space<vmem>> -> memref<1x64xf32, #tpu.memory_space<vmem>>
        %scatter3A_367 = tpu.memref_squeeze %scatter3A_366 : memref<1x64xf32, #tpu.memory_space<vmem>> -> memref<64xf32, #tpu.memory_space<vmem>>
        tpu.vector_store_idx %scatter3A_367[%add3A_364], %mul3A_358 : memref<64xf32, #tpu.memory_space<vmem>>[vector<16xi32>], vector<16xf32>,
        %add3A_368 = arith.constant 32 : i32
        %add3A_369 = vector.broadcast %add3A_368 : i32 to vector<16xi32>
        %add3A_370 = arith.addi %mul3A_6, %add3A_369 : vector<16xi32>
        %add3A_371 = arith.constant 1 : i32
        %add3A_372 = vector.broadcast %add3A_371 : i32 to vector<16xi32>
        %add3A_373 = arith.addi %add3A_370, %add3A_372 : vector<16xi32>
        %scatter3A_374 = arith.constant 0 : i32
        %scatter3A_375 = tpu.memref_slice %arg17[%add3A_319, %scatter3A_374] : memref<64x64xf32, #tpu.memory_space<vmem>> -> memref<1x64xf32, #tpu.memory_space<vmem>>
        %scatter3A_376 = tpu.memref_squeeze %scatter3A_375 : memref<1x64xf32, #tpu.memory_space<vmem>> -> memref<64xf32, #tpu.memory_space<vmem>>
        tpu.vector_store_idx %scatter3A_376[%add3A_373], %mul3A_361 : memref<64xf32, #tpu.memory_space<vmem>>[vector<16xi32>], vector<16xf32>,
        %lt3A_377 = arith.constant 15 : i32
        %lt3A_378 = arith.cmpi slt, %scan3A_116, %lt3A_377 : i32
        %convert_element_type3A_379 = arith.extui %lt3A_378 : i1 to i32
        %cond3A_380 = arith.constant 0 : i32
        %cond3A_381 = arith.cmpi ne, %convert_element_type3A_379, %cond3A_380 : i32
        scf.if %cond3A_381 {
          %add3A_472 = arith.constant 4 : i32
          %add3A_473 = arith.addi %add3A_319, %add3A_472 : i32
          %dma_start3A_474 = arith.constant 0 : i32
          %dma_start3A_475 = arith.constant 0 : i32
          %dma_start3A_476 = tpu.memref_slice %arg14[%dma_start3A_474, %dma_start3A_475] : memref<104x64xi32, #tpu.memory_space<vmem>> -> memref<96x64xi32, #tpu.memory_space<vmem>>
          %dma_start3A_477 = arith.constant 104 : i32
          %dma_start3A_478 = tpu.memref_slice %arg7[%add3A_473, %dma_start3A_477] : memref<64x200xi32, #tpu.memory_space<vmem>> -> memref<1x96xi32, #tpu.memory_space<vmem>>
          %dma_start3A_479 = tpu.memref_squeeze %dma_start3A_478 : memref<1x96xi32, #tpu.memory_space<vmem>> -> memref<96xi32, #tpu.memory_space<vmem>>
          %dma_start3A_480 = arith.constant 0 : i32
          %dma_start3A_481 = arith.constant 0 : i32
          %dma_start3A_482 = tpu.memref_slice %arg4[%dma_start3A_480, %dma_start3A_481] : memref<524288x64xi32, #tpu.memory_space<hbm>> -> memref<524288x64xi32, #tpu.memory_space<hbm>>
          tpu.enqueue_indirect_dma source(%dma_start3A_482 : memref<524288x64xi32, #tpu.memory_space<hbm>>) target(%dma_start3A_476 : memref<96x64xi32, #tpu.memory_space<vmem>>) offsets(%dma_start3A_479 : memref<96xi32, #tpu.memory_space<vmem>>) semaphore(%arg23 : memref<!tpu.dma_semaphore, #tpu.memory_space<semaphore_mem>>)
        } else {
        }
        %mul3A_382 = arith.constant 4 : i32
        %mul3A_383 = arith.muli %scan3A_116, %mul3A_382 : i32
        %add3A_384 = arith.constant 3 : i32
        %add3A_385 = arith.addi %mul3A_383, %add3A_384 : i32
        %dma_wait3A_386 = arith.constant 0 : i32
        %dma_wait3A_387 = arith.constant 0 : i32
        %dma_wait3A_388 = tpu.memref_slice %arg15[%dma_wait3A_386, %dma_wait3A_387] : memref<104x64xi32, #tpu.memory_space<vmem>> -> memref<104x64xi32, #tpu.memory_space<vmem>>
        %dma_wait3A_389 = arith.constant 0 : i32
        %dma_wait3A_390 = tpu.memref_slice %arg7[%add3A_385, %dma_wait3A_389] : memref<64x200xi32, #tpu.memory_space<vmem>> -> memref<1x104xi32, #tpu.memory_space<vmem>>
        %dma_wait3A_391 = tpu.memref_squeeze %dma_wait3A_390 : memref<1x104xi32, #tpu.memory_space<vmem>> -> memref<104xi32, #tpu.memory_space<vmem>>
        %dma_wait3A_392 = arith.constant 0 : i32
        %dma_wait3A_393 = arith.constant 0 : i32
        %dma_wait3A_394 = tpu.memref_slice %arg4[%dma_wait3A_392, %dma_wait3A_393] : memref<524288x64xi32, #tpu.memory_space<hbm>> -> memref<524288x64xi32, #tpu.memory_space<hbm>>
        tpu.wait_indirect_dma semaphore(%arg24 : memref<!tpu.dma_semaphore, #tpu.memory_space<semaphore_mem>>) src(%dma_wait3A_394 : memref<524288x64xi32, #tpu.memory_space<hbm>>) dst(%dma_wait3A_388 : memref<104x64xi32, #tpu.memory_space<vmem>>)
        %scan3A_395 = arith.constant 0 : i32
        %scan3A_396 = arith.constant 13 : i32
        %scan3A_397 = arith.addi %scan3A_395, %scan3A_396 : i32
        %scan3A_398 = arith.constant 1 : i32
        %scan3A_399:8 = scf.for %scan3A_472 = %scan3A_395 to %scan3A_397 step %scan3A_398 iter_args(%scan3A_473 = %broadcast_in_dim3A_7, %scan3A_474 = %broadcast_in_dim3A_9, %scan3A_475 = %broadcast_in_dim3A_11, %scan3A_476 = %broadcast_in_dim3A_13, %scan3A_477 = %broadcast_in_dim3A_15, %scan3A_478 = %broadcast_in_dim3A_17, %scan3A_479 = %broadcast_in_dim3A_19, %scan3A_480 = %broadcast_in_dim3A_21) -> (vector<16xf32>, vector<16xf32>, vector<16xf32>, vector<16xf32>, vector<16xf32>, vector<16xf32>, vector<16xf32>, vector<16xf32>)  : i32 {
          %mul3A_481 = arith.constant 8 : i32
          %mul3A_482 = arith.muli %scan3A_472, %mul3A_481 : i32
          %add3A_483 = arith.constant 0 : i32
          %add3A_484 = arith.addi %add3A_483, %mul3A_482 : i32
          %get3A_485 = arith.constant 0 : i32
          %get3A_486 = tpu.memref_slice %arg8[%add3A_385, %get3A_485] : memref<64x208xi32, #tpu.memory_space<vmem>> -> memref<1x208xi32, #tpu.memory_space<vmem>>
          %get3A_487 = tpu.memref_squeeze %get3A_486 : memref<1x208xi32, #tpu.memory_space<vmem>> -> memref<208xi32, #tpu.memory_space<vmem>>
          %get3A_488 = arith.index_cast %add3A_484 : i32 to index
          %get3A_489 = tpu.vector_load %get3A_487[%get3A_488] {strides = array<i32>} : memref<208xi32, #tpu.memory_space<vmem>>, vector<16xi32>,
          %slice3A_490 = vector.extract_strided_slice %get3A_489 {offsets = [0], sizes = [1], strides = [1]} : vector<16xi32> to vector<1xi32>
          %squeeze3A_491 = vector.extract %slice3A_490[0] : i32 from vector<1xi32>
          %add3A_492 = arith.constant 0 : i32
          %add3A_493 = arith.addi %mul3A_482, %add3A_492 : i32
          %add3A_494 = arith.constant 0 : i32
          %add3A_495 = arith.addi %squeeze3A_491, %add3A_494 : i32
          %get3A_496 = arith.index_cast %add3A_493 : i32 to index
          %get3A_497 = arith.index_cast %add3A_495 : i32 to index
          %get3A_498 = tpu.vector_load %arg15[%get3A_496, %get3A_497] {strides = array<i32>} : memref<104x64xi32, #tpu.memory_space<vmem>>, vector<16xi32>,
          %bitcast3A = vector.bitcast %get3A_498 : vector<16xi32> to vector<32xbf16>
          %unpack3A = tpu.unpack_subelements %bitcast3A, 0 {pack_format = #tpu.pack_format<interleaved>} : vector<32xbf16> -> vector<16xf32>
          %unpack3A_499 = tpu.unpack_subelements %bitcast3A, 1 {pack_format = #tpu.pack_format<interleaved>} : vector<32xbf16> -> vector<16xf32>
          %add3A_500 = arith.addf %scan3A_473, %unpack3A : vector<16xf32>
          %add3A_501 = arith.addf %scan3A_474, %unpack3A_499 : vector<16xf32>
          %add3A_502 = arith.constant 0 : i32
          %add3A_503 = arith.addi %mul3A_482, %add3A_502 : i32
          %add3A_504 = arith.constant 16 : i32
          %add3A_505 = arith.addi %squeeze3A_491, %add3A_504 : i32
          %get3A_506 = arith.index_cast %add3A_503 : i32 to index
          %get3A_507 = arith.index_cast %add3A_505 : i32 to index
          %get3A_508 = tpu.vector_load %arg15[%get3A_506, %get3A_507] {strides = array<i32>} : memref<104x64xi32, #tpu.memory_space<vmem>>, vector<16xi32>,
          %bitcast3A_509 = vector.bitcast %get3A_508 : vector<16xi32> to vector<32xbf16>
          %unpack3A_510 = tpu.unpack_subelements %bitcast3A_509, 0 {pack_format = #tpu.pack_format<interleaved>} : vector<32xbf16> -> vector<16xf32>
          %unpack3A_511 = tpu.unpack_subelements %bitcast3A_509, 1 {pack_format = #tpu.pack_format<interleaved>} : vector<32xbf16> -> vector<16xf32>
          %add3A_512 = arith.addf %scan3A_475, %unpack3A_510 : vector<16xf32>
          %add3A_513 = arith.addf %scan3A_476, %unpack3A_511 : vector<16xf32>
          %slice3A_514 = vector.extract_strided_slice %get3A_489 {offsets = [1], sizes = [1], strides = [1]} : vector<16xi32> to vector<1xi32>
          %squeeze3A_515 = vector.extract %slice3A_514[0] : i32 from vector<1xi32>
          %add3A_516 = arith.constant 1 : i32
          %add3A_517 = arith.addi %mul3A_482, %add3A_516 : i32
          %add3A_518 = arith.constant 0 : i32
          %add3A_519 = arith.addi %squeeze3A_515, %add3A_518 : i32
          %get3A_520 = arith.index_cast %add3A_517 : i32 to index
          %get3A_521 = arith.index_cast %add3A_519 : i32 to index
          %get3A_522 = tpu.vector_load %arg15[%get3A_520, %get3A_521] {strides = array<i32>} : memref<104x64xi32, #tpu.memory_space<vmem>>, vector<16xi32>,
          %bitcast3A_523 = vector.bitcast %get3A_522 : vector<16xi32> to vector<32xbf16>
          %unpack3A_524 = tpu.unpack_subelements %bitcast3A_523, 0 {pack_format = #tpu.pack_format<interleaved>} : vector<32xbf16> -> vector<16xf32>
          %unpack3A_525 = tpu.unpack_subelements %bitcast3A_523, 1 {pack_format = #tpu.pack_format<interleaved>} : vector<32xbf16> -> vector<16xf32>
          %add3A_526 = arith.addf %scan3A_477, %unpack3A_524 : vector<16xf32>
          %add3A_527 = arith.addf %scan3A_478, %unpack3A_525 : vector<16xf32>
          %add3A_528 = arith.constant 1 : i32
          %add3A_529 = arith.addi %mul3A_482, %add3A_528 : i32
          %add3A_530 = arith.constant 16 : i32
          %add3A_531 = arith.addi %squeeze3A_515, %add3A_530 : i32
          %get3A_532 = arith.index_cast %add3A_529 : i32 to index
          %get3A_533 = arith.index_cast %add3A_531 : i32 to index
          %get3A_534 = tpu.vector_load %arg15[%get3A_532, %get3A_533] {strides = array<i32>} : memref<104x64xi32, #tpu.memory_space<vmem>>, vector<16xi32>,
          %bitcast3A_535 = vector.bitcast %get3A_534 : vector<16xi32> to vector<32xbf16>
          %unpack3A_536 = tpu.unpack_subelements %bitcast3A_535, 0 {pack_format = #tpu.pack_format<interleaved>} : vector<32xbf16> -> vector<16xf32>
          %unpack3A_537 = tpu.unpack_subelements %bitcast3A_535, 1 {pack_format = #tpu.pack_format<interleaved>} : vector<32xbf16> -> vector<16xf32>
          %add3A_538 = arith.addf %scan3A_479, %unpack3A_536 : vector<16xf32>
          %add3A_539 = arith.addf %scan3A_480, %unpack3A_537 : vector<16xf32>
          %slice3A_540 = vector.extract_strided_slice %get3A_489 {offsets = [2], sizes = [1], strides = [1]} : vector<16xi32> to vector<1xi32>
          %squeeze3A_541 = vector.extract %slice3A_540[0] : i32 from vector<1xi32>
          %add3A_542 = arith.constant 2 : i32
          %add3A_543 = arith.addi %mul3A_482, %add3A_542 : i32
          %add3A_544 = arith.constant 0 : i32
          %add3A_545 = arith.addi %squeeze3A_541, %add3A_544 : i32
          %get3A_546 = arith.index_cast %add3A_543 : i32 to index
          %get3A_547 = arith.index_cast %add3A_545 : i32 to index
          %get3A_548 = tpu.vector_load %arg15[%get3A_546, %get3A_547] {strides = array<i32>} : memref<104x64xi32, #tpu.memory_space<vmem>>, vector<16xi32>,
          %bitcast3A_549 = vector.bitcast %get3A_548 : vector<16xi32> to vector<32xbf16>
          %unpack3A_550 = tpu.unpack_subelements %bitcast3A_549, 0 {pack_format = #tpu.pack_format<interleaved>} : vector<32xbf16> -> vector<16xf32>
          %unpack3A_551 = tpu.unpack_subelements %bitcast3A_549, 1 {pack_format = #tpu.pack_format<interleaved>} : vector<32xbf16> -> vector<16xf32>
          %add3A_552 = arith.addf %add3A_500, %unpack3A_550 : vector<16xf32>
          %add3A_553 = arith.addf %add3A_501, %unpack3A_551 : vector<16xf32>
          %add3A_554 = arith.constant 2 : i32
          %add3A_555 = arith.addi %mul3A_482, %add3A_554 : i32
          %add3A_556 = arith.constant 16 : i32
          %add3A_557 = arith.addi %squeeze3A_541, %add3A_556 : i32
          %get3A_558 = arith.index_cast %add3A_555 : i32 to index
          %get3A_559 = arith.index_cast %add3A_557 : i32 to index
          %get3A_560 = tpu.vector_load %arg15[%get3A_558, %get3A_559] {strides = array<i32>} : memref<104x64xi32, #tpu.memory_space<vmem>>, vector<16xi32>,
          %bitcast3A_561 = vector.bitcast %get3A_560 : vector<16xi32> to vector<32xbf16>
          %unpack3A_562 = tpu.unpack_subelements %bitcast3A_561, 0 {pack_format = #tpu.pack_format<interleaved>} : vector<32xbf16> -> vector<16xf32>
          %unpack3A_563 = tpu.unpack_subelements %bitcast3A_561, 1 {pack_format = #tpu.pack_format<interleaved>} : vector<32xbf16> -> vector<16xf32>
          %add3A_564 = arith.addf %add3A_512, %unpack3A_562 : vector<16xf32>
          %add3A_565 = arith.addf %add3A_513, %unpack3A_563 : vector<16xf32>
          %slice3A_566 = vector.extract_strided_slice %get3A_489 {offsets = [3], sizes = [1], strides = [1]} : vector<16xi32> to vector<1xi32>
          %squeeze3A_567 = vector.extract %slice3A_566[0] : i32 from vector<1xi32>
          %add3A_568 = arith.constant 3 : i32
          %add3A_569 = arith.addi %mul3A_482, %add3A_568 : i32
          %add3A_570 = arith.constant 0 : i32
          %add3A_571 = arith.addi %squeeze3A_567, %add3A_570 : i32
          %get3A_572 = arith.index_cast %add3A_569 : i32 to index
          %get3A_573 = arith.index_cast %add3A_571 : i32 to index
          %get3A_574 = tpu.vector_load %arg15[%get3A_572, %get3A_573] {strides = array<i32>} : memref<104x64xi32, #tpu.memory_space<vmem>>, vector<16xi32>,
          %bitcast3A_575 = vector.bitcast %get3A_574 : vector<16xi32> to vector<32xbf16>
          %unpack3A_576 = tpu.unpack_subelements %bitcast3A_575, 0 {pack_format = #tpu.pack_format<interleaved>} : vector<32xbf16> -> vector<16xf32>
          %unpack3A_577 = tpu.unpack_subelements %bitcast3A_575, 1 {pack_format = #tpu.pack_format<interleaved>} : vector<32xbf16> -> vector<16xf32>
          %add3A_578 = arith.addf %add3A_526, %unpack3A_576 : vector<16xf32>
          %add3A_579 = arith.addf %add3A_527, %unpack3A_577 : vector<16xf32>
          %add3A_580 = arith.constant 3 : i32
          %add3A_581 = arith.addi %mul3A_482, %add3A_580 : i32
          %add3A_582 = arith.constant 16 : i32
          %add3A_583 = arith.addi %squeeze3A_567, %add3A_582 : i32
          %get3A_584 = arith.index_cast %add3A_581 : i32 to index
          %get3A_585 = arith.index_cast %add3A_583 : i32 to index
          %get3A_586 = tpu.vector_load %arg15[%get3A_584, %get3A_585] {strides = array<i32>} : memref<104x64xi32, #tpu.memory_space<vmem>>, vector<16xi32>,
          %bitcast3A_587 = vector.bitcast %get3A_586 : vector<16xi32> to vector<32xbf16>
          %unpack3A_588 = tpu.unpack_subelements %bitcast3A_587, 0 {pack_format = #tpu.pack_format<interleaved>} : vector<32xbf16> -> vector<16xf32>
          %unpack3A_589 = tpu.unpack_subelements %bitcast3A_587, 1 {pack_format = #tpu.pack_format<interleaved>} : vector<32xbf16> -> vector<16xf32>
          %add3A_590 = arith.addf %add3A_538, %unpack3A_588 : vector<16xf32>
          %add3A_591 = arith.addf %add3A_539, %unpack3A_589 : vector<16xf32>
          %slice3A_592 = vector.extract_strided_slice %get3A_489 {offsets = [4], sizes = [1], strides = [1]} : vector<16xi32> to vector<1xi32>
          %squeeze3A_593 = vector.extract %slice3A_592[0] : i32 from vector<1xi32>
          %add3A_594 = arith.constant 4 : i32
          %add3A_595 = arith.addi %mul3A_482, %add3A_594 : i32
          %add3A_596 = arith.constant 0 : i32
          %add3A_597 = arith.addi %squeeze3A_593, %add3A_596 : i32
          %get3A_598 = arith.index_cast %add3A_595 : i32 to index
          %get3A_599 = arith.index_cast %add3A_597 : i32 to index
          %get3A_600 = tpu.vector_load %arg15[%get3A_598, %get3A_599] {strides = array<i32>} : memref<104x64xi32, #tpu.memory_space<vmem>>, vector<16xi32>,
          %bitcast3A_601 = vector.bitcast %get3A_600 : vector<16xi32> to vector<32xbf16>
          %unpack3A_602 = tpu.unpack_subelements %bitcast3A_601, 0 {pack_format = #tpu.pack_format<interleaved>} : vector<32xbf16> -> vector<16xf32>
          %unpack3A_603 = tpu.unpack_subelements %bitcast3A_601, 1 {pack_format = #tpu.pack_format<interleaved>} : vector<32xbf16> -> vector<16xf32>
          %add3A_604 = arith.addf %add3A_552, %unpack3A_602 : vector<16xf32>
          %add3A_605 = arith.addf %add3A_553, %unpack3A_603 : vector<16xf32>
          %add3A_606 = arith.constant 4 : i32
          %add3A_607 = arith.addi %mul3A_482, %add3A_606 : i32
          %add3A_608 = arith.constant 16 : i32
          %add3A_609 = arith.addi %squeeze3A_593, %add3A_608 : i32
          %get3A_610 = arith.index_cast %add3A_607 : i32 to index
          %get3A_611 = arith.index_cast %add3A_609 : i32 to index
          %get3A_612 = tpu.vector_load %arg15[%get3A_610, %get3A_611] {strides = array<i32>} : memref<104x64xi32, #tpu.memory_space<vmem>>, vector<16xi32>,
          %bitcast3A_613 = vector.bitcast %get3A_612 : vector<16xi32> to vector<32xbf16>
          %unpack3A_614 = tpu.unpack_subelements %bitcast3A_613, 0 {pack_format = #tpu.pack_format<interleaved>} : vector<32xbf16> -> vector<16xf32>
          %unpack3A_615 = tpu.unpack_subelements %bitcast3A_613, 1 {pack_format = #tpu.pack_format<interleaved>} : vector<32xbf16> -> vector<16xf32>
          %add3A_616 = arith.addf %add3A_564, %unpack3A_614 : vector<16xf32>
          %add3A_617 = arith.addf %add3A_565, %unpack3A_615 : vector<16xf32>
          %slice3A_618 = vector.extract_strided_slice %get3A_489 {offsets = [5], sizes = [1], strides = [1]} : vector<16xi32> to vector<1xi32>
          %squeeze3A_619 = vector.extract %slice3A_618[0] : i32 from vector<1xi32>
          %add3A_620 = arith.constant 5 : i32
          %add3A_621 = arith.addi %mul3A_482, %add3A_620 : i32
          %add3A_622 = arith.constant 0 : i32
          %add3A_623 = arith.addi %squeeze3A_619, %add3A_622 : i32
          %get3A_624 = arith.index_cast %add3A_621 : i32 to index
          %get3A_625 = arith.index_cast %add3A_623 : i32 to index
          %get3A_626 = tpu.vector_load %arg15[%get3A_624, %get3A_625] {strides = array<i32>} : memref<104x64xi32, #tpu.memory_space<vmem>>, vector<16xi32>,
          %bitcast3A_627 = vector.bitcast %get3A_626 : vector<16xi32> to vector<32xbf16>
          %unpack3A_628 = tpu.unpack_subelements %bitcast3A_627, 0 {pack_format = #tpu.pack_format<interleaved>} : vector<32xbf16> -> vector<16xf32>
          %unpack3A_629 = tpu.unpack_subelements %bitcast3A_627, 1 {pack_format = #tpu.pack_format<interleaved>} : vector<32xbf16> -> vector<16xf32>
          %add3A_630 = arith.addf %add3A_578, %unpack3A_628 : vector<16xf32>
          %add3A_631 = arith.addf %add3A_579, %unpack3A_629 : vector<16xf32>
          %add3A_632 = arith.constant 5 : i32
          %add3A_633 = arith.addi %mul3A_482, %add3A_632 : i32
          %add3A_634 = arith.constant 16 : i32
          %add3A_635 = arith.addi %squeeze3A_619, %add3A_634 : i32
          %get3A_636 = arith.index_cast %add3A_633 : i32 to index
          %get3A_637 = arith.index_cast %add3A_635 : i32 to index
          %get3A_638 = tpu.vector_load %arg15[%get3A_636, %get3A_637] {strides = array<i32>} : memref<104x64xi32, #tpu.memory_space<vmem>>, vector<16xi32>,
          %bitcast3A_639 = vector.bitcast %get3A_638 : vector<16xi32> to vector<32xbf16>
          %unpack3A_640 = tpu.unpack_subelements %bitcast3A_639, 0 {pack_format = #tpu.pack_format<interleaved>} : vector<32xbf16> -> vector<16xf32>
          %unpack3A_641 = tpu.unpack_subelements %bitcast3A_639, 1 {pack_format = #tpu.pack_format<interleaved>} : vector<32xbf16> -> vector<16xf32>
          %add3A_642 = arith.addf %add3A_590, %unpack3A_640 : vector<16xf32>
          %add3A_643 = arith.addf %add3A_591, %unpack3A_641 : vector<16xf32>
          %slice3A_644 = vector.extract_strided_slice %get3A_489 {offsets = [6], sizes = [1], strides = [1]} : vector<16xi32> to vector<1xi32>
          %squeeze3A_645 = vector.extract %slice3A_644[0] : i32 from vector<1xi32>
          %add3A_646 = arith.constant 6 : i32
          %add3A_647 = arith.addi %mul3A_482, %add3A_646 : i32
          %add3A_648 = arith.constant 0 : i32
          %add3A_649 = arith.addi %squeeze3A_645, %add3A_648 : i32
          %get3A_650 = arith.index_cast %add3A_647 : i32 to index
          %get3A_651 = arith.index_cast %add3A_649 : i32 to index
          %get3A_652 = tpu.vector_load %arg15[%get3A_650, %get3A_651] {strides = array<i32>} : memref<104x64xi32, #tpu.memory_space<vmem>>, vector<16xi32>,
          %bitcast3A_653 = vector.bitcast %get3A_652 : vector<16xi32> to vector<32xbf16>
          %unpack3A_654 = tpu.unpack_subelements %bitcast3A_653, 0 {pack_format = #tpu.pack_format<interleaved>} : vector<32xbf16> -> vector<16xf32>
          %unpack3A_655 = tpu.unpack_subelements %bitcast3A_653, 1 {pack_format = #tpu.pack_format<interleaved>} : vector<32xbf16> -> vector<16xf32>
          %add3A_656 = arith.addf %add3A_604, %unpack3A_654 : vector<16xf32>
          %add3A_657 = arith.addf %add3A_605, %unpack3A_655 : vector<16xf32>
          %add3A_658 = arith.constant 6 : i32
          %add3A_659 = arith.addi %mul3A_482, %add3A_658 : i32
          %add3A_660 = arith.constant 16 : i32
          %add3A_661 = arith.addi %squeeze3A_645, %add3A_660 : i32
          %get3A_662 = arith.index_cast %add3A_659 : i32 to index
          %get3A_663 = arith.index_cast %add3A_661 : i32 to index
          %get3A_664 = tpu.vector_load %arg15[%get3A_662, %get3A_663] {strides = array<i32>} : memref<104x64xi32, #tpu.memory_space<vmem>>, vector<16xi32>,
          %bitcast3A_665 = vector.bitcast %get3A_664 : vector<16xi32> to vector<32xbf16>
          %unpack3A_666 = tpu.unpack_subelements %bitcast3A_665, 0 {pack_format = #tpu.pack_format<interleaved>} : vector<32xbf16> -> vector<16xf32>
          %unpack3A_667 = tpu.unpack_subelements %bitcast3A_665, 1 {pack_format = #tpu.pack_format<interleaved>} : vector<32xbf16> -> vector<16xf32>
          %add3A_668 = arith.addf %add3A_616, %unpack3A_666 : vector<16xf32>
          %add3A_669 = arith.addf %add3A_617, %unpack3A_667 : vector<16xf32>
          %slice3A_670 = vector.extract_strided_slice %get3A_489 {offsets = [7], sizes = [1], strides = [1]} : vector<16xi32> to vector<1xi32>
          %squeeze3A_671 = vector.extract %slice3A_670[0] : i32 from vector<1xi32>
          %add3A_672 = arith.constant 7 : i32
          %add3A_673 = arith.addi %mul3A_482, %add3A_672 : i32
          %add3A_674 = arith.constant 0 : i32
          %add3A_675 = arith.addi %squeeze3A_671, %add3A_674 : i32
          %get3A_676 = arith.index_cast %add3A_673 : i32 to index
          %get3A_677 = arith.index_cast %add3A_675 : i32 to index
          %get3A_678 = tpu.vector_load %arg15[%get3A_676, %get3A_677] {strides = array<i32>} : memref<104x64xi32, #tpu.memory_space<vmem>>, vector<16xi32>,
          %bitcast3A_679 = vector.bitcast %get3A_678 : vector<16xi32> to vector<32xbf16>
          %unpack3A_680 = tpu.unpack_subelements %bitcast3A_679, 0 {pack_format = #tpu.pack_format<interleaved>} : vector<32xbf16> -> vector<16xf32>
          %unpack3A_681 = tpu.unpack_subelements %bitcast3A_679, 1 {pack_format = #tpu.pack_format<interleaved>} : vector<32xbf16> -> vector<16xf32>
          %add3A_682 = arith.addf %add3A_630, %unpack3A_680 : vector<16xf32>
          %add3A_683 = arith.addf %add3A_631, %unpack3A_681 : vector<16xf32>
          %add3A_684 = arith.constant 7 : i32
          %add3A_685 = arith.addi %mul3A_482, %add3A_684 : i32
          %add3A_686 = arith.constant 16 : i32
          %add3A_687 = arith.addi %squeeze3A_671, %add3A_686 : i32
          %get3A_688 = arith.index_cast %add3A_685 : i32 to index
          %get3A_689 = arith.index_cast %add3A_687 : i32 to index
          %get3A_690 = tpu.vector_load %arg15[%get3A_688, %get3A_689] {strides = array<i32>} : memref<104x64xi32, #tpu.memory_space<vmem>>, vector<16xi32>,
          %bitcast3A_691 = vector.bitcast %get3A_690 : vector<16xi32> to vector<32xbf16>
          %unpack3A_692 = tpu.unpack_subelements %bitcast3A_691, 0 {pack_format = #tpu.pack_format<interleaved>} : vector<32xbf16> -> vector<16xf32>
          %unpack3A_693 = tpu.unpack_subelements %bitcast3A_691, 1 {pack_format = #tpu.pack_format<interleaved>} : vector<32xbf16> -> vector<16xf32>
          %add3A_694 = arith.addf %add3A_642, %unpack3A_692 : vector<16xf32>
          %add3A_695 = arith.addf %add3A_643, %unpack3A_693 : vector<16xf32>
          scf.yield %add3A_656, %add3A_657, %add3A_668, %add3A_669, %add3A_682, %add3A_683, %add3A_694, %add3A_695 : vector<16xf32>, vector<16xf32>, vector<16xf32>, vector<16xf32>, vector<16xf32>, vector<16xf32>, vector<16xf32>, vector<16xf32>
        }
        %scan3A_400 = arith.constant 13 : i32
        %lt3A_401 = arith.constant 15 : i32
        %lt3A_402 = arith.cmpi slt, %scan3A_116, %lt3A_401 : i32
        %convert_element_type3A_403 = arith.extui %lt3A_402 : i1 to i32
        %cond3A_404 = arith.constant 0 : i32
        %cond3A_405 = arith.cmpi ne, %convert_element_type3A_403, %cond3A_404 : i32
        scf.if %cond3A_405 {
          %add3A_472 = arith.constant 4 : i32
          %add3A_473 = arith.addi %add3A_385, %add3A_472 : i32
          %dma_start3A_474 = arith.constant 0 : i32
          %dma_start3A_475 = arith.constant 0 : i32
          %dma_start3A_476 = tpu.memref_slice %arg15[%dma_start3A_474, %dma_start3A_475] : memref<104x64xi32, #tpu.memory_space<vmem>> -> memref<104x64xi32, #tpu.memory_space<vmem>>
          %dma_start3A_477 = arith.constant 0 : i32
          %dma_start3A_478 = tpu.memref_slice %arg7[%add3A_473, %dma_start3A_477] : memref<64x200xi32, #tpu.memory_space<vmem>> -> memref<1x104xi32, #tpu.memory_space<vmem>>
          %dma_start3A_479 = tpu.memref_squeeze %dma_start3A_478 : memref<1x104xi32, #tpu.memory_space<vmem>> -> memref<104xi32, #tpu.memory_space<vmem>>
          %dma_start3A_480 = arith.constant 0 : i32
          %dma_start3A_481 = arith.constant 0 : i32
          %dma_start3A_482 = tpu.memref_slice %arg4[%dma_start3A_480, %dma_start3A_481] : memref<524288x64xi32, #tpu.memory_space<hbm>> -> memref<524288x64xi32, #tpu.memory_space<hbm>>
          tpu.enqueue_indirect_dma source(%dma_start3A_482 : memref<524288x64xi32, #tpu.memory_space<hbm>>) target(%dma_start3A_476 : memref<104x64xi32, #tpu.memory_space<vmem>>) offsets(%dma_start3A_479 : memref<104xi32, #tpu.memory_space<vmem>>) semaphore(%arg24 : memref<!tpu.dma_semaphore, #tpu.memory_space<semaphore_mem>>)
        } else {
        }
        %mul3A_406 = arith.constant 4 : i32
        %mul3A_407 = arith.muli %scan3A_116, %mul3A_406 : i32
        %add3A_408 = arith.constant 3 : i32
        %add3A_409 = arith.addi %mul3A_407, %add3A_408 : i32
        %dma_wait3A_410 = arith.constant 0 : i32
        %dma_wait3A_411 = arith.constant 0 : i32
        %dma_wait3A_412 = tpu.memref_slice %arg16[%dma_wait3A_410, %dma_wait3A_411] : memref<104x64xi32, #tpu.memory_space<vmem>> -> memref<96x64xi32, #tpu.memory_space<vmem>>
        %dma_wait3A_413 = arith.constant 104 : i32
        %dma_wait3A_414 = tpu.memref_slice %arg7[%add3A_409, %dma_wait3A_413] : memref<64x200xi32, #tpu.memory_space<vmem>> -> memref<1x96xi32, #tpu.memory_space<vmem>>
        %dma_wait3A_415 = tpu.memref_squeeze %dma_wait3A_414 : memref<1x96xi32, #tpu.memory_space<vmem>> -> memref<96xi32, #tpu.memory_space<vmem>>
        %dma_wait3A_416 = arith.constant 0 : i32
        %dma_wait3A_417 = arith.constant 0 : i32
        %dma_wait3A_418 = tpu.memref_slice %arg4[%dma_wait3A_416, %dma_wait3A_417] : memref<524288x64xi32, #tpu.memory_space<hbm>> -> memref<524288x64xi32, #tpu.memory_space<hbm>>
        tpu.wait_indirect_dma semaphore(%arg25 : memref<!tpu.dma_semaphore, #tpu.memory_space<semaphore_mem>>) src(%dma_wait3A_418 : memref<524288x64xi32, #tpu.memory_space<hbm>>) dst(%dma_wait3A_412 : memref<96x64xi32, #tpu.memory_space<vmem>>)
        %scan3A_419 = arith.constant 0 : i32
        %scan3A_420 = arith.constant 12 : i32
        %scan3A_421 = arith.addi %scan3A_419, %scan3A_420 : i32
        %scan3A_422 = arith.constant 1 : i32
        %scan3A_423:8 = scf.for %scan3A_472 = %scan3A_419 to %scan3A_421 step %scan3A_422 iter_args(%scan3A_473 = %scan3A_399#0, %scan3A_474 = %scan3A_399#1, %scan3A_475 = %scan3A_399#2, %scan3A_476 = %scan3A_399#3, %scan3A_477 = %scan3A_399#4, %scan3A_478 = %scan3A_399#5, %scan3A_479 = %scan3A_399#6, %scan3A_480 = %scan3A_399#7) -> (vector<16xf32>, vector<16xf32>, vector<16xf32>, vector<16xf32>, vector<16xf32>, vector<16xf32>, vector<16xf32>, vector<16xf32>)  : i32 {
          %mul3A_481 = arith.constant 8 : i32
          %mul3A_482 = arith.muli %scan3A_472, %mul3A_481 : i32
          %add3A_483 = arith.constant 104 : i32
          %add3A_484 = arith.addi %add3A_483, %mul3A_482 : i32
          %get3A_485 = arith.constant 0 : i32
          %get3A_486 = tpu.memref_slice %arg8[%add3A_409, %get3A_485] : memref<64x208xi32, #tpu.memory_space<vmem>> -> memref<1x208xi32, #tpu.memory_space<vmem>>
          %get3A_487 = tpu.memref_squeeze %get3A_486 : memref<1x208xi32, #tpu.memory_space<vmem>> -> memref<208xi32, #tpu.memory_space<vmem>>
          %get3A_488 = arith.index_cast %add3A_484 : i32 to index
          %get3A_489 = tpu.vector_load %get3A_487[%get3A_488] {strides = array<i32>} : memref<208xi32, #tpu.memory_space<vmem>>, vector<16xi32>,
          %slice3A_490 = vector.extract_strided_slice %get3A_489 {offsets = [0], sizes = [1], strides = [1]} : vector<16xi32> to vector<1xi32>
          %squeeze3A_491 = vector.extract %slice3A_490[0] : i32 from vector<1xi32>
          %add3A_492 = arith.constant 0 : i32
          %add3A_493 = arith.addi %mul3A_482, %add3A_492 : i32
          %add3A_494 = arith.constant 0 : i32
          %add3A_495 = arith.addi %squeeze3A_491, %add3A_494 : i32
          %get3A_496 = arith.index_cast %add3A_493 : i32 to index
          %get3A_497 = arith.index_cast %add3A_495 : i32 to index
          %get3A_498 = tpu.vector_load %arg16[%get3A_496, %get3A_497] {strides = array<i32>} : memref<104x64xi32, #tpu.memory_space<vmem>>, vector<16xi32>,
          %bitcast3A = vector.bitcast %get3A_498 : vector<16xi32> to vector<32xbf16>
          %unpack3A = tpu.unpack_subelements %bitcast3A, 0 {pack_format = #tpu.pack_format<interleaved>} : vector<32xbf16> -> vector<16xf32>
          %unpack3A_499 = tpu.unpack_subelements %bitcast3A, 1 {pack_format = #tpu.pack_format<interleaved>} : vector<32xbf16> -> vector<16xf32>
          %add3A_500 = arith.addf %scan3A_473, %unpack3A : vector<16xf32>
          %add3A_501 = arith.addf %scan3A_474, %unpack3A_499 : vector<16xf32>
          %add3A_502 = arith.constant 0 : i32
          %add3A_503 = arith.addi %mul3A_482, %add3A_502 : i32
          %add3A_504 = arith.constant 16 : i32
          %add3A_505 = arith.addi %squeeze3A_491, %add3A_504 : i32
          %get3A_506 = arith.index_cast %add3A_503 : i32 to index
          %get3A_507 = arith.index_cast %add3A_505 : i32 to index
          %get3A_508 = tpu.vector_load %arg16[%get3A_506, %get3A_507] {strides = array<i32>} : memref<104x64xi32, #tpu.memory_space<vmem>>, vector<16xi32>,
          %bitcast3A_509 = vector.bitcast %get3A_508 : vector<16xi32> to vector<32xbf16>
          %unpack3A_510 = tpu.unpack_subelements %bitcast3A_509, 0 {pack_format = #tpu.pack_format<interleaved>} : vector<32xbf16> -> vector<16xf32>
          %unpack3A_511 = tpu.unpack_subelements %bitcast3A_509, 1 {pack_format = #tpu.pack_format<interleaved>} : vector<32xbf16> -> vector<16xf32>
          %add3A_512 = arith.addf %scan3A_475, %unpack3A_510 : vector<16xf32>
          %add3A_513 = arith.addf %scan3A_476, %unpack3A_511 : vector<16xf32>
          %slice3A_514 = vector.extract_strided_slice %get3A_489 {offsets = [1], sizes = [1], strides = [1]} : vector<16xi32> to vector<1xi32>
          %squeeze3A_515 = vector.extract %slice3A_514[0] : i32 from vector<1xi32>
          %add3A_516 = arith.constant 1 : i32
          %add3A_517 = arith.addi %mul3A_482, %add3A_516 : i32
          %add3A_518 = arith.constant 0 : i32
          %add3A_519 = arith.addi %squeeze3A_515, %add3A_518 : i32
          %get3A_520 = arith.index_cast %add3A_517 : i32 to index
          %get3A_521 = arith.index_cast %add3A_519 : i32 to index
          %get3A_522 = tpu.vector_load %arg16[%get3A_520, %get3A_521] {strides = array<i32>} : memref<104x64xi32, #tpu.memory_space<vmem>>, vector<16xi32>,
          %bitcast3A_523 = vector.bitcast %get3A_522 : vector<16xi32> to vector<32xbf16>
          %unpack3A_524 = tpu.unpack_subelements %bitcast3A_523, 0 {pack_format = #tpu.pack_format<interleaved>} : vector<32xbf16> -> vector<16xf32>
          %unpack3A_525 = tpu.unpack_subelements %bitcast3A_523, 1 {pack_format = #tpu.pack_format<interleaved>} : vector<32xbf16> -> vector<16xf32>
          %add3A_526 = arith.addf %scan3A_477, %unpack3A_524 : vector<16xf32>
          %add3A_527 = arith.addf %scan3A_478, %unpack3A_525 : vector<16xf32>
          %add3A_528 = arith.constant 1 : i32
          %add3A_529 = arith.addi %mul3A_482, %add3A_528 : i32
          %add3A_530 = arith.constant 16 : i32
          %add3A_531 = arith.addi %squeeze3A_515, %add3A_530 : i32
          %get3A_532 = arith.index_cast %add3A_529 : i32 to index
          %get3A_533 = arith.index_cast %add3A_531 : i32 to index
          %get3A_534 = tpu.vector_load %arg16[%get3A_532, %get3A_533] {strides = array<i32>} : memref<104x64xi32, #tpu.memory_space<vmem>>, vector<16xi32>,
          %bitcast3A_535 = vector.bitcast %get3A_534 : vector<16xi32> to vector<32xbf16>
          %unpack3A_536 = tpu.unpack_subelements %bitcast3A_535, 0 {pack_format = #tpu.pack_format<interleaved>} : vector<32xbf16> -> vector<16xf32>
          %unpack3A_537 = tpu.unpack_subelements %bitcast3A_535, 1 {pack_format = #tpu.pack_format<interleaved>} : vector<32xbf16> -> vector<16xf32>
          %add3A_538 = arith.addf %scan3A_479, %unpack3A_536 : vector<16xf32>
          %add3A_539 = arith.addf %scan3A_480, %unpack3A_537 : vector<16xf32>
          %slice3A_540 = vector.extract_strided_slice %get3A_489 {offsets = [2], sizes = [1], strides = [1]} : vector<16xi32> to vector<1xi32>
          %squeeze3A_541 = vector.extract %slice3A_540[0] : i32 from vector<1xi32>
          %add3A_542 = arith.constant 2 : i32
          %add3A_543 = arith.addi %mul3A_482, %add3A_542 : i32
          %add3A_544 = arith.constant 0 : i32
          %add3A_545 = arith.addi %squeeze3A_541, %add3A_544 : i32
          %get3A_546 = arith.index_cast %add3A_543 : i32 to index
          %get3A_547 = arith.index_cast %add3A_545 : i32 to index
          %get3A_548 = tpu.vector_load %arg16[%get3A_546, %get3A_547] {strides = array<i32>} : memref<104x64xi32, #tpu.memory_space<vmem>>, vector<16xi32>,
          %bitcast3A_549 = vector.bitcast %get3A_548 : vector<16xi32> to vector<32xbf16>
          %unpack3A_550 = tpu.unpack_subelements %bitcast3A_549, 0 {pack_format = #tpu.pack_format<interleaved>} : vector<32xbf16> -> vector<16xf32>
          %unpack3A_551 = tpu.unpack_subelements %bitcast3A_549, 1 {pack_format = #tpu.pack_format<interleaved>} : vector<32xbf16> -> vector<16xf32>
          %add3A_552 = arith.addf %add3A_500, %unpack3A_550 : vector<16xf32>
          %add3A_553 = arith.addf %add3A_501, %unpack3A_551 : vector<16xf32>
          %add3A_554 = arith.constant 2 : i32
          %add3A_555 = arith.addi %mul3A_482, %add3A_554 : i32
          %add3A_556 = arith.constant 16 : i32
          %add3A_557 = arith.addi %squeeze3A_541, %add3A_556 : i32
          %get3A_558 = arith.index_cast %add3A_555 : i32 to index
          %get3A_559 = arith.index_cast %add3A_557 : i32 to index
          %get3A_560 = tpu.vector_load %arg16[%get3A_558, %get3A_559] {strides = array<i32>} : memref<104x64xi32, #tpu.memory_space<vmem>>, vector<16xi32>,
          %bitcast3A_561 = vector.bitcast %get3A_560 : vector<16xi32> to vector<32xbf16>
          %unpack3A_562 = tpu.unpack_subelements %bitcast3A_561, 0 {pack_format = #tpu.pack_format<interleaved>} : vector<32xbf16> -> vector<16xf32>
          %unpack3A_563 = tpu.unpack_subelements %bitcast3A_561, 1 {pack_format = #tpu.pack_format<interleaved>} : vector<32xbf16> -> vector<16xf32>
          %add3A_564 = arith.addf %add3A_512, %unpack3A_562 : vector<16xf32>
          %add3A_565 = arith.addf %add3A_513, %unpack3A_563 : vector<16xf32>
          %slice3A_566 = vector.extract_strided_slice %get3A_489 {offsets = [3], sizes = [1], strides = [1]} : vector<16xi32> to vector<1xi32>
          %squeeze3A_567 = vector.extract %slice3A_566[0] : i32 from vector<1xi32>
          %add3A_568 = arith.constant 3 : i32
          %add3A_569 = arith.addi %mul3A_482, %add3A_568 : i32
          %add3A_570 = arith.constant 0 : i32
          %add3A_571 = arith.addi %squeeze3A_567, %add3A_570 : i32
          %get3A_572 = arith.index_cast %add3A_569 : i32 to index
          %get3A_573 = arith.index_cast %add3A_571 : i32 to index
          %get3A_574 = tpu.vector_load %arg16[%get3A_572, %get3A_573] {strides = array<i32>} : memref<104x64xi32, #tpu.memory_space<vmem>>, vector<16xi32>,
          %bitcast3A_575 = vector.bitcast %get3A_574 : vector<16xi32> to vector<32xbf16>
          %unpack3A_576 = tpu.unpack_subelements %bitcast3A_575, 0 {pack_format = #tpu.pack_format<interleaved>} : vector<32xbf16> -> vector<16xf32>
          %unpack3A_577 = tpu.unpack_subelements %bitcast3A_575, 1 {pack_format = #tpu.pack_format<interleaved>} : vector<32xbf16> -> vector<16xf32>
          %add3A_578 = arith.addf %add3A_526, %unpack3A_576 : vector<16xf32>
          %add3A_579 = arith.addf %add3A_527, %unpack3A_577 : vector<16xf32>
          %add3A_580 = arith.constant 3 : i32
          %add3A_581 = arith.addi %mul3A_482, %add3A_580 : i32
          %add3A_582 = arith.constant 16 : i32
          %add3A_583 = arith.addi %squeeze3A_567, %add3A_582 : i32
          %get3A_584 = arith.index_cast %add3A_581 : i32 to index
          %get3A_585 = arith.index_cast %add3A_583 : i32 to index
          %get3A_586 = tpu.vector_load %arg16[%get3A_584, %get3A_585] {strides = array<i32>} : memref<104x64xi32, #tpu.memory_space<vmem>>, vector<16xi32>,
          %bitcast3A_587 = vector.bitcast %get3A_586 : vector<16xi32> to vector<32xbf16>
          %unpack3A_588 = tpu.unpack_subelements %bitcast3A_587, 0 {pack_format = #tpu.pack_format<interleaved>} : vector<32xbf16> -> vector<16xf32>
          %unpack3A_589 = tpu.unpack_subelements %bitcast3A_587, 1 {pack_format = #tpu.pack_format<interleaved>} : vector<32xbf16> -> vector<16xf32>
          %add3A_590 = arith.addf %add3A_538, %unpack3A_588 : vector<16xf32>
          %add3A_591 = arith.addf %add3A_539, %unpack3A_589 : vector<16xf32>
          %slice3A_592 = vector.extract_strided_slice %get3A_489 {offsets = [4], sizes = [1], strides = [1]} : vector<16xi32> to vector<1xi32>
          %squeeze3A_593 = vector.extract %slice3A_592[0] : i32 from vector<1xi32>
          %add3A_594 = arith.constant 4 : i32
          %add3A_595 = arith.addi %mul3A_482, %add3A_594 : i32
          %add3A_596 = arith.constant 0 : i32
          %add3A_597 = arith.addi %squeeze3A_593, %add3A_596 : i32
          %get3A_598 = arith.index_cast %add3A_595 : i32 to index
          %get3A_599 = arith.index_cast %add3A_597 : i32 to index
          %get3A_600 = tpu.vector_load %arg16[%get3A_598, %get3A_599] {strides = array<i32>} : memref<104x64xi32, #tpu.memory_space<vmem>>, vector<16xi32>,
          %bitcast3A_601 = vector.bitcast %get3A_600 : vector<16xi32> to vector<32xbf16>
          %unpack3A_602 = tpu.unpack_subelements %bitcast3A_601, 0 {pack_format = #tpu.pack_format<interleaved>} : vector<32xbf16> -> vector<16xf32>
          %unpack3A_603 = tpu.unpack_subelements %bitcast3A_601, 1 {pack_format = #tpu.pack_format<interleaved>} : vector<32xbf16> -> vector<16xf32>
          %add3A_604 = arith.addf %add3A_552, %unpack3A_602 : vector<16xf32>
          %add3A_605 = arith.addf %add3A_553, %unpack3A_603 : vector<16xf32>
          %add3A_606 = arith.constant 4 : i32
          %add3A_607 = arith.addi %mul3A_482, %add3A_606 : i32
          %add3A_608 = arith.constant 16 : i32
          %add3A_609 = arith.addi %squeeze3A_593, %add3A_608 : i32
          %get3A_610 = arith.index_cast %add3A_607 : i32 to index
          %get3A_611 = arith.index_cast %add3A_609 : i32 to index
          %get3A_612 = tpu.vector_load %arg16[%get3A_610, %get3A_611] {strides = array<i32>} : memref<104x64xi32, #tpu.memory_space<vmem>>, vector<16xi32>,
          %bitcast3A_613 = vector.bitcast %get3A_612 : vector<16xi32> to vector<32xbf16>
          %unpack3A_614 = tpu.unpack_subelements %bitcast3A_613, 0 {pack_format = #tpu.pack_format<interleaved>} : vector<32xbf16> -> vector<16xf32>
          %unpack3A_615 = tpu.unpack_subelements %bitcast3A_613, 1 {pack_format = #tpu.pack_format<interleaved>} : vector<32xbf16> -> vector<16xf32>
          %add3A_616 = arith.addf %add3A_564, %unpack3A_614 : vector<16xf32>
          %add3A_617 = arith.addf %add3A_565, %unpack3A_615 : vector<16xf32>
          %slice3A_618 = vector.extract_strided_slice %get3A_489 {offsets = [5], sizes = [1], strides = [1]} : vector<16xi32> to vector<1xi32>
          %squeeze3A_619 = vector.extract %slice3A_618[0] : i32 from vector<1xi32>
          %add3A_620 = arith.constant 5 : i32
          %add3A_621 = arith.addi %mul3A_482, %add3A_620 : i32
          %add3A_622 = arith.constant 0 : i32
          %add3A_623 = arith.addi %squeeze3A_619, %add3A_622 : i32
          %get3A_624 = arith.index_cast %add3A_621 : i32 to index
          %get3A_625 = arith.index_cast %add3A_623 : i32 to index
          %get3A_626 = tpu.vector_load %arg16[%get3A_624, %get3A_625] {strides = array<i32>} : memref<104x64xi32, #tpu.memory_space<vmem>>, vector<16xi32>,
          %bitcast3A_627 = vector.bitcast %get3A_626 : vector<16xi32> to vector<32xbf16>
          %unpack3A_628 = tpu.unpack_subelements %bitcast3A_627, 0 {pack_format = #tpu.pack_format<interleaved>} : vector<32xbf16> -> vector<16xf32>
          %unpack3A_629 = tpu.unpack_subelements %bitcast3A_627, 1 {pack_format = #tpu.pack_format<interleaved>} : vector<32xbf16> -> vector<16xf32>
          %add3A_630 = arith.addf %add3A_578, %unpack3A_628 : vector<16xf32>
          %add3A_631 = arith.addf %add3A_579, %unpack3A_629 : vector<16xf32>
          %add3A_632 = arith.constant 5 : i32
          %add3A_633 = arith.addi %mul3A_482, %add3A_632 : i32
          %add3A_634 = arith.constant 16 : i32
          %add3A_635 = arith.addi %squeeze3A_619, %add3A_634 : i32
          %get3A_636 = arith.index_cast %add3A_633 : i32 to index
          %get3A_637 = arith.index_cast %add3A_635 : i32 to index
          %get3A_638 = tpu.vector_load %arg16[%get3A_636, %get3A_637] {strides = array<i32>} : memref<104x64xi32, #tpu.memory_space<vmem>>, vector<16xi32>,
          %bitcast3A_639 = vector.bitcast %get3A_638 : vector<16xi32> to vector<32xbf16>
          %unpack3A_640 = tpu.unpack_subelements %bitcast3A_639, 0 {pack_format = #tpu.pack_format<interleaved>} : vector<32xbf16> -> vector<16xf32>
          %unpack3A_641 = tpu.unpack_subelements %bitcast3A_639, 1 {pack_format = #tpu.pack_format<interleaved>} : vector<32xbf16> -> vector<16xf32>
          %add3A_642 = arith.addf %add3A_590, %unpack3A_640 : vector<16xf32>
          %add3A_643 = arith.addf %add3A_591, %unpack3A_641 : vector<16xf32>
          %slice3A_644 = vector.extract_strided_slice %get3A_489 {offsets = [6], sizes = [1], strides = [1]} : vector<16xi32> to vector<1xi32>
          %squeeze3A_645 = vector.extract %slice3A_644[0] : i32 from vector<1xi32>
          %add3A_646 = arith.constant 6 : i32
          %add3A_647 = arith.addi %mul3A_482, %add3A_646 : i32
          %add3A_648 = arith.constant 0 : i32
          %add3A_649 = arith.addi %squeeze3A_645, %add3A_648 : i32
          %get3A_650 = arith.index_cast %add3A_647 : i32 to index
          %get3A_651 = arith.index_cast %add3A_649 : i32 to index
          %get3A_652 = tpu.vector_load %arg16[%get3A_650, %get3A_651] {strides = array<i32>} : memref<104x64xi32, #tpu.memory_space<vmem>>, vector<16xi32>,
          %bitcast3A_653 = vector.bitcast %get3A_652 : vector<16xi32> to vector<32xbf16>
          %unpack3A_654 = tpu.unpack_subelements %bitcast3A_653, 0 {pack_format = #tpu.pack_format<interleaved>} : vector<32xbf16> -> vector<16xf32>
          %unpack3A_655 = tpu.unpack_subelements %bitcast3A_653, 1 {pack_format = #tpu.pack_format<interleaved>} : vector<32xbf16> -> vector<16xf32>
          %add3A_656 = arith.addf %add3A_604, %unpack3A_654 : vector<16xf32>
          %add3A_657 = arith.addf %add3A_605, %unpack3A_655 : vector<16xf32>
          %add3A_658 = arith.constant 6 : i32
          %add3A_659 = arith.addi %mul3A_482, %add3A_658 : i32
          %add3A_660 = arith.constant 16 : i32
          %add3A_661 = arith.addi %squeeze3A_645, %add3A_660 : i32
          %get3A_662 = arith.index_cast %add3A_659 : i32 to index
          %get3A_663 = arith.index_cast %add3A_661 : i32 to index
          %get3A_664 = tpu.vector_load %arg16[%get3A_662, %get3A_663] {strides = array<i32>} : memref<104x64xi32, #tpu.memory_space<vmem>>, vector<16xi32>,
          %bitcast3A_665 = vector.bitcast %get3A_664 : vector<16xi32> to vector<32xbf16>
          %unpack3A_666 = tpu.unpack_subelements %bitcast3A_665, 0 {pack_format = #tpu.pack_format<interleaved>} : vector<32xbf16> -> vector<16xf32>
          %unpack3A_667 = tpu.unpack_subelements %bitcast3A_665, 1 {pack_format = #tpu.pack_format<interleaved>} : vector<32xbf16> -> vector<16xf32>
          %add3A_668 = arith.addf %add3A_616, %unpack3A_666 : vector<16xf32>
          %add3A_669 = arith.addf %add3A_617, %unpack3A_667 : vector<16xf32>
          %slice3A_670 = vector.extract_strided_slice %get3A_489 {offsets = [7], sizes = [1], strides = [1]} : vector<16xi32> to vector<1xi32>
          %squeeze3A_671 = vector.extract %slice3A_670[0] : i32 from vector<1xi32>
          %add3A_672 = arith.constant 7 : i32
          %add3A_673 = arith.addi %mul3A_482, %add3A_672 : i32
          %add3A_674 = arith.constant 0 : i32
          %add3A_675 = arith.addi %squeeze3A_671, %add3A_674 : i32
          %get3A_676 = arith.index_cast %add3A_673 : i32 to index
          %get3A_677 = arith.index_cast %add3A_675 : i32 to index
          %get3A_678 = tpu.vector_load %arg16[%get3A_676, %get3A_677] {strides = array<i32>} : memref<104x64xi32, #tpu.memory_space<vmem>>, vector<16xi32>,
          %bitcast3A_679 = vector.bitcast %get3A_678 : vector<16xi32> to vector<32xbf16>
          %unpack3A_680 = tpu.unpack_subelements %bitcast3A_679, 0 {pack_format = #tpu.pack_format<interleaved>} : vector<32xbf16> -> vector<16xf32>
          %unpack3A_681 = tpu.unpack_subelements %bitcast3A_679, 1 {pack_format = #tpu.pack_format<interleaved>} : vector<32xbf16> -> vector<16xf32>
          %add3A_682 = arith.addf %add3A_630, %unpack3A_680 : vector<16xf32>
          %add3A_683 = arith.addf %add3A_631, %unpack3A_681 : vector<16xf32>
          %add3A_684 = arith.constant 7 : i32
          %add3A_685 = arith.addi %mul3A_482, %add3A_684 : i32
          %add3A_686 = arith.constant 16 : i32
          %add3A_687 = arith.addi %squeeze3A_671, %add3A_686 : i32
          %get3A_688 = arith.index_cast %add3A_685 : i32 to index
          %get3A_689 = arith.index_cast %add3A_687 : i32 to index
          %get3A_690 = tpu.vector_load %arg16[%get3A_688, %get3A_689] {strides = array<i32>} : memref<104x64xi32, #tpu.memory_space<vmem>>, vector<16xi32>,
          %bitcast3A_691 = vector.bitcast %get3A_690 : vector<16xi32> to vector<32xbf16>
          %unpack3A_692 = tpu.unpack_subelements %bitcast3A_691, 0 {pack_format = #tpu.pack_format<interleaved>} : vector<32xbf16> -> vector<16xf32>
          %unpack3A_693 = tpu.unpack_subelements %bitcast3A_691, 1 {pack_format = #tpu.pack_format<interleaved>} : vector<32xbf16> -> vector<16xf32>
          %add3A_694 = arith.addf %add3A_642, %unpack3A_692 : vector<16xf32>
          %add3A_695 = arith.addf %add3A_643, %unpack3A_693 : vector<16xf32>
          scf.yield %add3A_656, %add3A_657, %add3A_668, %add3A_669, %add3A_682, %add3A_683, %add3A_694, %add3A_695 : vector<16xf32>, vector<16xf32>, vector<16xf32>, vector<16xf32>, vector<16xf32>, vector<16xf32>, vector<16xf32>, vector<16xf32>
        }
        %scan3A_424 = arith.constant 12 : i32
        %add3A_425 = arith.addf %scan3A_423#0, %scan3A_423#4 : vector<16xf32>
        %mul3A_426 = vector.broadcast %squeeze3A : f32 to vector<16xf32>
        %mul3A_427 = arith.mulf %add3A_425, %mul3A_426 : vector<16xf32>
        %add3A_428 = arith.addf %scan3A_423#1, %scan3A_423#5 : vector<16xf32>
        %mul3A_429 = vector.broadcast %squeeze3A : f32 to vector<16xf32>
        %mul3A_430 = arith.mulf %add3A_428, %mul3A_429 : vector<16xf32>
        %add3A_431 = arith.constant 0 : i32
        %add3A_432 = vector.broadcast %add3A_431 : i32 to vector<16xi32>
        %add3A_433 = arith.addi %mul3A_6, %add3A_432 : vector<16xi32>
        %scatter3A_434 = arith.constant 0 : i32
        %scatter3A_435 = tpu.memref_slice %arg17[%add3A_409, %scatter3A_434] : memref<64x64xf32, #tpu.memory_space<vmem>> -> memref<1x64xf32, #tpu.memory_space<vmem>>
        %scatter3A_436 = tpu.memref_squeeze %scatter3A_435 : memref<1x64xf32, #tpu.memory_space<vmem>> -> memref<64xf32, #tpu.memory_space<vmem>>
        tpu.vector_store_idx %scatter3A_436[%add3A_433], %mul3A_427 : memref<64xf32, #tpu.memory_space<vmem>>[vector<16xi32>], vector<16xf32>,
        %add3A_437 = arith.constant 0 : i32
        %add3A_438 = vector.broadcast %add3A_437 : i32 to vector<16xi32>
        %add3A_439 = arith.addi %mul3A_6, %add3A_438 : vector<16xi32>
        %add3A_440 = arith.constant 1 : i32
        %add3A_441 = vector.broadcast %add3A_440 : i32 to vector<16xi32>
        %add3A_442 = arith.addi %add3A_439, %add3A_441 : vector<16xi32>
        %scatter3A_443 = arith.constant 0 : i32
        %scatter3A_444 = tpu.memref_slice %arg17[%add3A_409, %scatter3A_443] : memref<64x64xf32, #tpu.memory_space<vmem>> -> memref<1x64xf32, #tpu.memory_space<vmem>>
        %scatter3A_445 = tpu.memref_squeeze %scatter3A_444 : memref<1x64xf32, #tpu.memory_space<vmem>> -> memref<64xf32, #tpu.memory_space<vmem>>
        tpu.vector_store_idx %scatter3A_445[%add3A_442], %mul3A_430 : memref<64xf32, #tpu.memory_space<vmem>>[vector<16xi32>], vector<16xf32>,
        %add3A_446 = arith.addf %scan3A_423#2, %scan3A_423#6 : vector<16xf32>
        %mul3A_447 = vector.broadcast %squeeze3A : f32 to vector<16xf32>
        %mul3A_448 = arith.mulf %add3A_446, %mul3A_447 : vector<16xf32>
        %add3A_449 = arith.addf %scan3A_423#3, %scan3A_423#7 : vector<16xf32>
        %mul3A_450 = vector.broadcast %squeeze3A : f32 to vector<16xf32>
        %mul3A_451 = arith.mulf %add3A_449, %mul3A_450 : vector<16xf32>
        %add3A_452 = arith.constant 32 : i32
        %add3A_453 = vector.broadcast %add3A_452 : i32 to vector<16xi32>
        %add3A_454 = arith.addi %mul3A_6, %add3A_453 : vector<16xi32>
        %scatter3A_455 = arith.constant 0 : i32
        %scatter3A_456 = tpu.memref_slice %arg17[%add3A_409, %scatter3A_455] : memref<64x64xf32, #tpu.memory_space<vmem>> -> memref<1x64xf32, #tpu.memory_space<vmem>>
        %scatter3A_457 = tpu.memref_squeeze %scatter3A_456 : memref<1x64xf32, #tpu.memory_space<vmem>> -> memref<64xf32, #tpu.memory_space<vmem>>
        tpu.vector_store_idx %scatter3A_457[%add3A_454], %mul3A_448 : memref<64xf32, #tpu.memory_space<vmem>>[vector<16xi32>], vector<16xf32>,
        %add3A_458 = arith.constant 32 : i32
        %add3A_459 = vector.broadcast %add3A_458 : i32 to vector<16xi32>
        %add3A_460 = arith.addi %mul3A_6, %add3A_459 : vector<16xi32>
        %add3A_461 = arith.constant 1 : i32
        %add3A_462 = vector.broadcast %add3A_461 : i32 to vector<16xi32>
        %add3A_463 = arith.addi %add3A_460, %add3A_462 : vector<16xi32>
        %scatter3A_464 = arith.constant 0 : i32
        %scatter3A_465 = tpu.memref_slice %arg17[%add3A_409, %scatter3A_464] : memref<64x64xf32, #tpu.memory_space<vmem>> -> memref<1x64xf32, #tpu.memory_space<vmem>>
        %scatter3A_466 = tpu.memref_squeeze %scatter3A_465 : memref<1x64xf32, #tpu.memory_space<vmem>> -> memref<64xf32, #tpu.memory_space<vmem>>
        tpu.vector_store_idx %scatter3A_466[%add3A_463], %mul3A_451 : memref<64xf32, #tpu.memory_space<vmem>>[vector<16xi32>], vector<16xf32>,
        %lt3A_467 = arith.constant 15 : i32
        %lt3A_468 = arith.cmpi slt, %scan3A_116, %lt3A_467 : i32
        %convert_element_type3A_469 = arith.extui %lt3A_468 : i1 to i32
        %cond3A_470 = arith.constant 0 : i32
        %cond3A_471 = arith.cmpi ne, %convert_element_type3A_469, %cond3A_470 : i32
        scf.if %cond3A_471 {
          %add3A_472 = arith.constant 4 : i32
          %add3A_473 = arith.addi %add3A_409, %add3A_472 : i32
          %dma_start3A_474 = arith.constant 0 : i32
          %dma_start3A_475 = arith.constant 0 : i32
          %dma_start3A_476 = tpu.memref_slice %arg16[%dma_start3A_474, %dma_start3A_475] : memref<104x64xi32, #tpu.memory_space<vmem>> -> memref<96x64xi32, #tpu.memory_space<vmem>>
          %dma_start3A_477 = arith.constant 104 : i32
          %dma_start3A_478 = tpu.memref_slice %arg7[%add3A_473, %dma_start3A_477] : memref<64x200xi32, #tpu.memory_space<vmem>> -> memref<1x96xi32, #tpu.memory_space<vmem>>
          %dma_start3A_479 = tpu.memref_squeeze %dma_start3A_478 : memref<1x96xi32, #tpu.memory_space<vmem>> -> memref<96xi32, #tpu.memory_space<vmem>>
          %dma_start3A_480 = arith.constant 0 : i32
          %dma_start3A_481 = arith.constant 0 : i32
          %dma_start3A_482 = tpu.memref_slice %arg4[%dma_start3A_480, %dma_start3A_481] : memref<524288x64xi32, #tpu.memory_space<hbm>> -> memref<524288x64xi32, #tpu.memory_space<hbm>>
          tpu.enqueue_indirect_dma source(%dma_start3A_482 : memref<524288x64xi32, #tpu.memory_space<hbm>>) target(%dma_start3A_476 : memref<96x64xi32, #tpu.memory_space<vmem>>) offsets(%dma_start3A_479 : memref<96xi32, #tpu.memory_space<vmem>>) semaphore(%arg25 : memref<!tpu.dma_semaphore, #tpu.memory_space<semaphore_mem>>)
        } else {
        }
      }
      %scan3A_115 = arith.constant 16 : i32
      "tpu.region"() ({
        %run_scoped3A = tpu.sem_alloc : memref<!tpu.dma_semaphore, #tpu.memory_space<semaphore_mem>>
        %dma_start3A_116 = arith.constant 0 : i32
        %dma_start3A_117 = tpu.memref_slice %arg6[%add3A_30, %dma_start3A_116] : memref<16384x64xf32, #tpu.memory_space<hbm>> -> memref<64x64xf32, #tpu.memory_space<hbm>>
        %dma_start3A_118 = arith.constant 0 : i32
        %dma_start3A_119 = tpu.memref_slice %arg6[%add3A_30, %dma_start3A_118] : memref<16384x64xf32, #tpu.memory_space<hbm>> -> memref<64x64xf32, #tpu.memory_space<hbm>>
        tpu.enqueue_dma source(%arg17 : memref<64x64xf32, #tpu.memory_space<vmem>>) target(%dma_start3A_119 : memref<64x64xf32, #tpu.memory_space<hbm>>) target_semaphore(%run_scoped3A : memref<!tpu.dma_semaphore, #tpu.memory_space<semaphore_mem>>)
        %dma_wait3A = arith.constant 0 : i32
        %dma_wait3A_120 = tpu.memref_slice %arg6[%add3A_30, %dma_wait3A] : memref<16384x64xf32, #tpu.memory_space<hbm>> -> memref<64x64xf32, #tpu.memory_space<hbm>>
        %dma_wait3A_121 = arith.constant 0 : i32
        %dma_wait3A_122 = tpu.memref_slice %arg6[%add3A_30, %dma_wait3A_121] : memref<16384x64xf32, #tpu.memory_space<hbm>> -> memref<64x64xf32, #tpu.memory_space<hbm>>
        tpu.wait_dma2 semaphore(%run_scoped3A : memref<!tpu.dma_semaphore, #tpu.memory_space<semaphore_mem>>) src(%arg17 : memref<64x64xf32, #tpu.memory_space<vmem>>) dst(%dma_wait3A_122 : memref<64x64xf32, #tpu.memory_space<hbm>>)
        tpu.yield
      }) : () -> ()
    }
    %scan3A_26 = arith.constant 8 : i32
    return
  }
}

module attributes {stable_mosaic.version = 14 : i64} {
  func.func @_pack_block_kernel(%arg0: i32, %arg1: memref<64x4096xf32, #tpu.memory_space<vmem>>, %arg2: memref<64x4096xf32, #tpu.memory_space<vmem>>, %arg3: memref<64x4096xf32, #tpu.memory_space<vmem>>, %arg4: memref<64x4096xf32, #tpu.memory_space<vmem>>, %arg5: memref<4096x128xi32, #tpu.memory_space<vmem>>) attributes {dimension_semantics = [#tpu.dimension_semantics<arbitrary>], iteration_bounds = array<i64: 64>, scalar_prefetch = 0 : i64, scratch_operands = 0 : i64, tpu.core_type = #tpu.core_type<tc>, window_params = [{transform_indices = @transform_0, window_bounds = array<i64: 64, 4096>}, {transform_indices = @transform_1, window_bounds = array<i64: 64, 4096>}, {transform_indices = @transform_2, window_bounds = array<i64: 64, 4096>}, {transform_indices = @transform_3, window_bounds = array<i64: 64, 4096>}, {transform_indices = @transform_4, window_bounds = array<i64: 4096, 128>}]} {
    %get3A = arith.constant 0 : index
    %get3A_0 = arith.constant 0 : index
    %get3A_1 = vector.load %arg1[%get3A, %get3A_0] : memref<64x4096xf32, #tpu.memory_space<vmem>>, vector<64x4096xf32>
    %bitcast_convert_type3A = tpu.bitcast %get3A_1 : vector<64x4096xf32> -> vector<64x4096xi32>
    %add3A = arith.constant 32767 : i32
    %add3A_2 = vector.broadcast %add3A : i32 to vector<64x4096xi32>
    %add3A_3 = arith.addi %bitcast_convert_type3A, %add3A_2 : vector<64x4096xi32>
    %shift_right_logical3A = arith.constant 16 : i32
    %shift_right_logical3A_4 = vector.broadcast %shift_right_logical3A : i32 to vector<64x4096xi32>
    %shift_right_logical3A_5 = arith.shrui %bitcast_convert_type3A, %shift_right_logical3A_4 : vector<64x4096xi32>
    %and3A = arith.constant 1 : i32
    %and3A_6 = vector.broadcast %and3A : i32 to vector<64x4096xi32>
    %and3A_7 = arith.andi %shift_right_logical3A_5, %and3A_6 : vector<64x4096xi32>
    %add3A_8 = arith.addi %add3A_3, %and3A_7 : vector<64x4096xi32>
    %shift_right_logical3A_9 = arith.constant 16 : i32
    %shift_right_logical3A_10 = vector.broadcast %shift_right_logical3A_9 : i32 to vector<64x4096xi32>
    %shift_right_logical3A_11 = arith.shrui %add3A_8, %shift_right_logical3A_10 : vector<64x4096xi32>
    %reshape3A = vector.shape_cast %shift_right_logical3A_11 : vector<64x4096xi32> to vector<32x2x4096xi32>
    %slice3A = vector.extract_strided_slice %reshape3A {offsets = [0, 0, 0], sizes = [32, 1, 4096], strides = [1, 1, 1]} : vector<32x2x4096xi32> to vector<32x1x4096xi32>
    %squeeze3A = vector.shape_cast %slice3A : vector<32x1x4096xi32> to vector<32x4096xi32>
    %slice3A_12 = vector.extract_strided_slice %reshape3A {offsets = [0, 1, 0], sizes = [32, 1, 4096], strides = [1, 1, 1]} : vector<32x2x4096xi32> to vector<32x1x4096xi32>
    %squeeze3A_13 = vector.shape_cast %slice3A_12 : vector<32x1x4096xi32> to vector<32x4096xi32>
    %shift_left3A = arith.constant 16 : i32
    %shift_left3A_14 = vector.broadcast %shift_left3A : i32 to vector<32x4096xi32>
    %shift_left3A_15 = arith.shli %squeeze3A_13, %shift_left3A_14 : vector<32x4096xi32>
    %or3A = arith.ori %squeeze3A, %shift_left3A_15 : vector<32x4096xi32>
    %transpose3A = tpu.transpose %or3A, [1, 0] : vector<32x4096xi32> -> vector<4096x32xi32>
    %get3A_16 = arith.constant 0 : index
    %get3A_17 = arith.constant 0 : index
    %get3A_18 = vector.load %arg2[%get3A_16, %get3A_17] : memref<64x4096xf32, #tpu.memory_space<vmem>>, vector<64x4096xf32>
    %bitcast_convert_type3A_19 = tpu.bitcast %get3A_18 : vector<64x4096xf32> -> vector<64x4096xi32>
    %add3A_20 = arith.constant 32767 : i32
    %add3A_21 = vector.broadcast %add3A_20 : i32 to vector<64x4096xi32>
    %add3A_22 = arith.addi %bitcast_convert_type3A_19, %add3A_21 : vector<64x4096xi32>
    %shift_right_logical3A_23 = arith.constant 16 : i32
    %shift_right_logical3A_24 = vector.broadcast %shift_right_logical3A_23 : i32 to vector<64x4096xi32>
    %shift_right_logical3A_25 = arith.shrui %bitcast_convert_type3A_19, %shift_right_logical3A_24 : vector<64x4096xi32>
    %and3A_26 = arith.constant 1 : i32
    %and3A_27 = vector.broadcast %and3A_26 : i32 to vector<64x4096xi32>
    %and3A_28 = arith.andi %shift_right_logical3A_25, %and3A_27 : vector<64x4096xi32>
    %add3A_29 = arith.addi %add3A_22, %and3A_28 : vector<64x4096xi32>
    %shift_right_logical3A_30 = arith.constant 16 : i32
    %shift_right_logical3A_31 = vector.broadcast %shift_right_logical3A_30 : i32 to vector<64x4096xi32>
    %shift_right_logical3A_32 = arith.shrui %add3A_29, %shift_right_logical3A_31 : vector<64x4096xi32>
    %reshape3A_33 = vector.shape_cast %shift_right_logical3A_32 : vector<64x4096xi32> to vector<32x2x4096xi32>
    %slice3A_34 = vector.extract_strided_slice %reshape3A_33 {offsets = [0, 0, 0], sizes = [32, 1, 4096], strides = [1, 1, 1]} : vector<32x2x4096xi32> to vector<32x1x4096xi32>
    %squeeze3A_35 = vector.shape_cast %slice3A_34 : vector<32x1x4096xi32> to vector<32x4096xi32>
    %slice3A_36 = vector.extract_strided_slice %reshape3A_33 {offsets = [0, 1, 0], sizes = [32, 1, 4096], strides = [1, 1, 1]} : vector<32x2x4096xi32> to vector<32x1x4096xi32>
    %squeeze3A_37 = vector.shape_cast %slice3A_36 : vector<32x1x4096xi32> to vector<32x4096xi32>
    %shift_left3A_38 = arith.constant 16 : i32
    %shift_left3A_39 = vector.broadcast %shift_left3A_38 : i32 to vector<32x4096xi32>
    %shift_left3A_40 = arith.shli %squeeze3A_37, %shift_left3A_39 : vector<32x4096xi32>
    %or3A_41 = arith.ori %squeeze3A_35, %shift_left3A_40 : vector<32x4096xi32>
    %transpose3A_42 = tpu.transpose %or3A_41, [1, 0] : vector<32x4096xi32> -> vector<4096x32xi32>
    %get3A_43 = arith.constant 0 : index
    %get3A_44 = arith.constant 0 : index
    %get3A_45 = vector.load %arg3[%get3A_43, %get3A_44] : memref<64x4096xf32, #tpu.memory_space<vmem>>, vector<64x4096xf32>
    %bitcast_convert_type3A_46 = tpu.bitcast %get3A_45 : vector<64x4096xf32> -> vector<64x4096xi32>
    %add3A_47 = arith.constant 32767 : i32
    %add3A_48 = vector.broadcast %add3A_47 : i32 to vector<64x4096xi32>
    %add3A_49 = arith.addi %bitcast_convert_type3A_46, %add3A_48 : vector<64x4096xi32>
    %shift_right_logical3A_50 = arith.constant 16 : i32
    %shift_right_logical3A_51 = vector.broadcast %shift_right_logical3A_50 : i32 to vector<64x4096xi32>
    %shift_right_logical3A_52 = arith.shrui %bitcast_convert_type3A_46, %shift_right_logical3A_51 : vector<64x4096xi32>
    %and3A_53 = arith.constant 1 : i32
    %and3A_54 = vector.broadcast %and3A_53 : i32 to vector<64x4096xi32>
    %and3A_55 = arith.andi %shift_right_logical3A_52, %and3A_54 : vector<64x4096xi32>
    %add3A_56 = arith.addi %add3A_49, %and3A_55 : vector<64x4096xi32>
    %shift_right_logical3A_57 = arith.constant 16 : i32
    %shift_right_logical3A_58 = vector.broadcast %shift_right_logical3A_57 : i32 to vector<64x4096xi32>
    %shift_right_logical3A_59 = arith.shrui %add3A_56, %shift_right_logical3A_58 : vector<64x4096xi32>
    %reshape3A_60 = vector.shape_cast %shift_right_logical3A_59 : vector<64x4096xi32> to vector<32x2x4096xi32>
    %slice3A_61 = vector.extract_strided_slice %reshape3A_60 {offsets = [0, 0, 0], sizes = [32, 1, 4096], strides = [1, 1, 1]} : vector<32x2x4096xi32> to vector<32x1x4096xi32>
    %squeeze3A_62 = vector.shape_cast %slice3A_61 : vector<32x1x4096xi32> to vector<32x4096xi32>
    %slice3A_63 = vector.extract_strided_slice %reshape3A_60 {offsets = [0, 1, 0], sizes = [32, 1, 4096], strides = [1, 1, 1]} : vector<32x2x4096xi32> to vector<32x1x4096xi32>
    %squeeze3A_64 = vector.shape_cast %slice3A_63 : vector<32x1x4096xi32> to vector<32x4096xi32>
    %shift_left3A_65 = arith.constant 16 : i32
    %shift_left3A_66 = vector.broadcast %shift_left3A_65 : i32 to vector<32x4096xi32>
    %shift_left3A_67 = arith.shli %squeeze3A_64, %shift_left3A_66 : vector<32x4096xi32>
    %or3A_68 = arith.ori %squeeze3A_62, %shift_left3A_67 : vector<32x4096xi32>
    %transpose3A_69 = tpu.transpose %or3A_68, [1, 0] : vector<32x4096xi32> -> vector<4096x32xi32>
    %get3A_70 = arith.constant 0 : index
    %get3A_71 = arith.constant 0 : index
    %get3A_72 = vector.load %arg4[%get3A_70, %get3A_71] : memref<64x4096xf32, #tpu.memory_space<vmem>>, vector<64x4096xf32>
    %bitcast_convert_type3A_73 = tpu.bitcast %get3A_72 : vector<64x4096xf32> -> vector<64x4096xi32>
    %add3A_74 = arith.constant 32767 : i32
    %add3A_75 = vector.broadcast %add3A_74 : i32 to vector<64x4096xi32>
    %add3A_76 = arith.addi %bitcast_convert_type3A_73, %add3A_75 : vector<64x4096xi32>
    %shift_right_logical3A_77 = arith.constant 16 : i32
    %shift_right_logical3A_78 = vector.broadcast %shift_right_logical3A_77 : i32 to vector<64x4096xi32>
    %shift_right_logical3A_79 = arith.shrui %bitcast_convert_type3A_73, %shift_right_logical3A_78 : vector<64x4096xi32>
    %and3A_80 = arith.constant 1 : i32
    %and3A_81 = vector.broadcast %and3A_80 : i32 to vector<64x4096xi32>
    %and3A_82 = arith.andi %shift_right_logical3A_79, %and3A_81 : vector<64x4096xi32>
    %add3A_83 = arith.addi %add3A_76, %and3A_82 : vector<64x4096xi32>
    %shift_right_logical3A_84 = arith.constant 16 : i32
    %shift_right_logical3A_85 = vector.broadcast %shift_right_logical3A_84 : i32 to vector<64x4096xi32>
    %shift_right_logical3A_86 = arith.shrui %add3A_83, %shift_right_logical3A_85 : vector<64x4096xi32>
    %reshape3A_87 = vector.shape_cast %shift_right_logical3A_86 : vector<64x4096xi32> to vector<32x2x4096xi32>
    %slice3A_88 = vector.extract_strided_slice %reshape3A_87 {offsets = [0, 0, 0], sizes = [32, 1, 4096], strides = [1, 1, 1]} : vector<32x2x4096xi32> to vector<32x1x4096xi32>
    %squeeze3A_89 = vector.shape_cast %slice3A_88 : vector<32x1x4096xi32> to vector<32x4096xi32>
    %slice3A_90 = vector.extract_strided_slice %reshape3A_87 {offsets = [0, 1, 0], sizes = [32, 1, 4096], strides = [1, 1, 1]} : vector<32x2x4096xi32> to vector<32x1x4096xi32>
    %squeeze3A_91 = vector.shape_cast %slice3A_90 : vector<32x1x4096xi32> to vector<32x4096xi32>
    %shift_left3A_92 = arith.constant 16 : i32
    %shift_left3A_93 = vector.broadcast %shift_left3A_92 : i32 to vector<32x4096xi32>
    %shift_left3A_94 = arith.shli %squeeze3A_91, %shift_left3A_93 : vector<32x4096xi32>
    %or3A_95 = arith.ori %squeeze3A_89, %shift_left3A_94 : vector<32x4096xi32>
    %transpose3A_96 = tpu.transpose %or3A_95, [1, 0] : vector<32x4096xi32> -> vector<4096x32xi32>
    %concatenate3A = tpu.concatenate %transpose3A, %transpose3A_42, %transpose3A_69, %transpose3A_96 in 1 : vector<4096x32xi32>, vector<4096x32xi32>, vector<4096x32xi32>, vector<4096x32xi32> -> vector<4096x128xi32>
    %swap3A = arith.constant 0 : index
    %swap3A_97 = arith.constant 0 : index
    %swap3A_98 = vector.load %arg5[%swap3A, %swap3A_97] : memref<4096x128xi32, #tpu.memory_space<vmem>>, vector<4096x128xi32>
    tpu.vector_store %arg5[%swap3A, %swap3A_97], %concatenate3A {strides = array<i32>} : memref<4096x128xi32, #tpu.memory_space<vmem>>, vector<4096x128xi32>,
    return
  }
  func.func @transform_0(%arg0: i32) -> (i32, i32) {
    %add3A = arith.constant 0 : i32
    %add3A_0 = arith.addi %arg0, %add3A : i32
    %min3A = arith.constant 244 : i32
    %min3A_1 = arith.minsi %add3A_0, %min3A : i32
    %c0_i32 = arith.constant 0 : i32
    %c0_i32_2 = arith.constant 0 : i32
    return %c0_i32, %min3A_1 : i32, i32
  }
  func.func @transform_1(%arg0: i32) -> (i32, i32) {
    %add3A = arith.constant 64 : i32
    %add3A_0 = arith.addi %arg0, %add3A : i32
    %min3A = arith.constant 244 : i32
    %min3A_1 = arith.minsi %add3A_0, %min3A : i32
    %c0_i32 = arith.constant 0 : i32
    %c0_i32_2 = arith.constant 0 : i32
    return %c0_i32, %min3A_1 : i32, i32
  }
  func.func @transform_2(%arg0: i32) -> (i32, i32) {
    %add3A = arith.constant 128 : i32
    %add3A_0 = arith.addi %arg0, %add3A : i32
    %min3A = arith.constant 244 : i32
    %min3A_1 = arith.minsi %add3A_0, %min3A : i32
    %c0_i32 = arith.constant 0 : i32
    %c0_i32_2 = arith.constant 0 : i32
    return %c0_i32, %min3A_1 : i32, i32
  }
  func.func @transform_3(%arg0: i32) -> (i32, i32) {
    %add3A = arith.constant 192 : i32
    %add3A_0 = arith.addi %arg0, %add3A : i32
    %min3A = arith.constant 244 : i32
    %min3A_1 = arith.minsi %add3A_0, %min3A : i32
    %c0_i32 = arith.constant 0 : i32
    %c0_i32_2 = arith.constant 0 : i32
    return %c0_i32, %min3A_1 : i32, i32
  }
  func.func @transform_4(%arg0: i32) -> (i32, i32) {
    %c0_i32 = arith.constant 0 : i32
    %c0_i32_0 = arith.constant 0 : i32
    return %arg0, %c0_i32 : i32, i32
  }
}

module attributes {stable_mosaic.version = 14 : i64} {
  func.func @_mlp_block_kernel(%arg0: i32, %arg1: memref<2048x64xf32, #tpu.memory_space<vmem>>, %arg2: memref<64x64xf32, #tpu.memory_space<vmem>>, %arg3: memref<1x64xf32, #tpu.memory_space<vmem>>, %arg4: memref<1000x64xf32, #tpu.memory_space<vmem>>, %arg5: memref<1000x1xf32, #tpu.memory_space<vmem>>, %arg6: memref<1000x2048xf32, #tpu.memory_space<vmem>>) attributes {dimension_semantics = [#tpu.dimension_semantics<arbitrary>], iteration_bounds = array<i64: 8>, scalar_prefetch = 0 : i64, scratch_operands = 0 : i64, tpu.core_type = #tpu.core_type<tc>, window_params = [{transform_indices = @transform_0, window_bounds = array<i64: 2048, 64>}, {pipeline_mode = #tpu.pipeline_mode<synchronous>, transform_indices = @transform_1, window_bounds = array<i64: 64, 64>}, {pipeline_mode = #tpu.pipeline_mode<synchronous>, transform_indices = @transform_2, window_bounds = array<i64: 1, 64>}, {pipeline_mode = #tpu.pipeline_mode<synchronous>, transform_indices = @transform_3, window_bounds = array<i64: 1000, 64>}, {pipeline_mode = #tpu.pipeline_mode<synchronous>, transform_indices = @transform_4, window_bounds = array<i64: 1000, 1>}, {transform_indices = @transform_5, window_bounds = array<i64: 1000, 2048>}]} {
    %get3A = arith.constant 0 : index
    %get3A_0 = arith.constant 0 : index
    %get3A_1 = vector.load %arg1[%get3A, %get3A_0] : memref<2048x64xf32, #tpu.memory_space<vmem>>, vector<2048x64xf32>
    %get3A_2 = arith.constant 0 : index
    %get3A_3 = arith.constant 0 : index
    %get3A_4 = vector.load %arg2[%get3A_2, %get3A_3] : memref<64x64xf32, #tpu.memory_space<vmem>>, vector<64x64xf32>
    %dot_general3A = arith.constant dense<0.000000e+00> : vector<2048x64xf32>
    %dot_general3A_5 = tpu.matmul %get3A_1, %get3A_4, %dot_general3A {dimension_numbers = #tpu.dot_dimension_numbers<[1], [0], [0], [1], [0, 0, 1, 1], [], []>, transpose_lhs_hint = false} : vector<2048x64xf32>, vector<64x64xf32>, vector<2048x64xf32> -> vector<2048x64xf32>
    %get3A_6 = arith.constant 0 : index
    %get3A_7 = arith.constant 0 : index
    %get3A_8 = vector.load %arg3[%get3A_6, %get3A_7] : memref<1x64xf32, #tpu.memory_space<vmem>>, vector<1x64xf32>
    %add3A = vector.broadcast %get3A_8 : vector<1x64xf32> to vector<2048x64xf32>
    %add3A_9 = arith.addf %dot_general3A_5, %add3A : vector<2048x64xf32>
    %max3A = arith.constant 0.000000e+00 : f32
    %max3A_10 = vector.broadcast %max3A : f32 to vector<2048x64xf32>
    %max3A_11 = arith.maximumf %add3A_9, %max3A_10 : vector<2048x64xf32>
    %get3A_12 = arith.constant 0 : index
    %get3A_13 = arith.constant 0 : index
    %get3A_14 = vector.load %arg4[%get3A_12, %get3A_13] : memref<1000x64xf32, #tpu.memory_space<vmem>>, vector<1000x64xf32>
    %transpose3A = tpu.transpose %max3A_11, [1, 0] : vector<2048x64xf32> -> vector<64x2048xf32>
    %dot_general3A_15 = arith.constant dense<0.000000e+00> : vector<1000x2048xf32>
    %dot_general3A_16 = tpu.matmul %get3A_14, %transpose3A, %dot_general3A_15 {dimension_numbers = #tpu.dot_dimension_numbers<[1], [0], [0], [1], [0, 0, 1, 1], [], []>, transpose_lhs_hint = false} : vector<1000x64xf32>, vector<64x2048xf32>, vector<1000x2048xf32> -> vector<1000x2048xf32>
    %get3A_17 = arith.constant 0 : index
    %get3A_18 = arith.constant 0 : index
    %get3A_19 = vector.load %arg5[%get3A_17, %get3A_18] : memref<1000x1xf32, #tpu.memory_space<vmem>>, vector<1000x1xf32>
    %add3A_20 = vector.broadcast %get3A_19 : vector<1000x1xf32> to vector<1000x2048xf32>
    %add3A_21 = arith.addf %dot_general3A_16, %add3A_20 : vector<1000x2048xf32>
    %swap3A = arith.constant 0 : index
    %swap3A_22 = arith.constant 0 : index
    %swap3A_23 = vector.load %arg6[%swap3A, %swap3A_22] : memref<1000x2048xf32, #tpu.memory_space<vmem>>, vector<1000x2048xf32>
    tpu.vector_store %arg6[%swap3A, %swap3A_22], %add3A_21 {strides = array<i32>} : memref<1000x2048xf32, #tpu.memory_space<vmem>>, vector<1000x2048xf32>,
    return
  }
  func.func @transform_0(%arg0: i32) -> (i32, i32) {
    %c0_i32 = arith.constant 0 : i32
    %c0_i32_0 = arith.constant 0 : i32
    return %arg0, %c0_i32 : i32, i32
  }
  func.func @transform_1(%arg0: i32) -> (i32, i32) {
    %c0_i32 = arith.constant 0 : i32
    %c0_i32_0 = arith.constant 0 : i32
    %c0_i32_1 = arith.constant 0 : i32
    return %c0_i32, %c0_i32_0 : i32, i32
  }
  func.func @transform_2(%arg0: i32) -> (i32, i32) {
    %c0_i32 = arith.constant 0 : i32
    %c0_i32_0 = arith.constant 0 : i32
    %c0_i32_1 = arith.constant 0 : i32
    return %c0_i32, %c0_i32_0 : i32, i32
  }
  func.func @transform_3(%arg0: i32) -> (i32, i32) {
    %c0_i32 = arith.constant 0 : i32
    %c0_i32_0 = arith.constant 0 : i32
    %c0_i32_1 = arith.constant 0 : i32
    return %c0_i32, %c0_i32_0 : i32, i32
  }
  func.func @transform_4(%arg0: i32) -> (i32, i32) {
    %c0_i32 = arith.constant 0 : i32
    %c0_i32_0 = arith.constant 0 : i32
    %c0_i32_1 = arith.constant 0 : i32
    return %c0_i32, %c0_i32_0 : i32, i32
  }
  func.func @transform_5(%arg0: i32) -> (i32, i32) {
    %c0_i32 = arith.constant 0 : i32
    %c0_i32_0 = arith.constant 0 : i32
    return %c0_i32, %arg0 : i32, i32
  }
}

</mosaic_0001>

<sc_bundles>
// kernel: kernel.5.cloned.1.call-start
scs
__scs_entry_jumppad:
0x0: {  	(pc) =	sbr.rel $0x88, $3  }
0x1: {  	(tag) =	ssettag $0x0;
	lr =	simm.s32 $0x1  }
0x2: {  	[smem:$0x3F9B] =	sst lr;
	_ =	strace $0xD0000000  }
0x3: {  	_ = 	snop  }
0x4: {  	_ = 	snop  }
0x5: {  	_ = 	snop  }
0x6: {  	_ = 	snop  }
0x7: {  	_ = 	snop  }
__scs_overlays_trampoline_lowered:
0x8: {  	[smem:$0x3FAA] =	sst s0  }
0x9: {  	[smem:$0x3FAB] =	sst s1  }
0xa: {  	[smem:$0x3FAC] =	sst s2  }
0xb: {  	[smem:$0x3FAD] =	sst s3  }
0xc: {  	[smem:$0x3FAE] =	sst s4  }
0xd: {  	[smem:$0x3FAF] =	sst s5  }
0xe: {  	[smem:$0x3FB0] =	sst s6  }
0xf: {  	[smem:$0x3FB1] =	sst s7  }
0x10: {  	[smem:$0x3FB2] =	sst s8  }
0x11: {  	[smem:$0x3FB3] =	sst s9;
	s0 =	simm.s32 @!p0 $0x0  }
0x12: {  	s1 =	sld [smem:$0x3F99];
	s0 =	simm.s32 @p0 $0x1  }
0x13: {  	[smem:$0x3FB4] =	sst s0;
	s0 =	simm.s32 @!p1 $0x0  }
0x14: {  	s2 =	sld [smem:$0x3F98];
	s0 =	simm.s32 @p1 $0x1  }
0x15: {  	[smem:$0x3FB5] =	sst s0;
	s0 =	simm.s32 @!p2 $0x0  }
0x16: {  	s3 =	sld [smem:$0x3FDB];
	s0 =	simm.s32 @p2 $0x1  }
0x17: {  	s4 =	simm.s32 $0x1BF5;
	[smem:$0x3FB7] =	sst s0  }
0x18: {  	s0 =	sld [smem:$0x3F9A];
	_ =	swait.ge [sflag:s4], $0x0  }
0x19: {  	s7 =	sld [smem:$0x3F9B]  }
0x1a: {  	s8 =	sadd.s32 $0xFFFFE003, lr  }
0x1b: {  	s9 =	sadd.s32 $0xFFFFFEF7, lr;
	s5 =	simm.s32 $0xFFFFFFFF;
	p2 =	slt.u32 s8, $0xFFFFF086  }
0x1c: {  	p1 =	slt.u32 s9, $0xF7A;
	s5 =	simm.s32 @!p2 $0x0  }
0x1d: {  	s5 =	simm.s32 @p1 $0x1;
	p0 =	seq.s32 s7, s2  }
0x1e: {  	s7 =	smul.u32 @!p0 $0xF7A, s2;
	p2 =	seq.s32 @!p0 s5, $0x0  }
0x1f: {  	s9 =	smul.u32 $0xF7A, s1;
	s8 =	simm.s32 @!p0 $0x1BF5;
	p2 =	por !p2, p0  }
0x20: {  	[sflag:s8] =	ssyncset.s32 @!p0 $0xFFFFF086;
	s6 =	sadd.s32 @!p0 s3, s7;
	s7 =	simm.s32 @!p0 $0x108  }
0x21: {  	s3 =	sadd.s32 s3, s9;
	s6 =	sadd.s32 @!p0 $0x88, s6;
	s7 =	simm.s32 @p2 $0x1082  }
0x22: {  	[simem:s7], [sflag:s8] =	dma.local @!p0 [hbm:s6], $0xF7A  }
0x23: {  	s9 =	sor.u32 $0xD0000000, s2;
	s6 =	simm.s32 $0x108;
	_ =	swait.ge @!p0 [sflag:s8], $0x0  }
0x24: {  	s3 =	sadd.s32 $0x88, s3;
	s6 =	simm.s32 @!p1 $0x1082;
	[sflag:s4] =	ssyncset.s32 $0xFFFFF086  }
0x25: {  	[simem:s6], [sflag:s4] =	dma.local [hbm:s3], $0xF7A  }
0x26: {  	[smem:$0x3F9B] =	sst s1;
	(tag) =	ssettag s2;
	_ =	strace s9  }
0x27: {  	s1 =	sld [smem:$0x3FAB]  }
0x28: {  	s2 =	sld [smem:$0x3FAC]  }
0x29: {  	s4 =	sld [smem:$0x3FAE]  }
0x2a: {  	p0 =	seq.s32 s5, $0x0;
	s5 =	sld [smem:$0x3FAF]  }
0x2b: {  	s6 =	sld [smem:$0x3FB0]  }
0x2c: {  	s7 =	sld [smem:$0x3FB1]  }
0x2d: {  	s3 =	simm.s32 $0x108;
	s8 =	sld [smem:$0x3FB2]  }
0x2e: {  	s3 =	simm.s32 @!p0 $0x1082;
	s9 =	sld [smem:$0x3FB3]  }
0x2f: {  	lr =	sadd.s32 s0, s3;
	s0 =	sld [smem:$0x3FAA]  }
0x30: {  	s3 =	sld [smem:$0x3FAD]  }
0x31: {  	[smem:$0x3FB6] =	sst s10  }
0x32: {  	s10 =	sld [smem:$0x3FB4];
	_ =	sdelay $0x3  }
0x33: {  	p0 =	seq.s32 s10, $0x1;
	s10 =	sld [smem:$0x3FB6];
	_ =	sdelay $0x3  }
0x34: {  	[smem:$0x3FB6] =	sst s10  }
0x35: {  	s10 =	sld [smem:$0x3FB5];
	_ =	sdelay $0x3  }
0x36: {  	p1 =	seq.s32 s10, $0x1;
	s10 =	sld [smem:$0x3FB6];
	_ =	sdelay $0x3  }
0x37: {  	[smem:$0x3FB6] =	sst s10  }
0x38: {  	s10 =	sld [smem:$0x3FB7]  }
0x39: {  	_ = 	snop;
	(pc) =	sbr.ind lr, $3  }
0x3a: {  	_ = 	snop  }
0x3b: {  	_ = 	snop  }
0x3c: {  	p2 =	seq.s32 s10, $0x1;
	s10 =	sld [smem:$0x3FB6]  }
0x3d: {  	_ =	shalt  }
0x3e: {  	_ =	shalt  }
0x3f: {  	_ =	shalt  }
0x40: {  	_ =	shalt  }
0x41: {  	_ =	shalt  }
0x42: {  	_ =	shalt  }
0x43: {  	_ =	shalt  }
0x44: {  	_ =	shalt  }
0x45: {  	_ =	shalt  }
0x46: {  	_ =	shalt  }
0x47: {  	_ =	shalt  }
0x48: {  	_ =	shalt  }
0x49: {  	_ =	shalt  }
0x4a: {  	_ =	shalt  }
0x4b: {  	_ =	shalt  }
0x4c: {  	_ =	shalt  }
0x4d: {  	_ =	shalt  }
0x4e: {  	_ =	shalt  }
0x4f: {  	_ =	shalt  }
0x50: {  	_ =	shalt  }
0x51: {  	_ =	shalt  }
0x52: {  	_ =	shalt  }
0x53: {  	_ =	shalt  }
0x54: {  	_ =	shalt  }
0x55: {  	_ =	shalt  }
0x56: {  	_ =	shalt  }
0x57: {  	_ =	shalt  }
0x58: {  	_ =	shalt  }
0x59: {  	_ =	shalt  }
0x5a: {  	_ =	shalt  }
0x5b: {  	_ =	shalt  }
0x5c: {  	_ =	shalt  }
0x5d: {  	_ =	shalt  }
0x5e: {  	_ =	shalt  }
0x5f: {  	_ =	shalt  }
0x60: {  	_ =	shalt  }
0x61: {  	_ =	shalt  }
0x62: {  	_ =	shalt  }
0x63: {  	_ =	shalt  }
0x64: {  	_ =	shalt  }
0x65: {  	_ =	shalt  }
0x66: {  	_ =	shalt  }
0x67: {  	_ =	shalt  }
0x68: {  	_ =	shalt  }
0x69: {  	_ =	shalt  }
0x6a: {  	_ =	shalt  }
0x6b: {  	_ =	shalt  }
0x6c: {  	_ =	shalt  }
0x6d: {  	_ =	shalt  }
0x6e: {  	_ =	shalt  }
0x6f: {  	_ =	shalt  }
0x70: {  	_ =	shalt  }
0x71: {  	_ =	shalt  }
0x72: {  	_ =	shalt  }
0x73: {  	_ =	shalt  }
0x74: {  	_ =	shalt  }
0x75: {  	_ =	shalt  }
0x76: {  	_ =	shalt  }
0x77: {  	_ =	shalt  }
0x78: {  	_ =	shalt  }
0x79: {  	_ =	shalt  }
0x7a: {  	_ =	shalt  }
0x7b: {  	_ =	shalt  }
0x7c: {  	_ =	shalt  }
0x7d: {  	_ =	shalt  }
0x7e: {  	_ =	shalt  }
0x7f: {  	_ =	shalt  }
0x80: {  	_ =	shalt  }
0x81: {  	_ =	shalt  }
0x82: {  	_ =	shalt  }
0x83: {  	_ =	shalt  }
0x84: {  	_ =	shalt  }
0x85: {  	_ =	shalt  }
0x86: {  	_ =	shalt  }
0x87: {  	_ =	shalt  }
.Lfunc_end0:
.L_simem_size_0:
called_computation_lowered:
.L_overlay_start_0:
0x88: {  	s2 =	sld [smem:$0x3FD9]  }
0x89: {  	s3 =	sld [smem:$0x3FFE];
	_ =	sdelay $0x1  }
0x8a: {  	s1 =	srdreg.scid  }
0x8b: {  	s0 =	sand.u32 $0x1, s1  }
0x8c: {  	s17 =	sshll.u32 s0, $0xA;
	s2 =	sadd.s32 s3, s2  }
0x8d: {  	s2 =	sadd.s32 s2, s17  }
0x8e: {  	[smem:$0x3FC2] =	sst s2  }
0x8f: {  	_ = 	snop  }
0x90: {  	s2 =	sld [smem:$0x3FD0];
	(tm) =	ssettm $0x1  }
0x91: {  	s18 =	sld [smem:$0x3FFB];
	_ =	sdelay $0x3  }
0x92: {  	_ =	strace s18  }
0x93: {  	s3 =	sld [smem:$0x3FFC];
	_ =	sdelay $0x3  }
0x94: {  	_ =	strace s3  }
0x95: {  	s3 =	sld [smem:$0x3FFD];
	_ =	sdelay $0x3  }
0x96: {  	_ =	strace s3  }
0x97: {  	_ =	strace $0x8FFFFFFF  }
0x98: {  	s19 =	sld [smem:$0x3FDB];
	_ =	sdelay $0x1  }
0x99: {  	s4 =	simm.s32 $_scs_section_size  }
0x9a: {  	s5 =	simm.s32 $_size__tile_overlayer_lowered;
	s6 =	simm.s32 $_tile_overlayer_lowered  }
0x9b: {  	s22 =	simm.s32 $0x1BFF;
	s21 =	sshll.u32 s6, $0x1;
	s3 =	sadd.s32 s4, s19  }
0x9c: {  	s7 =	simm.s32 $0x0;
	s20 =	sshll.u32 s5, $0x1;
	s5 =	sadd.s32 s21, s3  }
0x9d: {  	[timem:s7], [sflag:s22] =	dma.local [hbm:s5], s20  }
0x9e: {  	_ =	swait.ge [sflag:s22], s20  }
0x9f: {  	s4 =	ssub.s32 $0x0, s20;
	[sflag:s22] =	ssyncset.done $0x0  }
0xa0: {  	[sflag:s22] =	ssyncadd.s32 s4;
	_ =	sdelay $0x1  }
0xa1: {  	s23 =	simm.s32 $0x1B8B  }
0xa2: {  	_ =	swait.ge [sflag:s23], $0x1  }
0xa3: {  	[sflag:s23] =	ssyncset.done $0x0  }
0xa4: {  	s25 =	simm.s32 $0x1B8E;
	s24 =	sld [smem:$0x3FFE];
	[sflag:s23] =	ssyncadd.s32 $0xFFFFFFFF  }
0xa5: {  	s26 =	simm.s32 $execute0_lowered;
	[smem:$0x3FD2] =	sst s25  }
0xa6: {  	s5 =	sshll.u32 s26, $0x1;
	_ =	strace $0x80000046;
	[dreg:$0x1] =	wrdreg $0xFFFFFFFF  }
0xa7: {  	s28 =	simm.s32 $_size_execute0_lowered;
	s3 =	sadd.s32 s3, s5;
	[dreg:$0x0] =	wrdreg $0x0  }
0xa8: {  	s5 =	sshll.u32 s28, $0x1;
	[dreg:$0x2] =	wrdreg s3  }
0xa9: {  	[dreg:$0x3] =	wrdreg s5  }
0xaa: {  	[dreg:$0x4] =	wrdreg $0xC0  }
0xab: {  	_ =	task [dreg:s7], $0x5FFFF  }
0xac: {  	[dreg:$0x1] =	wrdreg $0xFFFFFFFF  }
0xad: {  	[dreg:$0x0] =	wrdreg $0x60  }
0xae: {  	[dreg:$0x2] =	wrdreg s24  }
0xaf: {  	[dreg:$0x3] =	wrdreg s2  }
0xb0: {  	[dreg:$0x4] =	wrdreg $0x9  }
0xb1: {  	_ =	task.clear_ibuf [dreg:s7], $0x5FFFF;
	_ =	strace $0x90000046  }
0xb2: {  	s29 =	simm.s32 $0x9;
	_ =	strace $0x80000048  }
0xb3: {  	_ =	swait.ge [sflag:s29], $0x1  }
0xb4: {  	[sflag:s29] =	ssyncadd.s32 $0xFFFFFFFF  }
0xb5: {  	_ =	strace $0x90000048  }
0xb6: {  	_ =	sfence  }
0xb7: {  	s30 =	sld [smem:$0x0];
	_ =	sdelay $0x2  }
0xb8: {  	s31 =	sshll.u32 s1, $0xD;
	s1 =	sshrl.u32 s1, $0x2  }
0xb9: {  	s3 =	sand.u32 $0x4000, s31;
	s1 =	sadd.s32 s1, s30  }
0xba: {  	s0 =	sor.u32 s3, s0;
	s1 =	sshll.u32 s1, $0x11  }
0xbb: {  	s0 =	sor.u32 s1, s0  }
0xbc: {  	s0 =	sadd.s32 $0x8F2B, s0  }
0xbd: {  	[sflag:s0] =	ssyncadd.remote.s32 $0x1  }
0xbe: {  	_ =	sfence.sel $0xFFFF  }
0xbf: {  	[dreg:$0x0] =	wrdreg $0xFFFFFFFF;
	(pc) =	sbr.abs _section_cstart, $3  }
0xc0: {  	[dreg:$0x1] =	wrdreg $0xFFFFFFFF  }
0xc1: {  	_ =	task.clear_ibuf [dreg:s7], $0x2FFFF;
	_ =	strace $0x9FFFFFFF  }
0xc2: {  	(tm) =	ssettm $0x7FFFFFFF  }
0xc3: {  	_ =	shalt  }
tec
execute0_lowered:
.L_overlay_start_1:
0x0: {  	(tag) =	ssettag $0x1  }
0x1: {  	s0 =	rddreg [dreg:$0x0];
	s1 =	simm.s32 $0x0;
	s26 =	srdreg.scid  }
0x2: {  	s3 =	stileid.u32;
	[smem:$0x7FF] =	sst s1;
	s2 =	sadd.s32 $0xE00, s0  }
0x3: {  	s1 =	sand.u32 $0x1, s26;
	s5 =	sadd.s32 $0x64E00, s0;
	s28 =	sadd.s32 $0x464E00, s0  }
0x4: {  	s0 =	sadd.s32 $0x465000, s0;
	s31 =	sshll.u32 s3, $0xA;
	_ =	strace $0x80000047  }
.Ltmp0:
0x5: {  	[dreg:$0x3] =	wrdreg s2;
	s29 =	ssub.s32 $0x2, s1;
	(pc) =	sbr.rel .LBB2_1-.Ltmp0, $4  }
0x6: {  	v0 =	vlaneseq.u32;
	[dreg:$0x4] =	wrdreg s28;
	s1 =	sshll.u32 s1, $0x9;
	s30 =	sshrl.u32 s29, $0x1  }
0x7: {  	v0 =	vmul.u32 $0x2, v0;
	[dreg:$0x5] =	wrdreg s0;
	s1 =	sor.u32 s1, s31;
	s0 =	ssub.s32 s29, s30  }
0x8: {  	[dreg:$0x6] =	wrdreg s1;
	s0 =	smax.u32 s0, $0x1  }
0x9: {  	s3 =	simm.s32 $0x9;
	v1 =	vor.u32 $0x1, v0;
	v2 =	vor.u32 $0x20, v0;
	v3 =	vor.u32 $0x21, v0;
	s1 =	simm.s32 $0x0;
	[dreg:$0x7] =	wrdreg s0  }
.LBB2_22:
0xa: {  	s1 =	rddreg [dreg:$0x8]  }
0xb: {  	s0 =	rddreg [dreg:$0x7];
	s1 =	sadd.s32 $0x1, s1  }
0xc: {  	p0 =	sne.s32 s1, s0  }
.Ltmp1:
0xd: {  	_ = 	snop;
	(pc) =	sbr.rel @!p0 .LBB2_23-.Ltmp1, $1  }
0xe: {  	_ =	sdelay $0x3  }
.LBB2_1:
0xf: {  	s0 =	simm.s32 $0x0;
	s31 =	rddreg [dreg:$0x4];
	s2 =	simm.s32 $0x14600  }
0x10: {  	[tilespmem:s2], [sflag:$0x9] =	stream.linear.gather [hbm4b:s31+s0], $0x1, $0x38;
	[tilespmem:$0x14610] =	vst v63  }
.Ltmp2:
0x11: {  	[dreg:$0x8] =	wrdreg s1;
	(pc) =	sbr.rel .LBB2_2-.Ltmp2, $4  }
0x12: {  	_ =	swait.ge [sflag:s3], $0x1  }
0x13: {  	[sflag:s3] =	ssyncset.done $0x0  }
0x14: {  	[sflag:s3] =	ssyncadd.s32 $0xFFFFFFFF  }
0x15: {  	s0 =	simm.s32 $0x0;
	v4 =	vld.msk [tilespmem:$0x14600 ss:$0x0], $0xffff  }
.LBB2_21:
0x16: {  	s0 =	rddreg [dreg:$0xa]  }
0x17: {  	s1 =	rddreg [dreg:$0x5];
	s30 =	simm.s32 $0x0;
	s0 =	sshll.u32 s0, $0x3  }
0x18: {  	s2 =	simm.s32 $0x13600;
	s3 =	simm.s32 $0x9;
	s0 =	sadd.s32 s1, s0  }
0x19: {  	[hbm4b:s0+s30] =	stream.linear.scatter [tilespmem:s2], [sflag:$0x9], $0x1000, $0x38;
	[tilespmem:$0x14610] =	vst v63  }
0x1a: {  	_ =	swait.ge [sflag:s3], $0x1000  }
0x1b: {  	s31 =	rddreg [dreg:$0x9]  }
0x1c: {  	s0 =	sadd.s32 $0x1, s31  }
0x1d: {  	p0 =	sne.s32 s0, $0x8  }
.Ltmp3:
0x1e: {  	_ = 	snop;
	(pc) =	sbr.rel @!p0 .LBB2_22-.Ltmp3, $3  }
0x1f: {  	_ =	sdelay $0x1  }
0x20: {  	[sflag:s3] =	ssyncset.done $0x0  }
0x21: {  	[sflag:s3] =	ssyncadd.s32 $0xFFFFF000  }
.LBB2_2:
0x22: {  	s7 =	sshll.u32 s0, $0x6;
	s1 =	rddreg [dreg:$0x6]  }
0x23: {  	s2 =	sadd.s32 s1, s7  }
0x24: {  	[dreg:$0x9] =	wrdreg s0;
	s0 =	smul.u32 $0x19, s2  }
0x25: {  	s8 =	rddreg [dreg:$0x3]  }
0x26: {  	s16 =	simm.s32 $0x0;
	s0 =	sadd.s32 s8, s0  }
0x27: {  	[tilespmem:s16], [sflag:$0x9] =	stream.linear.gather [hbm4b:s0+s16], $0x3200, $0x38;
	[tilespmem:$0x14610] =	vst v63  }
0x28: {  	_ =	swait.ge [sflag:s3], $0x3200  }
0x29: {  	[sflag:s3] =	ssyncset.done $0x0  }
0x2a: {  	s9 =	smul.u32 $0x1A, s2;
	[sflag:s3] =	ssyncadd.s32 $0xFFFFCE00  }
0x2b: {  	s10 =	rddreg [dreg:$0x1]  }
0x2c: {  	s17 =	simm.s32 $0x3200;
	[dreg:$0xa] =	wrdreg s2;
	s0 =	sadd.s32 s10, s9  }
0x2d: {  	[tilespmem:s17], [sflag:$0x9] =	stream.linear.gather [hbm4b:s0+s16], $0x3400, $0x38;
	[tilespmem:$0x14610] =	vst v63  }
0x2e: {  	_ =	swait.ge [sflag:s3], $0x3400  }
0x2f: {  	s11 =	simm.s32 $0x68;
	s12 =	simm.s32 $0x6600;
	[sflag:s3] =	ssyncset.done $0x0  }
0x30: {  	s13 =	simm.s32 $0x60;
	s14 =	simm.s32 $0x8000;
	[sflag:s3] =	ssyncadd.s32 $0xFFFFCC00  }
0x31: {  	[tilespmem:s12], [sflag:$0x1] =	stream.indirect.gather [hbm4b:s5+s11], $0x40, s16, s11, $0xb8;
	[tilespmem:$0x14610] =	vst v63  }
0x32: {  	s15 =	simm.s32 $0xC8;
	s18 =	simm.s32 $0x9A00;
	s19 =	simm.s32 $0x130  }
0x33: {  	[tilespmem:s14], [sflag:$0x2] =	stream.indirect.gather [hbm4b:s5+s13], $0x40, s11, s13, $0xb8;
	[tilespmem:$0x14610] =	vst v63  }
0x34: {  	s20 =	simm.s32 $0xB400;
	s21 =	simm.s32 $0x190;
	s22 =	simm.s32 $0xCE00  }
0x35: {  	[tilespmem:s18], [sflag:$0x3] =	stream.indirect.gather [hbm4b:s5+s11], $0x40, s15, s11, $0xb8;
	[tilespmem:$0x14610] =	vst v63  }
0x36: {  	s23 =	simm.s32 $0x1F8;
	s24 =	simm.s32 $0xE800;
	s25 =	simm.s32 $0x258  }
0x37: {  	[tilespmem:s20], [sflag:$0x4] =	stream.indirect.gather [hbm4b:s5+s13], $0x40, s19, s13, $0xb8;
	[tilespmem:$0x14610] =	vst v63  }
0x38: {  	s26 =	simm.s32 $0x10200;
	s28 =	simm.s32 $0x2C0;
	s30 =	simm.s32 $0x3470  }
0x39: {  	[tilespmem:s22], [sflag:$0x5] =	stream.indirect.gather [hbm4b:s5+s11], $0x40, s21, s11, $0xb8;
	[tilespmem:$0x14610] =	vst v63  }
0x3a: {  	s29 =	simm.s32 $0x11C00;
	s31 =	simm.s32 $0x34D8;
	[dreg:$0xb] =	wrdreg s30  }
0x3b: {  	[tilespmem:s24], [sflag:$0x6] =	stream.indirect.gather [hbm4b:s5+s13], $0x40, s23, s13, $0xb8;
	[tilespmem:$0x14610] =	vst v63  }
0x3c: {  	[dreg:$0xc] =	wrdreg s31;
	s18 =	simm.s32 $0x3338;
	s20 =	simm.s32 $0x3268  }
0x3d: {  	[tilespmem:s26], [sflag:$0x7] =	stream.indirect.gather [hbm4b:s5+s11], $0x40, s25, s11, $0xb8;
	[tilespmem:$0x14610] =	vst v63  }
0x3e: {  	s21 =	simm.s32 $0x32D0;
	s22 =	simm.s32 $0x3408;
	s23 =	simm.s32 $0x33A0  }
0x3f: {  	[tilespmem:s29], [sflag:$0x8] =	stream.indirect.gather [hbm4b:s5+s13], $0x40, s28, s13, $0xb8;
	[tilespmem:$0x14610] =	vst v63  }
.LBB2_3:
0x40: {  	s0 =	simm.s32 $0x1  }
0x41: {  	_ =	swait.ge [sflag:s0], $0x1A00  }
0x42: {  	[sflag:s0] =	ssyncset.done $0x0  }
0x43: {  	[sflag:s0] =	ssyncadd.s32 $0xFFFFE600  }
0x44: {  	v5 =	vld [tilespmem:s17+$0x0];
	_ =	sdelay $0x4  }
0x45: {  	(v2sf) =	vpush v5, $0x7  }
0x46: {  	(v2sf) =	vpush v5, $0x2;
	_ =	sdelay $0x3  }
0x47: {  	(v2sf) =	vpush v5, $0x1;
	_ =	sdelay $0x1  }
0x48: {  	(v2sf) =	vpush v5, $0x0  }
0x49: {  	(v2sf) =	vpush v5, $0x5;
	_ =	sdelay $0x5  }
0x4a: {  	(v2sf) =	vpush v5, $0x3  }
0x4b: {  	s30 =	spop (v2sf)  }
0x4c: {  	s3 =	spop (v2sf);
	(v2sf) =	vpush v5, $0x4  }
0x4d: {  	s2 =	sadd.s32 $0x8, s17  }
0x4e: {  	v15 =	vld [tilespmem:s2+$0x0]  }
0x4f: {  	s1 =	sand.u32 $0x7, s30;
	s0 =	sshll.u32 s30, $0x2  }
0x50: {  	s4 =	sand.u32 $0x7, s3;
	s7 =	spop (v2sf);
	s0 =	sand.u32 $0xFFFFFFE0, s0  }
0x51: {  	(v2sf) =	vpush v5, $0x6;
	s3 =	sshll.u32 s3, $0x2;
	s1 =	sshll.u32 s1, $0x2;
	s8 =	sshll.u32 s7, $0x2  }
0x52: {  	s10 =	spop (v2sf);
	s4 =	sshll.u32 s4, $0x2;
	s3 =	sand.u32 $0xFFFFFFE0, s3  }
0x53: {  	s7 =	sand.u32 $0x7, s7;
	(v2sf) =	vpush v15, $0x7;
	s0 =	sor.u32 s1, s0;
	s11 =	spop (v2sf)  }
0x54: {  	s12 =	sand.u32 $0x7, s10;
	s3 =	sor.u32 s4, s3;
	s7 =	sshll.u32 s7, $0x2  }
0x55: {  	s9 =	sand.u32 $0xFFFFFFE0, s8;
	s0 =	sshra.s32 s0, $0x2;
	s10 =	sshll.u32 s10, $0x2  }
0x56: {  	(v2sf) =	vpush v15, $0x2;
	s13 =	sand.u32 $0x7, s11;
	s11 =	sshll.u32 s11, $0x2;
	s3 =	sshra.s32 s3, $0x2  }
0x57: {  	s1 =	sor.u32 s7, s9;
	s0 =	sadd.s32 $0x0, s0;
	s8 =	sand.u32 $0xFFFFFFE0, s10  }
0x58: {  	(v2sf) =	vpush v15, $0x1;
	s31 =	sand.u32 $0xFFFFFFE0, s11;
	s6 =	sshll.u32 s13, $0x2;
	s3 =	sadd.s32 $0x0, s3  }
0x59: {  	(v2sf) =	vpush v15, $0x0;
	s11 =	sshll.u32 s12, $0x2;
	s1 =	sshra.s32 s1, $0x2;
	v5 =	vld [tilespmem:s0+$0x67C0];
	s12 =	spop (v2sf)  }
0x5a: {  	v6 =	vld [tilespmem:s0+$0x67D0];
	s4 =	sor.u32 s6, s31;
	s7 =	sor.u32 s11, s8;
	s1 =	sadd.s32 $0x0, s1  }
0x5b: {  	v16 =	vld [tilespmem:s3+$0x6680];
	s13 =	sand.u32 $0x7, s12;
	s14 =	sshll.u32 s12, $0x2;
	s15 =	spop (v2sf);
	(v2sf) =	vpush v15, $0x5  }
0x5c: {  	s4 =	sshra.s32 s4, $0x2;
	v11 =	vld [tilespmem:s1+$0x6640];
	s0 =	sshll.u32 s13, $0x2;
	s8 =	sand.u32 $0xFFFFFFE0, s14  }
0x5d: {  	s7 =	sshra.s32 s7, $0x2;
	v13 =	vld [tilespmem:s1+$0x6650];
	s4 =	sadd.s32 $0x0, s4;
	s0 =	sor.u32 s0, s8;
	(v2sf) =	vpush v15, $0x3  }
0x5e: {  	s7 =	sadd.s32 $0x0, s7;
	v10 =	vld [tilespmem:s4+$0x6750];
	s0 =	sshra.s32 s0, $0x2  }
0x5f: {  	s2 =	sadd.s32 $0x8, s2;
	v19 =	vld [tilespmem:s7+$0x6610];
	s0 =	sadd.s32 $0x0, s0  }
0x60: {  	v14 =	vimm.f32 $0.0e+00;
	v25 =	vimm.f32 $0.0e+00;
	v24 =	vimm.f32 $0.0e+00;
	v20 =	vld [tilespmem:s4+$0x6740];
	s19 =	sand.u32 $0x7, s15;
	s1 =	sshll.u32 s15, $0x2;
	s24 =	spop (v2sf)  }
0x61: {  	v43 =	vimm.f32 $0.0e+00;
	v29 =	vimm.f32 $0.0e+00;
	v23 =	vimm.f32 $0.0e+00;
	v8 =	vld [tilespmem:s3+$0x6690];
	s1 =	sand.u32 $0xFFFFFFE0, s1;
	s25 =	sshll.u32 s19, $0x2;
	s26 =	sand.u32 $0x7, s24  }
0x62: {  	v9 =	vunpack.i.u.bf16.f32 v5;
	v12 =	vunpack.i.l.bf16.f32 v5;
	v5 =	vunpack.i.u.bf16.f32 v6;
	v17 =	vld [tilespmem:s0+$0x66D0];
	s8 =	sshll.u32 s24, $0x2;
	s29 =	spop (v2sf);
	s3 =	sor.u32 s25, s1  }
0x63: {  	v7 =	vunpack.i.l.bf16.f32 v16;
	v30 =	vunpack.i.u.bf16.f32 v11;
	v33 =	vunpack.i.l.bf16.f32 v11;
	s8 =	sand.u32 $0xFFFFFFE0, s8;
	s4 =	sshll.u32 s26, $0x2;
	s1 =	simm.s32 $0x1000  }
0x64: {  	v31 =	vld [tilespmem:s0+$0x66C0];
	v21 =	vunpack.i.u.bf16.f32 v13;
	v34 =	vunpack.i.l.bf16.f32 v13;
	v11 =	vunpack.i.u.bf16.f32 v10;
	s14 =	sand.u32 $0x7, s29;
	s30 =	sshll.u32 s29, $0x2;
	s4 =	sor.u32 s4, s8  }
0x65: {  	v18 =	vunpack.i.l.bf16.f32 v10;
	v22 =	vunpack.i.u.bf16.f32 v19;
	v27 =	vunpack.i.l.bf16.f32 v20;
	v10 =	vld [tilespmem:s7+$0x6600];
	s7 =	spop (v2sf);
	s28 =	sshra.s32 s3, $0x2;
	s4 =	sshra.s32 s4, $0x2  }
0x66: {  	v13 =	vunpack.i.l.bf16.f32 v19;
	v28 =	vunpack.i.u.bf16.f32 v20;
	v20 =	vunpack.i.u.bf16.f32 v8;
	s3 =	simm.s32 $0x200;
	s31 =	sand.u32 $0x7, s7;
	s4 =	sadd.s32 $0x0, s4  }
0x67: {  	v13 =	vadd.f32 v13, v14;
	v44 =	vunpack.i.l.bf16.f32 v17;
	(v2sf) =	vpush v15, $0x4;
	s11 =	sand.u32 $0xFFFFFFE0, s30;
	s0 =	spop (v2sf);
	s12 =	sadd.s32 $0x0, s28;
	v19 =	vld [tilespmem:s4+$0x6780]  }
0x68: {  	(v2sf) =	vpush v15, $0x6;
	v15 =	vunpack.i.u.bf16.f32 v16;
	v16 =	vimm.f32 $0.0e+00;
	s13 =	sshll.u32 s0, $0x2;
	s25 =	sshll.u32 s31, $0x2;
	s15 =	spop (v2sf);
	v32 =	vld [tilespmem:s4+$0x6790]  }
.LBB2_4:
0x69: {  	s4 =	sand.u32 $0x7, s15;
	s10 =	sshll.u32 s7, $0x2  }
0x6a: {  	v26 =	vld [tilespmem:s2+$0x0];
	s26 =	spop (v2sf);
	v14 =	vadd.f32 v33, v14;
	v25 =	vadd.f32 v30, v25;
	v30 =	vunpack.i.l.bf16.f32 v31;
	s8 =	smov.u32 s1;
	s7 =	smov.u32 s3  }
0x6b: {  	v33 =	vunpack.i.l.bf16.f32 v10;
	v24 =	vadd.f32 v34, v24;
	v31 =	vunpack.i.u.bf16.f32 v31;
	s3 =	sand.u32 $0xFFFFFFE0, s10;
	s10 =	sand.u32 $0x7, s26;
	s26 =	sshll.u32 s26, $0x2;
	v34 =	vld [tilespmem:s12+$0x6700]  }
0x6c: {  	s0 =	sand.u32 $0x7, s0;
	s14 =	sshll.u32 s14, $0x2;
	s28 =	spop (v2sf);
	v14 =	vadd.f32 v30, v14;
	v25 =	vadd.f32 v31, v25;
	v35 =	vunpack.i.l.bf16.f32 v19  }
0x6d: {  	s3 =	sor.u32 s25, s3;
	s25 =	sand.u32 $0xFFFFFFE0, s26;
	s10 =	sshll.u32 s10, $0x2;
	v30 =	vadd.f32 v33, v43;
	v24 =	vadd.f32 v44, v24;
	v31 =	vld [tilespmem:s12+$0x6710];
	v33 =	vunpack.i.u.bf16.f32 v32  }
0x6e: {  	v21 =	vadd.f32 v21, v29;
	s0 =	sshll.u32 s0, $0x2;
	s12 =	sshll.u32 s15, $0x2;
	s10 =	sor.u32 s10, s25;
	v32 =	vunpack.i.l.bf16.f32 v32;
	v14 =	vadd.f32 v27, v14  }
0x6f: {  	v17 =	vunpack.i.u.bf16.f32 v17;
	s3 =	sshra.s32 s3, $0x2;
	s15 =	sand.u32 $0x7, s28;
	s10 =	sshra.s32 s10, $0x2;
	v25 =	vadd.f32 v28, v25;
	(v2sf) =	vpush v26, $0x7  }
0x70: {  	s13 =	sand.u32 $0xFFFFFFE0, s13;
	v22 =	vadd.f32 v22, v23;
	s3 =	sadd.s32 s7, s3;
	s10 =	sadd.s32 s7, s10;
	(v2sf) =	vpush v26, $0x2;
	v27 =	vunpack.i.u.bf16.f32 v34  }
0x71: {  	s4 =	sshll.u32 s4, $0x2;
	s11 =	sor.u32 s14, s11;
	v19 =	vunpack.i.u.bf16.f32 v19;
	s15 =	sshll.u32 s15, $0x2;
	v18 =	vadd.f32 v18, v24;
	(v2sf) =	vpush v26, $0x1;
	v36 =	vld [tilespmem:s3+$0x6680]  }
0x72: {  	s0 =	sor.u32 s0, s13;
	s11 =	sshra.s32 s11, $0x2;
	v17 =	vadd.f32 v17, v21;
	s12 =	sand.u32 $0xFFFFFFE0, s12;
	(v2sf) =	vpush v26, $0x0;
	v28 =	vld [tilespmem:s10+$0x6750];
	v21 =	vunpack.i.u.bf16.f32 v31  }
0x73: {  	s4 =	sor.u32 s4, s12;
	s12 =	sshll.u32 s28, $0x2;
	v14 =	vadd.f32 v12, v14;
	v38 =	vunpack.i.l.bf16.f32 v31;
	(v2sf) =	vpush v26, $0x5;
	v37 =	vld [tilespmem:s10+$0x6740];
	s10 =	sadd.s32 s7, s11  }
0x74: {  	v20 =	vadd.f32 v20, v22;
	s0 =	sshra.s32 s0, $0x2;
	s4 =	sshra.s32 s4, $0x2;
	v25 =	vadd.f32 v9, v25;
	v9 =	vunpack.i.l.bf16.f32 v6;
	s11 =	sand.u32 $0xFFFFFFE0, s12;
	v12 =	vld [tilespmem:s10+$0x67C0]  }
0x75: {  	v10 =	vunpack.i.u.bf16.f32 v10;
	s0 =	sadd.s32 s7, s0;
	s4 =	sadd.s32 s7, s4;
	v24 =	vadd.f32 v9, v18;
	s11 =	sor.u32 s15, s11;
	(v2sf) =	vpush v26, $0x3;
	v6 =	vld [tilespmem:s10+$0x67D0]  }
0x76: {  	p0 =	sne.s32 s1, $0x6000;
	s1 =	sadd.s32 $0x800, s1;
	v16 =	vadd.f32 v10, v16;
	v20 =	vadd.f32 v21, v20;
	s10 =	sshra.s32 s11, $0x2;
	v18 =	vld [tilespmem:s0+$0x6640];
	v9 =	vunpack.i.l.bf16.f32 v36  }
0x77: {  	v8 =	vunpack.i.l.bf16.f32 v8;
	v11 =	vadd.f32 v11, v17;
	v21 =	vadd.f32 v7, v30;
	v22 =	vld [tilespmem:s0+$0x6650];
	s0 =	spop (v2sf);
	v7 =	vmovc v9  }
0x78: {  	v13 =	vadd.f32 v8, v13;
	v15 =	vadd.f32 v15, v16;
	v8 =	vunpack.i.l.bf16.f32 v34;
	v10 =	vld [tilespmem:s4+$0x6600];
	s11 =	sand.u32 $0x7, s0;
	s0 =	sshll.u32 s0, $0x2;
	s12 =	spop (v2sf)  }
0x79: {  	v40 =	vadd.f32 v8, v21;
	v23 =	vadd.f32 v33, v20;
	v39 =	vld [tilespmem:s4+$0x6610];
	s4 =	sadd.s32 s7, s10;
	s0 =	sand.u32 $0xFFFFFFE0, s0;
	s10 =	sshll.u32 s11, $0x2;
	v9 =	vunpack.i.u.bf16.f32 v12  }
0x7a: {  	v29 =	vadd.f32 v5, v11;
	s11 =	sshll.u32 s12, $0x2;
	v12 =	vunpack.i.l.bf16.f32 v12;
	v31 =	vld [tilespmem:s4+$0x66C0];
	s0 =	sor.u32 s10, s0;
	s10 =	sand.u32 $0x7, s12;
	v5 =	vunpack.i.u.bf16.f32 v6  }
0x7b: {  	v15 =	vadd.f32 v27, v15;
	s11 =	sand.u32 $0xFFFFFFE0, s11;
	v30 =	vunpack.i.u.bf16.f32 v18;
	v33 =	vunpack.i.l.bf16.f32 v18;
	v8 =	vld [tilespmem:s3+$0x6690];
	s0 =	sshra.s32 s0, $0x2;
	s10 =	sshll.u32 s10, $0x2  }
0x7c: {  	v13 =	vadd.f32 v38, v13;
	s3 =	sshra.s32 s8, $0x2;
	v21 =	vunpack.i.u.bf16.f32 v22;
	v34 =	vunpack.i.l.bf16.f32 v22;
	v17 =	vld [tilespmem:s4+$0x66D0];
	s4 =	sor.u32 s10, s11  }
.Ltmp4:
0x7d: {  	s2 =	sadd.s32 $0x8, s2;
	v16 =	vadd.f32 v19, v15;
	v11 =	vunpack.i.u.bf16.f32 v28;
	v18 =	vunpack.i.l.bf16.f32 v28;
	s4 =	sshra.s32 s4, $0x2;
	(pc) =	sbr.rel @p0 .LBB2_4-.Ltmp4, $4  }
0x7e: {  	v13 =	vadd.f32 v32, v13;
	v27 =	vunpack.i.l.bf16.f32 v37;
	s12 =	sadd.s32 s7, s0;
	s8 =	spop (v2sf);
	v22 =	vunpack.i.u.bf16.f32 v39;
	s4 =	sadd.s32 s7, s4  }
0x7f: {  	v43 =	vadd.f32 v35, v40;
	v28 =	vunpack.i.u.bf16.f32 v37;
	v15 =	vunpack.i.l.bf16.f32 v39;
	s14 =	sand.u32 $0x7, s8;
	s0 =	sshll.u32 s8, $0x2;
	s7 =	spop (v2sf);
	v19 =	vld [tilespmem:s4+$0x6780]  }
0x80: {  	v13 =	vadd.f32 v15, v13;
	s8 =	sand.u32 $0x7, s7;
	s11 =	sand.u32 $0xFFFFFFE0, s0;
	s0 =	spop (v2sf);
	(v2sf) =	vpush v26, $0x4;
	v20 =	vunpack.i.u.bf16.f32 v8;
	v32 =	vld [tilespmem:s4+$0x6790]  }
0x81: {  	v15 =	vunpack.i.u.bf16.f32 v36;
	s13 =	sshll.u32 s0, $0x2;
	s25 =	sshll.u32 s8, $0x2;
	s15 =	spop (v2sf);
	(v2sf) =	vpush v26, $0x6;
	v44 =	vunpack.i.l.bf16.f32 v17  }
0x82: {  	_ = 	snop  }
0x83: {  	s1 =	sshll.u32 s7, $0x2;
	s2 =	spop (v2sf);
	s4 =	sand.u32 $0x7, s15  }
0x84: {  	s0 =	sand.u32 $0x7, s0;
	s8 =	sshll.u32 s14, $0x2;
	s30 =	sshll.u32 s15, $0x2  }
0x85: {  	s6 =	sand.u32 $0xFFFFFFE0, s13;
	s1 =	sand.u32 $0xFFFFFFE0, s1;
	s29 =	sand.u32 $0x7, s2  }
0x86: {  	s2 =	sshll.u32 s2, $0x2;
	s0 =	sshll.u32 s0, $0x2;
	s8 =	sor.u32 s8, s11  }
0x87: {  	s4 =	sshll.u32 s4, $0x2;
	s1 =	sor.u32 s25, s1;
	s2 =	sand.u32 $0xFFFFFFE0, s2  }
0x88: {  	v45 =	vld [tilespmem:s12+$0x6700];
	s7 =	sshll.u32 s29, $0x2;
	s10 =	spop (v2sf);
	s8 =	sshra.s32 s8, $0x2  }
0x89: {  	v46 =	vld [tilespmem:s12+$0x6710];
	s0 =	sor.u32 s0, s6;
	s1 =	sshra.s32 s1, $0x2;
	s9 =	sadd.s32 s3, s8  }
0x8a: {  	s2 =	sor.u32 s7, s2;
	s0 =	sshra.s32 s0, $0x2;
	s1 =	sadd.s32 s3, s1;
	v48 =	vld [tilespmem:s9+$0x67C0]  }
0x8b: {  	s31 =	sand.u32 $0x7, s10;
	s7 =	sand.u32 $0xFFFFFFE0, s30;
	s0 =	sadd.s32 s3, s0;
	v37 =	vld [tilespmem:s1+$0x6680]  }
0x8c: {  	s12 =	sshll.u32 s10, $0x2;
	s2 =	sshra.s32 s2, $0x2;
	s11 =	sshll.u32 s31, $0x2;
	v49 =	vld [tilespmem:s0+$0x6640]  }
0x8d: {  	s4 =	sor.u32 s4, s7;
	s14 =	sand.u32 $0xFFFFFFE0, s12;
	s2 =	sadd.s32 s3, s2;
	v50 =	vld [tilespmem:s0+$0x6650]  }
0x8e: {  	s13 =	sshra.s32 s4, $0x2;
	s4 =	sor.u32 s11, s14;
	v47 =	vld [tilespmem:s2+$0x6750]  }
0x8f: {  	v42 =	vld [tilespmem:s2+$0x6740];
	s2 =	sadd.s32 s3, s13;
	s4 =	sshra.s32 s4, $0x2;
	s15 =	spop (v2sf)  }
0x90: {  	v38 =	vld [tilespmem:s1+$0x6690];
	s25 =	sadd.s32 s3, s4;
	s29 =	sand.u32 $0x7, s15;
	s7 =	sshll.u32 s15, $0x2  }
0x91: {  	v40 =	vld [tilespmem:s2+$0x6600];
	s19 =	spop (v2sf);
	s30 =	sand.u32 $0xFFFFFFE0, s7;
	s31 =	sshll.u32 s29, $0x2  }
0x92: {  	v51 =	vld [tilespmem:s2+$0x6610];
	s24 =	sand.u32 $0x7, s19;
	s0 =	sshll.u32 s19, $0x2;
	s6 =	sor.u32 s31, s30  }
0x93: {  	v52 =	vld [tilespmem:s25+$0x66C0];
	s0 =	sand.u32 $0xFFFFFFE0, s0;
	s26 =	sshll.u32 s24, $0x2;
	s1 =	sshra.s32 s6, $0x2  }
0x94: {  	p0 =	seq.s32 s16, $0xF;
	v53 =	vld [tilespmem:s25+$0x66D0];
	s0 =	sor.u32 s26, s0;
	s1 =	sadd.s32 s3, s1  }
0x95: {  	s2 =	smul.u32 @!p0 $0xC80, s16;
	s0 =	sshra.s32 s0, $0x2;
	v41 =	vld [tilespmem:s1+$0x6700]  }
0x96: {  	s0 =	sadd.s32 s3, s0;
	v39 =	vld [tilespmem:s1+$0x6710]  }
0x97: {  	s25 =	sshra.s32 @!p0 s2, $0x2;
	s2 =	simm.s32 @!p0 $0x6600;
	v26 =	vld [tilespmem:s0+$0x6780]  }
0x98: {  	s7 =	simm.s32 $0x2;
	s1 =	simm.s32 @!p0 $0x68;
	v35 =	vld [tilespmem:s0+$0x6790];
	s0 =	sadd.s32 @!p0 $0x320, s25  }
0x99: {  	v14 =	vadd.f32 v33, v14;
	v36 =	vld [tilespmem:s9+$0x67D0];
	[tilespmem:s2], [sflag:$0x1] =	stream.indirect.gather @!p0 [hbm4b:s5+s1], $0x40, s0, s1, $0xb8  }
0x9a: {  	v25 =	vadd.f32 v30, v25;
	v30 =	vunpack.i.l.bf16.f32 v31;
	_ =	swait.ge [sflag:s7], $0x1800  }
0x9b: {  	v14 =	vadd.f32 v30, v14;
	[sflag:s7] =	ssyncset.done $0x0  }
0x9c: {  	v24 =	vadd.f32 v34, v24;
	[sflag:s7] =	ssyncadd.s32 $0xFFFFE800  }
0x9d: {  	v31 =	vunpack.i.u.bf16.f32 v31;
	v21 =	vadd.f32 v21, v29;
	v14 =	vadd.f32 v27, v14;
	v27 =	vld [tilespmem:s20+$0x0]  }
0x9e: {  	v22 =	vadd.f32 v22, v23;
	v17 =	vunpack.i.u.bf16.f32 v17;
	v8 =	vunpack.i.l.bf16.f32 v8  }
0x9f: {  	v8 =	vadd.f32 v8, v13;
	v25 =	vadd.f32 v31, v25;
	v30 =	vunpack.i.l.bf16.f32 v10  }
0xa0: {  	v24 =	vadd.f32 v44, v24;
	v17 =	vadd.f32 v17, v21;
	v10 =	vunpack.i.u.bf16.f32 v10  }
0xa1: {  	v30 =	vadd.f32 v30, v43;
	v10 =	vadd.f32 v10, v16  }
0xa2: {  	v25 =	vadd.f32 v28, v25;
	(v2sf) =	vpush v27, $0x7  }
0xa3: {  	v18 =	vadd.f32 v18, v24;
	(v2sf) =	vpush v27, $0x2  }
0xa4: {  	v6 =	vunpack.i.l.bf16.f32 v6;
	v11 =	vadd.f32 v11, v17;
	(v2sf) =	vpush v27, $0x1  }
0xa5: {  	v17 =	vunpack.i.u.bf16.f32 v19;
	v16 =	vunpack.i.u.bf16.f32 v46;
	v7 =	vadd.f32 v7, v30  }
0xa6: {  	v10 =	vadd.f32 v15, v10;
	v15 =	vunpack.i.u.bf16.f32 v32;
	v12 =	vadd.f32 v12, v14  }
0xa7: {  	v13 =	vunpack.i.l.bf16.f32 v45;
	v14 =	vadd.f32 v20, v22;
	v9 =	vadd.f32 v9, v25  }
0xa8: {  	v6 =	vadd.f32 v6, v18;
	v18 =	vunpack.i.l.bf16.f32 v46;
	v5 =	vadd.f32 v5, v11  }
0xa9: {  	v7 =	vadd.f32 v13, v7;
	v14 =	vadd.f32 v16, v14;
	v16 =	vunpack.i.u.bf16.f32 v45  }
0xaa: {  	v8 =	vadd.f32 v18, v8;
	v10 =	vadd.f32 v16, v10;
	v16 =	vunpack.i.u.bf16.f32 v48  }
0xab: {  	v20 =	vunpack.i.l.bf16.f32 v48;
	v13 =	vadd.f32 v15, v14;
	(v2sf) =	vpush v27, $0x0  }
0xac: {  	v14 =	vunpack.i.l.bf16.f32 v19;
	v15 =	vunpack.i.l.bf16.f32 v32;
	(v2sf) =	vpush v27, $0x5  }
0xad: {  	v11 =	vunpack.i.l.bf16.f32 v37;
	v18 =	vunpack.i.l.bf16.f32 v49;
	v19 =	vunpack.i.l.bf16.f32 v50  }
0xae: {  	v10 =	vadd.f32 v17, v10;
	v17 =	vunpack.i.u.bf16.f32 v49;
	v8 =	vadd.f32 v15, v8  }
0xaf: {  	v15 =	vunpack.i.u.bf16.f32 v50;
	v7 =	vadd.f32 v14, v7;
	(v2sf) =	vpush v27, $0x3  }
0xb0: {  	v12 =	vadd.f32 v18, v12;
	v6 =	vadd.f32 v19, v6;
	v24 =	vunpack.i.l.bf16.f32 v42  }
0xb1: {  	v14 =	vunpack.i.l.bf16.f32 v51;
	v9 =	vadd.f32 v17, v9;
	v5 =	vadd.f32 v15, v5;
	s8 =	spop (v2sf)  }
0xb2: {  	v23 =	vunpack.i.u.bf16.f32 v51;
	v8 =	vadd.f32 v14, v8;
	s9 =	spop (v2sf);
	(v2sf) =	vpush v27, $0x4  }
0xb3: {  	v18 =	vunpack.i.l.bf16.f32 v53;
	v17 =	vunpack.i.l.bf16.f32 v52;
	s11 =	spop (v2sf);
	(v2sf) =	vpush v27, $0x6  }
0xb4: {  	v19 =	vunpack.i.u.bf16.f32 v52;
	v15 =	vunpack.i.u.bf16.f32 v53;
	v12 =	vadd.f32 v17, v12  }
0xb5: {  	v17 =	vunpack.i.l.bf16.f32 v40;
	v9 =	vadd.f32 v19, v9;
	v6 =	vadd.f32 v18, v6;
	s3 =	sadd.s32 $0x8, s20  }
0xb6: {  	v5 =	vadd.f32 v15, v5;
	v7 =	vadd.f32 v17, v7;
	v17 =	vunpack.i.u.bf16.f32 v42;
	v19 =	vld [tilespmem:s3+$0x0]  }
0xb7: {  	v14 =	vunpack.i.l.bf16.f32 v47;
	v12 =	vadd.f32 v24, v12;
	v9 =	vadd.f32 v17, v9;
	s26 =	sshll.u32 s16, $0x2;
	s3 =	sadd.s32 $0x8, s3;
	s0 =	sshll.u32 s8, $0x2  }
0xb8: {  	v22 =	vunpack.i.u.bf16.f32 v47;
	v17 =	vadd.f32 v23, v13;
	v6 =	vadd.f32 v14, v6;
	s10 =	sand.u32 $0x7, s8;
	s13 =	sand.u32 $0x7, s9;
	s0 =	sand.u32 $0xFFFFFFE0, s0  }
0xb9: {  	v18 =	vunpack.i.u.bf16.f32 v38;
	v22 =	vadd.f32 v22, v5;
	v7 =	vadd.f32 v11, v7;
	s1 =	sshll.u32 s9, $0x2;
	s2 =	sshll.u32 s10, $0x2;
	s14 =	sshll.u32 s11, $0x2  }
0xba: {  	v21 =	vunpack.i.u.bf16.f32 v36;
	v17 =	vadd.f32 v18, v17;
	v14 =	vadd.f32 v16, v9;
	s7 =	sshll.u32 s13, $0x2;
	s29 =	spop (v2sf);
	s1 =	sand.u32 $0xFFFFFFE0, s1  }
0xbb: {  	v9 =	vunpack.i.l.bf16.f32 v36;
	v16 =	vunpack.i.u.bf16.f32 v40;
	s4 =	sand.u32 $0x7, s11;
	s0 =	sor.u32 s2, s0;
	s31 =	spop (v2sf);
	(v2sf) =	vpush v19, $0x7  }
0xbc: {  	v18 =	vadd.f32 v9, v6;
	v6 =	vadd.f32 v16, v10;
	v10 =	vunpack.i.l.bf16.f32 v38;
	s30 =	sand.u32 $0x7, s29;
	s1 =	sor.u32 s7, s1;
	s10 =	sshll.u32 s29, $0x2  }
0xbd: {  	v15 =	vunpack.i.u.bf16.f32 v37;
	v13 =	vadd.f32 v20, v12;
	v8 =	vadd.f32 v10, v8;
	s4 =	sshll.u32 s4, $0x2;
	s8 =	sand.u32 $0xFFFFFFE0, s14;
	s0 =	sshra.s32 s0, $0x2  }
0xbe: {  	v6 =	vadd.f32 v15, v6;
	v20 =	vunpack.i.u.bf16.f32 v41;
	s6 =	sand.u32 $0x7, s31;
	s12 =	sshll.u32 s31, $0x2;
	s9 =	spop (v2sf);
	(v2sf) =	vpush v19, $0x2  }
0xbf: {  	v23 =	vunpack.i.u.bf16.f32 v39;
	v10 =	vunpack.i.l.bf16.f32 v41;
	s1 =	sshra.s32 s1, $0x2;
	s29 =	sshll.u32 s30, $0x2;
	s0 =	sadd.s32 $0x0, s0;
	(v2sf) =	vpush v19, $0x1  }
0xc0: {  	v11 =	vunpack.i.l.bf16.f32 v39;
	v9 =	vadd.f32 v23, v17;
	s10 =	sand.u32 $0xFFFFFFE0, s10;
	s4 =	sor.u32 s4, s8;
	s24 =	sand.u32 $0x7, s9;
	v15 =	vld [tilespmem:s0+$0x81C0];
	(v2sf) =	vpush v19, $0x0  }
0xc1: {  	v7 =	vadd.f32 v10, v7;
	v10 =	vunpack.i.l.bf16.f32 v35;
	v8 =	vadd.f32 v11, v8;
	s1 =	sadd.s32 $0x0, s1;
	s31 =	sshll.u32 s9, $0x2;
	v5 =	vld [tilespmem:s0+$0x81D0];
	s9 =	spop (v2sf)  }
0xc2: {  	v6 =	vadd.f32 v20, v6;
	v11 =	vunpack.i.u.bf16.f32 v26;
	s15 =	sand.u32 $0xFFFFFFE0, s12;
	s4 =	sshra.s32 s4, $0x2;
	v63 =	vld [tilespmem:s1+$0x8080];
	s11 =	spop (v2sf);
	(v2sf) =	vpush v19, $0x5  }
0xc3: {  	v20 =	vadd.f32 v21, v22;
	v21 =	vunpack.i.l.bf16.f32 v26;
	v26 =	vadd.f32 v10, v8;
	s19 =	sshll.u32 s6, $0x2;
	s2 =	sor.u32 s29, s10;
	s4 =	sadd.s32 $0x0, s4;
	v8 =	vld [tilespmem:s1+$0x8090]  }
0xc4: {  	v12 =	vunpack.i.u.bf16.f32 v35;
	s7 =	sor.u32 s19, s15;
	s30 =	sshll.u32 s24, $0x2;
	s2 =	sshra.s32 s2, $0x2;
	v23 =	vld [tilespmem:s4+$0x8040];
	(v2sf) =	vpush v19, $0x3  }
0xc5: {  	v16 =	vadd.f32 v12, v9;
	s8 =	sand.u32 $0xFFFFFFE0, s31;
	s7 =	sshra.s32 s7, $0x2;
	s6 =	sadd.s32 $0x0, s2;
	v12 =	vld [tilespmem:s4+$0x8050]  }
0xc6: {  	s1 =	simm.s32 $0x1000;
	s8 =	sor.u32 s30, s8;
	s7 =	sadd.s32 $0x0, s7;
	v28 =	vld [tilespmem:s6+$0x8010]  }
0xc7: {  	s2 =	sshra.s32 s8, $0x2;
	v17 =	vld [tilespmem:s7+$0x8150];
	s10 =	sand.u32 $0x7, s9;
	s8 =	sshll.u32 s9, $0x2  }
0xc8: {  	v29 =	vadd.f32 v21, v7;
	s12 =	sadd.s32 $0x0, s2;
	v21 =	vld [tilespmem:s7+$0x8140];
	s14 =	sand.u32 $0xFFFFFFE0, s8;
	s4 =	sshll.u32 s10, $0x2  }
0xc9: {  	v9 =	vadd.f32 v11, v6;
	v11 =	vunpack.i.u.bf16.f32 v15;
	v15 =	vunpack.i.l.bf16.f32 v15;
	s15 =	sand.u32 $0x7, s11;
	s19 =	sshll.u32 s11, $0x2;
	s2 =	sor.u32 s4, s14  }
0xca: {  	v6 =	vunpack.i.u.bf16.f32 v5;
	v24 =	vld [tilespmem:s12+$0x80D0];
	v7 =	vunpack.i.l.bf16.f32 v63;
	v33 =	vunpack.i.u.bf16.f32 v23;
	s24 =	sand.u32 $0xFFFFFFE0, s19;
	s7 =	sshll.u32 s15, $0x2;
	s30 =	spop (v2sf)  }
0xcb: {  	v35 =	vunpack.i.l.bf16.f32 v23;
	v27 =	vunpack.i.u.bf16.f32 v12;
	v34 =	vunpack.i.l.bf16.f32 v12;
	s29 =	sshra.s32 s2, $0x2;
	s4 =	sor.u32 s7, s24;
	s2 =	simm.s32 $0x200  }
0xcc: {  	v32 =	vld [tilespmem:s12+$0x80C0];
	v23 =	vunpack.i.u.bf16.f32 v8;
	v25 =	vunpack.i.u.bf16.f32 v28;
	v12 =	vunpack.i.u.bf16.f32 v17;
	s14 =	sand.u32 $0x7, s30;
	s0 =	sshll.u32 s30, $0x2;
	s4 =	sshra.s32 s4, $0x2  }
0xcd: {  	v10 =	vld [tilespmem:s6+$0x8000];
	v22 =	vunpack.i.l.bf16.f32 v17;
	v31 =	vunpack.i.l.bf16.f32 v21;
	v17 =	vunpack.i.l.bf16.f32 v28;
	s7 =	spop (v2sf);
	s13 =	sadd.s32 $0x0, s29;
	s4 =	sadd.s32 $0x0, s4  }
0xce: {  	v30 =	vunpack.i.u.bf16.f32 v21;
	v17 =	vadd.f32 v17, v26;
	(v2sf) =	vpush v19, $0x4;
	s31 =	sand.u32 $0x7, s7;
	s11 =	sand.u32 $0xFFFFFFE0, s0;
	s28 =	spop (v2sf);
	v28 =	vld [tilespmem:s4+$0x8180]  }
0xcf: {  	v37 =	vunpack.i.l.bf16.f32 v24;
	s12 =	sshll.u32 s28, $0x2;
	s0 =	sshll.u32 s31, $0x2;
	s15 =	spop (v2sf);
	(v2sf) =	vpush v19, $0x6;
	v19 =	vunpack.i.u.bf16.f32 v63;
	v36 =	vld [tilespmem:s4+$0x8190]  }
.LBB2_6:
0xd0: {  	s4 =	sand.u32 $0x7, s15;
	s10 =	sshll.u32 s7, $0x2  }
0xd1: {  	v21 =	vld [tilespmem:s3+$0x0];
	s29 =	spop (v2sf);
	v13 =	vadd.f32 v35, v13;
	v14 =	vadd.f32 v33, v14;
	v26 =	vunpack.i.l.bf16.f32 v32;
	s8 =	smov.u32 s1;
	s7 =	smov.u32 s2  }
0xd2: {  	v33 =	vunpack.i.l.bf16.f32 v10;
	v18 =	vadd.f32 v34, v18;
	v32 =	vunpack.i.u.bf16.f32 v32;
	s2 =	sand.u32 $0xFFFFFFE0, s10;
	s10 =	sand.u32 $0x7, s29;
	s29 =	sshll.u32 s29, $0x2;
	v34 =	vld [tilespmem:s13+$0x8100]  }
0xd3: {  	s28 =	sand.u32 $0x7, s28;
	s14 =	sshll.u32 s14, $0x2;
	s30 =	spop (v2sf);
	v13 =	vadd.f32 v26, v13;
	v14 =	vadd.f32 v32, v14;
	v26 =	vunpack.i.l.bf16.f32 v28  }
0xd4: {  	v29 =	vadd.f32 v33, v29;
	s0 =	sor.u32 s0, s2;
	s2 =	sand.u32 $0xFFFFFFE0, s29;
	s10 =	sshll.u32 s10, $0x2;
	v18 =	vadd.f32 v37, v18;
	v32 =	vld [tilespmem:s13+$0x8110];
	v33 =	vunpack.i.u.bf16.f32 v36  }
0xd5: {  	v20 =	vadd.f32 v27, v20;
	s13 =	sshll.u32 s15, $0x2;
	s15 =	sshll.u32 s28, $0x2;
	s2 =	sor.u32 s10, s2;
	v36 =	vunpack.i.l.bf16.f32 v36;
	v13 =	vadd.f32 v31, v13  }
0xd6: {  	v24 =	vunpack.i.u.bf16.f32 v24;
	s0 =	sshra.s32 s0, $0x2;
	s10 =	sand.u32 $0x7, s30;
	s28 =	sshra.s32 s2, $0x2;
	v14 =	vadd.f32 v30, v14;
	(v2sf) =	vpush v21, $0x7  }
0xd7: {  	s12 =	sand.u32 $0xFFFFFFE0, s12;
	v16 =	vadd.f32 v25, v16;
	s2 =	sadd.s32 s7, s0;
	s0 =	sadd.s32 s7, s28;
	(v2sf) =	vpush v21, $0x2;
	v25 =	vunpack.i.u.bf16.f32 v34  }
0xd8: {  	s4 =	sshll.u32 s4, $0x2;
	s11 =	sor.u32 s14, s11;
	v28 =	vunpack.i.u.bf16.f32 v28;
	s10 =	sshll.u32 s10, $0x2;
	v18 =	vadd.f32 v22, v18;
	(v2sf) =	vpush v21, $0x1;
	v37 =	vld [tilespmem:s2+$0x8080]  }
0xd9: {  	s11 =	sshra.s32 s11, $0x2;
	v20 =	vadd.f32 v24, v20;
	s13 =	sand.u32 $0xFFFFFFE0, s13;
	s12 =	sor.u32 s15, s12;
	(v2sf) =	vpush v21, $0x0;
	v22 =	vld [tilespmem:s0+$0x8150];
	v24 =	vunpack.i.u.bf16.f32 v32  }
0xda: {  	s4 =	sor.u32 s4, s13;
	s13 =	sshll.u32 s30, $0x2;
	v13 =	vadd.f32 v15, v13;
	v31 =	vunpack.i.l.bf16.f32 v32;
	(v2sf) =	vpush v21, $0x5;
	v30 =	vld [tilespmem:s0+$0x8140];
	s0 =	sadd.s32 s7, s11  }
0xdb: {  	v16 =	vadd.f32 v23, v16;
	s4 =	sshra.s32 s4, $0x2;
	v14 =	vadd.f32 v11, v14;
	v11 =	vunpack.i.l.bf16.f32 v5;
	s11 =	sshra.s32 s12, $0x2;
	s12 =	sand.u32 $0xFFFFFFE0, s13;
	v15 =	vld [tilespmem:s0+$0x81C0]  }
0xdc: {  	v10 =	vunpack.i.u.bf16.f32 v10;
	s4 =	sadd.s32 s7, s4;
	v18 =	vadd.f32 v11, v18;
	s11 =	sadd.s32 s7, s11;
	s10 =	sor.u32 s10, s12;
	(v2sf) =	vpush v21, $0x3;
	v5 =	vld [tilespmem:s0+$0x81D0]  }
0xdd: {  	p1 =	sne.s32 s1, $0x5800;
	s1 =	sadd.s32 $0x800, s1;
	v9 =	vadd.f32 v10, v9;
	v16 =	vadd.f32 v24, v16;
	s0 =	sshra.s32 s10, $0x2;
	v23 =	vld [tilespmem:s11+$0x8040];
	v11 =	vunpack.i.l.bf16.f32 v37  }
0xde: {  	v8 =	vunpack.i.l.bf16.f32 v8;
	v27 =	vadd.f32 v7, v29;
	v12 =	vadd.f32 v12, v20;
	v24 =	vld [tilespmem:s11+$0x8050];
	s10 =	spop (v2sf);
	v7 =	vmovc v11  }
0xdf: {  	v17 =	vadd.f32 v8, v17;
	v9 =	vadd.f32 v19, v9;
	v8 =	vunpack.i.l.bf16.f32 v34;
	v10 =	vld [tilespmem:s4+$0x8000];
	s11 =	sand.u32 $0x7, s10;
	s10 =	sshll.u32 s10, $0x2;
	s12 =	spop (v2sf)  }
0xe0: {  	v29 =	vadd.f32 v8, v27;
	v16 =	vadd.f32 v33, v16;
	s0 =	sadd.s32 s7, s0;
	v19 =	vld [tilespmem:s4+$0x8010];
	s4 =	sand.u32 $0xFFFFFFE0, s10;
	s10 =	sshll.u32 s11, $0x2;
	v11 =	vunpack.i.u.bf16.f32 v15  }
0xe1: {  	v20 =	vadd.f32 v6, v12;
	s11 =	sshll.u32 s12, $0x2;
	v15 =	vunpack.i.l.bf16.f32 v15;
	v32 =	vld [tilespmem:s0+$0x80C0];
	s4 =	sor.u32 s10, s4;
	s10 =	sand.u32 $0x7, s12;
	v6 =	vunpack.i.u.bf16.f32 v5  }
0xe2: {  	v9 =	vadd.f32 v25, v9;
	s11 =	sand.u32 $0xFFFFFFE0, s11;
	v33 =	vunpack.i.u.bf16.f32 v23;
	v35 =	vunpack.i.l.bf16.f32 v23;
	v8 =	vld [tilespmem:s2+$0x8090];
	s4 =	sshra.s32 s4, $0x2;
	s10 =	sshll.u32 s10, $0x2  }
0xe3: {  	v17 =	vadd.f32 v31, v17;
	s2 =	sshra.s32 s8, $0x2;
	v27 =	vunpack.i.u.bf16.f32 v24;
	v34 =	vunpack.i.l.bf16.f32 v24;
	v24 =	vld [tilespmem:s0+$0x80D0];
	s0 =	sor.u32 s10, s11  }
.Ltmp5:
0xe4: {  	s3 =	sadd.s32 $0x8, s3;
	v9 =	vadd.f32 v28, v9;
	v12 =	vunpack.i.u.bf16.f32 v22;
	v22 =	vunpack.i.l.bf16.f32 v22;
	s0 =	sshra.s32 s0, $0x2;
	(pc) =	sbr.rel @p1 .LBB2_6-.Ltmp5, $4  }
0xe5: {  	v17 =	vadd.f32 v36, v17;
	v31 =	vunpack.i.l.bf16.f32 v30;
	s13 =	sadd.s32 s7, s4;
	s8 =	spop (v2sf);
	v25 =	vunpack.i.u.bf16.f32 v19;
	s0 =	sadd.s32 s7, s0  }
0xe6: {  	v29 =	vadd.f32 v26, v29;
	v30 =	vunpack.i.u.bf16.f32 v30;
	v19 =	vunpack.i.l.bf16.f32 v19;
	s14 =	sand.u32 $0x7, s8;
	s4 =	sshll.u32 s8, $0x2;
	s7 =	spop (v2sf);
	v28 =	vld [tilespmem:s0+$0x8180]  }
0xe7: {  	v17 =	vadd.f32 v19, v17;
	s8 =	sand.u32 $0x7, s7;
	s11 =	sand.u32 $0xFFFFFFE0, s4;
	s28 =	spop (v2sf);
	(v2sf) =	vpush v21, $0x4;
	v23 =	vunpack.i.u.bf16.f32 v8;
	v36 =	vld [tilespmem:s0+$0x8190]  }
0xe8: {  	v19 =	vunpack.i.u.bf16.f32 v37;
	s12 =	sshll.u32 s28, $0x2;
	s0 =	sshll.u32 s8, $0x2;
	s15 =	spop (v2sf);
	(v2sf) =	vpush v21, $0x6;
	v37 =	vunpack.i.l.bf16.f32 v24  }
0xe9: {  	v13 =	vadd.f32 v35, v13  }
0xea: {  	s1 =	sshll.u32 s7, $0x2;
	v14 =	vadd.f32 v33, v14;
	s4 =	sand.u32 $0x7, s15;
	v21 =	vunpack.i.l.bf16.f32 v32;
	v18 =	vadd.f32 v34, v18  }
0xeb: {  	s3 =	spop (v2sf);
	v62 =	vunpack.i.l.bf16.f32 v10;
	s24 =	sand.u32 $0x7, s28;
	s8 =	sshll.u32 s14, $0x2;
	v20 =	vadd.f32 v27, v20;
	v16 =	vadd.f32 v25, v16  }
0xec: {  	s6 =	sshll.u32 s15, $0x2;
	s9 =	sand.u32 $0xFFFFFFE0, s12;
	v10 =	vunpack.i.u.bf16.f32 v10;
	v8 =	vunpack.i.l.bf16.f32 v8;
	s1 =	sand.u32 $0xFFFFFFE0, s1;
	v29 =	vadd.f32 v62, v29  }
0xed: {  	v26 =	vunpack.i.u.bf16.f32 v32;
	s19 =	sand.u32 $0x7, s3;
	s3 =	sshll.u32 s3, $0x2;
	s8 =	sor.u32 s8, s11;
	v9 =	vadd.f32 v10, v9;
	v8 =	vadd.f32 v8, v17  }
0xee: {  	v24 =	vunpack.i.u.bf16.f32 v24;
	s4 =	sshll.u32 s4, $0x2;
	s7 =	sand.u32 $0xFFFFFFE0, s6;
	v13 =	vadd.f32 v21, v13;
	v14 =	vadd.f32 v26, v14;
	s0 =	sor.u32 s0, s1  }
0xef: {  	v61 =	vld [tilespmem:s13+$0x8100];
	v18 =	vadd.f32 v37, v18;
	s10 =	spop (v2sf);
	s30 =	sand.u32 $0xFFFFFFE0, s3;
	s31 =	sshll.u32 s19, $0x2;
	v20 =	vadd.f32 v24, v20  }
0xf0: {  	s1 =	sshll.u32 s24, $0x2;
	v16 =	vadd.f32 v23, v16;
	s4 =	sor.u32 s4, s7;
	s0 =	sshra.s32 s0, $0x2;
	v7 =	vadd.f32 v7, v29  }
0xf1: {  	v5 =	vunpack.i.l.bf16.f32 v5;
	v21 =	vld [tilespmem:s13+$0x8110];
	s8 =	sshra.s32 s8, $0x2;
	s4 =	sshra.s32 s4, $0x2;
	v9 =	vadd.f32 v19, v9;
	v13 =	vadd.f32 v31, v13;
	s3 =	sadd.s32 s2, s0  }
0xf2: {  	v26 =	vunpack.i.l.bf16.f32 v28;
	s11 =	sor.u32 s1, s9;
	s12 =	sadd.s32 s2, s8;
	v14 =	vadd.f32 v30, v14;
	v18 =	vadd.f32 v22, v18;
	s4 =	sadd.s32 s2, s4;
	v30 =	vld [tilespmem:s3+$0x8080]  }
0xf3: {  	v63 =	vunpack.i.u.bf16.f32 v36;
	s13 =	sand.u32 $0x7, s10;
	s0 =	sor.u32 s31, s30;
	s11 =	sshra.s32 s11, $0x2;
	v12 =	vadd.f32 v12, v20;
	v17 =	vld [tilespmem:s4+$0x8010];
	v13 =	vadd.f32 v15, v13  }
0xf4: {  	s14 =	sshll.u32 s10, $0x2;
	s0 =	sshra.s32 s0, $0x2;
	s11 =	sadd.s32 s2, s11;
	v19 =	vunpack.i.l.bf16.f32 v61;
	v15 =	vld [tilespmem:s12+$0x81C0];
	v11 =	vadd.f32 v11, v14;
	v5 =	vadd.f32 v5, v18  }
0xf5: {  	s8 =	sshll.u32 s13, $0x2;
	s7 =	sand.u32 $0xFFFFFFE0, s14;
	v25 =	vunpack.i.u.bf16.f32 v61;
	s0 =	sadd.s32 s2, s0;
	v14 =	vld [tilespmem:s11+$0x8040];
	v7 =	vadd.f32 v19, v7;
	v6 =	vadd.f32 v6, v12  }
0xf6: {  	s7 =	sor.u32 s8, s7;
	v9 =	vadd.f32 v25, v9;
	v24 =	vunpack.i.u.bf16.f32 v21;
	v21 =	vunpack.i.l.bf16.f32 v21;
	v23 =	vld [tilespmem:s0+$0x8150]  }
0xf7: {  	v22 =	vunpack.i.u.bf16.f32 v28;
	s7 =	sshra.s32 s7, $0x2;
	v19 =	vld [tilespmem:s0+$0x8140];
	v10 =	vadd.f32 v24, v16;
	v8 =	vadd.f32 v21, v8  }
0xf8: {  	v27 =	vunpack.i.l.bf16.f32 v36;
	s15 =	sadd.s32 s2, s7;
	v16 =	vld [tilespmem:s11+$0x8050];
	v9 =	vadd.f32 v22, v9;
	v7 =	vadd.f32 v26, v7  }
0xf9: {  	v24 =	vld [tilespmem:s15+$0x80D0];
	v18 =	vunpack.i.l.bf16.f32 v30;
	v10 =	vadd.f32 v63, v10;
	v8 =	vadd.f32 v27, v8  }
0xfa: {  	v21 =	vld [tilespmem:s15+$0x80C0];
	v22 =	vunpack.i.u.bf16.f32 v17;
	v17 =	vunpack.i.l.bf16.f32 v17;
	v20 =	vunpack.i.u.bf16.f32 v15  }
0xfb: {  	v28 =	vld [tilespmem:s4+$0x8000];
	v15 =	vunpack.i.l.bf16.f32 v15;
	v12 =	vunpack.i.u.bf16.f32 v14;
	v14 =	vunpack.i.l.bf16.f32 v14  }
0xfc: {  	v29 =	vunpack.i.u.bf16.f32 v23;
	v8 =	vadd.f32 v17, v8;
	v13 =	vadd.f32 v14, v13  }
0xfd: {  	v31 =	vunpack.i.l.bf16.f32 v19;
	v11 =	vadd.f32 v12, v11;
	v10 =	vadd.f32 v22, v10  }
0xfe: {  	v27 =	vld [tilespmem:s3+$0x8090];
	s19 =	spop (v2sf);
	v25 =	vunpack.i.u.bf16.f32 v16;
	v16 =	vunpack.i.l.bf16.f32 v16;
	v17 =	vunpack.i.l.bf16.f32 v24  }
0xff: {  	v12 =	vunpack.i.l.bf16.f32 v21;
	v14 =	vunpack.i.u.bf16.f32 v21;
	s6 =	sand.u32 $0x7, s19;
	s7 =	sshll.u32 s19, $0x2;
	v5 =	vadd.f32 v16, v5  }
0x100: {  	v21 =	vunpack.i.l.bf16.f32 v28;
	s24 =	spop (v2sf);
	v12 =	vadd.f32 v12, v13;
	v11 =	vadd.f32 v14, v11;
	s7 =	sand.u32 $0xFFFFFFE0, s7;
	s8 =	sshll.u32 s6, $0x2  }
0x101: {  	v24 =	vunpack.i.u.bf16.f32 v24;
	v7 =	vadd.f32 v21, v7;
	v6 =	vadd.f32 v25, v6;
	s30 =	sand.u32 $0x7, s24;
	s31 =	sshll.u32 s24, $0x2;
	s3 =	sor.u32 s8, s7  }
0x102: {  	v13 =	vld [tilespmem:s12+$0x81D0];
	v14 =	vunpack.i.u.bf16.f32 v19;
	s4 =	sand.u32 $0xFFFFFFE0, s31;
	s0 =	sshll.u32 s30, $0x2;
	v5 =	vadd.f32 v17, v5;
	v12 =	vadd.f32 v31, v12;
	s3 =	sshra.s32 s3, $0x2  }
0x103: {  	v17 =	vunpack.i.u.bf16.f32 v27;
	v11 =	vadd.f32 v14, v11;
	v6 =	vadd.f32 v24, v6;
	s0 =	sor.u32 s0, s4;
	s9 =	sadd.s32 s2, s3  }
0x104: {  	v23 =	vunpack.i.l.bf16.f32 v23;
	v7 =	vadd.f32 v18, v7;
	v10 =	vadd.f32 v17, v10;
	s0 =	sshra.s32 s0, $0x2;
	v22 =	vld [tilespmem:s9+$0x8100]  }
0x105: {  	v17 =	vunpack.i.u.bf16.f32 v28;
	v5 =	vadd.f32 v23, v5;
	v12 =	vadd.f32 v15, v12;
	s0 =	sadd.s32 s2, s0;
	v19 =	vld [tilespmem:s9+$0x8110]  }
0x106: {  	v14 =	vunpack.i.u.bf16.f32 v30;
	v11 =	vadd.f32 v20, v11;
	v9 =	vadd.f32 v17, v9;
	v16 =	vld [tilespmem:s0+$0x8180]  }
0x107: {  	v17 =	vunpack.i.l.bf16.f32 v27;
	v6 =	vadd.f32 v29, v6;
	v15 =	vunpack.i.l.bf16.f32 v13  }
0x108: {  	v8 =	vadd.f32 v17, v8;
	v13 =	vunpack.i.u.bf16.f32 v13;
	v21 =	vld [tilespmem:s0+$0x8190];
	v5 =	vadd.f32 v15, v5  }
0x109: {  	v9 =	vadd.f32 v14, v9;
	v6 =	vadd.f32 v13, v6;
	v14 =	vunpack.i.l.bf16.f32 v22  }
0x10a: {  	v20 =	vunpack.i.u.bf16.f32 v19;
	v18 =	vunpack.i.u.bf16.f32 v22;
	v7 =	vadd.f32 v14, v7  }
0x10b: {  	v23 =	vunpack.i.l.bf16.f32 v16;
	v14 =	vunpack.i.l.bf16.f32 v19;
	v9 =	vadd.f32 v18, v9  }
0x10c: {  	v16 =	vunpack.i.u.bf16.f32 v16;
	v8 =	vadd.f32 v14, v8;
	v7 =	vadd.f32 v23, v7  }
0x10d: {  	v10 =	vadd.f32 v20, v10;
	v14 =	vunpack.i.l.bf16.f32 v21;
	v9 =	vadd.f32 v16, v9  }
0x10e: {  	v15 =	vunpack.i.u.bf16.f32 v21;
	v8 =	vadd.f32 v14, v8;
	v7 =	vadd.f32 v12, v7  }
0x10f: {  	v10 =	vadd.f32 v15, v10;
	v9 =	vadd.f32 v11, v9  }
0x110: {  	s10 =	sshll.u32 s16, $0x8;
	v5 =	vadd.f32 v5, v8;
	v7 =	vmul.f32 v7, v4  }
0x111: {  	s0 =	sand.u32 $0x3FFFFF00, s10;
	v6 =	vadd.f32 v6, v10;
	v8 =	vmul.f32 v9, v4  }
0x112: {  	v5 =	vmul.f32 v5, v4;
	[tilespmem:v0+s0+$0x13600] =	vst.idx.msk $0xffff, v7  }
0x113: {  	v6 =	vmul.f32 v6, v4;
	[tilespmem:v1+s0+$0x13600] =	vst.idx.msk $0xffff, v8  }
0x114: {  	s1 =	simm.s32 @!p0 $0x60;
	[tilespmem:v2+s0+$0x13600] =	vst.idx.msk $0xffff, v5  }
0x115: {  	s11 =	simm.s32 $0x3;
	s2 =	simm.s32 @!p0 $0x8000;
	[tilespmem:v3+s0+$0x13600] =	vst.idx.msk $0xffff, v6;
	s0 =	sadd.s32 @!p0 $0x388, s25  }
0x116: {  	[tilespmem:s2], [sflag:$0x2] =	stream.indirect.gather @!p0 [hbm4b:s5+s1], $0x40, s0, s1, $0xb8;
	[tilespmem:$0x14610] =	vst v63  }
0x117: {  	_ =	swait.ge [sflag:s11], $0x1A00  }
0x118: {  	[sflag:s11] =	ssyncset.done $0x0  }
0x119: {  	[sflag:s11] =	ssyncadd.s32 $0xFFFFE600  }
0x11a: {  	v5 =	vld [tilespmem:s21+$0x0];
	_ =	sdelay $0x4  }
0x11b: {  	(v2sf) =	vpush v5, $0x7  }
0x11c: {  	(v2sf) =	vpush v5, $0x2;
	_ =	sdelay $0x1  }
0x11d: {  	(v2sf) =	vpush v5, $0x1  }
0x11e: {  	(v2sf) =	vpush v5, $0x0;
	_ =	sdelay $0x1  }
0x11f: {  	(v2sf) =	vpush v5, $0x5;
	_ =	sdelay $0x4  }
0x120: {  	(v2sf) =	vpush v5, $0x3;
	_ =	sdelay $0x1  }
0x121: {  	(v2sf) =	vpush v5, $0x4;
	_ =	sdelay $0x1  }
0x122: {  	s3 =	sadd.s32 $0x8, s21;
	s12 =	spop (v2sf)  }
0x123: {  	v15 =	vld [tilespmem:s3+$0x0];
	s3 =	sadd.s32 $0x8, s3;
	s14 =	spop (v2sf)  }
0x124: {  	s13 =	sand.u32 $0x7, s12;
	s0 =	sshll.u32 s12, $0x2;
	s15 =	sand.u32 $0x7, s14  }
0x125: {  	s19 =	spop (v2sf);
	s0 =	sand.u32 $0xFFFFFFE0, s0;
	s2 =	sshll.u32 s14, $0x2  }
0x126: {  	(v2sf) =	vpush v5, $0x6;
	s1 =	sshll.u32 s13, $0x2;
	s24 =	sshll.u32 s19, $0x2;
	s30 =	spop (v2sf)  }
0x127: {  	s4 =	sshll.u32 s15, $0x2;
	s2 =	sand.u32 $0xFFFFFFE0, s2;
	s7 =	sand.u32 $0x7, s19  }
0x128: {  	s0 =	sor.u32 s1, s0;
	s31 =	spop (v2sf);
	s6 =	sand.u32 $0x7, s30  }
0x129: {  	(v2sf) =	vpush v15, $0x7;
	s2 =	sor.u32 s4, s2;
	s7 =	sshll.u32 s7, $0x2;
	s15 =	sand.u32 $0xFFFFFFE0, s24  }
0x12a: {  	s0 =	sshra.s32 s0, $0x2;
	s19 =	sshll.u32 s30, $0x2;
	s9 =	sand.u32 $0x7, s31  }
0x12b: {  	(v2sf) =	vpush v15, $0x2;
	s11 =	sshll.u32 s31, $0x2;
	s2 =	sshra.s32 s2, $0x2;
	s1 =	sor.u32 s7, s15  }
0x12c: {  	(v2sf) =	vpush v15, $0x1;
	s0 =	sadd.s32 $0x0, s0;
	s24 =	sshll.u32 s6, $0x2;
	s8 =	sand.u32 $0xFFFFFFE0, s19  }
0x12d: {  	(v2sf) =	vpush v15, $0x0;
	s30 =	spop (v2sf);
	s11 =	sand.u32 $0xFFFFFFE0, s11;
	s14 =	sshll.u32 s9, $0x2;
	v5 =	vld [tilespmem:s0+$0x9BC0]  }
0x12e: {  	s2 =	sadd.s32 $0x0, s2;
	s1 =	sshra.s32 s1, $0x2;
	s7 =	sor.u32 s24, s8;
	v6 =	vld [tilespmem:s0+$0x9BD0]  }
0x12f: {  	s31 =	sand.u32 $0x7, s30;
	s4 =	sor.u32 s14, s11;
	v16 =	vld [tilespmem:s2+$0x9A80];
	s11 =	spop (v2sf);
	(v2sf) =	vpush v15, $0x5  }
0x130: {  	s6 =	sshll.u32 s30, $0x2;
	s1 =	sadd.s32 $0x0, s1;
	s7 =	sshra.s32 s7, $0x2;
	v8 =	vld [tilespmem:s2+$0x9A90]  }
0x131: {  	s0 =	sshll.u32 s31, $0x2;
	s8 =	sand.u32 $0xFFFFFFE0, s6;
	s2 =	simm.s32 $0x1000;
	v11 =	vld [tilespmem:s1+$0x9A40];
	(v2sf) =	vpush v15, $0x3  }
0x132: {  	s4 =	sshra.s32 s4, $0x2;
	s9 =	sadd.s32 $0x0, s7;
	v13 =	vld [tilespmem:s1+$0x9A50];
	s1 =	sor.u32 $0x1, s26  }
0x133: {  	s0 =	sor.u32 s0, s8;
	s7 =	sshll.u32 s11, $0x2;
	s4 =	sadd.s32 $0x0, s4;
	v19 =	vld [tilespmem:s9+$0x9A10]  }
0x134: {  	v43 =	vimm.f32 $0.0e+00;
	v25 =	vimm.f32 $0.0e+00;
	v24 =	vimm.f32 $0.0e+00;
	s12 =	sand.u32 $0x7, s11;
	s0 =	sshra.s32 s0, $0x2;
	s7 =	sand.u32 $0xFFFFFFE0, s7;
	v10 =	vld [tilespmem:s4+$0x9B50]  }
0x135: {  	v29 =	vimm.f32 $0.0e+00;
	v23 =	vimm.f32 $0.0e+00;
	v14 =	vimm.f32 $0.0e+00;
	s14 =	sshll.u32 s12, $0x2;
	v20 =	vld [tilespmem:s4+$0x9B40];
	s0 =	sadd.s32 $0x0, s0;
	s13 =	spop (v2sf)  }
0x136: {  	s7 =	sor.u32 s14, s7;
	v9 =	vunpack.i.u.bf16.f32 v5;
	v12 =	vunpack.i.l.bf16.f32 v5;
	v5 =	vunpack.i.u.bf16.f32 v6;
	s15 =	sand.u32 $0x7, s13;
	s8 =	sshll.u32 s13, $0x2  }
0x137: {  	v17 =	vld [tilespmem:s0+$0x9AD0];
	s19 =	sshra.s32 s7, $0x2;
	v7 =	vunpack.i.l.bf16.f32 v16;
	v30 =	vunpack.i.u.bf16.f32 v11;
	v33 =	vunpack.i.l.bf16.f32 v11;
	s8 =	sand.u32 $0xFFFFFFE0, s8;
	s4 =	sshll.u32 s15, $0x2  }
0x138: {  	s7 =	simm.s32 $0x200;
	v21 =	vunpack.i.u.bf16.f32 v13;
	v34 =	vunpack.i.l.bf16.f32 v13;
	v22 =	vunpack.i.u.bf16.f32 v19;
	s24 =	spop (v2sf);
	s4 =	sor.u32 s4, s8  }
0x139: {  	v31 =	vld [tilespmem:s0+$0x9AC0];
	v13 =	vunpack.i.l.bf16.f32 v19;
	v11 =	vunpack.i.u.bf16.f32 v10;
	v18 =	vunpack.i.l.bf16.f32 v10;
	s13 =	sadd.s32 $0x0, s19;
	s15 =	sand.u32 $0x7, s24;
	s4 =	sshra.s32 s4, $0x2  }
0x13a: {  	v27 =	vunpack.i.l.bf16.f32 v20;
	v28 =	vunpack.i.u.bf16.f32 v20;
	v10 =	vld [tilespmem:s9+$0x9A00];
	(v2sf) =	vpush v15, $0x4;
	s30 =	sshll.u32 s24, $0x2;
	s8 =	spop (v2sf);
	s4 =	sadd.s32 $0x0, s4  }
0x13b: {  	v13 =	vadd.f32 v13, v14;
	v20 =	vunpack.i.u.bf16.f32 v8;
	(v2sf) =	vpush v15, $0x6;
	s12 =	sand.u32 $0xFFFFFFE0, s30;
	s31 =	sand.u32 $0x7, s8;
	s0 =	spop (v2sf);
	v19 =	vld [tilespmem:s4+$0x9B80]  }
0x13c: {  	v15 =	vunpack.i.u.bf16.f32 v16;
	v44 =	vunpack.i.l.bf16.f32 v17;
	v16 =	vimm.f32 $0.0e+00;
	s14 =	sshll.u32 s0, $0x2;
	s29 =	sshll.u32 s31, $0x2;
	s28 =	spop (v2sf);
	v32 =	vld [tilespmem:s4+$0x9B90]  }
.LBB2_8:
0x13d: {  	s4 =	sand.u32 $0x7, s28;
	s10 =	sshll.u32 s8, $0x2  }
0x13e: {  	v26 =	vld [tilespmem:s3+$0x0];
	s30 =	spop (v2sf);
	v14 =	vadd.f32 v33, v14;
	v25 =	vadd.f32 v30, v25;
	v30 =	vunpack.i.l.bf16.f32 v31;
	s11 =	smov.u32 s2;
	s8 =	smov.u32 s7  }
0x13f: {  	v33 =	vunpack.i.l.bf16.f32 v10;
	v24 =	vadd.f32 v34, v24;
	v31 =	vunpack.i.u.bf16.f32 v31;
	s7 =	sand.u32 $0xFFFFFFE0, s10;
	s10 =	sand.u32 $0x7, s30;
	s30 =	sshll.u32 s30, $0x2;
	v34 =	vld [tilespmem:s13+$0x9B00]  }
0x140: {  	s0 =	sand.u32 $0x7, s0;
	s15 =	sshll.u32 s15, $0x2;
	s31 =	spop (v2sf);
	v14 =	vadd.f32 v30, v14;
	v25 =	vadd.f32 v31, v25;
	v35 =	vunpack.i.l.bf16.f32 v19  }
0x141: {  	s7 =	sor.u32 s29, s7;
	s29 =	sand.u32 $0xFFFFFFE0, s30;
	s10 =	sshll.u32 s10, $0x2;
	v30 =	vadd.f32 v33, v43;
	v24 =	vadd.f32 v44, v24;
	v31 =	vld [tilespmem:s13+$0x9B10];
	v33 =	vunpack.i.u.bf16.f32 v32  }
0x142: {  	v21 =	vadd.f32 v21, v29;
	s0 =	sshll.u32 s0, $0x2;
	s13 =	sshll.u32 s28, $0x2;
	s10 =	sor.u32 s10, s29;
	v32 =	vunpack.i.l.bf16.f32 v32;
	v14 =	vadd.f32 v27, v14  }
0x143: {  	v17 =	vunpack.i.u.bf16.f32 v17;
	s7 =	sshra.s32 s7, $0x2;
	s28 =	sand.u32 $0x7, s31;
	s10 =	sshra.s32 s10, $0x2;
	v25 =	vadd.f32 v28, v25;
	(v2sf) =	vpush v26, $0x7  }
0x144: {  	s14 =	sand.u32 $0xFFFFFFE0, s14;
	v22 =	vadd.f32 v22, v23;
	s7 =	sadd.s32 s8, s7;
	s10 =	sadd.s32 s8, s10;
	(v2sf) =	vpush v26, $0x2;
	v27 =	vunpack.i.u.bf16.f32 v34  }
0x145: {  	s4 =	sshll.u32 s4, $0x2;
	s12 =	sor.u32 s15, s12;
	v19 =	vunpack.i.u.bf16.f32 v19;
	s28 =	sshll.u32 s28, $0x2;
	v18 =	vadd.f32 v18, v24;
	(v2sf) =	vpush v26, $0x1;
	v36 =	vld [tilespmem:s7+$0x9A80]  }
0x146: {  	s0 =	sor.u32 s0, s14;
	s12 =	sshra.s32 s12, $0x2;
	v17 =	vadd.f32 v17, v21;
	s13 =	sand.u32 $0xFFFFFFE0, s13;
	(v2sf) =	vpush v26, $0x0;
	v28 =	vld [tilespmem:s10+$0x9B50];
	v21 =	vunpack.i.u.bf16.f32 v31  }
0x147: {  	s4 =	sor.u32 s4, s13;
	s13 =	sshll.u32 s31, $0x2;
	v14 =	vadd.f32 v12, v14;
	v38 =	vunpack.i.l.bf16.f32 v31;
	(v2sf) =	vpush v26, $0x5;
	v37 =	vld [tilespmem:s10+$0x9B40];
	s10 =	sadd.s32 s8, s12  }
0x148: {  	v20 =	vadd.f32 v20, v22;
	s0 =	sshra.s32 s0, $0x2;
	s4 =	sshra.s32 s4, $0x2;
	v25 =	vadd.f32 v9, v25;
	v9 =	vunpack.i.l.bf16.f32 v6;
	s12 =	sand.u32 $0xFFFFFFE0, s13;
	v12 =	vld [tilespmem:s10+$0x9BC0]  }
0x149: {  	v10 =	vunpack.i.u.bf16.f32 v10;
	s0 =	sadd.s32 s8, s0;
	s4 =	sadd.s32 s8, s4;
	v24 =	vadd.f32 v9, v18;
	s12 =	sor.u32 s28, s12;
	(v2sf) =	vpush v26, $0x3;
	v6 =	vld [tilespmem:s10+$0x9BD0]  }
0x14a: {  	p1 =	sne.s32 s2, $0x6000;
	s2 =	sadd.s32 $0x800, s2;
	v16 =	vadd.f32 v10, v16;
	v20 =	vadd.f32 v21, v20;
	s10 =	sshra.s32 s12, $0x2;
	v18 =	vld [tilespmem:s0+$0x9A40];
	v9 =	vunpack.i.l.bf16.f32 v36  }
0x14b: {  	v8 =	vunpack.i.l.bf16.f32 v8;
	v11 =	vadd.f32 v11, v17;
	v21 =	vadd.f32 v7, v30;
	v22 =	vld [tilespmem:s0+$0x9A50];
	s0 =	spop (v2sf);
	v7 =	vmovc v9  }
0x14c: {  	v13 =	vadd.f32 v8, v13;
	v15 =	vadd.f32 v15, v16;
	v8 =	vunpack.i.l.bf16.f32 v34;
	v10 =	vld [tilespmem:s4+$0x9A00];
	s12 =	sand.u32 $0x7, s0;
	s0 =	sshll.u32 s0, $0x2;
	s13 =	spop (v2sf)  }
0x14d: {  	v40 =	vadd.f32 v8, v21;
	v23 =	vadd.f32 v33, v20;
	v39 =	vld [tilespmem:s4+$0x9A10];
	s4 =	sadd.s32 s8, s10;
	s0 =	sand.u32 $0xFFFFFFE0, s0;
	s10 =	sshll.u32 s12, $0x2;
	v9 =	vunpack.i.u.bf16.f32 v12  }
0x14e: {  	v29 =	vadd.f32 v5, v11;
	s12 =	sshll.u32 s13, $0x2;
	v12 =	vunpack.i.l.bf16.f32 v12;
	v31 =	vld [tilespmem:s4+$0x9AC0];
	s0 =	sor.u32 s10, s0;
	s10 =	sand.u32 $0x7, s13;
	v5 =	vunpack.i.u.bf16.f32 v6  }
0x14f: {  	v15 =	vadd.f32 v27, v15;
	s12 =	sand.u32 $0xFFFFFFE0, s12;
	v30 =	vunpack.i.u.bf16.f32 v18;
	v33 =	vunpack.i.l.bf16.f32 v18;
	v8 =	vld [tilespmem:s7+$0x9A90];
	s0 =	sshra.s32 s0, $0x2;
	s10 =	sshll.u32 s10, $0x2  }
0x150: {  	v13 =	vadd.f32 v38, v13;
	s7 =	sshra.s32 s11, $0x2;
	v21 =	vunpack.i.u.bf16.f32 v22;
	v34 =	vunpack.i.l.bf16.f32 v22;
	v17 =	vld [tilespmem:s4+$0x9AD0];
	s4 =	sor.u32 s10, s12  }
.Ltmp6:
0x151: {  	s3 =	sadd.s32 $0x8, s3;
	v16 =	vadd.f32 v19, v15;
	v11 =	vunpack.i.u.bf16.f32 v28;
	v18 =	vunpack.i.l.bf16.f32 v28;
	s4 =	sshra.s32 s4, $0x2;
	(pc) =	sbr.rel @p1 .LBB2_8-.Ltmp6, $4  }
0x152: {  	v13 =	vadd.f32 v32, v13;
	v27 =	vunpack.i.l.bf16.f32 v37;
	s13 =	sadd.s32 s8, s0;
	s10 =	spop (v2sf);
	v22 =	vunpack.i.u.bf16.f32 v39;
	s4 =	sadd.s32 s8, s4  }
0x153: {  	v43 =	vadd.f32 v35, v40;
	v28 =	vunpack.i.u.bf16.f32 v37;
	v15 =	vunpack.i.l.bf16.f32 v39;
	s15 =	sand.u32 $0x7, s10;
	s0 =	sshll.u32 s10, $0x2;
	s8 =	spop (v2sf);
	v19 =	vld [tilespmem:s4+$0x9B80]  }
0x154: {  	v13 =	vadd.f32 v15, v13;
	s10 =	sand.u32 $0x7, s8;
	s12 =	sand.u32 $0xFFFFFFE0, s0;
	s0 =	spop (v2sf);
	(v2sf) =	vpush v26, $0x4;
	v20 =	vunpack.i.u.bf16.f32 v8;
	v32 =	vld [tilespmem:s4+$0x9B90]  }
0x155: {  	v15 =	vunpack.i.u.bf16.f32 v36;
	s14 =	sshll.u32 s0, $0x2;
	s29 =	sshll.u32 s10, $0x2;
	s28 =	spop (v2sf);
	(v2sf) =	vpush v26, $0x6;
	v44 =	vunpack.i.l.bf16.f32 v17  }
0x156: {  	_ = 	snop  }
0x157: {  	s2 =	sshll.u32 s8, $0x2;
	s3 =	spop (v2sf);
	s4 =	sand.u32 $0x7, s28  }
0x158: {  	s0 =	sand.u32 $0x7, s0;
	s10 =	sshll.u32 s15, $0x2;
	s9 =	sshll.u32 s28, $0x2  }
0x159: {  	s19 =	sand.u32 $0xFFFFFFE0, s14;
	s2 =	sand.u32 $0xFFFFFFE0, s2;
	s6 =	sand.u32 $0x7, s3  }
0x15a: {  	s3 =	sshll.u32 s3, $0x2;
	s0 =	sshll.u32 s0, $0x2;
	s10 =	sor.u32 s10, s12  }
0x15b: {  	s4 =	sshll.u32 s4, $0x2;
	s2 =	sor.u32 s29, s2;
	s3 =	sand.u32 $0xFFFFFFE0, s3  }
0x15c: {  	v45 =	vld [tilespmem:s13+$0x9B00];
	s8 =	sshll.u32 s6, $0x2;
	s11 =	spop (v2sf);
	s10 =	sshra.s32 s10, $0x2  }
0x15d: {  	v46 =	vld [tilespmem:s13+$0x9B10];
	s0 =	sor.u32 s0, s19;
	s3 =	sor.u32 s8, s3;
	s24 =	sadd.s32 s7, s10  }
0x15e: {  	s2 =	sshra.s32 s2, $0x2;
	s15 =	sand.u32 $0x7, s11;
	s8 =	sand.u32 $0xFFFFFFE0, s9;
	v48 =	vld [tilespmem:s24+$0x9BC0]  }
0x15f: {  	s0 =	sshra.s32 s0, $0x2;
	s31 =	sshll.u32 s11, $0x2;
	s2 =	sadd.s32 s7, s2;
	v36 =	vld [tilespmem:s24+$0x9BD0]  }
0x160: {  	s3 =	sshra.s32 s3, $0x2;
	s30 =	sshll.u32 s15, $0x2;
	s0 =	sadd.s32 s7, s0;
	v37 =	vld [tilespmem:s2+$0x9A80]  }
0x161: {  	s4 =	sor.u32 s4, s8;
	s9 =	sand.u32 $0xFFFFFFE0, s31;
	s3 =	sadd.s32 s7, s3;
	v49 =	vld [tilespmem:s0+$0x9A40]  }
0x162: {  	s6 =	sshra.s32 s4, $0x2;
	s4 =	sor.u32 s30, s9;
	v47 =	vld [tilespmem:s3+$0x9B50]  }
0x163: {  	v42 =	vld [tilespmem:s3+$0x9B40];
	s3 =	sadd.s32 s7, s6;
	s4 =	sshra.s32 s4, $0x2;
	s11 =	spop (v2sf)  }
0x164: {  	v50 =	vld [tilespmem:s0+$0x9A50];
	s14 =	sadd.s32 s7, s4;
	s19 =	sand.u32 $0x7, s11;
	s8 =	sshll.u32 s11, $0x2  }
0x165: {  	v39 =	vld [tilespmem:s2+$0x9A90];
	s12 =	spop (v2sf);
	s24 =	sand.u32 $0xFFFFFFE0, s8;
	s30 =	sshll.u32 s19, $0x2  }
0x166: {  	v40 =	vld [tilespmem:s3+$0x9A00];
	s13 =	sand.u32 $0x7, s12;
	s0 =	sshll.u32 s12, $0x2;
	s31 =	sor.u32 s30, s24  }
0x167: {  	v51 =	vld [tilespmem:s3+$0x9A10];
	s0 =	sand.u32 $0xFFFFFFE0, s0;
	s15 =	sshll.u32 s13, $0x2;
	s2 =	sshra.s32 s31, $0x2  }
0x168: {  	v52 =	vld [tilespmem:s14+$0x9AC0];
	s0 =	sor.u32 s15, s0;
	s2 =	sadd.s32 s7, s2  }
0x169: {  	s0 =	sshra.s32 s0, $0x2;
	v41 =	vld [tilespmem:s2+$0x9B00]  }
0x16a: {  	s0 =	sadd.s32 s7, s0;
	v38 =	vld [tilespmem:s2+$0x9B10]  }
0x16b: {  	v26 =	vld [tilespmem:s0+$0x9B80]  }
0x16c: {  	s3 =	simm.s32 @!p0 $0x9A00;
	s2 =	simm.s32 @!p0 $0x68;
	v35 =	vld [tilespmem:s0+$0x9B90];
	s0 =	sadd.s32 @!p0 $0x3E8, s25  }
0x16d: {  	v53 =	vld [tilespmem:s14+$0x9AD0];
	[tilespmem:s3], [sflag:$0x3] =	stream.indirect.gather @!p0 [hbm4b:s5+s2], $0x40, s0, s2, $0xb8  }
0x16e: {  	v14 =	vadd.f32 v33, v14;
	s2 =	simm.s32 $0x4  }
0x16f: {  	v25 =	vadd.f32 v30, v25;
	v30 =	vunpack.i.l.bf16.f32 v31;
	_ =	swait.ge [sflag:s2], $0x1800  }
0x170: {  	v14 =	vadd.f32 v30, v14;
	[sflag:s2] =	ssyncset.done $0x0  }
0x171: {  	v24 =	vadd.f32 v34, v24;
	[sflag:s2] =	ssyncadd.s32 $0xFFFFE800  }
0x172: {  	v31 =	vunpack.i.u.bf16.f32 v31;
	v21 =	vadd.f32 v21, v29;
	v14 =	vadd.f32 v27, v14;
	v27 =	vld [tilespmem:s18+$0x0]  }
0x173: {  	v22 =	vadd.f32 v22, v23;
	v17 =	vunpack.i.u.bf16.f32 v17;
	v8 =	vunpack.i.l.bf16.f32 v8  }
0x174: {  	v8 =	vadd.f32 v8, v13;
	v25 =	vadd.f32 v31, v25;
	v30 =	vunpack.i.l.bf16.f32 v10  }
0x175: {  	v24 =	vadd.f32 v44, v24;
	v17 =	vadd.f32 v17, v21;
	v10 =	vunpack.i.u.bf16.f32 v10  }
0x176: {  	v30 =	vadd.f32 v30, v43;
	v10 =	vadd.f32 v10, v16  }
0x177: {  	v25 =	vadd.f32 v28, v25;
	(v2sf) =	vpush v27, $0x7  }
0x178: {  	v18 =	vadd.f32 v18, v24;
	(v2sf) =	vpush v27, $0x2  }
0x179: {  	v6 =	vunpack.i.l.bf16.f32 v6;
	v11 =	vadd.f32 v11, v17;
	(v2sf) =	vpush v27, $0x1  }
0x17a: {  	v17 =	vunpack.i.u.bf16.f32 v19;
	v7 =	vadd.f32 v7, v30;
	v10 =	vadd.f32 v15, v10  }
0x17b: {  	v16 =	vunpack.i.u.bf16.f32 v46;
	v12 =	vadd.f32 v12, v14;
	v14 =	vadd.f32 v20, v22  }
0x17c: {  	v13 =	vunpack.i.l.bf16.f32 v45;
	v9 =	vadd.f32 v9, v25;
	v6 =	vadd.f32 v6, v18  }
0x17d: {  	v18 =	vunpack.i.l.bf16.f32 v46;
	v5 =	vadd.f32 v5, v11;
	v7 =	vadd.f32 v13, v7  }
0x17e: {  	v8 =	vadd.f32 v18, v8;
	v14 =	vadd.f32 v16, v14;
	v16 =	vunpack.i.u.bf16.f32 v45  }
0x17f: {  	v15 =	vunpack.i.u.bf16.f32 v32;
	v10 =	vadd.f32 v16, v10;
	(v2sf) =	vpush v27, $0x0  }
0x180: {  	v16 =	vunpack.i.u.bf16.f32 v48;
	v20 =	vunpack.i.l.bf16.f32 v48;
	v13 =	vadd.f32 v15, v14  }
0x181: {  	v14 =	vunpack.i.l.bf16.f32 v19;
	v15 =	vunpack.i.l.bf16.f32 v32;
	(v2sf) =	vpush v27, $0x5  }
0x182: {  	v11 =	vunpack.i.l.bf16.f32 v37;
	v18 =	vunpack.i.l.bf16.f32 v49;
	v19 =	vunpack.i.l.bf16.f32 v50  }
0x183: {  	v10 =	vadd.f32 v17, v10;
	v17 =	vunpack.i.u.bf16.f32 v49;
	v8 =	vadd.f32 v15, v8  }
0x184: {  	v15 =	vunpack.i.u.bf16.f32 v50;
	v7 =	vadd.f32 v14, v7;
	(v2sf) =	vpush v27, $0x3  }
0x185: {  	v12 =	vadd.f32 v18, v12;
	v6 =	vadd.f32 v19, v6;
	v24 =	vunpack.i.l.bf16.f32 v42  }
0x186: {  	v14 =	vunpack.i.l.bf16.f32 v51;
	v9 =	vadd.f32 v17, v9;
	v5 =	vadd.f32 v15, v5;
	s3 =	spop (v2sf)  }
0x187: {  	v23 =	vunpack.i.u.bf16.f32 v51;
	v8 =	vadd.f32 v14, v8;
	s4 =	spop (v2sf);
	(v2sf) =	vpush v27, $0x4  }
0x188: {  	v18 =	vunpack.i.l.bf16.f32 v53;
	v17 =	vunpack.i.l.bf16.f32 v52;
	s9 =	spop (v2sf);
	(v2sf) =	vpush v27, $0x6  }
0x189: {  	v19 =	vunpack.i.u.bf16.f32 v52;
	v15 =	vunpack.i.u.bf16.f32 v53;
	v12 =	vadd.f32 v17, v12  }
0x18a: {  	v17 =	vunpack.i.l.bf16.f32 v40;
	v9 =	vadd.f32 v19, v9;
	v6 =	vadd.f32 v18, v6;
	s7 =	sadd.s32 $0x8, s18  }
0x18b: {  	v5 =	vadd.f32 v15, v5;
	v7 =	vadd.f32 v17, v7;
	v17 =	vunpack.i.u.bf16.f32 v42;
	v19 =	vld [tilespmem:s7+$0x0]  }
0x18c: {  	v14 =	vunpack.i.l.bf16.f32 v47;
	v12 =	vadd.f32 v24, v12;
	v9 =	vadd.f32 v17, v9;
	s6 =	sand.u32 $0x7, s3;
	s0 =	sshll.u32 s3, $0x2;
	s11 =	sand.u32 $0x7, s4  }
0x18d: {  	v22 =	vunpack.i.u.bf16.f32 v47;
	v17 =	vadd.f32 v23, v13;
	v6 =	vadd.f32 v14, v6;
	s0 =	sand.u32 $0xFFFFFFE0, s0;
	s2 =	sshll.u32 s4, $0x2;
	s3 =	sshll.u32 s6, $0x2  }
0x18e: {  	v18 =	vunpack.i.u.bf16.f32 v39;
	v22 =	vadd.f32 v22, v5;
	v7 =	vadd.f32 v11, v7;
	s10 =	sshll.u32 s9, $0x2;
	s8 =	sshll.u32 s11, $0x2;
	s12 =	spop (v2sf)  }
0x18f: {  	v21 =	vunpack.i.u.bf16.f32 v36;
	v17 =	vadd.f32 v18, v17;
	v14 =	vadd.f32 v16, v9;
	s2 =	sand.u32 $0xFFFFFFE0, s2;
	s4 =	sand.u32 $0x7, s9;
	s0 =	sor.u32 s3, s0  }
0x190: {  	v9 =	vunpack.i.l.bf16.f32 v36;
	v16 =	vunpack.i.u.bf16.f32 v40;
	s15 =	sand.u32 $0x7, s12;
	s19 =	spop (v2sf);
	s2 =	sor.u32 s8, s2;
	(v2sf) =	vpush v19, $0x7  }
0x191: {  	v18 =	vadd.f32 v9, v6;
	v6 =	vadd.f32 v16, v10;
	v10 =	vunpack.i.l.bf16.f32 v39;
	s11 =	sshll.u32 s12, $0x2;
	s4 =	sshll.u32 s4, $0x2;
	s10 =	sand.u32 $0xFFFFFFE0, s10  }
0x192: {  	v15 =	vunpack.i.u.bf16.f32 v37;
	v13 =	vadd.f32 v20, v12;
	v8 =	vadd.f32 v10, v8;
	s0 =	sshra.s32 s0, $0x2;
	s24 =	sand.u32 $0x7, s19;
	s13 =	sshll.u32 s19, $0x2  }
0x193: {  	v6 =	vadd.f32 v15, v6;
	v20 =	vunpack.i.u.bf16.f32 v41;
	s30 =	spop (v2sf);
	s2 =	sshra.s32 s2, $0x2;
	(v2sf) =	vpush v19, $0x2;
	s12 =	sshll.u32 s15, $0x2  }
0x194: {  	v23 =	vunpack.i.u.bf16.f32 v38;
	v10 =	vunpack.i.l.bf16.f32 v41;
	s11 =	sand.u32 $0xFFFFFFE0, s11;
	s4 =	sor.u32 s4, s10;
	s0 =	sadd.s32 $0x0, s0;
	(v2sf) =	vpush v19, $0x1  }
0x195: {  	v11 =	vunpack.i.l.bf16.f32 v38;
	v9 =	vadd.f32 v23, v17;
	s31 =	sand.u32 $0xFFFFFFE0, s13;
	s6 =	sshll.u32 s24, $0x2;
	s9 =	sand.u32 $0x7, s30;
	v15 =	vld [tilespmem:s0+$0xB5C0];
	(v2sf) =	vpush v19, $0x0  }
0x196: {  	v7 =	vadd.f32 v10, v7;
	v10 =	vunpack.i.l.bf16.f32 v35;
	v8 =	vadd.f32 v11, v8;
	s2 =	sadd.s32 $0x0, s2;
	s19 =	sshll.u32 s30, $0x2;
	v5 =	vld [tilespmem:s0+$0xB5D0];
	s30 =	spop (v2sf)  }
0x197: {  	v6 =	vadd.f32 v20, v6;
	v11 =	vunpack.i.u.bf16.f32 v26;
	s4 =	sshra.s32 s4, $0x2;
	s8 =	sor.u32 s6, s31;
	v63 =	vld [tilespmem:s2+$0xB480];
	s6 =	spop (v2sf);
	(v2sf) =	vpush v19, $0x5  }
0x198: {  	v20 =	vadd.f32 v21, v22;
	v21 =	vunpack.i.l.bf16.f32 v26;
	v26 =	vadd.f32 v10, v8;
	s3 =	sor.u32 s12, s11;
	s4 =	sadd.s32 $0x0, s4;
	v8 =	vld [tilespmem:s2+$0xB490]  }
0x199: {  	v12 =	vunpack.i.u.bf16.f32 v35;
	s7 =	sadd.s32 $0x8, s7;
	s14 =	sshll.u32 s9, $0x2;
	s3 =	sshra.s32 s3, $0x2;
	v23 =	vld [tilespmem:s4+$0xB440];
	(v2sf) =	vpush v19, $0x3  }
0x19a: {  	v16 =	vadd.f32 v12, v9;
	s10 =	sand.u32 $0xFFFFFFE0, s19;
	s8 =	sshra.s32 s8, $0x2;
	s0 =	sadd.s32 $0x0, s3;
	v12 =	vld [tilespmem:s4+$0xB450]  }
0x19b: {  	s2 =	simm.s32 $0x1000;
	s24 =	sor.u32 s14, s10;
	s8 =	sadd.s32 $0x0, s8;
	v28 =	vld [tilespmem:s0+$0xB410]  }
0x19c: {  	s3 =	sshra.s32 s24, $0x2;
	v17 =	vld [tilespmem:s8+$0xB550];
	s31 =	sand.u32 $0x7, s30;
	s10 =	sshll.u32 s30, $0x2  }
0x19d: {  	v29 =	vadd.f32 v21, v7;
	s9 =	sadd.s32 $0x0, s3;
	v21 =	vld [tilespmem:s8+$0xB540];
	s13 =	sand.u32 $0xFFFFFFE0, s10;
	s4 =	sshll.u32 s31, $0x2  }
0x19e: {  	v9 =	vadd.f32 v11, v6;
	v11 =	vunpack.i.u.bf16.f32 v15;
	v15 =	vunpack.i.l.bf16.f32 v15;
	s14 =	sand.u32 $0x7, s6;
	s15 =	sshll.u32 s6, $0x2;
	s3 =	sor.u32 s4, s13  }
0x19f: {  	v6 =	vunpack.i.u.bf16.f32 v5;
	v24 =	vld [tilespmem:s9+$0xB4D0];
	v7 =	vunpack.i.l.bf16.f32 v63;
	v33 =	vunpack.i.u.bf16.f32 v23;
	s19 =	sand.u32 $0xFFFFFFE0, s15;
	s8 =	sshll.u32 s14, $0x2;
	s30 =	spop (v2sf)  }
0x1a0: {  	v10 =	vld [tilespmem:s0+$0xB400];
	v35 =	vunpack.i.l.bf16.f32 v23;
	v27 =	vunpack.i.u.bf16.f32 v12;
	v34 =	vunpack.i.l.bf16.f32 v12;
	s24 =	sshra.s32 s3, $0x2;
	s4 =	sor.u32 s8, s19;
	s3 =	simm.s32 $0x200  }
0x1a1: {  	v32 =	vld [tilespmem:s9+$0xB4C0];
	v23 =	vunpack.i.u.bf16.f32 v8;
	v25 =	vunpack.i.u.bf16.f32 v28;
	v12 =	vunpack.i.u.bf16.f32 v17;
	s15 =	sand.u32 $0x7, s30;
	s0 =	sshll.u32 s30, $0x2;
	s4 =	sshra.s32 s4, $0x2  }
0x1a2: {  	v22 =	vunpack.i.l.bf16.f32 v17;
	v31 =	vunpack.i.l.bf16.f32 v21;
	v17 =	vunpack.i.l.bf16.f32 v28;
	s8 =	spop (v2sf);
	s14 =	sadd.s32 $0x0, s24;
	s4 =	sadd.s32 $0x0, s4  }
0x1a3: {  	v30 =	vunpack.i.u.bf16.f32 v21;
	v17 =	vadd.f32 v17, v26;
	(v2sf) =	vpush v19, $0x4;
	s31 =	sand.u32 $0x7, s8;
	s12 =	sand.u32 $0xFFFFFFE0, s0;
	s29 =	spop (v2sf);
	v28 =	vld [tilespmem:s4+$0xB580]  }
0x1a4: {  	v37 =	vunpack.i.l.bf16.f32 v24;
	s13 =	sshll.u32 s29, $0x2;
	s0 =	sshll.u32 s31, $0x2;
	s28 =	spop (v2sf);
	(v2sf) =	vpush v19, $0x6;
	v19 =	vunpack.i.u.bf16.f32 v63;
	v36 =	vld [tilespmem:s4+$0xB590]  }
.LBB2_10:
0x1a5: {  	s4 =	sand.u32 $0x7, s28;
	s10 =	sshll.u32 s8, $0x2  }
0x1a6: {  	v21 =	vld [tilespmem:s7+$0x0];
	s30 =	spop (v2sf);
	v13 =	vadd.f32 v35, v13;
	v14 =	vadd.f32 v33, v14;
	v26 =	vunpack.i.l.bf16.f32 v32;
	s11 =	smov.u32 s2;
	s8 =	smov.u32 s3  }
0x1a7: {  	v33 =	vunpack.i.l.bf16.f32 v10;
	v18 =	vadd.f32 v34, v18;
	v32 =	vunpack.i.u.bf16.f32 v32;
	s3 =	sand.u32 $0xFFFFFFE0, s10;
	s10 =	sand.u32 $0x7, s30;
	s30 =	sshll.u32 s30, $0x2;
	v34 =	vld [tilespmem:s14+$0xB500]  }
0x1a8: {  	s29 =	sand.u32 $0x7, s29;
	s15 =	sshll.u32 s15, $0x2;
	s31 =	spop (v2sf);
	v13 =	vadd.f32 v26, v13;
	v14 =	vadd.f32 v32, v14;
	v26 =	vunpack.i.l.bf16.f32 v28  }
0x1a9: {  	v29 =	vadd.f32 v33, v29;
	s0 =	sor.u32 s0, s3;
	s3 =	sand.u32 $0xFFFFFFE0, s30;
	s10 =	sshll.u32 s10, $0x2;
	v18 =	vadd.f32 v37, v18;
	v32 =	vld [tilespmem:s14+$0xB510];
	v33 =	vunpack.i.u.bf16.f32 v36  }
0x1aa: {  	v20 =	vadd.f32 v27, v20;
	s14 =	sshll.u32 s28, $0x2;
	s28 =	sshll.u32 s29, $0x2;
	s3 =	sor.u32 s10, s3;
	v36 =	vunpack.i.l.bf16.f32 v36;
	v13 =	vadd.f32 v31, v13  }
0x1ab: {  	v24 =	vunpack.i.u.bf16.f32 v24;
	s0 =	sshra.s32 s0, $0x2;
	s10 =	sand.u32 $0x7, s31;
	s29 =	sshra.s32 s3, $0x2;
	v14 =	vadd.f32 v30, v14;
	(v2sf) =	vpush v21, $0x7  }
0x1ac: {  	s13 =	sand.u32 $0xFFFFFFE0, s13;
	v16 =	vadd.f32 v25, v16;
	s3 =	sadd.s32 s8, s0;
	s0 =	sadd.s32 s8, s29;
	(v2sf) =	vpush v21, $0x2;
	v25 =	vunpack.i.u.bf16.f32 v34  }
0x1ad: {  	s4 =	sshll.u32 s4, $0x2;
	s12 =	sor.u32 s15, s12;
	v28 =	vunpack.i.u.bf16.f32 v28;
	s10 =	sshll.u32 s10, $0x2;
	v18 =	vadd.f32 v22, v18;
	(v2sf) =	vpush v21, $0x1;
	v37 =	vld [tilespmem:s3+$0xB480]  }
0x1ae: {  	s12 =	sshra.s32 s12, $0x2;
	v20 =	vadd.f32 v24, v20;
	s14 =	sand.u32 $0xFFFFFFE0, s14;
	s13 =	sor.u32 s28, s13;
	(v2sf) =	vpush v21, $0x0;
	v22 =	vld [tilespmem:s0+$0xB550];
	v24 =	vunpack.i.u.bf16.f32 v32  }
0x1af: {  	s4 =	sor.u32 s4, s14;
	s14 =	sshll.u32 s31, $0x2;
	v13 =	vadd.f32 v15, v13;
	v31 =	vunpack.i.l.bf16.f32 v32;
	(v2sf) =	vpush v21, $0x5;
	v30 =	vld [tilespmem:s0+$0xB540];
	s0 =	sadd.s32 s8, s12  }
0x1b0: {  	v16 =	vadd.f32 v23, v16;
	s4 =	sshra.s32 s4, $0x2;
	v14 =	vadd.f32 v11, v14;
	v11 =	vunpack.i.l.bf16.f32 v5;
	s12 =	sshra.s32 s13, $0x2;
	s13 =	sand.u32 $0xFFFFFFE0, s14;
	v15 =	vld [tilespmem:s0+$0xB5C0]  }
0x1b1: {  	v10 =	vunpack.i.u.bf16.f32 v10;
	s4 =	sadd.s32 s8, s4;
	v18 =	vadd.f32 v11, v18;
	s12 =	sadd.s32 s8, s12;
	s10 =	sor.u32 s10, s13;
	(v2sf) =	vpush v21, $0x3;
	v5 =	vld [tilespmem:s0+$0xB5D0]  }
0x1b2: {  	p1 =	sne.s32 s2, $0x5800;
	s2 =	sadd.s32 $0x800, s2;
	v9 =	vadd.f32 v10, v9;
	v16 =	vadd.f32 v24, v16;
	s0 =	sshra.s32 s10, $0x2;
	v23 =	vld [tilespmem:s12+$0xB440];
	v11 =	vunpack.i.l.bf16.f32 v37  }
0x1b3: {  	v8 =	vunpack.i.l.bf16.f32 v8;
	v27 =	vadd.f32 v7, v29;
	v12 =	vadd.f32 v12, v20;
	v24 =	vld [tilespmem:s12+$0xB450];
	s10 =	spop (v2sf);
	v7 =	vmovc v11  }
0x1b4: {  	v17 =	vadd.f32 v8, v17;
	v9 =	vadd.f32 v19, v9;
	v8 =	vunpack.i.l.bf16.f32 v34;
	v10 =	vld [tilespmem:s4+$0xB400];
	s12 =	sand.u32 $0x7, s10;
	s10 =	sshll.u32 s10, $0x2;
	s13 =	spop (v2sf)  }
0x1b5: {  	v29 =	vadd.f32 v8, v27;
	v16 =	vadd.f32 v33, v16;
	s0 =	sadd.s32 s8, s0;
	v19 =	vld [tilespmem:s4+$0xB410];
	s4 =	sand.u32 $0xFFFFFFE0, s10;
	s10 =	sshll.u32 s12, $0x2;
	v11 =	vunpack.i.u.bf16.f32 v15  }
0x1b6: {  	v20 =	vadd.f32 v6, v12;
	s12 =	sshll.u32 s13, $0x2;
	v15 =	vunpack.i.l.bf16.f32 v15;
	v32 =	vld [tilespmem:s0+$0xB4C0];
	s4 =	sor.u32 s10, s4;
	s10 =	sand.u32 $0x7, s13;
	v6 =	vunpack.i.u.bf16.f32 v5  }
0x1b7: {  	v9 =	vadd.f32 v25, v9;
	s12 =	sand.u32 $0xFFFFFFE0, s12;
	v33 =	vunpack.i.u.bf16.f32 v23;
	v35 =	vunpack.i.l.bf16.f32 v23;
	v8 =	vld [tilespmem:s3+$0xB490];
	s4 =	sshra.s32 s4, $0x2;
	s10 =	sshll.u32 s10, $0x2  }
0x1b8: {  	v17 =	vadd.f32 v31, v17;
	s3 =	sshra.s32 s11, $0x2;
	v27 =	vunpack.i.u.bf16.f32 v24;
	v34 =	vunpack.i.l.bf16.f32 v24;
	v24 =	vld [tilespmem:s0+$0xB4D0];
	s0 =	sor.u32 s10, s12  }
.Ltmp7:
0x1b9: {  	s7 =	sadd.s32 $0x8, s7;
	v9 =	vadd.f32 v28, v9;
	v12 =	vunpack.i.u.bf16.f32 v22;
	v22 =	vunpack.i.l.bf16.f32 v22;
	s0 =	sshra.s32 s0, $0x2;
	(pc) =	sbr.rel @p1 .LBB2_10-.Ltmp7, $4  }
0x1ba: {  	v17 =	vadd.f32 v36, v17;
	v31 =	vunpack.i.l.bf16.f32 v30;
	s14 =	sadd.s32 s8, s4;
	s10 =	spop (v2sf);
	v25 =	vunpack.i.u.bf16.f32 v19;
	s0 =	sadd.s32 s8, s0  }
0x1bb: {  	v29 =	vadd.f32 v26, v29;
	v30 =	vunpack.i.u.bf16.f32 v30;
	v19 =	vunpack.i.l.bf16.f32 v19;
	s15 =	sand.u32 $0x7, s10;
	s4 =	sshll.u32 s10, $0x2;
	s8 =	spop (v2sf);
	v28 =	vld [tilespmem:s0+$0xB580]  }
0x1bc: {  	v17 =	vadd.f32 v19, v17;
	s10 =	sand.u32 $0x7, s8;
	s12 =	sand.u32 $0xFFFFFFE0, s4;
	s29 =	spop (v2sf);
	(v2sf) =	vpush v21, $0x4;
	v23 =	vunpack.i.u.bf16.f32 v8;
	v36 =	vld [tilespmem:s0+$0xB590]  }
0x1bd: {  	v19 =	vunpack.i.u.bf16.f32 v37;
	s13 =	sshll.u32 s29, $0x2;
	s0 =	sshll.u32 s10, $0x2;
	s28 =	spop (v2sf);
	(v2sf) =	vpush v21, $0x6;
	v37 =	vunpack.i.l.bf16.f32 v24  }
0x1be: {  	v13 =	vadd.f32 v35, v13  }
0x1bf: {  	s2 =	sshll.u32 s8, $0x2;
	v14 =	vadd.f32 v33, v14;
	s4 =	sand.u32 $0x7, s28;
	v21 =	vunpack.i.l.bf16.f32 v32;
	v18 =	vadd.f32 v34, v18  }
0x1c0: {  	s7 =	spop (v2sf);
	v62 =	vunpack.i.l.bf16.f32 v10;
	s19 =	sand.u32 $0x7, s29;
	s10 =	sshll.u32 s15, $0x2;
	v20 =	vadd.f32 v27, v20;
	v16 =	vadd.f32 v25, v16  }
0x1c1: {  	s31 =	sshll.u32 s28, $0x2;
	s6 =	sand.u32 $0xFFFFFFE0, s13;
	v10 =	vunpack.i.u.bf16.f32 v10;
	v8 =	vunpack.i.l.bf16.f32 v8;
	s2 =	sand.u32 $0xFFFFFFE0, s2;
	v29 =	vadd.f32 v62, v29  }
0x1c2: {  	v26 =	vunpack.i.u.bf16.f32 v32;
	s9 =	sand.u32 $0x7, s7;
	s7 =	sshll.u32 s7, $0x2;
	s10 =	sor.u32 s10, s12;
	v9 =	vadd.f32 v10, v9;
	v8 =	vadd.f32 v8, v17  }
0x1c3: {  	v24 =	vunpack.i.u.bf16.f32 v24;
	s4 =	sshll.u32 s4, $0x2;
	s8 =	sand.u32 $0xFFFFFFE0, s31;
	v13 =	vadd.f32 v21, v13;
	v14 =	vadd.f32 v26, v14;
	s0 =	sor.u32 s0, s2  }
0x1c4: {  	v61 =	vld [tilespmem:s14+$0xB500];
	v18 =	vadd.f32 v37, v18;
	s11 =	spop (v2sf);
	s24 =	sand.u32 $0xFFFFFFE0, s7;
	s30 =	sshll.u32 s9, $0x2;
	v20 =	vadd.f32 v24, v20  }
0x1c5: {  	s2 =	sshll.u32 s19, $0x2;
	v16 =	vadd.f32 v23, v16;
	s4 =	sor.u32 s4, s8;
	s0 =	sshra.s32 s0, $0x2;
	v7 =	vadd.f32 v7, v29  }
0x1c6: {  	v5 =	vunpack.i.l.bf16.f32 v5;
	v21 =	vld [tilespmem:s14+$0xB510];
	s10 =	sshra.s32 s10, $0x2;
	s4 =	sshra.s32 s4, $0x2;
	v9 =	vadd.f32 v19, v9;
	v13 =	vadd.f32 v31, v13;
	s7 =	sadd.s32 s3, s0  }
0x1c7: {  	v26 =	vunpack.i.l.bf16.f32 v28;
	s12 =	sor.u32 s2, s6;
	s9 =	sadd.s32 s3, s10;
	v14 =	vadd.f32 v30, v14;
	v18 =	vadd.f32 v22, v18;
	s4 =	sadd.s32 s3, s4;
	v30 =	vld [tilespmem:s7+$0xB480]  }
0x1c8: {  	v63 =	vunpack.i.u.bf16.f32 v36;
	s13 =	sand.u32 $0x7, s11;
	s0 =	sor.u32 s30, s24;
	s12 =	sshra.s32 s12, $0x2;
	v12 =	vadd.f32 v12, v20;
	v17 =	vld [tilespmem:s4+$0xB410];
	v13 =	vadd.f32 v15, v13  }
0x1c9: {  	s14 =	sshll.u32 s11, $0x2;
	s0 =	sshra.s32 s0, $0x2;
	s12 =	sadd.s32 s3, s12;
	v19 =	vunpack.i.l.bf16.f32 v61;
	v15 =	vld [tilespmem:s9+$0xB5C0];
	v11 =	vadd.f32 v11, v14;
	v5 =	vadd.f32 v5, v18  }
0x1ca: {  	s10 =	sshll.u32 s13, $0x2;
	s8 =	sand.u32 $0xFFFFFFE0, s14;
	v25 =	vunpack.i.u.bf16.f32 v61;
	s0 =	sadd.s32 s3, s0;
	v14 =	vld [tilespmem:s12+$0xB440];
	v7 =	vadd.f32 v19, v7;
	v6 =	vadd.f32 v6, v12  }
0x1cb: {  	s8 =	sor.u32 s10, s8;
	v9 =	vadd.f32 v25, v9;
	v24 =	vunpack.i.u.bf16.f32 v21;
	v21 =	vunpack.i.l.bf16.f32 v21;
	v23 =	vld [tilespmem:s0+$0xB550]  }
0x1cc: {  	v22 =	vunpack.i.u.bf16.f32 v28;
	s8 =	sshra.s32 s8, $0x2;
	v19 =	vld [tilespmem:s0+$0xB540];
	v10 =	vadd.f32 v24, v16;
	v8 =	vadd.f32 v21, v8  }
0x1cd: {  	v27 =	vunpack.i.l.bf16.f32 v36;
	s15 =	sadd.s32 s3, s8;
	v16 =	vld [tilespmem:s12+$0xB450];
	v9 =	vadd.f32 v22, v9;
	v7 =	vadd.f32 v26, v7  }
0x1ce: {  	v24 =	vld [tilespmem:s15+$0xB4D0];
	v18 =	vunpack.i.l.bf16.f32 v30;
	v10 =	vadd.f32 v63, v10;
	v8 =	vadd.f32 v27, v8  }
0x1cf: {  	v21 =	vld [tilespmem:s15+$0xB4C0];
	v22 =	vunpack.i.u.bf16.f32 v17;
	v17 =	vunpack.i.l.bf16.f32 v17;
	v20 =	vunpack.i.u.bf16.f32 v15  }
0x1d0: {  	v28 =	vld [tilespmem:s4+$0xB400];
	v15 =	vunpack.i.l.bf16.f32 v15;
	v12 =	vunpack.i.u.bf16.f32 v14;
	v14 =	vunpack.i.l.bf16.f32 v14  }
0x1d1: {  	v29 =	vunpack.i.u.bf16.f32 v23;
	v8 =	vadd.f32 v17, v8;
	v13 =	vadd.f32 v14, v13  }
0x1d2: {  	v31 =	vunpack.i.l.bf16.f32 v19;
	v11 =	vadd.f32 v12, v11;
	v10 =	vadd.f32 v22, v10;
	s19 =	spop (v2sf)  }
0x1d3: {  	v27 =	vld [tilespmem:s7+$0xB490];
	v25 =	vunpack.i.u.bf16.f32 v16;
	v16 =	vunpack.i.l.bf16.f32 v16;
	v17 =	vunpack.i.l.bf16.f32 v24;
	s24 =	spop (v2sf);
	s6 =	sand.u32 $0x7, s19;
	s8 =	sshll.u32 s19, $0x2  }
0x1d4: {  	v12 =	vunpack.i.l.bf16.f32 v21;
	v14 =	vunpack.i.u.bf16.f32 v21;
	v5 =	vadd.f32 v16, v5;
	s30 =	sand.u32 $0x7, s24;
	s31 =	sshll.u32 s24, $0x2;
	s7 =	sand.u32 $0xFFFFFFE0, s8  }
0x1d5: {  	v21 =	vunpack.i.l.bf16.f32 v28;
	v12 =	vadd.f32 v12, v13;
	v11 =	vadd.f32 v14, v11;
	s8 =	sshll.u32 s6, $0x2;
	s4 =	sand.u32 $0xFFFFFFE0, s31;
	s0 =	sshll.u32 s30, $0x2  }
0x1d6: {  	v24 =	vunpack.i.u.bf16.f32 v24;
	v7 =	vadd.f32 v21, v7;
	v6 =	vadd.f32 v25, v6;
	s0 =	sor.u32 s0, s4;
	s4 =	sor.u32 s8, s7  }
0x1d7: {  	v13 =	vld [tilespmem:s9+$0xB5D0];
	v14 =	vunpack.i.u.bf16.f32 v19;
	v5 =	vadd.f32 v17, v5;
	v12 =	vadd.f32 v31, v12;
	s4 =	sshra.s32 s4, $0x2  }
0x1d8: {  	v17 =	vunpack.i.u.bf16.f32 v27;
	v11 =	vadd.f32 v14, v11;
	v6 =	vadd.f32 v24, v6;
	s0 =	sshra.s32 s0, $0x2;
	s9 =	sadd.s32 s3, s4  }
0x1d9: {  	v23 =	vunpack.i.l.bf16.f32 v23;
	v7 =	vadd.f32 v18, v7;
	v10 =	vadd.f32 v17, v10;
	s0 =	sadd.s32 s3, s0;
	v22 =	vld [tilespmem:s9+$0xB500]  }
0x1da: {  	v17 =	vunpack.i.u.bf16.f32 v28;
	v5 =	vadd.f32 v23, v5;
	v12 =	vadd.f32 v15, v12;
	v16 =	vld [tilespmem:s0+$0xB580]  }
0x1db: {  	v14 =	vunpack.i.u.bf16.f32 v30;
	v11 =	vadd.f32 v20, v11;
	v9 =	vadd.f32 v17, v9;
	v19 =	vld [tilespmem:s9+$0xB510]  }
0x1dc: {  	v17 =	vunpack.i.l.bf16.f32 v27;
	v6 =	vadd.f32 v29, v6;
	v15 =	vunpack.i.l.bf16.f32 v13  }
0x1dd: {  	v8 =	vadd.f32 v17, v8;
	v13 =	vunpack.i.u.bf16.f32 v13;
	v21 =	vld [tilespmem:s0+$0xB590];
	v5 =	vadd.f32 v15, v5  }
0x1de: {  	v9 =	vadd.f32 v14, v9;
	v6 =	vadd.f32 v13, v6;
	v14 =	vunpack.i.l.bf16.f32 v22  }
0x1df: {  	v23 =	vunpack.i.l.bf16.f32 v16;
	v18 =	vunpack.i.u.bf16.f32 v22;
	v7 =	vadd.f32 v14, v7  }
0x1e0: {  	v20 =	vunpack.i.u.bf16.f32 v19;
	v14 =	vunpack.i.l.bf16.f32 v19;
	v9 =	vadd.f32 v18, v9  }
0x1e1: {  	v16 =	vunpack.i.u.bf16.f32 v16;
	v8 =	vadd.f32 v14, v8;
	v7 =	vadd.f32 v23, v7  }
0x1e2: {  	v10 =	vadd.f32 v20, v10;
	v14 =	vunpack.i.l.bf16.f32 v21;
	v9 =	vadd.f32 v16, v9  }
0x1e3: {  	v15 =	vunpack.i.u.bf16.f32 v21;
	v8 =	vadd.f32 v14, v8;
	v7 =	vadd.f32 v12, v7  }
0x1e4: {  	v10 =	vadd.f32 v15, v10;
	v9 =	vadd.f32 v11, v9  }
0x1e5: {  	s10 =	sshll.u32 s1, $0x6;
	v5 =	vadd.f32 v5, v8;
	v7 =	vmul.f32 v7, v4  }
0x1e6: {  	s0 =	sand.u32 $0x3FFFFFC0, s10;
	v6 =	vadd.f32 v6, v10;
	v8 =	vmul.f32 v9, v4  }
0x1e7: {  	v5 =	vmul.f32 v5, v4;
	[tilespmem:v0+s0+$0x13600] =	vst.idx.msk $0xffff, v7  }
0x1e8: {  	v6 =	vmul.f32 v6, v4;
	[tilespmem:v1+s0+$0x13600] =	vst.idx.msk $0xffff, v8  }
0x1e9: {  	s2 =	simm.s32 @!p0 $0xB400;
	[tilespmem:v2+s0+$0x13600] =	vst.idx.msk $0xffff, v5  }
0x1ea: {  	s11 =	simm.s32 $0x5;
	s1 =	simm.s32 @!p0 $0x60;
	[tilespmem:v3+s0+$0x13600] =	vst.idx.msk $0xffff, v6;
	s0 =	sadd.s32 @!p0 $0x450, s25  }
0x1eb: {  	[tilespmem:s2], [sflag:$0x4] =	stream.indirect.gather @!p0 [hbm4b:s5+s1], $0x40, s0, s1, $0xb8;
	[tilespmem:$0x14610] =	vst v63  }
0x1ec: {  	_ =	swait.ge [sflag:s11], $0x1A00  }
0x1ed: {  	[sflag:s11] =	ssyncset.done $0x0  }
0x1ee: {  	[sflag:s11] =	ssyncadd.s32 $0xFFFFE600  }
0x1ef: {  	v5 =	vld [tilespmem:s23+$0x0];
	_ =	sdelay $0x4  }
0x1f0: {  	(v2sf) =	vpush v5, $0x7  }
0x1f1: {  	(v2sf) =	vpush v5, $0x2;
	_ =	sdelay $0x1  }
0x1f2: {  	(v2sf) =	vpush v5, $0x1  }
0x1f3: {  	(v2sf) =	vpush v5, $0x0;
	_ =	sdelay $0x1  }
0x1f4: {  	(v2sf) =	vpush v5, $0x5;
	_ =	sdelay $0x4  }
0x1f5: {  	(v2sf) =	vpush v5, $0x3;
	_ =	sdelay $0x1  }
0x1f6: {  	(v2sf) =	vpush v5, $0x4;
	_ =	sdelay $0x1  }
0x1f7: {  	s3 =	sadd.s32 $0x8, s23;
	s12 =	spop (v2sf)  }
0x1f8: {  	v15 =	vld [tilespmem:s3+$0x0];
	s3 =	sadd.s32 $0x8, s3;
	s14 =	spop (v2sf)  }
0x1f9: {  	s13 =	sand.u32 $0x7, s12;
	s0 =	sshll.u32 s12, $0x2;
	s15 =	sand.u32 $0x7, s14  }
0x1fa: {  	s19 =	spop (v2sf);
	s0 =	sand.u32 $0xFFFFFFE0, s0;
	s2 =	sshll.u32 s14, $0x2  }
0x1fb: {  	(v2sf) =	vpush v5, $0x6;
	s1 =	sshll.u32 s13, $0x2;
	s24 =	sshll.u32 s19, $0x2;
	s30 =	spop (v2sf)  }
0x1fc: {  	s4 =	sshll.u32 s15, $0x2;
	s2 =	sand.u32 $0xFFFFFFE0, s2;
	s7 =	sand.u32 $0x7, s19  }
0x1fd: {  	s0 =	sor.u32 s1, s0;
	s31 =	spop (v2sf);
	s6 =	sand.u32 $0x7, s30  }
0x1fe: {  	(v2sf) =	vpush v15, $0x7;
	s2 =	sor.u32 s4, s2;
	s7 =	sshll.u32 s7, $0x2;
	s15 =	sand.u32 $0xFFFFFFE0, s24  }
0x1ff: {  	s0 =	sshra.s32 s0, $0x2;
	s19 =	sshll.u32 s30, $0x2;
	s9 =	sand.u32 $0x7, s31  }
0x200: {  	(v2sf) =	vpush v15, $0x2;
	s11 =	sshll.u32 s31, $0x2;
	s2 =	sshra.s32 s2, $0x2;
	s1 =	sor.u32 s7, s15  }
0x201: {  	(v2sf) =	vpush v15, $0x1;
	s0 =	sadd.s32 $0x0, s0;
	s24 =	sshll.u32 s6, $0x2;
	s8 =	sand.u32 $0xFFFFFFE0, s19  }
0x202: {  	(v2sf) =	vpush v15, $0x0;
	s30 =	spop (v2sf);
	s11 =	sand.u32 $0xFFFFFFE0, s11;
	s14 =	sshll.u32 s9, $0x2;
	v5 =	vld [tilespmem:s0+$0xCFC0]  }
0x203: {  	s2 =	sadd.s32 $0x0, s2;
	s1 =	sshra.s32 s1, $0x2;
	s7 =	sor.u32 s24, s8;
	v6 =	vld [tilespmem:s0+$0xCFD0]  }
0x204: {  	s31 =	sand.u32 $0x7, s30;
	s4 =	sor.u32 s14, s11;
	v16 =	vld [tilespmem:s2+$0xCE80];
	s11 =	spop (v2sf);
	(v2sf) =	vpush v15, $0x5  }
0x205: {  	s6 =	sshll.u32 s30, $0x2;
	s1 =	sadd.s32 $0x0, s1;
	s7 =	sshra.s32 s7, $0x2;
	v8 =	vld [tilespmem:s2+$0xCE90]  }
0x206: {  	s0 =	sshll.u32 s31, $0x2;
	s8 =	sand.u32 $0xFFFFFFE0, s6;
	s2 =	simm.s32 $0x1000;
	v11 =	vld [tilespmem:s1+$0xCE40];
	(v2sf) =	vpush v15, $0x3  }
0x207: {  	s4 =	sshra.s32 s4, $0x2;
	s9 =	sadd.s32 $0x0, s7;
	v13 =	vld [tilespmem:s1+$0xCE50];
	s1 =	sor.u32 $0x2, s26  }
0x208: {  	s0 =	sor.u32 s0, s8;
	s7 =	sshll.u32 s11, $0x2;
	s4 =	sadd.s32 $0x0, s4;
	v19 =	vld [tilespmem:s9+$0xCE10]  }
0x209: {  	v43 =	vimm.f32 $0.0e+00;
	v25 =	vimm.f32 $0.0e+00;
	v24 =	vimm.f32 $0.0e+00;
	s12 =	sand.u32 $0x7, s11;
	s0 =	sshra.s32 s0, $0x2;
	s7 =	sand.u32 $0xFFFFFFE0, s7;
	v10 =	vld [tilespmem:s4+$0xCF50]  }
0x20a: {  	v29 =	vimm.f32 $0.0e+00;
	v23 =	vimm.f32 $0.0e+00;
	v14 =	vimm.f32 $0.0e+00;
	s14 =	sshll.u32 s12, $0x2;
	v20 =	vld [tilespmem:s4+$0xCF40];
	s0 =	sadd.s32 $0x0, s0;
	s13 =	spop (v2sf)  }
0x20b: {  	s7 =	sor.u32 s14, s7;
	v9 =	vunpack.i.u.bf16.f32 v5;
	v12 =	vunpack.i.l.bf16.f32 v5;
	v5 =	vunpack.i.u.bf16.f32 v6;
	s15 =	sand.u32 $0x7, s13;
	s8 =	sshll.u32 s13, $0x2  }
0x20c: {  	v17 =	vld [tilespmem:s0+$0xCED0];
	s19 =	sshra.s32 s7, $0x2;
	v7 =	vunpack.i.l.bf16.f32 v16;
	v30 =	vunpack.i.u.bf16.f32 v11;
	v33 =	vunpack.i.l.bf16.f32 v11;
	s8 =	sand.u32 $0xFFFFFFE0, s8;
	s4 =	sshll.u32 s15, $0x2  }
0x20d: {  	s7 =	simm.s32 $0x200;
	v21 =	vunpack.i.u.bf16.f32 v13;
	v34 =	vunpack.i.l.bf16.f32 v13;
	v22 =	vunpack.i.u.bf16.f32 v19;
	s24 =	spop (v2sf);
	s4 =	sor.u32 s4, s8  }
0x20e: {  	v31 =	vld [tilespmem:s0+$0xCEC0];
	v13 =	vunpack.i.l.bf16.f32 v19;
	v11 =	vunpack.i.u.bf16.f32 v10;
	v18 =	vunpack.i.l.bf16.f32 v10;
	s13 =	sadd.s32 $0x0, s19;
	s15 =	sand.u32 $0x7, s24;
	s4 =	sshra.s32 s4, $0x2  }
0x20f: {  	v27 =	vunpack.i.l.bf16.f32 v20;
	v28 =	vunpack.i.u.bf16.f32 v20;
	v10 =	vld [tilespmem:s9+$0xCE00];
	(v2sf) =	vpush v15, $0x4;
	s30 =	sshll.u32 s24, $0x2;
	s8 =	spop (v2sf);
	s4 =	sadd.s32 $0x0, s4  }
0x210: {  	v13 =	vadd.f32 v13, v14;
	v20 =	vunpack.i.u.bf16.f32 v8;
	(v2sf) =	vpush v15, $0x6;
	s12 =	sand.u32 $0xFFFFFFE0, s30;
	s31 =	sand.u32 $0x7, s8;
	s0 =	spop (v2sf);
	v19 =	vld [tilespmem:s4+$0xCF80]  }
0x211: {  	v15 =	vunpack.i.u.bf16.f32 v16;
	v44 =	vunpack.i.l.bf16.f32 v17;
	v16 =	vimm.f32 $0.0e+00;
	s14 =	sshll.u32 s0, $0x2;
	s29 =	sshll.u32 s31, $0x2;
	s28 =	spop (v2sf);
	v32 =	vld [tilespmem:s4+$0xCF90]  }
.LBB2_12:
0x212: {  	s4 =	sand.u32 $0x7, s28;
	s10 =	sshll.u32 s8, $0x2  }
0x213: {  	v26 =	vld [tilespmem:s3+$0x0];
	s30 =	spop (v2sf);
	v14 =	vadd.f32 v33, v14;
	v25 =	vadd.f32 v30, v25;
	v30 =	vunpack.i.l.bf16.f32 v31;
	s11 =	smov.u32 s2;
	s8 =	smov.u32 s7  }
0x214: {  	v33 =	vunpack.i.l.bf16.f32 v10;
	v24 =	vadd.f32 v34, v24;
	v31 =	vunpack.i.u.bf16.f32 v31;
	s7 =	sand.u32 $0xFFFFFFE0, s10;
	s10 =	sand.u32 $0x7, s30;
	s30 =	sshll.u32 s30, $0x2;
	v34 =	vld [tilespmem:s13+$0xCF00]  }
0x215: {  	s0 =	sand.u32 $0x7, s0;
	s15 =	sshll.u32 s15, $0x2;
	s31 =	spop (v2sf);
	v14 =	vadd.f32 v30, v14;
	v25 =	vadd.f32 v31, v25;
	v35 =	vunpack.i.l.bf16.f32 v19  }
0x216: {  	s7 =	sor.u32 s29, s7;
	s29 =	sand.u32 $0xFFFFFFE0, s30;
	s10 =	sshll.u32 s10, $0x2;
	v30 =	vadd.f32 v33, v43;
	v24 =	vadd.f32 v44, v24;
	v31 =	vld [tilespmem:s13+$0xCF10];
	v33 =	vunpack.i.u.bf16.f32 v32  }
0x217: {  	v21 =	vadd.f32 v21, v29;
	s0 =	sshll.u32 s0, $0x2;
	s13 =	sshll.u32 s28, $0x2;
	s10 =	sor.u32 s10, s29;
	v32 =	vunpack.i.l.bf16.f32 v32;
	v14 =	vadd.f32 v27, v14  }
0x218: {  	v17 =	vunpack.i.u.bf16.f32 v17;
	s7 =	sshra.s32 s7, $0x2;
	s28 =	sand.u32 $0x7, s31;
	s10 =	sshra.s32 s10, $0x2;
	v25 =	vadd.f32 v28, v25;
	(v2sf) =	vpush v26, $0x7  }
0x219: {  	s14 =	sand.u32 $0xFFFFFFE0, s14;
	v22 =	vadd.f32 v22, v23;
	s7 =	sadd.s32 s8, s7;
	s10 =	sadd.s32 s8, s10;
	(v2sf) =	vpush v26, $0x2;
	v27 =	vunpack.i.u.bf16.f32 v34  }
0x21a: {  	s4 =	sshll.u32 s4, $0x2;
	s12 =	sor.u32 s15, s12;
	v19 =	vunpack.i.u.bf16.f32 v19;
	s28 =	sshll.u32 s28, $0x2;
	v18 =	vadd.f32 v18, v24;
	(v2sf) =	vpush v26, $0x1;
	v36 =	vld [tilespmem:s7+$0xCE80]  }
0x21b: {  	s0 =	sor.u32 s0, s14;
	s12 =	sshra.s32 s12, $0x2;
	v17 =	vadd.f32 v17, v21;
	s13 =	sand.u32 $0xFFFFFFE0, s13;
	(v2sf) =	vpush v26, $0x0;
	v28 =	vld [tilespmem:s10+$0xCF50];
	v21 =	vunpack.i.u.bf16.f32 v31  }
0x21c: {  	s4 =	sor.u32 s4, s13;
	s13 =	sshll.u32 s31, $0x2;
	v14 =	vadd.f32 v12, v14;
	v38 =	vunpack.i.l.bf16.f32 v31;
	(v2sf) =	vpush v26, $0x5;
	v37 =	vld [tilespmem:s10+$0xCF40];
	s10 =	sadd.s32 s8, s12  }
0x21d: {  	v20 =	vadd.f32 v20, v22;
	s0 =	sshra.s32 s0, $0x2;
	s4 =	sshra.s32 s4, $0x2;
	v25 =	vadd.f32 v9, v25;
	v9 =	vunpack.i.l.bf16.f32 v6;
	s12 =	sand.u32 $0xFFFFFFE0, s13;
	v12 =	vld [tilespmem:s10+$0xCFC0]  }
0x21e: {  	v10 =	vunpack.i.u.bf16.f32 v10;
	s0 =	sadd.s32 s8, s0;
	s4 =	sadd.s32 s8, s4;
	v24 =	vadd.f32 v9, v18;
	s12 =	sor.u32 s28, s12;
	(v2sf) =	vpush v26, $0x3;
	v6 =	vld [tilespmem:s10+$0xCFD0]  }
0x21f: {  	p1 =	sne.s32 s2, $0x6000;
	s2 =	sadd.s32 $0x800, s2;
	v16 =	vadd.f32 v10, v16;
	v20 =	vadd.f32 v21, v20;
	s10 =	sshra.s32 s12, $0x2;
	v18 =	vld [tilespmem:s0+$0xCE40];
	v9 =	vunpack.i.l.bf16.f32 v36  }
0x220: {  	v8 =	vunpack.i.l.bf16.f32 v8;
	v11 =	vadd.f32 v11, v17;
	v21 =	vadd.f32 v7, v30;
	v22 =	vld [tilespmem:s0+$0xCE50];
	s0 =	spop (v2sf);
	v7 =	vmovc v9  }
0x221: {  	v13 =	vadd.f32 v8, v13;
	v15 =	vadd.f32 v15, v16;
	v8 =	vunpack.i.l.bf16.f32 v34;
	v10 =	vld [tilespmem:s4+$0xCE00];
	s12 =	sand.u32 $0x7, s0;
	s0 =	sshll.u32 s0, $0x2;
	s13 =	spop (v2sf)  }
0x222: {  	v40 =	vadd.f32 v8, v21;
	v23 =	vadd.f32 v33, v20;
	v39 =	vld [tilespmem:s4+$0xCE10];
	s4 =	sadd.s32 s8, s10;
	s0 =	sand.u32 $0xFFFFFFE0, s0;
	s10 =	sshll.u32 s12, $0x2;
	v9 =	vunpack.i.u.bf16.f32 v12  }
0x223: {  	v29 =	vadd.f32 v5, v11;
	s12 =	sshll.u32 s13, $0x2;
	v12 =	vunpack.i.l.bf16.f32 v12;
	v31 =	vld [tilespmem:s4+$0xCEC0];
	s0 =	sor.u32 s10, s0;
	s10 =	sand.u32 $0x7, s13;
	v5 =	vunpack.i.u.bf16.f32 v6  }
0x224: {  	v15 =	vadd.f32 v27, v15;
	s12 =	sand.u32 $0xFFFFFFE0, s12;
	v30 =	vunpack.i.u.bf16.f32 v18;
	v33 =	vunpack.i.l.bf16.f32 v18;
	v8 =	vld [tilespmem:s7+$0xCE90];
	s0 =	sshra.s32 s0, $0x2;
	s10 =	sshll.u32 s10, $0x2  }
0x225: {  	v13 =	vadd.f32 v38, v13;
	s7 =	sshra.s32 s11, $0x2;
	v21 =	vunpack.i.u.bf16.f32 v22;
	v34 =	vunpack.i.l.bf16.f32 v22;
	v17 =	vld [tilespmem:s4+$0xCED0];
	s4 =	sor.u32 s10, s12  }
.Ltmp8:
0x226: {  	s3 =	sadd.s32 $0x8, s3;
	v16 =	vadd.f32 v19, v15;
	v11 =	vunpack.i.u.bf16.f32 v28;
	v18 =	vunpack.i.l.bf16.f32 v28;
	s4 =	sshra.s32 s4, $0x2;
	(pc) =	sbr.rel @p1 .LBB2_12-.Ltmp8, $4  }
0x227: {  	v13 =	vadd.f32 v32, v13;
	v27 =	vunpack.i.l.bf16.f32 v37;
	s13 =	sadd.s32 s8, s0;
	s10 =	spop (v2sf);
	v22 =	vunpack.i.u.bf16.f32 v39;
	s4 =	sadd.s32 s8, s4  }
0x228: {  	v43 =	vadd.f32 v35, v40;
	v28 =	vunpack.i.u.bf16.f32 v37;
	v15 =	vunpack.i.l.bf16.f32 v39;
	s15 =	sand.u32 $0x7, s10;
	s0 =	sshll.u32 s10, $0x2;
	s8 =	spop (v2sf);
	v19 =	vld [tilespmem:s4+$0xCF80]  }
0x229: {  	v13 =	vadd.f32 v15, v13;
	s10 =	sand.u32 $0x7, s8;
	s12 =	sand.u32 $0xFFFFFFE0, s0;
	s0 =	spop (v2sf);
	(v2sf) =	vpush v26, $0x4;
	v20 =	vunpack.i.u.bf16.f32 v8;
	v32 =	vld [tilespmem:s4+$0xCF90]  }
0x22a: {  	v15 =	vunpack.i.u.bf16.f32 v36;
	s14 =	sshll.u32 s0, $0x2;
	s29 =	sshll.u32 s10, $0x2;
	s28 =	spop (v2sf);
	(v2sf) =	vpush v26, $0x6;
	v44 =	vunpack.i.l.bf16.f32 v17  }
0x22b: {  	_ = 	snop  }
0x22c: {  	s2 =	sshll.u32 s8, $0x2;
	s3 =	spop (v2sf);
	s4 =	sand.u32 $0x7, s28  }
0x22d: {  	s0 =	sand.u32 $0x7, s0;
	s10 =	sshll.u32 s15, $0x2;
	s9 =	sshll.u32 s28, $0x2  }
0x22e: {  	s19 =	sand.u32 $0xFFFFFFE0, s14;
	s2 =	sand.u32 $0xFFFFFFE0, s2;
	s6 =	sand.u32 $0x7, s3  }
0x22f: {  	s3 =	sshll.u32 s3, $0x2;
	s0 =	sshll.u32 s0, $0x2;
	s10 =	sor.u32 s10, s12  }
0x230: {  	s4 =	sshll.u32 s4, $0x2;
	s2 =	sor.u32 s29, s2;
	s3 =	sand.u32 $0xFFFFFFE0, s3  }
0x231: {  	v45 =	vld [tilespmem:s13+$0xCF00];
	s8 =	sshll.u32 s6, $0x2;
	s11 =	spop (v2sf);
	s10 =	sshra.s32 s10, $0x2  }
0x232: {  	v46 =	vld [tilespmem:s13+$0xCF10];
	s0 =	sor.u32 s0, s19;
	s3 =	sor.u32 s8, s3;
	s24 =	sadd.s32 s7, s10  }
0x233: {  	s2 =	sshra.s32 s2, $0x2;
	s15 =	sand.u32 $0x7, s11;
	s8 =	sand.u32 $0xFFFFFFE0, s9;
	v48 =	vld [tilespmem:s24+$0xCFC0]  }
0x234: {  	s0 =	sshra.s32 s0, $0x2;
	s31 =	sshll.u32 s11, $0x2;
	s2 =	sadd.s32 s7, s2;
	v36 =	vld [tilespmem:s24+$0xCFD0]  }
0x235: {  	s3 =	sshra.s32 s3, $0x2;
	s30 =	sshll.u32 s15, $0x2;
	s0 =	sadd.s32 s7, s0;
	v37 =	vld [tilespmem:s2+$0xCE80]  }
0x236: {  	s4 =	sor.u32 s4, s8;
	s9 =	sand.u32 $0xFFFFFFE0, s31;
	s3 =	sadd.s32 s7, s3;
	v49 =	vld [tilespmem:s0+$0xCE40]  }
0x237: {  	s6 =	sshra.s32 s4, $0x2;
	s4 =	sor.u32 s30, s9;
	v47 =	vld [tilespmem:s3+$0xCF50]  }
0x238: {  	v42 =	vld [tilespmem:s3+$0xCF40];
	s3 =	sadd.s32 s7, s6;
	s4 =	sshra.s32 s4, $0x2;
	s11 =	spop (v2sf)  }
0x239: {  	v50 =	vld [tilespmem:s0+$0xCE50];
	s14 =	sadd.s32 s7, s4;
	s19 =	sand.u32 $0x7, s11;
	s8 =	sshll.u32 s11, $0x2  }
0x23a: {  	v39 =	vld [tilespmem:s2+$0xCE90];
	s12 =	spop (v2sf);
	s24 =	sand.u32 $0xFFFFFFE0, s8;
	s30 =	sshll.u32 s19, $0x2  }
0x23b: {  	v40 =	vld [tilespmem:s3+$0xCE00];
	s13 =	sand.u32 $0x7, s12;
	s0 =	sshll.u32 s12, $0x2;
	s31 =	sor.u32 s30, s24  }
0x23c: {  	v51 =	vld [tilespmem:s3+$0xCE10];
	s0 =	sand.u32 $0xFFFFFFE0, s0;
	s15 =	sshll.u32 s13, $0x2;
	s2 =	sshra.s32 s31, $0x2  }
0x23d: {  	v52 =	vld [tilespmem:s14+$0xCEC0];
	s0 =	sor.u32 s15, s0;
	s2 =	sadd.s32 s7, s2  }
0x23e: {  	s0 =	sshra.s32 s0, $0x2;
	v41 =	vld [tilespmem:s2+$0xCF00]  }
0x23f: {  	s0 =	sadd.s32 s7, s0;
	v38 =	vld [tilespmem:s2+$0xCF10]  }
0x240: {  	v26 =	vld [tilespmem:s0+$0xCF80]  }
0x241: {  	s3 =	simm.s32 @!p0 $0xCE00;
	s2 =	simm.s32 @!p0 $0x68;
	v35 =	vld [tilespmem:s0+$0xCF90];
	s0 =	sadd.s32 @!p0 $0x4B0, s25  }
0x242: {  	v53 =	vld [tilespmem:s14+$0xCED0];
	[tilespmem:s3], [sflag:$0x5] =	stream.indirect.gather @!p0 [hbm4b:s5+s2], $0x40, s0, s2, $0xb8  }
0x243: {  	v14 =	vadd.f32 v33, v14;
	s2 =	simm.s32 $0x6  }
0x244: {  	v25 =	vadd.f32 v30, v25;
	v30 =	vunpack.i.l.bf16.f32 v31;
	_ =	swait.ge [sflag:s2], $0x1800  }
0x245: {  	v14 =	vadd.f32 v30, v14;
	[sflag:s2] =	ssyncset.done $0x0  }
0x246: {  	v24 =	vadd.f32 v34, v24;
	[sflag:s2] =	ssyncadd.s32 $0xFFFFE800  }
0x247: {  	v31 =	vunpack.i.u.bf16.f32 v31;
	v21 =	vadd.f32 v21, v29;
	v14 =	vadd.f32 v27, v14;
	v27 =	vld [tilespmem:s22+$0x0]  }
0x248: {  	v22 =	vadd.f32 v22, v23;
	v17 =	vunpack.i.u.bf16.f32 v17;
	v8 =	vunpack.i.l.bf16.f32 v8  }
0x249: {  	v8 =	vadd.f32 v8, v13;
	v25 =	vadd.f32 v31, v25;
	v30 =	vunpack.i.l.bf16.f32 v10  }
0x24a: {  	v24 =	vadd.f32 v44, v24;
	v17 =	vadd.f32 v17, v21;
	v10 =	vunpack.i.u.bf16.f32 v10  }
0x24b: {  	v30 =	vadd.f32 v30, v43;
	v10 =	vadd.f32 v10, v16  }
0x24c: {  	v25 =	vadd.f32 v28, v25;
	(v2sf) =	vpush v27, $0x7  }
0x24d: {  	v18 =	vadd.f32 v18, v24;
	(v2sf) =	vpush v27, $0x2  }
0x24e: {  	v6 =	vunpack.i.l.bf16.f32 v6;
	v11 =	vadd.f32 v11, v17;
	(v2sf) =	vpush v27, $0x1  }
0x24f: {  	v17 =	vunpack.i.u.bf16.f32 v19;
	v7 =	vadd.f32 v7, v30;
	v10 =	vadd.f32 v15, v10  }
0x250: {  	v16 =	vunpack.i.u.bf16.f32 v46;
	v12 =	vadd.f32 v12, v14;
	v14 =	vadd.f32 v20, v22  }
0x251: {  	v13 =	vunpack.i.l.bf16.f32 v45;
	v9 =	vadd.f32 v9, v25;
	v6 =	vadd.f32 v6, v18  }
0x252: {  	v18 =	vunpack.i.l.bf16.f32 v46;
	v5 =	vadd.f32 v5, v11;
	v7 =	vadd.f32 v13, v7  }
0x253: {  	v8 =	vadd.f32 v18, v8;
	v14 =	vadd.f32 v16, v14;
	v16 =	vunpack.i.u.bf16.f32 v45  }
0x254: {  	v15 =	vunpack.i.u.bf16.f32 v32;
	v10 =	vadd.f32 v16, v10;
	(v2sf) =	vpush v27, $0x0  }
0x255: {  	v16 =	vunpack.i.u.bf16.f32 v48;
	v20 =	vunpack.i.l.bf16.f32 v48;
	v13 =	vadd.f32 v15, v14  }
0x256: {  	v14 =	vunpack.i.l.bf16.f32 v19;
	v15 =	vunpack.i.l.bf16.f32 v32;
	(v2sf) =	vpush v27, $0x5  }
0x257: {  	v11 =	vunpack.i.l.bf16.f32 v37;
	v18 =	vunpack.i.l.bf16.f32 v49;
	v19 =	vunpack.i.l.bf16.f32 v50  }
0x258: {  	v10 =	vadd.f32 v17, v10;
	v17 =	vunpack.i.u.bf16.f32 v49;
	v8 =	vadd.f32 v15, v8  }
0x259: {  	v15 =	vunpack.i.u.bf16.f32 v50;
	v7 =	vadd.f32 v14, v7;
	(v2sf) =	vpush v27, $0x3  }
0x25a: {  	v12 =	vadd.f32 v18, v12;
	v6 =	vadd.f32 v19, v6;
	v24 =	vunpack.i.l.bf16.f32 v42  }
0x25b: {  	v14 =	vunpack.i.l.bf16.f32 v51;
	v9 =	vadd.f32 v17, v9;
	v5 =	vadd.f32 v15, v5;
	s3 =	spop (v2sf)  }
0x25c: {  	v23 =	vunpack.i.u.bf16.f32 v51;
	v8 =	vadd.f32 v14, v8;
	s4 =	spop (v2sf);
	(v2sf) =	vpush v27, $0x4  }
0x25d: {  	v18 =	vunpack.i.l.bf16.f32 v53;
	v17 =	vunpack.i.l.bf16.f32 v52;
	s9 =	spop (v2sf);
	(v2sf) =	vpush v27, $0x6  }
0x25e: {  	v19 =	vunpack.i.u.bf16.f32 v52;
	v15 =	vunpack.i.u.bf16.f32 v53;
	v12 =	vadd.f32 v17, v12  }
0x25f: {  	v17 =	vunpack.i.l.bf16.f32 v40;
	v9 =	vadd.f32 v19, v9;
	v6 =	vadd.f32 v18, v6;
	s7 =	sadd.s32 $0x8, s22  }
0x260: {  	v5 =	vadd.f32 v15, v5;
	v7 =	vadd.f32 v17, v7;
	v17 =	vunpack.i.u.bf16.f32 v42;
	s24 =	smov.u32 s22;
	v19 =	vld [tilespmem:s7+$0x0]  }
0x261: {  	v14 =	vunpack.i.l.bf16.f32 v47;
	v12 =	vadd.f32 v24, v12;
	v9 =	vadd.f32 v17, v9;
	s6 =	sand.u32 $0x7, s3;
	s0 =	sshll.u32 s3, $0x2;
	s11 =	sand.u32 $0x7, s4  }
0x262: {  	v22 =	vunpack.i.u.bf16.f32 v47;
	v17 =	vadd.f32 v23, v13;
	v6 =	vadd.f32 v14, v6;
	s0 =	sand.u32 $0xFFFFFFE0, s0;
	s2 =	sshll.u32 s4, $0x2;
	s3 =	sshll.u32 s6, $0x2  }
0x263: {  	v18 =	vunpack.i.u.bf16.f32 v39;
	v22 =	vadd.f32 v22, v5;
	v7 =	vadd.f32 v11, v7;
	s10 =	sshll.u32 s9, $0x2;
	s8 =	sshll.u32 s11, $0x2;
	s12 =	spop (v2sf)  }
0x264: {  	v21 =	vunpack.i.u.bf16.f32 v36;
	v17 =	vadd.f32 v18, v17;
	v14 =	vadd.f32 v16, v9;
	s2 =	sand.u32 $0xFFFFFFE0, s2;
	s4 =	sand.u32 $0x7, s9;
	s0 =	sor.u32 s3, s0  }
0x265: {  	v9 =	vunpack.i.l.bf16.f32 v36;
	v16 =	vunpack.i.u.bf16.f32 v40;
	s15 =	sand.u32 $0x7, s12;
	s19 =	spop (v2sf);
	s2 =	sor.u32 s8, s2;
	(v2sf) =	vpush v19, $0x7  }
0x266: {  	v18 =	vadd.f32 v9, v6;
	v6 =	vadd.f32 v16, v10;
	v10 =	vunpack.i.l.bf16.f32 v39;
	s11 =	sshll.u32 s12, $0x2;
	s4 =	sshll.u32 s4, $0x2;
	s10 =	sand.u32 $0xFFFFFFE0, s10  }
0x267: {  	v15 =	vunpack.i.u.bf16.f32 v37;
	v13 =	vadd.f32 v20, v12;
	v8 =	vadd.f32 v10, v8;
	s0 =	sshra.s32 s0, $0x2;
	s22 =	sand.u32 $0x7, s19;
	s13 =	sshll.u32 s19, $0x2  }
0x268: {  	v6 =	vadd.f32 v15, v6;
	v20 =	vunpack.i.u.bf16.f32 v41;
	s30 =	spop (v2sf);
	s2 =	sshra.s32 s2, $0x2;
	(v2sf) =	vpush v19, $0x2;
	s12 =	sshll.u32 s15, $0x2  }
0x269: {  	v23 =	vunpack.i.u.bf16.f32 v38;
	v10 =	vunpack.i.l.bf16.f32 v41;
	s11 =	sand.u32 $0xFFFFFFE0, s11;
	s4 =	sor.u32 s4, s10;
	s0 =	sadd.s32 $0x0, s0;
	(v2sf) =	vpush v19, $0x1  }
0x26a: {  	v11 =	vunpack.i.l.bf16.f32 v38;
	v9 =	vadd.f32 v23, v17;
	s31 =	sand.u32 $0xFFFFFFE0, s13;
	s6 =	sshll.u32 s22, $0x2;
	s9 =	sand.u32 $0x7, s30;
	v15 =	vld [tilespmem:s0+$0xE9C0];
	(v2sf) =	vpush v19, $0x0  }
0x26b: {  	v7 =	vadd.f32 v10, v7;
	v10 =	vunpack.i.l.bf16.f32 v35;
	v8 =	vadd.f32 v11, v8;
	s2 =	sadd.s32 $0x0, s2;
	s19 =	sshll.u32 s30, $0x2;
	v5 =	vld [tilespmem:s0+$0xE9D0];
	s30 =	spop (v2sf)  }
0x26c: {  	v6 =	vadd.f32 v20, v6;
	v11 =	vunpack.i.u.bf16.f32 v26;
	s4 =	sshra.s32 s4, $0x2;
	s8 =	sor.u32 s6, s31;
	v63 =	vld [tilespmem:s2+$0xE880];
	s6 =	spop (v2sf);
	(v2sf) =	vpush v19, $0x5  }
0x26d: {  	v20 =	vadd.f32 v21, v22;
	v21 =	vunpack.i.l.bf16.f32 v26;
	v26 =	vadd.f32 v10, v8;
	s3 =	sor.u32 s12, s11;
	s4 =	sadd.s32 $0x0, s4;
	v8 =	vld [tilespmem:s2+$0xE890]  }
0x26e: {  	v12 =	vunpack.i.u.bf16.f32 v35;
	s7 =	sadd.s32 $0x8, s7;
	s14 =	sshll.u32 s9, $0x2;
	s3 =	sshra.s32 s3, $0x2;
	v23 =	vld [tilespmem:s4+$0xE840];
	(v2sf) =	vpush v19, $0x3  }
0x26f: {  	v16 =	vadd.f32 v12, v9;
	s10 =	sand.u32 $0xFFFFFFE0, s19;
	s8 =	sshra.s32 s8, $0x2;
	s0 =	sadd.s32 $0x0, s3;
	v12 =	vld [tilespmem:s4+$0xE850]  }
0x270: {  	s2 =	simm.s32 $0x1000;
	s22 =	sor.u32 s14, s10;
	s8 =	sadd.s32 $0x0, s8;
	v28 =	vld [tilespmem:s0+$0xE810]  }
0x271: {  	s3 =	sshra.s32 s22, $0x2;
	v17 =	vld [tilespmem:s8+$0xE950];
	s31 =	sand.u32 $0x7, s30;
	s10 =	sshll.u32 s30, $0x2  }
0x272: {  	v29 =	vadd.f32 v21, v7;
	s9 =	sadd.s32 $0x0, s3;
	v21 =	vld [tilespmem:s8+$0xE940];
	s13 =	sand.u32 $0xFFFFFFE0, s10;
	s4 =	sshll.u32 s31, $0x2  }
0x273: {  	v9 =	vadd.f32 v11, v6;
	v11 =	vunpack.i.u.bf16.f32 v15;
	v15 =	vunpack.i.l.bf16.f32 v15;
	s14 =	sand.u32 $0x7, s6;
	s15 =	sshll.u32 s6, $0x2;
	s3 =	sor.u32 s4, s13  }
0x274: {  	v6 =	vunpack.i.u.bf16.f32 v5;
	v24 =	vld [tilespmem:s9+$0xE8D0];
	v7 =	vunpack.i.l.bf16.f32 v63;
	v33 =	vunpack.i.u.bf16.f32 v23;
	s19 =	sand.u32 $0xFFFFFFE0, s15;
	s8 =	sshll.u32 s14, $0x2;
	s30 =	spop (v2sf)  }
0x275: {  	v10 =	vld [tilespmem:s0+$0xE800];
	v35 =	vunpack.i.l.bf16.f32 v23;
	v27 =	vunpack.i.u.bf16.f32 v12;
	v34 =	vunpack.i.l.bf16.f32 v12;
	s22 =	sshra.s32 s3, $0x2;
	s4 =	sor.u32 s8, s19;
	s3 =	simm.s32 $0x200  }
0x276: {  	v32 =	vld [tilespmem:s9+$0xE8C0];
	v23 =	vunpack.i.u.bf16.f32 v8;
	v25 =	vunpack.i.u.bf16.f32 v28;
	v12 =	vunpack.i.u.bf16.f32 v17;
	s15 =	sand.u32 $0x7, s30;
	s0 =	sshll.u32 s30, $0x2;
	s4 =	sshra.s32 s4, $0x2  }
0x277: {  	v22 =	vunpack.i.l.bf16.f32 v17;
	v31 =	vunpack.i.l.bf16.f32 v21;
	v17 =	vunpack.i.l.bf16.f32 v28;
	s8 =	spop (v2sf);
	s14 =	sadd.s32 $0x0, s22;
	s4 =	sadd.s32 $0x0, s4  }
0x278: {  	v30 =	vunpack.i.u.bf16.f32 v21;
	v17 =	vadd.f32 v17, v26;
	(v2sf) =	vpush v19, $0x4;
	s31 =	sand.u32 $0x7, s8;
	s12 =	sand.u32 $0xFFFFFFE0, s0;
	s29 =	spop (v2sf);
	v28 =	vld [tilespmem:s4+$0xE980]  }
0x279: {  	v37 =	vunpack.i.l.bf16.f32 v24;
	s13 =	sshll.u32 s29, $0x2;
	s0 =	sshll.u32 s31, $0x2;
	s28 =	spop (v2sf);
	(v2sf) =	vpush v19, $0x6;
	v19 =	vunpack.i.u.bf16.f32 v63;
	v36 =	vld [tilespmem:s4+$0xE990]  }
.LBB2_14:
0x27a: {  	s4 =	sand.u32 $0x7, s28;
	s10 =	sshll.u32 s8, $0x2  }
0x27b: {  	v21 =	vld [tilespmem:s7+$0x0];
	s30 =	spop (v2sf);
	v13 =	vadd.f32 v35, v13;
	v14 =	vadd.f32 v33, v14;
	v26 =	vunpack.i.l.bf16.f32 v32;
	s11 =	smov.u32 s2;
	s8 =	smov.u32 s3  }
0x27c: {  	v33 =	vunpack.i.l.bf16.f32 v10;
	v18 =	vadd.f32 v34, v18;
	v32 =	vunpack.i.u.bf16.f32 v32;
	s3 =	sand.u32 $0xFFFFFFE0, s10;
	s10 =	sand.u32 $0x7, s30;
	s30 =	sshll.u32 s30, $0x2;
	v34 =	vld [tilespmem:s14+$0xE900]  }
0x27d: {  	s29 =	sand.u32 $0x7, s29;
	s15 =	sshll.u32 s15, $0x2;
	s31 =	spop (v2sf);
	v13 =	vadd.f32 v26, v13;
	v14 =	vadd.f32 v32, v14;
	v26 =	vunpack.i.l.bf16.f32 v28  }
0x27e: {  	v29 =	vadd.f32 v33, v29;
	s0 =	sor.u32 s0, s3;
	s3 =	sand.u32 $0xFFFFFFE0, s30;
	s10 =	sshll.u32 s10, $0x2;
	v18 =	vadd.f32 v37, v18;
	v32 =	vld [tilespmem:s14+$0xE910];
	v33 =	vunpack.i.u.bf16.f32 v36  }
0x27f: {  	v20 =	vadd.f32 v27, v20;
	s14 =	sshll.u32 s28, $0x2;
	s28 =	sshll.u32 s29, $0x2;
	s3 =	sor.u32 s10, s3;
	v36 =	vunpack.i.l.bf16.f32 v36;
	v13 =	vadd.f32 v31, v13  }
0x280: {  	v24 =	vunpack.i.u.bf16.f32 v24;
	s0 =	sshra.s32 s0, $0x2;
	s10 =	sand.u32 $0x7, s31;
	s29 =	sshra.s32 s3, $0x2;
	v14 =	vadd.f32 v30, v14;
	(v2sf) =	vpush v21, $0x7  }
0x281: {  	s13 =	sand.u32 $0xFFFFFFE0, s13;
	v16 =	vadd.f32 v25, v16;
	s3 =	sadd.s32 s8, s0;
	s0 =	sadd.s32 s8, s29;
	(v2sf) =	vpush v21, $0x2;
	v25 =	vunpack.i.u.bf16.f32 v34  }
0x282: {  	s4 =	sshll.u32 s4, $0x2;
	s12 =	sor.u32 s15, s12;
	v28 =	vunpack.i.u.bf16.f32 v28;
	s10 =	sshll.u32 s10, $0x2;
	v18 =	vadd.f32 v22, v18;
	(v2sf) =	vpush v21, $0x1;
	v37 =	vld [tilespmem:s3+$0xE880]  }
0x283: {  	s12 =	sshra.s32 s12, $0x2;
	v20 =	vadd.f32 v24, v20;
	s14 =	sand.u32 $0xFFFFFFE0, s14;
	s13 =	sor.u32 s28, s13;
	(v2sf) =	vpush v21, $0x0;
	v22 =	vld [tilespmem:s0+$0xE950];
	v24 =	vunpack.i.u.bf16.f32 v32  }
0x284: {  	s4 =	sor.u32 s4, s14;
	s14 =	sshll.u32 s31, $0x2;
	v13 =	vadd.f32 v15, v13;
	v31 =	vunpack.i.l.bf16.f32 v32;
	(v2sf) =	vpush v21, $0x5;
	v30 =	vld [tilespmem:s0+$0xE940];
	s0 =	sadd.s32 s8, s12  }
0x285: {  	v16 =	vadd.f32 v23, v16;
	s4 =	sshra.s32 s4, $0x2;
	v14 =	vadd.f32 v11, v14;
	v11 =	vunpack.i.l.bf16.f32 v5;
	s12 =	sshra.s32 s13, $0x2;
	s13 =	sand.u32 $0xFFFFFFE0, s14;
	v15 =	vld [tilespmem:s0+$0xE9C0]  }
0x286: {  	v10 =	vunpack.i.u.bf16.f32 v10;
	s4 =	sadd.s32 s8, s4;
	v18 =	vadd.f32 v11, v18;
	s12 =	sadd.s32 s8, s12;
	s10 =	sor.u32 s10, s13;
	(v2sf) =	vpush v21, $0x3;
	v5 =	vld [tilespmem:s0+$0xE9D0]  }
0x287: {  	p1 =	sne.s32 s2, $0x5800;
	s2 =	sadd.s32 $0x800, s2;
	v9 =	vadd.f32 v10, v9;
	v16 =	vadd.f32 v24, v16;
	s0 =	sshra.s32 s10, $0x2;
	v23 =	vld [tilespmem:s12+$0xE840];
	v11 =	vunpack.i.l.bf16.f32 v37  }
0x288: {  	v8 =	vunpack.i.l.bf16.f32 v8;
	v27 =	vadd.f32 v7, v29;
	v12 =	vadd.f32 v12, v20;
	v24 =	vld [tilespmem:s12+$0xE850];
	s10 =	spop (v2sf);
	v7 =	vmovc v11  }
0x289: {  	v17 =	vadd.f32 v8, v17;
	v9 =	vadd.f32 v19, v9;
	v8 =	vunpack.i.l.bf16.f32 v34;
	v10 =	vld [tilespmem:s4+$0xE800];
	s12 =	sand.u32 $0x7, s10;
	s10 =	sshll.u32 s10, $0x2;
	s13 =	spop (v2sf)  }
0x28a: {  	v29 =	vadd.f32 v8, v27;
	v16 =	vadd.f32 v33, v16;
	s0 =	sadd.s32 s8, s0;
	v19 =	vld [tilespmem:s4+$0xE810];
	s4 =	sand.u32 $0xFFFFFFE0, s10;
	s10 =	sshll.u32 s12, $0x2;
	v11 =	vunpack.i.u.bf16.f32 v15  }
0x28b: {  	v20 =	vadd.f32 v6, v12;
	s12 =	sshll.u32 s13, $0x2;
	v15 =	vunpack.i.l.bf16.f32 v15;
	v32 =	vld [tilespmem:s0+$0xE8C0];
	s4 =	sor.u32 s10, s4;
	s10 =	sand.u32 $0x7, s13;
	v6 =	vunpack.i.u.bf16.f32 v5  }
0x28c: {  	v9 =	vadd.f32 v25, v9;
	s12 =	sand.u32 $0xFFFFFFE0, s12;
	v33 =	vunpack.i.u.bf16.f32 v23;
	v35 =	vunpack.i.l.bf16.f32 v23;
	v8 =	vld [tilespmem:s3+$0xE890];
	s4 =	sshra.s32 s4, $0x2;
	s10 =	sshll.u32 s10, $0x2  }
0x28d: {  	v17 =	vadd.f32 v31, v17;
	s3 =	sshra.s32 s11, $0x2;
	v27 =	vunpack.i.u.bf16.f32 v24;
	v34 =	vunpack.i.l.bf16.f32 v24;
	v24 =	vld [tilespmem:s0+$0xE8D0];
	s0 =	sor.u32 s10, s12  }
.Ltmp9:
0x28e: {  	s7 =	sadd.s32 $0x8, s7;
	v9 =	vadd.f32 v28, v9;
	v12 =	vunpack.i.u.bf16.f32 v22;
	v22 =	vunpack.i.l.bf16.f32 v22;
	s0 =	sshra.s32 s0, $0x2;
	(pc) =	sbr.rel @p1 .LBB2_14-.Ltmp9, $4  }
0x28f: {  	v17 =	vadd.f32 v36, v17;
	v31 =	vunpack.i.l.bf16.f32 v30;
	s14 =	sadd.s32 s8, s4;
	s10 =	spop (v2sf);
	v25 =	vunpack.i.u.bf16.f32 v19;
	s0 =	sadd.s32 s8, s0  }
0x290: {  	v29 =	vadd.f32 v26, v29;
	v30 =	vunpack.i.u.bf16.f32 v30;
	v19 =	vunpack.i.l.bf16.f32 v19;
	s15 =	sand.u32 $0x7, s10;
	s4 =	sshll.u32 s10, $0x2;
	s8 =	spop (v2sf);
	v28 =	vld [tilespmem:s0+$0xE980]  }
0x291: {  	v17 =	vadd.f32 v19, v17;
	s10 =	sand.u32 $0x7, s8;
	s12 =	sand.u32 $0xFFFFFFE0, s4;
	s29 =	spop (v2sf);
	(v2sf) =	vpush v21, $0x4;
	v23 =	vunpack.i.u.bf16.f32 v8;
	v36 =	vld [tilespmem:s0+$0xE990]  }
0x292: {  	v19 =	vunpack.i.u.bf16.f32 v37;
	s13 =	sshll.u32 s29, $0x2;
	s0 =	sshll.u32 s10, $0x2;
	s28 =	spop (v2sf);
	(v2sf) =	vpush v21, $0x6;
	v37 =	vunpack.i.l.bf16.f32 v24  }
0x293: {  	v13 =	vadd.f32 v35, v13  }
0x294: {  	s22 =	smov.u32 s18;
	s2 =	sshll.u32 s8, $0x2;
	v14 =	vadd.f32 v33, v14;
	s4 =	sand.u32 $0x7, s28;
	v21 =	vunpack.i.l.bf16.f32 v32;
	v18 =	vadd.f32 v34, v18  }
0x295: {  	s7 =	spop (v2sf);
	v62 =	vunpack.i.l.bf16.f32 v10;
	s18 =	sand.u32 $0x7, s29;
	s10 =	sshll.u32 s15, $0x2;
	v20 =	vadd.f32 v27, v20;
	v16 =	vadd.f32 v25, v16  }
0x296: {  	s6 =	sshll.u32 s28, $0x2;
	v10 =	vunpack.i.u.bf16.f32 v10;
	v8 =	vunpack.i.l.bf16.f32 v8;
	s2 =	sand.u32 $0xFFFFFFE0, s2;
	s9 =	sand.u32 $0x7, s7;
	v29 =	vadd.f32 v62, v29  }
0x297: {  	v26 =	vunpack.i.u.bf16.f32 v32;
	s7 =	sshll.u32 s7, $0x2;
	s10 =	sor.u32 s10, s12;
	s4 =	sshll.u32 s4, $0x2;
	v9 =	vadd.f32 v10, v9;
	v8 =	vadd.f32 v8, v17  }
0x298: {  	v24 =	vunpack.i.u.bf16.f32 v24;
	s8 =	sand.u32 $0xFFFFFFE0, s6;
	v13 =	vadd.f32 v21, v13;
	v14 =	vadd.f32 v26, v14;
	s0 =	sor.u32 s0, s2;
	s11 =	spop (v2sf)  }
0x299: {  	v61 =	vld [tilespmem:s14+$0xE900];
	v18 =	vadd.f32 v37, v18;
	s19 =	sand.u32 $0xFFFFFFE0, s7;
	s30 =	sshll.u32 s9, $0x2;
	s2 =	sshll.u32 s18, $0x2;
	v20 =	vadd.f32 v24, v20  }
0x29a: {  	s9 =	sand.u32 $0xFFFFFFE0, s13;
	v16 =	vadd.f32 v23, v16;
	s4 =	sor.u32 s4, s8;
	s0 =	sshra.s32 s0, $0x2;
	v7 =	vadd.f32 v7, v29  }
0x29b: {  	v5 =	vunpack.i.l.bf16.f32 v5;
	v21 =	vld [tilespmem:s14+$0xE910];
	s10 =	sshra.s32 s10, $0x2;
	s4 =	sshra.s32 s4, $0x2;
	v9 =	vadd.f32 v19, v9;
	v13 =	vadd.f32 v31, v13;
	s7 =	sadd.s32 s3, s0  }
0x29c: {  	v26 =	vunpack.i.l.bf16.f32 v28;
	s12 =	sor.u32 s2, s9;
	s2 =	sadd.s32 s3, s10;
	v14 =	vadd.f32 v30, v14;
	v18 =	vadd.f32 v22, v18;
	s4 =	sadd.s32 s3, s4;
	v30 =	vld [tilespmem:s7+$0xE880]  }
0x29d: {  	v63 =	vunpack.i.u.bf16.f32 v36;
	s13 =	sand.u32 $0x7, s11;
	s0 =	sor.u32 s30, s19;
	s12 =	sshra.s32 s12, $0x2;
	v12 =	vadd.f32 v12, v20;
	v17 =	vld [tilespmem:s4+$0xE810];
	v13 =	vadd.f32 v15, v13  }
0x29e: {  	s14 =	sshll.u32 s11, $0x2;
	s0 =	sshra.s32 s0, $0x2;
	s12 =	sadd.s32 s3, s12;
	v19 =	vunpack.i.l.bf16.f32 v61;
	v15 =	vld [tilespmem:s2+$0xE9C0];
	v11 =	vadd.f32 v11, v14;
	v5 =	vadd.f32 v5, v18  }
0x29f: {  	s10 =	sshll.u32 s13, $0x2;
	s8 =	sand.u32 $0xFFFFFFE0, s14;
	v25 =	vunpack.i.u.bf16.f32 v61;
	s0 =	sadd.s32 s3, s0;
	v14 =	vld [tilespmem:s12+$0xE840];
	v7 =	vadd.f32 v19, v7;
	v6 =	vadd.f32 v6, v12  }
0x2a0: {  	s8 =	sor.u32 s10, s8;
	v9 =	vadd.f32 v25, v9;
	v24 =	vunpack.i.u.bf16.f32 v21;
	v21 =	vunpack.i.l.bf16.f32 v21;
	v23 =	vld [tilespmem:s0+$0xE950]  }
0x2a1: {  	v22 =	vunpack.i.u.bf16.f32 v28;
	s8 =	sshra.s32 s8, $0x2;
	v19 =	vld [tilespmem:s0+$0xE940];
	v10 =	vadd.f32 v24, v16;
	v8 =	vadd.f32 v21, v8  }
0x2a2: {  	v27 =	vunpack.i.l.bf16.f32 v36;
	s15 =	sadd.s32 s3, s8;
	v16 =	vld [tilespmem:s12+$0xE850];
	v9 =	vadd.f32 v22, v9;
	v7 =	vadd.f32 v26, v7  }
0x2a3: {  	v24 =	vld [tilespmem:s15+$0xE8D0];
	v18 =	vunpack.i.l.bf16.f32 v30;
	v10 =	vadd.f32 v63, v10;
	v8 =	vadd.f32 v27, v8  }
0x2a4: {  	v21 =	vld [tilespmem:s15+$0xE8C0];
	v22 =	vunpack.i.u.bf16.f32 v17;
	v17 =	vunpack.i.l.bf16.f32 v17;
	v20 =	vunpack.i.u.bf16.f32 v15  }
0x2a5: {  	v28 =	vld [tilespmem:s4+$0xE800];
	v15 =	vunpack.i.l.bf16.f32 v15;
	v12 =	vunpack.i.u.bf16.f32 v14;
	v14 =	vunpack.i.l.bf16.f32 v14  }
0x2a6: {  	v29 =	vunpack.i.u.bf16.f32 v23;
	v8 =	vadd.f32 v17, v8;
	v13 =	vadd.f32 v14, v13  }
0x2a7: {  	v31 =	vunpack.i.l.bf16.f32 v19;
	v11 =	vadd.f32 v12, v11;
	v10 =	vadd.f32 v22, v10;
	s18 =	spop (v2sf)  }
0x2a8: {  	v27 =	vld [tilespmem:s7+$0xE890];
	v25 =	vunpack.i.u.bf16.f32 v16;
	v16 =	vunpack.i.l.bf16.f32 v16;
	v17 =	vunpack.i.l.bf16.f32 v24;
	s19 =	spop (v2sf);
	s6 =	sand.u32 $0x7, s18;
	s8 =	sshll.u32 s18, $0x2  }
0x2a9: {  	v12 =	vunpack.i.l.bf16.f32 v21;
	v14 =	vunpack.i.u.bf16.f32 v21;
	v5 =	vadd.f32 v16, v5;
	s28 =	sand.u32 $0x7, s19;
	s30 =	sshll.u32 s19, $0x2;
	s9 =	sand.u32 $0xFFFFFFE0, s8  }
0x2aa: {  	v21 =	vunpack.i.l.bf16.f32 v28;
	v12 =	vadd.f32 v12, v13;
	v11 =	vadd.f32 v14, v11;
	s11 =	sshll.u32 s6, $0x2;
	s4 =	sand.u32 $0xFFFFFFE0, s30;
	s0 =	sshll.u32 s28, $0x2  }
0x2ab: {  	v24 =	vunpack.i.u.bf16.f32 v24;
	v7 =	vadd.f32 v21, v7;
	v6 =	vadd.f32 v25, v6;
	s0 =	sor.u32 s0, s4;
	s4 =	sor.u32 s11, s9  }
0x2ac: {  	v13 =	vld [tilespmem:s2+$0xE9D0];
	v14 =	vunpack.i.u.bf16.f32 v19;
	v5 =	vadd.f32 v17, v5;
	v12 =	vadd.f32 v31, v12;
	s4 =	sshra.s32 s4, $0x2  }
0x2ad: {  	v17 =	vunpack.i.u.bf16.f32 v27;
	v11 =	vadd.f32 v14, v11;
	v6 =	vadd.f32 v24, v6;
	s0 =	sshra.s32 s0, $0x2;
	s12 =	sadd.s32 s3, s4  }
0x2ae: {  	v23 =	vunpack.i.l.bf16.f32 v23;
	v7 =	vadd.f32 v18, v7;
	v10 =	vadd.f32 v17, v10;
	s0 =	sadd.s32 s3, s0;
	v22 =	vld [tilespmem:s12+$0xE900]  }
0x2af: {  	v17 =	vunpack.i.u.bf16.f32 v28;
	v5 =	vadd.f32 v23, v5;
	v12 =	vadd.f32 v15, v12;
	v16 =	vld [tilespmem:s0+$0xE980]  }
0x2b0: {  	v14 =	vunpack.i.u.bf16.f32 v30;
	v11 =	vadd.f32 v20, v11;
	v9 =	vadd.f32 v17, v9;
	v19 =	vld [tilespmem:s12+$0xE910]  }
0x2b1: {  	v17 =	vunpack.i.l.bf16.f32 v27;
	v6 =	vadd.f32 v29, v6;
	v15 =	vunpack.i.l.bf16.f32 v13  }
0x2b2: {  	v8 =	vadd.f32 v17, v8;
	v13 =	vunpack.i.u.bf16.f32 v13;
	v21 =	vld [tilespmem:s0+$0xE990];
	v5 =	vadd.f32 v15, v5  }
0x2b3: {  	v9 =	vadd.f32 v14, v9;
	v6 =	vadd.f32 v13, v6;
	v14 =	vunpack.i.l.bf16.f32 v22  }
0x2b4: {  	v23 =	vunpack.i.l.bf16.f32 v16;
	v18 =	vunpack.i.u.bf16.f32 v22;
	v7 =	vadd.f32 v14, v7  }
0x2b5: {  	v20 =	vunpack.i.u.bf16.f32 v19;
	v14 =	vunpack.i.l.bf16.f32 v19;
	v9 =	vadd.f32 v18, v9  }
0x2b6: {  	v16 =	vunpack.i.u.bf16.f32 v16;
	v8 =	vadd.f32 v14, v8;
	v7 =	vadd.f32 v23, v7  }
0x2b7: {  	v10 =	vadd.f32 v20, v10;
	v14 =	vunpack.i.l.bf16.f32 v21;
	v9 =	vadd.f32 v16, v9  }
0x2b8: {  	v15 =	vunpack.i.u.bf16.f32 v21;
	v8 =	vadd.f32 v14, v8;
	v7 =	vadd.f32 v12, v7  }
0x2b9: {  	v10 =	vadd.f32 v15, v10;
	v9 =	vadd.f32 v11, v9  }
0x2ba: {  	s13 =	sshll.u32 s1, $0x6;
	v5 =	vadd.f32 v5, v8;
	v7 =	vmul.f32 v7, v4  }
0x2bb: {  	s0 =	sand.u32 $0x3FFFFFC0, s13;
	v6 =	vadd.f32 v6, v10;
	v8 =	vmul.f32 v9, v4  }
0x2bc: {  	v5 =	vmul.f32 v5, v4;
	[tilespmem:v0+s0+$0x13600] =	vst.idx.msk $0xffff, v7  }
0x2bd: {  	v6 =	vmul.f32 v6, v4;
	[tilespmem:v1+s0+$0x13600] =	vst.idx.msk $0xffff, v8  }
0x2be: {  	s1 =	simm.s32 @!p0 $0x60;
	[tilespmem:v2+s0+$0x13600] =	vst.idx.msk $0xffff, v5  }
0x2bf: {  	s14 =	simm.s32 $0x7;
	s2 =	simm.s32 @!p0 $0xE800;
	[tilespmem:v3+s0+$0x13600] =	vst.idx.msk $0xffff, v6;
	s0 =	sadd.s32 @!p0 $0x518, s25  }
0x2c0: {  	[tilespmem:s2], [sflag:$0x6] =	stream.indirect.gather @!p0 [hbm4b:s5+s1], $0x40, s0, s1, $0xb8;
	[tilespmem:$0x14610] =	vst v63  }
0x2c1: {  	_ =	swait.ge [sflag:s14], $0x1A00  }
0x2c2: {  	[sflag:s14] =	ssyncset.done $0x0  }
0x2c3: {  	s15 =	rddreg [dreg:$0xb];
	[sflag:s14] =	ssyncadd.s32 $0xFFFFE600  }
0x2c4: {  	v5 =	vld [tilespmem:s15+$0x0];
	_ =	sdelay $0x4  }
0x2c5: {  	(v2sf) =	vpush v5, $0x5  }
0x2c6: {  	(v2sf) =	vpush v5, $0x4;
	_ =	sdelay $0x1  }
0x2c7: {  	(v2sf) =	vpush v5, $0x7  }
0x2c8: {  	(v2sf) =	vpush v5, $0x2;
	_ =	sdelay $0x1  }
0x2c9: {  	(v2sf) =	vpush v5, $0x0;
	_ =	sdelay $0x1  }
0x2ca: {  	(v2sf) =	vpush v5, $0x3;
	_ =	sdelay $0x1  }
0x2cb: {  	(v2sf) =	vpush v5, $0x6;
	_ =	sdelay $0x1  }
0x2cc: {  	(v2sf) =	vpush v5, $0x1;
	_ =	sdelay $0x2  }
0x2cd: {  	s26 =	sor.u32 $0x3, s26;
	s3 =	sadd.s32 $0x8, s15;
	s18 =	spop (v2sf)  }
0x2ce: {  	v5 =	vld [tilespmem:s3+$0x0];
	s3 =	sadd.s32 $0x8, s3;
	s0 =	sshll.u32 s18, $0x2;
	s28 =	spop (v2sf)  }
0x2cf: {  	s19 =	sand.u32 $0x7, s18;
	s30 =	sand.u32 $0x7, s28;
	s0 =	sand.u32 $0xFFFFFFE0, s0  }
0x2d0: {  	s1 =	spop (v2sf);
	s2 =	sshll.u32 s19, $0x2;
	s4 =	sshll.u32 s28, $0x2  }
0x2d1: {  	s12 =	sand.u32 $0x7, s1;
	s14 =	spop (v2sf);
	s0 =	sor.u32 s2, s0  }
0x2d2: {  	s4 =	sand.u32 $0xFFFFFFE0, s4;
	s7 =	sshll.u32 s30, $0x2;
	s1 =	sshll.u32 s1, $0x2  }
0x2d3: {  	s15 =	sand.u32 $0x7, s14;
	s18 =	spop (v2sf);
	s10 =	sshll.u32 s14, $0x2  }
0x2d4: {  	s8 =	sshll.u32 s12, $0x2;
	s4 =	sor.u32 s7, s4;
	s0 =	sshra.s32 s0, $0x2  }
0x2d5: {  	s1 =	sand.u32 $0xFFFFFFE0, s1;
	s19 =	sand.u32 $0x7, s18;
	s13 =	spop (v2sf)  }
0x2d6: {  	s2 =	sshll.u32 s18, $0x2;
	s10 =	sand.u32 $0xFFFFFFE0, s10;
	s11 =	sshll.u32 s15, $0x2  }
0x2d7: {  	(v2sf) =	vpush v5, $0x5;
	s4 =	sshra.s32 s4, $0x2;
	s14 =	sshll.u32 s13, $0x2;
	s6 =	spop (v2sf)  }
0x2d8: {  	(v2sf) =	vpush v5, $0x4;
	s2 =	sand.u32 $0xFFFFFFE0, s2;
	s12 =	sshll.u32 s19, $0x2;
	s10 =	sor.u32 s11, s10  }
0x2d9: {  	(v2sf) =	vpush v5, $0x7;
	s4 =	sadd.s32 $0x0, s4;
	s9 =	spop (v2sf);
	s30 =	sand.u32 $0x7, s6  }
0x2da: {  	(v2sf) =	vpush v5, $0x2;
	s15 =	sshll.u32 s6, $0x2;
	s2 =	sor.u32 s12, s2;
	s6 =	sand.u32 $0x7, s13  }
0x2db: {  	(v2sf) =	vpush v5, $0x0;
	s10 =	sshra.s32 s10, $0x2;
	s4 =	sadd.s32 $0x10200, s4;
	s29 =	sand.u32 $0x7, s9  }
0x2dc: {  	s28 =	sshll.u32 s9, $0x2;
	s15 =	sand.u32 $0xFFFFFFE0, s15;
	s18 =	sshll.u32 s30, $0x2;
	(v2sf) =	vpush v5, $0x3  }
0x2dd: {  	s2 =	sshra.s32 s2, $0x2;
	s10 =	sadd.s32 $0x0, s10;
	s9 =	sand.u32 $0xFFFFFFE0, s14  }
0x2de: {  	s12 =	sshll.u32 s6, $0x2;
	v21 =	vld [tilespmem:s4+$0x100];
	s29 =	sshll.u32 s29, $0x2;
	s2 =	sadd.s32 $0x0, s2;
	(v2sf) =	vpush v5, $0x6  }
0x2df: {  	s28 =	sand.u32 $0xFFFFFFE0, s28;
	s19 =	sor.u32 s18, s15;
	s10 =	sadd.s32 $0x10200, s10;
	v7 =	vld [tilespmem:s2+$0x10200];
	(v2sf) =	vpush v5, $0x1  }
0x2e0: {  	s12 =	sor.u32 s12, s9;
	s30 =	sor.u32 s29, s28;
	s7 =	sshra.s32 s19, $0x2;
	v11 =	vld [tilespmem:s10+$0x90]  }
0x2e1: {  	v8 =	vld [tilespmem:s10+$0x80];
	s2 =	sadd.s32 $0x10200, s2;
	s7 =	sadd.s32 $0x0, s7;
	s11 =	sshra.s32 s30, $0x2  }
0x2e2: {  	s12 =	sshra.s32 s12, $0x2;
	v16 =	vld [tilespmem:s2+$0x10];
	s7 =	sadd.s32 $0x10200, s7;
	s11 =	sadd.s32 $0x0, s11  }
0x2e3: {  	s1 =	sor.u32 s8, s1;
	s12 =	sadd.s32 $0x0, s12;
	v10 =	vld [tilespmem:s7+$0x190];
	s11 =	sadd.s32 $0x10200, s11  }
0x2e4: {  	v14 =	vimm.f32 $0.0e+00;
	s0 =	sadd.s32 $0x0, s0;
	s13 =	sshra.s32 s1, $0x2;
	s10 =	sadd.s32 $0x10200, s12;
	v12 =	vld [tilespmem:s11+$0x50];
	v6 =	vunpack.i.u.bf16.f32 v7;
	v7 =	vunpack.i.l.bf16.f32 v7  }
0x2e5: {  	s1 =	simm.s32 $0x200;
	s12 =	sadd.s32 $0x10200, s0;
	s0 =	sadd.s32 $0x0, s13;
	v15 =	vunpack.i.u.bf16.f32 v11;
	v29 =	vunpack.i.l.bf16.f32 v11;
	v11 =	vld [tilespmem:s10+$0xD0];
	v9 =	vadd.f32 v6, v14  }
0x2e6: {  	v22 =	vimm.f32 $0.0e+00;
	s2 =	simm.s32 $0x1000;
	s15 =	sadd.s32 $0x10200, s0;
	v13 =	vunpack.i.u.bf16.f32 v8;
	v6 =	vld [tilespmem:s7+$0x180];
	v7 =	vadd.f32 v7, v14;
	s14 =	spop (v2sf)  }
0x2e7: {  	v18 =	vunpack.i.u.bf16.f32 v16;
	v16 =	vunpack.i.l.bf16.f32 v16;
	v19 =	vadd.f32 v13, v9;
	v13 =	vld [tilespmem:s11+$0x40];
	s18 =	sand.u32 $0x7, s14;
	s19 =	sshll.u32 s14, $0x2;
	s29 =	spop (v2sf)  }
0x2e8: {  	v36 =	vunpack.i.u.bf16.f32 v21;
	v8 =	vunpack.i.l.bf16.f32 v8;
	v37 =	vadd.f32 v16, v14;
	v9 =	vld [tilespmem:s4+$0x110];
	s14 =	sand.u32 $0x7, s29;
	s4 =	sand.u32 $0xFFFFFFE0, s19;
	s7 =	spop (v2sf)  }
0x2e9: {  	v35 =	vadd.f32 v18, v14;
	v5 =	vunpack.i.l.bf16.f32 v10;
	v32 =	vadd.f32 v8, v7;
	v8 =	vld [tilespmem:s12+$0x140];
	s28 =	sshll.u32 s18, $0x2;
	s11 =	sand.u32 $0x7, s7;
	s30 =	spop (v2sf)  }
0x2ea: {  	v18 =	vld [tilespmem:s10+$0xC0];
	v25 =	vunpack.i.l.bf16.f32 v12;
	v17 =	vunpack.i.u.bf16.f32 v12;
	v12 =	vunpack.i.u.bf16.f32 v10;
	s8 =	sor.u32 s28, s4;
	s0 =	sand.u32 $0x7, s30;
	s4 =	spop (v2sf)  }
0x2eb: {  	v7 =	vld [tilespmem:s15+$0x1C0];
	v10 =	vadd.f32 v17, v14;
	v17 =	vimm.f32 $0.0e+00;
	v23 =	vunpack.i.l.bf16.f32 v6;
	s10 =	sshll.u32 s30, $0x2;
	s31 =	sand.u32 $0x7, s4;
	s13 =	spop (v2sf)  }
.LBB2_16:
0x2ec: {  	s30 =	sshll.u32 s13, $0x2  }
0x2ed: {  	v16 =	vld [tilespmem:s3+$0x0];
	s28 =	sshll.u32 s11, $0x2;
	s6 =	spop (v2sf);
	v20 =	vunpack.i.l.bf16.f32 v13;
	v21 =	vunpack.i.l.bf16.f32 v21;
	v24 =	vunpack.i.u.bf16.f32 v9;
	s11 =	smov.u32 s2  }
0x2ee: {  	s4 =	sshll.u32 s4, $0x2;
	s29 =	sshll.u32 s29, $0x2;
	s9 =	spop (v2sf);
	v14 =	vadd.f32 v20, v14;
	v20 =	vadd.f32 v29, v37;
	v26 =	vunpack.i.l.bf16.f32 v8  }
0x2ef: {  	s10 =	sand.u32 $0xFFFFFFE0, s10;
	v19 =	vadd.f32 v36, v19;
	v27 =	vunpack.i.u.bf16.f32 v6;
	s29 =	sand.u32 $0xFFFFFFE0, s29;
	v21 =	vadd.f32 v21, v32;
	s18 =	sand.u32 $0x7, s9  }
0x2f0: {  	s0 =	sshll.u32 s0, $0x2;
	s14 =	sshll.u32 s14, $0x2;
	v6 =	vadd.f32 v25, v22;
	s19 =	sand.u32 $0x7, s6;
	v25 =	vunpack.i.l.bf16.f32 v7;
	v22 =	vunpack.i.l.bf16.f32 v18  }
0x2f1: {  	v13 =	vunpack.i.u.bf16.f32 v13;
	s4 =	sand.u32 $0xFFFFFFE0, s4;
	v15 =	vadd.f32 v15, v35;
	s9 =	sshll.u32 s9, $0x2;
	s18 =	sshll.u32 s18, $0x2;
	v14 =	vadd.f32 v22, v14;
	v22 =	vld [tilespmem:s12+$0x150]  }
0x2f2: {  	s6 =	sshll.u32 s6, $0x2;
	v13 =	vadd.f32 v13, v17;
	v17 =	vunpack.i.u.bf16.f32 v11;
	s9 =	sand.u32 $0xFFFFFFE0, s9;
	s12 =	sshll.u32 s31, $0x2;
	(v2sf) =	vpush v16, $0x5  }
0x2f3: {  	s6 =	sand.u32 $0xFFFFFFE0, s6;
	v15 =	vadd.f32 v24, v15;
	s4 =	sor.u32 s12, s4;
	s12 =	sshll.u32 s19, $0x2;
	(v2sf) =	vpush v16, $0x4;
	v24 =	vld [tilespmem:s15+$0x1D0]  }
0x2f4: {  	s0 =	sor.u32 s0, s10;
	v11 =	vunpack.i.l.bf16.f32 v11;
	s10 =	sor.u32 s14, s29;
	s6 =	sor.u32 s12, s6;
	v14 =	vadd.f32 v26, v14;
	(v2sf) =	vpush v16, $0x7  }
0x2f5: {  	v6 =	vadd.f32 v11, v6;
	v18 =	vunpack.i.u.bf16.f32 v18;
	s9 =	sor.u32 s18, s9;
	s4 =	sshra.s32 s4, $0x2;
	s6 =	sshra.s32 s6, $0x2;
	(v2sf) =	vpush v16, $0x2  }
0x2f6: {  	v23 =	vadd.f32 v23, v21;
	s12 =	sand.u32 $0x7, s13;
	s4 =	sadd.s32 s1, s4;
	s6 =	sadd.s32 s1, s6;
	(v2sf) =	vpush v16, $0x0;
	v11 =	vunpack.i.l.bf16.f32 v22  }
0x2f7: {  	v9 =	vunpack.i.l.bf16.f32 v9;
	s0 =	sshra.s32 s0, $0x2;
	s9 =	sshra.s32 s9, $0x2;
	s6 =	sadd.s32 $0x10200, s6;
	(v2sf) =	vpush v16, $0x3;
	v21 =	vld [tilespmem:s4+$0x10200];
	v11 =	vadd.f32 v11, v6  }
0x2f8: {  	s10 =	sshra.s32 s10, $0x2;
	s9 =	sadd.s32 s1, s9;
	s13 =	sand.u32 $0xFFFFFFE0, s30;
	v26 =	vadd.f32 v12, v15;
	(v2sf) =	vpush v16, $0x6;
	v12 =	vunpack.i.l.bf16.f32 v24  }
0x2f9: {  	s0 =	sadd.s32 s1, s0;
	v9 =	vadd.f32 v9, v20;
	s10 =	sadd.s32 s1, s10;
	s12 =	sshll.u32 s12, $0x2;
	v15 =	vunpack.i.u.bf16.f32 v22;
	(v2sf) =	vpush v16, $0x1;
	v16 =	vld [tilespmem:s6+$0x190]  }
0x2fa: {  	v8 =	vunpack.i.u.bf16.f32 v8;
	v10 =	vadd.f32 v17, v10;
	s0 =	sadd.s32 $0x10200, s0;
	v13 =	vadd.f32 v18, v13;
	s10 =	sadd.s32 $0x10200, s10;
	s12 =	sor.u32 s12, s13;
	v6 =	vld [tilespmem:s6+$0x180]  }
0x2fb: {  	s8 =	sshra.s32 s8, $0x2;
	s7 =	sshll.u32 s7, $0x2;
	v19 =	vadd.f32 v27, v19;
	v20 =	vadd.f32 v5, v9;
	v5 =	vunpack.i.u.bf16.f32 v24;
	s6 =	sshra.s32 s12, $0x2;
	v18 =	vld [tilespmem:s0+$0x80]  }
0x2fc: {  	v8 =	vadd.f32 v8, v13;
	s9 =	sadd.s32 $0x10200, s9;
	v9 =	vadd.f32 v15, v10;
	v24 =	vunpack.i.l.bf16.f32 v21;
	v27 =	vld [tilespmem:s0+$0x90];
	s0 =	sadd.s32 s1, s6;
	s6 =	sand.u32 $0xFFFFFFE0, s7  }
0x2fd: {  	v7 =	vunpack.i.u.bf16.f32 v7;
	v14 =	vadd.f32 v25, v14;
	v22 =	vadd.f32 v12, v11;
	v10 =	vld [tilespmem:s9+$0x50];
	s13 =	sadd.s32 $0x10200, s0;
	s0 =	sadd.s32 s1, s8;
	s6 =	sor.u32 s28, s6  }
0x2fe: {  	v17 =	vadd.f32 v7, v8;
	s4 =	sadd.s32 $0x10200, s4;
	v28 =	vadd.f32 v5, v9;
	v11 =	vunpack.i.u.bf16.f32 v21;
	v13 =	vld [tilespmem:s9+$0x40];
	s12 =	sadd.s32 $0x10200, s0;
	s0 =	sshra.s32 s6, $0x2  }
0x2ff: {  	p1 =	sne.s32 s2, $0x6000;
	s2 =	sadd.s32 $0x800, s2;
	v5 =	vadd.f32 v11, v19;
	v30 =	vld [tilespmem:s4+$0x10];
	s0 =	sadd.s32 s1, s0  }
0x300: {  	s1 =	sshra.s32 s11, $0x2;
	v7 =	vunpack.i.u.bf16.f32 v18;
	v21 =	vld [tilespmem:s10+$0x100]  }
0x301: {  	s4 =	spop (v2sf)  }
0x302: {  	s3 =	sadd.s32 $0x8, s3;
	s15 =	sadd.s32 $0x10200, s0;
	v19 =	vadd.f32 v7, v5;
	v15 =	vunpack.i.u.bf16.f32 v27;
	v9 =	vld [tilespmem:s10+$0x110];
	v5 =	vunpack.i.l.bf16.f32 v16;
	s0 =	sand.u32 $0x7, s4  }
.Ltmp10:
0x303: {  	v7 =	vadd.f32 v24, v23;
	v29 =	vunpack.i.l.bf16.f32 v27;
	s4 =	sshll.u32 s4, $0x2;
	s29 =	spop (v2sf);
	v25 =	vunpack.i.l.bf16.f32 v10;
	v11 =	vld [tilespmem:s13+$0xD0];
	(pc) =	sbr.rel @p1 .LBB2_16-.Ltmp10, $4  }
0x304: {  	v12 =	vunpack.i.l.bf16.f32 v18;
	v10 =	vunpack.i.u.bf16.f32 v10;
	s14 =	sand.u32 $0x7, s29;
	s4 =	sand.u32 $0xFFFFFFE0, s4;
	s7 =	spop (v2sf);
	v8 =	vld [tilespmem:s12+$0x140]  }
0x305: {  	s6 =	sshll.u32 s0, $0x2;
	v32 =	vadd.f32 v12, v7;
	v12 =	vunpack.i.u.bf16.f32 v16;
	s11 =	sand.u32 $0x7, s7;
	s9 =	spop (v2sf);
	v23 =	vunpack.i.u.bf16.f32 v30;
	v7 =	vld [tilespmem:s15+$0x1C0]  }
0x306: {  	v10 =	vadd.f32 v10, v28;
	s8 =	sor.u32 s6, s4;
	v16 =	vunpack.i.l.bf16.f32 v30;
	s0 =	sand.u32 $0x7, s9;
	s4 =	spop (v2sf);
	v18 =	vld [tilespmem:s13+$0xC0];
	v36 =	vunpack.i.u.bf16.f32 v21  }
0x307: {  	s10 =	sshll.u32 s9, $0x2;
	v37 =	vadd.f32 v16, v20;
	v35 =	vadd.f32 v23, v26;
	v23 =	vunpack.i.l.bf16.f32 v6;
	s31 =	sand.u32 $0x7, s4;
	s13 =	spop (v2sf)  }
0x308: {  	s2 =	sshll.u32 s13, $0x2;
	s3 =	spop (v2sf);
	s4 =	sshll.u32 s4, $0x2  }
0x309: {  	s6 =	sshll.u32 s29, $0x2;
	s10 =	sand.u32 $0xFFFFFFE0, s10;
	s0 =	sshll.u32 s0, $0x2  }
0x30a: {  	s28 =	sshll.u32 s31, $0x2;
	v39 =	vld [tilespmem:s15+$0x1D0];
	s14 =	sshll.u32 s14, $0x2;
	s15 =	sshll.u32 s11, $0x2  }
0x30b: {  	s7 =	sshll.u32 s7, $0x2;
	s9 =	spop (v2sf);
	s19 =	sand.u32 $0x7, s3  }
0x30c: {  	s4 =	sand.u32 $0xFFFFFFE0, s4;
	s3 =	sshll.u32 s3, $0x2;
	s0 =	sor.u32 s0, s10  }
0x30d: {  	s6 =	sand.u32 $0xFFFFFFE0, s6;
	s18 =	sand.u32 $0x7, s9;
	s4 =	sor.u32 s28, s4  }
0x30e: {  	s3 =	sand.u32 $0xFFFFFFE0, s3;
	s0 =	sshra.s32 s0, $0x2;
	s4 =	sshra.s32 s4, $0x2  }
0x30f: {  	v38 =	vld [tilespmem:s12+$0x150];
	s19 =	sshll.u32 s19, $0x2;
	s0 =	sadd.s32 s1, s0;
	s4 =	sadd.s32 s1, s4  }
0x310: {  	s9 =	sshll.u32 s9, $0x2;
	s6 =	sor.u32 s14, s6;
	s0 =	sadd.s32 $0x10200, s0;
	v40 =	vld [tilespmem:s4+$0x10200]  }
0x311: {  	s3 =	sor.u32 s19, s3;
	s18 =	sshll.u32 s18, $0x2;
	s6 =	sshra.s32 s6, $0x2;
	v41 =	vld [tilespmem:s0+$0x80]  }
0x312: {  	s9 =	sand.u32 $0xFFFFFFE0, s9;
	s6 =	sadd.s32 s1, s6;
	v42 =	vld [tilespmem:s0+$0x90];
	s4 =	sadd.s32 $0x10200, s4  }
0x313: {  	s19 =	sand.u32 $0xFFFFFFE0, s2;
	s3 =	sshra.s32 s3, $0x2;
	s6 =	sadd.s32 $0x10200, s6;
	v44 =	vld [tilespmem:s4+$0x10]  }
0x314: {  	s9 =	sor.u32 s18, s9;
	s18 =	sand.u32 $0x7, s13;
	s3 =	sadd.s32 s1, s3;
	v45 =	vld [tilespmem:s6+$0x100]  }
0x315: {  	s9 =	sshra.s32 s9, $0x2;
	s29 =	sshll.u32 s18, $0x2;
	s3 =	sadd.s32 $0x10200, s3;
	v27 =	vld [tilespmem:s6+$0x110]  }
0x316: {  	s2 =	sand.u32 $0xFFFFFFE0, s7;
	s9 =	sadd.s32 s1, s9;
	s0 =	sor.u32 s29, s19;
	v34 =	vld [tilespmem:s3+$0x190]  }
0x317: {  	s2 =	sor.u32 s15, s2;
	v28 =	vld [tilespmem:s3+$0x180];
	s9 =	sadd.s32 $0x10200, s9;
	s0 =	sshra.s32 s0, $0x2  }
0x318: {  	s2 =	sshra.s32 s2, $0x2;
	v43 =	vld [tilespmem:s9+$0x50];
	s0 =	sadd.s32 s1, s0  }
0x319: {  	s11 =	sadd.s32 s1, s2;
	v33 =	vld [tilespmem:s9+$0x40];
	s9 =	sshra.s32 s8, $0x2;
	s0 =	sadd.s32 $0x10200, s0  }
0x31a: {  	s10 =	sadd.s32 s1, s9;
	s1 =	sadd.s32 $0x10200, s11;
	v31 =	vld [tilespmem:s0+$0xD0]  }
0x31b: {  	v20 =	vld [tilespmem:s1+$0x1C0]  }
0x31c: {  	v30 =	vld [tilespmem:s0+$0xC0]  }
0x31d: {  	s12 =	simm.s32 $0x8;
	s3 =	sadd.s32 $0x10200, s10;
	v16 =	vld [tilespmem:s1+$0x1D0]  }
0x31e: {  	s2 =	simm.s32 @!p0 $0x10200;
	s0 =	sadd.s32 @!p0 $0x578, s25;
	s1 =	simm.s32 @!p0 $0x68;
	v26 =	vld [tilespmem:s3+$0x140]  }
0x31f: {  	v24 =	vld [tilespmem:s3+$0x150];
	[tilespmem:s2], [sflag:$0x7] =	stream.indirect.gather @!p0 [hbm4b:s5+s1], $0x40, s0, s1, $0xb8  }
0x320: {  	_ =	swait.ge [sflag:s12], $0x1800  }
0x321: {  	[sflag:s12] =	ssyncset.done $0x0  }
0x322: {  	s13 =	rddreg [dreg:$0xc];
	[sflag:s12] =	ssyncadd.s32 $0xFFFFE800  }
0x323: {  	v46 =	vld [tilespmem:s13+$0x0];
	_ =	sdelay $0x2  }
0x324: {  	v47 =	vunpack.i.l.bf16.f32 v13;
	v19 =	vadd.f32 v36, v19;
	v22 =	vadd.f32 v25, v22  }
0x325: {  	v21 =	vunpack.i.l.bf16.f32 v21;
	v14 =	vadd.f32 v47, v14;
	v29 =	vadd.f32 v29, v37  }
0x326: {  	v13 =	vunpack.i.u.bf16.f32 v13;
	v21 =	vadd.f32 v21, v32;
	(v2sf) =	vpush v46, $0x5  }
0x327: {  	v6 =	vunpack.i.u.bf16.f32 v6;
	v15 =	vadd.f32 v15, v35;
	(v2sf) =	vpush v46, $0x4  }
0x328: {  	v13 =	vadd.f32 v13, v17;
	v17 =	vunpack.i.u.bf16.f32 v9;
	v6 =	vadd.f32 v6, v19  }
0x329: {  	v9 =	vunpack.i.l.bf16.f32 v9;
	v15 =	vadd.f32 v17, v15;
	(v2sf) =	vpush v46, $0x7  }
0x32a: {  	v25 =	vunpack.i.l.bf16.f32 v18;
	v21 =	vadd.f32 v23, v21;
	(v2sf) =	vpush v46, $0x2  }
0x32b: {  	v17 =	vunpack.i.l.bf16.f32 v8;
	v9 =	vadd.f32 v9, v29;
	v14 =	vadd.f32 v25, v14  }
0x32c: {  	v8 =	vunpack.i.u.bf16.f32 v8;
	v12 =	vadd.f32 v12, v15;
	(v2sf) =	vpush v46, $0x0  }
0x32d: {  	v15 =	vunpack.i.u.bf16.f32 v18;
	v5 =	vadd.f32 v5, v9;
	v9 =	vunpack.i.l.bf16.f32 v7  }
0x32e: {  	v7 =	vunpack.i.u.bf16.f32 v7;
	v14 =	vadd.f32 v17, v14;
	(v2sf) =	vpush v46, $0x3  }
0x32f: {  	v17 =	vunpack.i.l.bf16.f32 v11;
	v13 =	vadd.f32 v15, v13;
	(v2sf) =	vpush v46, $0x6  }
0x330: {  	v11 =	vunpack.i.u.bf16.f32 v11;
	v17 =	vadd.f32 v17, v22;
	(v2sf) =	vpush v46, $0x1  }
0x331: {  	v22 =	vunpack.i.l.bf16.f32 v38;
	v10 =	vadd.f32 v11, v10;
	v8 =	vadd.f32 v8, v13  }
0x332: {  	v11 =	vunpack.i.u.bf16.f32 v38;
	v9 =	vadd.f32 v9, v14;
	v17 =	vadd.f32 v22, v17  }
0x333: {  	v10 =	vadd.f32 v11, v10;
	v11 =	vunpack.i.l.bf16.f32 v39;
	v13 =	vunpack.i.u.bf16.f32 v40  }
0x334: {  	v7 =	vadd.f32 v7, v8;
	v8 =	vunpack.i.u.bf16.f32 v39;
	v15 =	vunpack.i.l.bf16.f32 v41  }
0x335: {  	v19 =	vunpack.i.l.bf16.f32 v42;
	v11 =	vadd.f32 v11, v17;
	v18 =	vunpack.i.l.bf16.f32 v44;
	s3 =	sadd.s32 $0x8, s13;
	s14 =	spop (v2sf)  }
0x336: {  	v6 =	vadd.f32 v13, v6;
	v13 =	vunpack.i.l.bf16.f32 v40;
	v5 =	vadd.f32 v18, v5;
	v18 =	vld [tilespmem:s3+$0x0];
	s3 =	sadd.s32 $0x8, s3;
	s0 =	sshll.u32 s14, $0x2;
	s18 =	spop (v2sf)  }
0x337: {  	v8 =	vadd.f32 v8, v10;
	v10 =	vunpack.i.u.bf16.f32 v41;
	v22 =	vunpack.i.l.bf16.f32 v45;
	s15 =	sand.u32 $0x7, s14;
	s19 =	sand.u32 $0x7, s18;
	s0 =	sand.u32 $0xFFFFFFE0, s0  }
0x338: {  	v14 =	vunpack.i.l.bf16.f32 v34;
	v6 =	vadd.f32 v10, v6;
	v10 =	vadd.f32 v13, v21;
	s1 =	spop (v2sf);
	s2 =	sshll.u32 s15, $0x2;
	s4 =	sshll.u32 s18, $0x2  }
0x339: {  	v13 =	vunpack.i.u.bf16.f32 v42;
	v17 =	vunpack.i.u.bf16.f32 v43;
	v21 =	vunpack.i.u.bf16.f32 v34;
	s29 =	sand.u32 $0x7, s1;
	s9 =	spop (v2sf);
	s2 =	sor.u32 s2, s0  }
0x33a: {  	v8 =	vadd.f32 v17, v8;
	v17 =	vunpack.i.u.bf16.f32 v44;
	v5 =	vadd.f32 v19, v5;
	s4 =	sand.u32 $0xFFFFFFE0, s4;
	s6 =	sshll.u32 s19, $0x2;
	s1 =	sshll.u32 s1, $0x2  }
0x33b: {  	v10 =	vadd.f32 v15, v10;
	v12 =	vadd.f32 v17, v12;
	v17 =	vunpack.i.l.bf16.f32 v33;
	s10 =	sand.u32 $0x7, s9;
	s11 =	spop (v2sf);
	s25 =	sshll.u32 s9, $0x2  }
0x33c: {  	v19 =	vunpack.i.l.bf16.f32 v28;
	v15 =	vunpack.i.l.bf16.f32 v43;
	v9 =	vadd.f32 v17, v9;
	s7 =	sshll.u32 s29, $0x2;
	s4 =	sor.u32 s6, s4;
	s2 =	sshra.s32 s2, $0x2  }
0x33d: {  	v17 =	vunpack.i.u.bf16.f32 v45;
	v11 =	vadd.f32 v15, v11;
	v10 =	vadd.f32 v22, v10;
	s1 =	sand.u32 $0xFFFFFFE0, s1;
	s13 =	sand.u32 $0x7, s11;
	s12 =	spop (v2sf)  }
0x33e: {  	v15 =	vunpack.i.l.bf16.f32 v30;
	v6 =	vadd.f32 v17, v6;
	v12 =	vadd.f32 v13, v12;
	s0 =	sshll.u32 s11, $0x2;
	s11 =	sand.u32 $0xFFFFFFE0, s25;
	s29 =	spop (v2sf)  }
0x33f: {  	v13 =	vunpack.i.u.bf16.f32 v33;
	v9 =	vadd.f32 v15, v9;
	s9 =	sshll.u32 s10, $0x2;
	s4 =	sshra.s32 s4, $0x2;
	s15 =	spop (v2sf);
	(v2sf) =	vpush v18, $0x5  }
0x340: {  	v22 =	vunpack.i.u.bf16.f32 v27;
	v7 =	vadd.f32 v13, v7;
	s1 =	sor.u32 s7, s1;
	s8 =	sshll.u32 s12, $0x2;
	s0 =	sand.u32 $0xFFFFFFE0, s0;
	(v2sf) =	vpush v18, $0x4  }
0x341: {  	v17 =	vunpack.i.l.bf16.f32 v26;
	v12 =	vadd.f32 v22, v12;
	s10 =	sshll.u32 s13, $0x2;
	s9 =	sor.u32 s9, s11;
	s4 =	sadd.s32 $0x0, s4;
	(v2sf) =	vpush v18, $0x7  }
0x342: {  	v15 =	vunpack.i.u.bf16.f32 v28;
	v19 =	vadd.f32 v19, v10;
	s19 =	sand.u32 $0x7, s29;
	s13 =	sshll.u32 s29, $0x2;
	s0 =	sor.u32 s10, s0;
	(v2sf) =	vpush v18, $0x2  }
0x343: {  	v22 =	vunpack.i.l.bf16.f32 v31;
	v6 =	vadd.f32 v15, v6;
	s9 =	sshra.s32 s9, $0x2;
	s8 =	sand.u32 $0xFFFFFFE0, s8;
	s4 =	sadd.s32 $0x11C00, s4;
	(v2sf) =	vpush v18, $0x0  }
0x344: {  	v10 =	vunpack.i.l.bf16.f32 v27;
	v9 =	vadd.f32 v17, v9;
	s18 =	sand.u32 $0x7, s15;
	s14 =	sshll.u32 s15, $0x2;
	s25 =	sand.u32 $0xFFFFFFE0, s13;
	(v2sf) =	vpush v18, $0x3  }
0x345: {  	v11 =	vadd.f32 v22, v11;
	v22 =	vunpack.i.u.bf16.f32 v30;
	v5 =	vadd.f32 v10, v5;
	s29 =	sshll.u32 s19, $0x2;
	s0 =	sshra.s32 s0, $0x2;
	s9 =	sadd.s32 $0x0, s9  }
0x346: {  	v23 =	vunpack.i.l.bf16.f32 v24;
	v7 =	vadd.f32 v22, v7;
	v22 =	vld [tilespmem:s4+$0x100];
	s15 =	sshll.u32 s18, $0x2;
	s10 =	sor.u32 s29, s25;
	s0 =	sadd.s32 $0x0, s0;
	(v2sf) =	vpush v18, $0x6  }
0x347: {  	v17 =	vunpack.i.u.bf16.f32 v31;
	v25 =	vadd.f32 v21, v12;
	s14 =	sand.u32 $0xFFFFFFE0, s14;
	s9 =	sadd.s32 $0x11C00, s9;
	s6 =	sshra.s32 s10, $0x2;
	v12 =	vld [tilespmem:s0+$0x11C00];
	(v2sf) =	vpush v18, $0x1  }
0x348: {  	v10 =	vunpack.i.u.bf16.f32 v26;
	v8 =	vadd.f32 v17, v8;
	v11 =	vadd.f32 v23, v11;
	s13 =	sand.u32 $0x7, s12;
	s11 =	sor.u32 s15, s14;
	v26 =	vld [tilespmem:s9+$0x80];
	s6 =	sadd.s32 $0x0, s6  }
0x349: {  	v15 =	vunpack.i.u.bf16.f32 v24;
	v28 =	vadd.f32 v14, v5;
	v5 =	vadd.f32 v10, v7;
	v7 =	vld [tilespmem:s9+$0x90];
	s10 =	sshra.s32 s11, $0x2;
	s11 =	sshll.u32 s13, $0x2;
	s6 =	sadd.s32 $0x11C00, s6  }
0x34a: {  	v13 =	vunpack.i.l.bf16.f32 v20;
	v21 =	vunpack.i.l.bf16.f32 v16;
	v8 =	vadd.f32 v15, v8;
	s0 =	sadd.s32 $0x11C00, s0;
	s10 =	sadd.s32 $0x0, s10;
	s8 =	sor.u32 s11, s8;
	v27 =	vld [tilespmem:s6+$0x190]  }
0x34b: {  	v10 =	vunpack.i.u.bf16.f32 v20;
	v15 =	vadd.f32 v13, v9;
	v13 =	vadd.f32 v21, v11;
	s1 =	sshra.s32 s1, $0x2;
	v29 =	vld [tilespmem:s0+$0x10];
	s8 =	sshra.s32 s8, $0x2;
	s10 =	sadd.s32 $0x11C00, s10  }
0x34c: {  	v11 =	vunpack.i.u.bf16.f32 v16;
	v9 =	vadd.f32 v10, v5;
	s2 =	sadd.s32 $0x0, s2;
	s15 =	sadd.s32 $0x0, s1;
	s8 =	sadd.s32 $0x0, s8;
	v24 =	vld [tilespmem:s10+$0x50];
	v5 =	vunpack.i.u.bf16.f32 v12  }
0x34d: {  	v11 =	vadd.f32 v11, v8;
	v8 =	vld [tilespmem:s4+$0x110];
	s1 =	simm.s32 $0x200;
	s15 =	sadd.s32 $0x11C00, s15;
	s14 =	sadd.s32 $0x11C00, s8;
	v12 =	vunpack.i.l.bf16.f32 v12;
	v5 =	vadd.f32 v5, v6  }
0x34e: {  	v10 =	vld [tilespmem:s6+$0x180];
	s8 =	sadd.s32 $0x11C00, s2;
	s2 =	simm.s32 $0x1000;
	v17 =	vunpack.i.u.bf16.f32 v7;
	v23 =	vunpack.i.l.bf16.f32 v7;
	v6 =	vunpack.i.u.bf16.f32 v26;
	s18 =	spop (v2sf)  }
0x34f: {  	v14 =	vld [tilespmem:s10+$0x40];
	v20 =	vadd.f32 v6, v5;
	v5 =	vunpack.i.l.bf16.f32 v27;
	v6 =	vadd.f32 v12, v19;
	s19 =	sand.u32 $0x7, s18;
	s25 =	sshll.u32 s18, $0x2;
	s13 =	spop (v2sf)  }
0x350: {  	v16 =	vld [tilespmem:s14+$0xD0];
	v12 =	vunpack.i.l.bf16.f32 v26;
	v19 =	vunpack.i.u.bf16.f32 v29;
	v26 =	vunpack.i.u.bf16.f32 v22;
	s11 =	sand.u32 $0x7, s13;
	s4 =	sand.u32 $0xFFFFFFE0, s25;
	s25 =	spop (v2sf)  }
0x351: {  	v7 =	vld [tilespmem:s8+$0x140];
	v21 =	vunpack.i.l.bf16.f32 v24;
	v18 =	vunpack.i.u.bf16.f32 v24;
	v25 =	vadd.f32 v19, v25;
	s0 =	sshll.u32 s19, $0x2;
	s28 =	sand.u32 $0x7, s25;
	s29 =	spop (v2sf)  }
0x352: {  	v24 =	vadd.f32 v12, v6;
	v12 =	vunpack.i.u.bf16.f32 v27;
	v6 =	vld [tilespmem:s15+$0x1C0];
	v27 =	vunpack.i.l.bf16.f32 v29;
	s7 =	sor.u32 s0, s4;
	s31 =	sand.u32 $0x7, s29;
	s0 =	spop (v2sf)  }
0x353: {  	v19 =	vunpack.i.l.bf16.f32 v10;
	v11 =	vadd.f32 v18, v11;
	v18 =	vld [tilespmem:s14+$0xC0];
	v27 =	vadd.f32 v27, v28;
	s4 =	sshll.u32 s29, $0x2;
	s30 =	sand.u32 $0x7, s0;
	s12 =	spop (v2sf)  }
.LBB2_18:
0x354: {  	s29 =	sshll.u32 s12, $0x2  }
0x355: {  	v28 =	vld [tilespmem:s3+$0x0];
	s14 =	sshll.u32 s28, $0x2;
	s6 =	spop (v2sf);
	v29 =	vunpack.i.l.bf16.f32 v14;
	v22 =	vunpack.i.l.bf16.f32 v22;
	v30 =	vunpack.i.u.bf16.f32 v8;
	s28 =	smov.u32 s2  }
0x356: {  	s0 =	sshll.u32 s0, $0x2;
	s9 =	sshll.u32 s13, $0x2;
	s10 =	spop (v2sf);
	v15 =	vadd.f32 v29, v15;
	v23 =	vadd.f32 v23, v27;
	v27 =	vunpack.i.l.bf16.f32 v7  }
0x357: {  	s4 =	sand.u32 $0xFFFFFFE0, s4;
	v20 =	vadd.f32 v26, v20;
	s9 =	sand.u32 $0xFFFFFFE0, s9;
	v22 =	vadd.f32 v22, v24;
	v24 =	vunpack.i.u.bf16.f32 v10;
	s13 =	sand.u32 $0x7, s10  }
0x358: {  	s18 =	sshll.u32 s31, $0x2;
	s11 =	sshll.u32 s11, $0x2;
	s19 =	sand.u32 $0x7, s6;
	v10 =	vadd.f32 v21, v13;
	v21 =	vunpack.i.l.bf16.f32 v6;
	v13 =	vunpack.i.l.bf16.f32 v18  }
0x359: {  	v14 =	vunpack.i.u.bf16.f32 v14;
	s0 =	sand.u32 $0xFFFFFFE0, s0;
	v17 =	vadd.f32 v17, v25;
	s10 =	sshll.u32 s10, $0x2;
	s13 =	sshll.u32 s13, $0x2;
	v13 =	vadd.f32 v13, v15;
	v15 =	vld [tilespmem:s8+$0x150]  }
0x35a: {  	s6 =	sshll.u32 s6, $0x2;
	v9 =	vadd.f32 v14, v9;
	v14 =	vunpack.i.u.bf16.f32 v16;
	s10 =	sand.u32 $0xFFFFFFE0, s10;
	s8 =	sshll.u32 s30, $0x2;
	(v2sf) =	vpush v28, $0x5  }
0x35b: {  	s6 =	sand.u32 $0xFFFFFFE0, s6;
	v17 =	vadd.f32 v30, v17;
	s0 =	sor.u32 s8, s0;
	s8 =	sshll.u32 s19, $0x2;
	(v2sf) =	vpush v28, $0x4;
	v25 =	vld [tilespmem:s15+$0x1D0]  }
0x35c: {  	s4 =	sor.u32 s18, s4;
	v16 =	vunpack.i.l.bf16.f32 v16;
	s9 =	sor.u32 s11, s9;
	s6 =	sor.u32 s8, s6;
	v13 =	vadd.f32 v27, v13;
	(v2sf) =	vpush v28, $0x7  }
0x35d: {  	v18 =	vunpack.i.u.bf16.f32 v18;
	v10 =	vadd.f32 v16, v10;
	s0 =	sshra.s32 s0, $0x2;
	s8 =	sor.u32 s13, s10;
	s6 =	sshra.s32 s6, $0x2;
	(v2sf) =	vpush v28, $0x2  }
0x35e: {  	v19 =	vadd.f32 v19, v22;
	s10 =	sand.u32 $0x7, s12;
	s0 =	sadd.s32 s1, s0;
	s6 =	sadd.s32 s1, s6;
	(v2sf) =	vpush v28, $0x0;
	v16 =	vunpack.i.l.bf16.f32 v15  }
0x35f: {  	v8 =	vunpack.i.l.bf16.f32 v8;
	s4 =	sshra.s32 s4, $0x2;
	s8 =	sshra.s32 s8, $0x2;
	s6 =	sadd.s32 $0x11C00, s6;
	(v2sf) =	vpush v28, $0x3;
	v22 =	vld [tilespmem:s0+$0x11C00];
	v16 =	vadd.f32 v16, v10  }
0x360: {  	s11 =	sand.u32 $0xFFFFFFE0, s29;
	s9 =	sshra.s32 s9, $0x2;
	v29 =	vadd.f32 v12, v17;
	s8 =	sadd.s32 s1, s8;
	(v2sf) =	vpush v28, $0x6;
	v12 =	vunpack.i.l.bf16.f32 v25  }
0x361: {  	s4 =	sadd.s32 s1, s4;
	v8 =	vadd.f32 v8, v23;
	s9 =	sadd.s32 s1, s9;
	s10 =	sshll.u32 s10, $0x2;
	v15 =	vunpack.i.u.bf16.f32 v15;
	(v2sf) =	vpush v28, $0x1;
	v26 =	vld [tilespmem:s6+$0x190]  }
0x362: {  	v7 =	vunpack.i.u.bf16.f32 v7;
	v11 =	vadd.f32 v14, v11;
	s4 =	sadd.s32 $0x11C00, s4;
	v9 =	vadd.f32 v18, v9;
	s9 =	sadd.s32 $0x11C00, s9;
	s10 =	sor.u32 s10, s11;
	v10 =	vld [tilespmem:s6+$0x180]  }
0x363: {  	s7 =	sshra.s32 s7, $0x2;
	v17 =	vadd.f32 v24, v20;
	v27 =	vadd.f32 v5, v8;
	v5 =	vunpack.i.u.bf16.f32 v25;
	s6 =	sshra.s32 s10, $0x2;
	s10 =	sshll.u32 s25, $0x2;
	v18 =	vld [tilespmem:s4+$0x80]  }
0x364: {  	v7 =	vadd.f32 v7, v9;
	s8 =	sadd.s32 $0x11C00, s8;
	v8 =	vadd.f32 v15, v11;
	v23 =	vunpack.i.l.bf16.f32 v22;
	v24 =	vld [tilespmem:s4+$0x90];
	s4 =	sadd.s32 s1, s6;
	s6 =	sand.u32 $0xFFFFFFE0, s10  }
0x365: {  	s7 =	sadd.s32 s1, s7;
	v6 =	vunpack.i.u.bf16.f32 v6;
	v15 =	vadd.f32 v21, v13;
	v13 =	vadd.f32 v12, v16;
	v11 =	vld [tilespmem:s8+$0x50];
	s4 =	sadd.s32 $0x11C00, s4;
	s6 =	sor.u32 s14, s6  }
0x366: {  	v9 =	vadd.f32 v6, v7;
	s0 =	sadd.s32 $0x11C00, s0;
	v25 =	vadd.f32 v5, v8;
	v12 =	vunpack.i.u.bf16.f32 v22;
	v14 =	vld [tilespmem:s8+$0x40];
	s8 =	sadd.s32 $0x11C00, s7;
	s6 =	sshra.s32 s6, $0x2  }
0x367: {  	p1 =	sne.s32 s2, $0x5800;
	s2 =	sadd.s32 $0x800, s2;
	v5 =	vadd.f32 v12, v17;
	v28 =	vld [tilespmem:s0+$0x10];
	s0 =	sadd.s32 s1, s6  }
0x368: {  	s1 =	sshra.s32 s28, $0x2;
	v6 =	vunpack.i.u.bf16.f32 v18;
	v22 =	vld [tilespmem:s9+$0x100]  }
0x369: {  	s6 =	spop (v2sf)  }
0x36a: {  	s3 =	sadd.s32 $0x8, s3;
	s15 =	sadd.s32 $0x11C00, s0;
	v20 =	vadd.f32 v6, v5;
	v17 =	vunpack.i.u.bf16.f32 v24;
	v8 =	vld [tilespmem:s9+$0x110];
	v5 =	vunpack.i.l.bf16.f32 v26;
	s0 =	sand.u32 $0x7, s6  }
.Ltmp11:
0x36b: {  	v6 =	vadd.f32 v23, v19;
	v23 =	vunpack.i.l.bf16.f32 v24;
	s6 =	sshll.u32 s6, $0x2;
	s13 =	spop (v2sf);
	v21 =	vunpack.i.l.bf16.f32 v11;
	v16 =	vld [tilespmem:s4+$0xD0];
	(pc) =	sbr.rel @p1 .LBB2_18-.Ltmp11, $4  }
0x36c: {  	v12 =	vunpack.i.l.bf16.f32 v18;
	v11 =	vunpack.i.u.bf16.f32 v11;
	s11 =	sand.u32 $0x7, s13;
	s6 =	sand.u32 $0xFFFFFFE0, s6;
	s25 =	spop (v2sf);
	v7 =	vld [tilespmem:s8+$0x140]  }
0x36d: {  	s0 =	sshll.u32 s0, $0x2;
	v24 =	vadd.f32 v12, v6;
	v12 =	vunpack.i.u.bf16.f32 v26;
	s28 =	sand.u32 $0x7, s25;
	s9 =	spop (v2sf);
	v19 =	vunpack.i.u.bf16.f32 v28;
	v6 =	vld [tilespmem:s15+$0x1C0]  }
0x36e: {  	v11 =	vadd.f32 v11, v25;
	s7 =	sor.u32 s0, s6;
	v28 =	vunpack.i.l.bf16.f32 v28;
	s31 =	sand.u32 $0x7, s9;
	s0 =	spop (v2sf);
	v18 =	vld [tilespmem:s4+$0xC0];
	v26 =	vunpack.i.u.bf16.f32 v22  }
0x36f: {  	s4 =	sshll.u32 s9, $0x2;
	v27 =	vadd.f32 v28, v27;
	v25 =	vadd.f32 v19, v29;
	v19 =	vunpack.i.l.bf16.f32 v10;
	s30 =	sand.u32 $0x7, s0;
	s12 =	spop (v2sf)  }
0x370: {  	v28 =	vunpack.i.l.bf16.f32 v14;
	v22 =	vunpack.i.l.bf16.f32 v22  }
0x371: {  	s2 =	spop (v2sf);
	v29 =	vunpack.i.u.bf16.f32 v8;
	s0 =	sshll.u32 s0, $0x2;
	s4 =	sand.u32 $0xFFFFFFE0, s4;
	v20 =	vadd.f32 v26, v20;
	v10 =	vunpack.i.u.bf16.f32 v10  }
0x372: {  	s9 =	sshll.u32 s31, $0x2;
	v13 =	vadd.f32 v21, v13;
	s30 =	sshll.u32 s30, $0x2;
	v50 =	vunpack.i.u.bf16.f32 v14;
	v52 =	vunpack.i.l.bf16.f32 v16;
	s11 =	sshll.u32 s11, $0x2  }
0x373: {  	v53 =	vunpack.i.u.bf16.f32 v16;
	s14 =	sshll.u32 s28, $0x2;
	s7 =	sshra.s32 s7, $0x2;
	s3 =	spop (v2sf);
	v15 =	vadd.f32 v28, v15;
	v23 =	vadd.f32 v23, v27  }
0x374: {  	v58 =	vunpack.i.l.bf16.f32 v8;
	v22 =	vadd.f32 v22, v24;
	s10 =	sand.u32 $0x7, s2;
	s0 =	sand.u32 $0xFFFFFFE0, s0;
	s2 =	sshll.u32 s2, $0x2;
	v17 =	vadd.f32 v17, v25  }
0x375: {  	v47 =	vld [tilespmem:s8+$0x150];
	v46 =	vunpack.i.l.bf16.f32 v7;
	v9 =	vadd.f32 v50, v9;
	s4 =	sor.u32 s9, s4;
	v11 =	vadd.f32 v53, v11;
	s28 =	sadd.s32 s1, s7;
	s6 =	sand.u32 $0x7, s3  }
0x376: {  	v51 =	vld [tilespmem:s15+$0x1D0];
	v7 =	vunpack.i.u.bf16.f32 v7;
	s3 =	sshll.u32 s3, $0x2;
	v49 =	vunpack.i.l.bf16.f32 v6;
	s0 =	sor.u32 s30, s0;
	v13 =	vadd.f32 v52, v13;
	s29 =	sadd.s32 $0x11C00, s28  }
0x377: {  	s2 =	sand.u32 $0xFFFFFFE0, s2;
	s4 =	sshra.s32 s4, $0x2;
	v10 =	vadd.f32 v10, v20;
	v48 =	vunpack.i.l.bf16.f32 v18;
	s0 =	sshra.s32 s0, $0x2;
	v17 =	vadd.f32 v29, v17;
	v40 =	vld [tilespmem:s29+$0x140]  }
0x378: {  	s31 =	sshll.u32 s10, $0x2;
	v55 =	vunpack.i.u.bf16.f32 v18;
	v19 =	vadd.f32 v19, v22;
	s4 =	sadd.s32 s1, s4;
	v8 =	vadd.f32 v58, v23;
	v50 =	vld [tilespmem:s29+$0x150];
	s0 =	sadd.s32 s1, s0  }
0x379: {  	s10 =	sshll.u32 s13, $0x2;
	v6 =	vunpack.i.u.bf16.f32 v6;
	s2 =	sor.u32 s31, s2;
	v15 =	vadd.f32 v48, v15;
	s4 =	sadd.s32 $0x11C00, s4;
	v9 =	vadd.f32 v55, v9;
	v57 =	vld [tilespmem:s0+$0x11C00]  }
0x37a: {  	s6 =	sshll.u32 s6, $0x2;
	s3 =	sand.u32 $0xFFFFFFE0, s3;
	s2 =	sshra.s32 s2, $0x2;
	v56 =	vunpack.i.l.bf16.f32 v47;
	v12 =	vadd.f32 v12, v17;
	v62 =	vld [tilespmem:s4+$0x80];
	v5 =	vadd.f32 v5, v8  }
0x37b: {  	s3 =	sor.u32 s6, s3;
	s2 =	sadd.s32 s1, s2;
	v61 =	vunpack.i.u.bf16.f32 v47;
	v63 =	vld [tilespmem:s4+$0x90];
	s0 =	sadd.s32 $0x11C00, s0;
	v54 =	vadd.f32 v46, v15;
	v13 =	vadd.f32 v56, v13  }
0x37c: {  	s6 =	sand.u32 $0xFFFFFFE0, s10;
	s3 =	sshra.s32 s3, $0x2;
	v59 =	vunpack.i.l.bf16.f32 v51;
	s2 =	sadd.s32 $0x11C00, s2;
	v7 =	vadd.f32 v7, v9;
	v11 =	vadd.f32 v61, v11;
	v31 =	vld [tilespmem:s0+$0x10]  }
0x37d: {  	s15 =	sand.u32 $0x7, s12;
	s6 =	sor.u32 s11, s6;
	v28 =	vunpack.i.u.bf16.f32 v51;
	s3 =	sadd.s32 s1, s3;
	v60 =	vld [tilespmem:s2+$0x190];
	v14 =	vadd.f32 v49, v54;
	v13 =	vadd.f32 v59, v13  }
0x37e: {  	s13 =	sshll.u32 s12, $0x2;
	s6 =	sshra.s32 s6, $0x2;
	s3 =	sadd.s32 $0x11C00, s3;
	v32 =	vld [tilespmem:s2+$0x180];
	v6 =	vadd.f32 v6, v7;
	v7 =	vadd.f32 v28, v11;
	v49 =	vunpack.i.l.bf16.f32 v40  }
0x37f: {  	s8 =	sshll.u32 s15, $0x2;
	s19 =	sand.u32 $0xFFFFFFE0, s13;
	s6 =	sadd.s32 s1, s6;
	v30 =	vld [tilespmem:s3+$0x50];
	v56 =	vunpack.i.l.bf16.f32 v50;
	v59 =	vunpack.i.u.bf16.f32 v40;
	v29 =	vunpack.i.l.bf16.f32 v57  }
0x380: {  	s0 =	sor.u32 s8, s19;
	s6 =	sadd.s32 $0x11C00, s6;
	v35 =	vld [tilespmem:s3+$0x40];
	v21 =	vunpack.i.u.bf16.f32 v57;
	v33 =	vunpack.i.u.bf16.f32 v62;
	v36 =	vunpack.i.u.bf16.f32 v63  }
0x381: {  	s0 =	sshra.s32 s0, $0x2;
	v34 =	vld [tilespmem:s6+$0x100];
	v8 =	vunpack.i.l.bf16.f32 v63;
	v15 =	vunpack.i.l.bf16.f32 v62;
	v10 =	vadd.f32 v21, v10  }
0x382: {  	s0 =	sadd.s32 s1, s0;
	v19 =	vadd.f32 v29, v19;
	v41 =	vunpack.i.u.bf16.f32 v31;
	v22 =	vunpack.i.l.bf16.f32 v31  }
0x383: {  	v38 =	vld [tilespmem:s6+$0x110];
	s0 =	sadd.s32 $0x11C00, s0;
	v37 =	vunpack.i.l.bf16.f32 v60;
	v5 =	vadd.f32 v22, v5;
	v12 =	vadd.f32 v41, v12  }
0x384: {  	v43 =	vld [tilespmem:s0+$0xC0];
	v46 =	vunpack.i.l.bf16.f32 v32;
	v10 =	vadd.f32 v33, v10;
	v39 =	vunpack.i.l.bf16.f32 v30  }
0x385: {  	s18 =	sshll.u32 s25, $0x2;
	v45 =	vld [tilespmem:s0+$0xD0];
	v9 =	vunpack.i.u.bf16.f32 v30;
	v15 =	vadd.f32 v15, v19;
	v47 =	vunpack.i.l.bf16.f32 v35  }
0x386: {  	s25 =	sand.u32 $0xFFFFFFE0, s18;
	v17 =	vunpack.i.u.bf16.f32 v35;
	v7 =	vadd.f32 v9, v7;
	v44 =	vunpack.i.u.bf16.f32 v34  }
0x387: {  	s2 =	sor.u32 s14, s25;
	v16 =	vunpack.i.l.bf16.f32 v34;
	v14 =	vadd.f32 v47, v14;
	v5 =	vadd.f32 v8, v5  }
0x388: {  	s2 =	sshra.s32 s2, $0x2;
	v48 =	vunpack.i.u.bf16.f32 v38;
	v13 =	vadd.f32 v39, v13;
	v11 =	vadd.f32 v36, v12  }
0x389: {  	s2 =	sadd.s32 s1, s2;
	v6 =	vadd.f32 v17, v6;
	v58 =	vunpack.i.l.bf16.f32 v38;
	v15 =	vadd.f32 v16, v15  }
0x38a: {  	s30 =	sadd.s32 $0x11C00, s2;
	v10 =	vadd.f32 v44, v10;
	v51 =	vunpack.i.l.bf16.f32 v43;
	v54 =	vunpack.i.l.bf16.f32 v45  }
0x38b: {  	v42 =	vld [tilespmem:s30+$0x1C0];
	v9 =	vunpack.i.u.bf16.f32 v43;
	v53 =	vadd.f32 v51, v14;
	v13 =	vadd.f32 v54, v13  }
0x38c: {  	v55 =	vunpack.i.u.bf16.f32 v45;
	v11 =	vadd.f32 v48, v11;
	v6 =	vadd.f32 v9, v6  }
0x38d: {  	v57 =	vld [tilespmem:s30+$0x1D0];
	v23 =	vunpack.i.u.bf16.f32 v32;
	v5 =	vadd.f32 v58, v5;
	v7 =	vadd.f32 v55, v7  }
0x38e: {  	v18 =	vunpack.i.u.bf16.f32 v60;
	v15 =	vadd.f32 v46, v15;
	v10 =	vadd.f32 v23, v10  }
0x38f: {  	v60 =	vunpack.i.u.bf16.f32 v50;
	v8 =	vadd.f32 v49, v53;
	v12 =	vadd.f32 v56, v13  }
0x390: {  	v52 =	vunpack.i.l.bf16.f32 v42;
	v11 =	vadd.f32 v18, v11;
	v6 =	vadd.f32 v59, v6  }
0x391: {  	v61 =	vunpack.i.u.bf16.f32 v42;
	v5 =	vadd.f32 v37, v5;
	v8 =	vadd.f32 v52, v8  }
0x392: {  	v62 =	vunpack.i.l.bf16.f32 v57;
	v7 =	vadd.f32 v60, v7;
	v6 =	vadd.f32 v61, v6  }
0x393: {  	v63 =	vunpack.i.u.bf16.f32 v57;
	v12 =	vadd.f32 v62, v12;
	v8 =	vadd.f32 v8, v15  }
0x394: {  	v7 =	vadd.f32 v63, v7;
	v6 =	vadd.f32 v6, v10  }
0x395: {  	s31 =	sshll.u32 s26, $0x6;
	v5 =	vadd.f32 v12, v5;
	v8 =	vmul.f32 v8, v4  }
.Ltmp12:
0x396: {  	s0 =	sand.u32 $0x3FFFFFC0, s31;
	v7 =	vadd.f32 v7, v11;
	v6 =	vmul.f32 v6, v4;
	(pc) =	sbr.rel @p0 .LBB2_21-.Ltmp12, $4  }
0x397: {  	v5 =	vmul.f32 v5, v4;
	[tilespmem:v0+s0+$0x13600] =	vst.idx.msk $0xffff, v8  }
0x398: {  	[tilespmem:v1+s0+$0x13600] =	vst.idx.msk $0xffff, v6;
	v6 =	vmul.f32 v7, v4  }
0x399: {  	[tilespmem:v2+s0+$0x13600] =	vst.idx.msk $0xffff, v5  }
0x39a: {  	[tilespmem:v3+s0+$0x13600] =	vst.idx.msk $0xffff, v6  }
0x39b: {  	s0 =	smul.u32 $0xC80, s16  }
0x39c: {  	s1 =	simm.s32 $0x60;
	s2 =	simm.s32 $0x11C00;
	s16 =	sadd.s32 $0x1, s16  }
0x39d: {  	s17 =	sadd.s32 $0x340, s17;
	s20 =	sadd.s32 $0x340, s20;
	s0 =	sshra.s32 s0, $0x2  }
.Ltmp13:
0x39e: {  	s30 =	rddreg [dreg:$0xb];
	s0 =	sadd.s32 $0x5E0, s0;
	(pc) =	sbr.rel .LBB2_3-.Ltmp13, $4  }
0x39f: {  	[tilespmem:s2], [sflag:$0x8] =	stream.indirect.gather [hbm4b:s5+s1], $0x40, s0, s1, $0xb8;
	[tilespmem:$0x14610] =	vst v63  }
0x3a0: {  	s21 =	sadd.s32 $0x340, s21;
	s31 =	rddreg [dreg:$0xc];
	s0 =	sadd.s32 $0x340, s30  }
0x3a1: {  	s18 =	sadd.s32 $0x340, s22;
	[dreg:$0xb] =	wrdreg s0;
	s0 =	sadd.s32 $0x340, s31  }
0x3a2: {  	s23 =	sadd.s32 $0x340, s23;
	s22 =	sadd.s32 $0x340, s24;
	[dreg:$0xc] =	wrdreg s0  }
.LBB2_23:
0x3a3: {  	_ =	sfence.sel $0x180000  }
0x3a4: {  	[bflag:$0x0] =	sbarrier.arrive $0xFFFF  }
0x3a5: {  	_ =	strace $0x90000047  }
0x3a6: {  	s0 =	stileid.u32;
	[bflag:$0x2] =	sbarrier.arrive $0xFFFF  }
0x3a7: {  	p0 =	sne.s32 s0, $0x0;
	s0 =	rddreg [dreg:$0x2]  }
0x3a8: {  	s0 =	sadd.s32 @!p0 $0x100000, s0  }
0x3a9: {  	[sflag:s0] =	ssyncadd.tile.s32 @!p0 $0x1;
	_ =	shalt  }
.Lfunc_end2:
_tile_overlayer_lowered:
.L_overlay_start_2:
0x3aa: {  	(tag) =	ssettag $0x2  }
0x3ab: {  	s0 =	rddreg [dreg:$0x0];
	s2 =	stileid.u32  }
0x3ac: {  	s1 =	rddreg [dreg:$0x1];
	p0 =	sne.s32 s2, $0x0  }
0x3ad: {  	s3 =	rddreg [dreg:$0x2];
	[bflag:$0x3] =	sbarrier.arrive $0xFFFF;
	s2 =	simm.s32 @!p0 $0x1C09  }
0x3ae: {  	[timem:s3], [sflag:s2] =	dma.local @!p0 [hbm:s0], s1  }
0x3af: {  	s0 =	simm.s32 @!p0 $0x9  }
0x3b0: {  	_ =	swait.ge @!p0 [sflag:s0], s1  }
0x3b1: {  	s1 =	ssub.s32 @!p0 $0x0, s1;
	[sflag:s0] =	ssyncset.done @!p0 $0x0  }
0x3b2: {  	[sflag:s0] =	ssyncadd.s32 @!p0 s1  }
0x3b3: {  	[bflag:$0x3] =	sbarrier.arrive $0xFFFF  }
0x3b4: {  	_ =	shalt  }

</sc_bundles>
